<compile_context>
chip_gen: v7x
topology: tpu7x:2x2x1
jax: 0.10.2.dev20260603
libtpu: 0.0.44.dev20260713+nightly
codegen_flags: <defaults>
</compile_context>

<pallas_src>
import functools

import jax
import jax.numpy as jnp
from jax import lax
from jax.experimental import pallas as pl
from jax.experimental.pallas import tpu as pltpu
from jax.experimental.pallas import tpu_sc as plsc

N_KNOTS = 4096
N_QUERIES = 16384
NC = 1
NS = 16
LANES = 16
NW = NC * NS
QPW = N_QUERIES // NW
GROUPS = QPW // LANES

COARSE = 16
BUCKET = N_KNOTS // COARSE


def _lower_bound_multi(pts_v, targets, thresholds):
    n = len(targets)
    poss = []
    for t in targets:
        c = None
        for thr in thresholds:
            b = jnp.where(thr < t, jnp.int32(BUCKET), jnp.int32(0))
            c = b if c is None else c + b
        poss.append(c)
    widths = []
    w = BUCKET // 2
    while w >= 1:
        widths.append(w)
        w //= 2
    widths.append(1)
    for w in widths:
        for k in range(n):
            probe = poss[k] + (w - 1)
            pv = plsc.load_gather(pts_v, [probe])
            less = pv < targets[k]
            poss[k] = jnp.where(less, poss[k] + w, poss[k])
    return poss


def _recip(d):
    r = 1.0 / d
    r = r * (2.0 - d * r)
    r = r * (2.0 - d * r)
    return r


def _vec_interp(xs, x0, x1, y0, y1):
    delta = x1 - x0
    deg = delta == 0.0
    delta = jnp.where(deg, 1.0, delta)
    return jnp.where(deg, y0, y0 + (y1 - y0) * (xs - x0) * _recip(delta))


def _body(x_hbm, pts_hbm, vals_hbm, out_hbm,
          x_v, pts_v, vals_v, out_v, dma_sem):
    cid = lax.axis_index("c")
    sid = lax.axis_index("s")
    wid = sid * NC + cid

    c1 = pltpu.async_copy(x_hbm, x_v, dma_sem)
    c2 = pltpu.async_copy(pts_hbm, pts_v, dma_sem)
    c3 = pltpu.async_copy(vals_hbm, vals_v, dma_sem)
    c1.wait()
    c2.wait()
    c3.wait()

    MM_UNROLL = 8

    def mm_step(i, carry):
        vmins, vmaxs = carry
        new_mins, new_maxs = [], []
        for k in range(MM_UNROLL):
            xv = x_v[pl.ds((i * MM_UNROLL + k) * LANES, LANES)]
            new_mins.append(jnp.minimum(vmins[k], xv))
            new_maxs.append(jnp.maximum(vmaxs[k], xv))
        return tuple(new_mins), tuple(new_maxs)

    vmin0 = tuple(jnp.full((LANES,), jnp.inf, jnp.float32)
                  for _ in range(MM_UNROLL))
    vmax0 = tuple(jnp.full((LANES,), -jnp.inf, jnp.float32)
                  for _ in range(MM_UNROLL))
    vmins, vmaxs = lax.fori_loop(0, N_QUERIES // LANES // MM_UNROLL, mm_step,
                                 (vmin0, vmax0))
    vmin = functools.reduce(jnp.minimum, vmins)
    vmax = functools.reduce(jnp.maximum, vmaxs)
    min_x = jnp.broadcast_to(jnp.min(vmin), (LANES,))
    max_x = jnp.broadcast_to(jnp.max(vmax), (LANES,))

    p_head = pts_v[pl.ds(0, LANES)]
    p_tail = pts_v[pl.ds(N_KNOTS - LANES, LANES)]
    v_head = vals_v[pl.ds(0, LANES)]
    v_tail = vals_v[pl.ds(N_KNOTS - LANES, LANES)]

    def splat(vec, lane):
        return jnp.broadcast_to(vec[lane], (LANES,))

    p0 = splat(p_head, 0)
    p1 = splat(p_head, 1)
    pm2 = splat(p_tail, LANES - 2)
    pm1 = splat(p_tail, LANES - 1)
    v0 = splat(v_head, 0)
    v1 = splat(v_head, 1)
    vm2 = splat(v_tail, LANES - 2)
    vm1 = splat(v_tail, LANES - 1)
    lo_val = _vec_interp(min_x, p0, p1, v0, v1)
    hi_val = _vec_interp(max_x, pm2, pm1, vm2, vm1)
    thresholds = [
        splat(pts_v[pl.ds(k * BUCKET - LANES, LANES)], LANES - 1)
        for k in range(1, COARSE)
    ]

    qbase = wid * QPW
    G_UNROLL = 8

    def group(it, carry):
        gbase = it * G_UNROLL
        xqs = [x_v[pl.ds(qbase + (gbase + k) * LANES, LANES)]
               for k in range(G_UNROLL)]
        ss = _lower_bound_multi(pts_v, xqs, thresholds)

        pss, yss, pv0s, sm1s = [], [], [], []
        dup = None
        for k in range(G_UNROLL):
            s = ss[k]
            s_c = jnp.minimum(s, N_KNOTS - 1)
            pss.append(plsc.load_gather(pts_v, [s_c]))
            yss.append(plsc.load_gather(vals_v, [s_c]))
            sm1 = jnp.maximum(s - 1, 0)
            sm2 = jnp.maximum(s - 2, 0)
            pv0 = plsc.load_gather(pts_v, [sm1])
            pv1 = plsc.load_gather(pts_v, [sm2])
            sm1s.append(sm1)
            pv0s.append(pv0)
            d = jnp.logical_and(sm1 > 0, pv1 == pv0)
            dup = d if dup is None else jnp.logical_or(dup, d)

        def slow_fn(op):
            pv0_t, sm1_t = op
            fs = _lower_bound_multi(pts_v, list(pv0_t), thresholds)
            return tuple(plsc.load_gather(vals_v, [f]) for f in fs)

        def fast_fn(op):
            _, sm1_t = op
            return tuple(plsc.load_gather(vals_v, [i]) for i in sm1_t)

        yfs = lax.cond(jnp.any(dup), slow_fn, fast_fn,
                       (tuple(pv0s), tuple(sm1s)))

        for k in range(G_UNROLL):
            s, xq, ps, ys, pv0, yf = ss[k], xqs[k], pss[k], yss[k], pv0s[k], yfs[k]
            in_range = s < N_KNOTS
            equal = jnp.logical_and(in_range, ps == xq)
            case_b = jnp.logical_and(s == 0, jnp.logical_not(equal))
            case_c = jnp.logical_not(in_range)
            x0 = jnp.where(case_b, min_x, pv0)
            y0 = jnp.where(case_b, lo_val, yf)
            x1 = jnp.where(case_b, p0, jnp.where(case_c, max_x, ps))
            y1 = jnp.where(case_b, v0, jnp.where(case_c, hi_val, ys))
            y = jnp.where(equal, ys,
                          y0 + (y1 - y0) * (xq - x0) * _recip(x1 - x0))
            out_v[pl.ds((gbase + k) * LANES, LANES)] = y
        return carry

    lax.fori_loop(0, GROUPS // G_UNROLL, group, 0)
    pltpu.sync_copy(out_v, out_hbm.at[pl.ds(qbase, QPW)])


_interp_call = functools.partial(
    pl.kernel,
    mesh=plsc.VectorSubcoreMesh(core_axis_name="c", subcore_axis_name="s",
                                num_cores=NC),
    out_type=jax.ShapeDtypeStruct((N_QUERIES,), jnp.float32),
    compiler_params=pltpu.CompilerParams(needs_layout_passes=False),
    scratch_types=[
        pltpu.VMEM((N_QUERIES,), jnp.float32),
        pltpu.VMEM((N_KNOTS,), jnp.float32),
        pltpu.VMEM((N_KNOTS,), jnp.float32),
        pltpu.VMEM((QPW,), jnp.float32),
        pltpu.SemaphoreType.DMA,
    ],
)(_body)


def kernel(x, points, values):
    pts, vals = lax.sort([points, values], num_keys=1, is_stable=True)
    return _interp_call(x, pts, vals)

# --- scband reference (transcript-rebuilt; emitter-appended) ---
"""Pipeline reference for scband-linear-interpolator-55894704390565 (READ-ONLY COPY).

The authoritative reference and input builder live on the scoring server;
editing this copy changes nothing except your own understanding.
"""

import jax, jax.numpy as jnp
import numpy as np


def find_best_match_indices(search_for, search_in, less_or_equal=False, greater_or_equal=False):
    diff = search_for.astype(jnp.float32).reshape(-1, 1) - search_in.astype(jnp.float32).reshape(1, -1)
    if less_or_equal:
        diff = jnp.where(diff < 0, jnp.inf, diff)
    if greater_or_equal:
        diff = jnp.where(diff > 0, jnp.inf, diff)
    diff = jnp.abs(diff)
    res = jnp.argmin(diff, axis=1)
    if less_or_equal or greater_or_equal:
        res = jnp.where(jnp.all(jnp.isinf(diff), axis=1), -1, res)
    return res


def _linear_interpolate(x, x0, x1, y0, y1):
    delta = x1 - x0
    is_degenerate = (delta == 0)
    not_degenerate = jnp.logical_not(is_degenerate)
    delta = delta * not_degenerate + is_degenerate
    non_degenerate_y = y0 + (y1 - y0) * (x - x0) / delta
    y = y0 * is_degenerate + non_degenerate_y * not_degenerate
    return y


def setup_inputs(seed: int = 0) -> dict:
    key = jax.random.key(seed)
    k1, k2, k3 = jax.random.split(key, 3)
    points = jax.random.uniform(k1, (4096,), dtype=jnp.float32)  # knots in [0, 1)
    values = jax.random.normal(k2, (4096,), dtype=jnp.float32)
    # queries span slightly beyond the knot range so both bounds get added
    x = jax.random.uniform(k3, (16384,), dtype=jnp.float32) * 1.2 - 0.1
    return {"x": x, "points": points, "values": values}


def reference(x, points, values):
    at_bounds = "linear"
    # __init__: sort knots and reorder values
    sorted_indices = jnp.argsort(points)
    pts = points[sorted_indices]
    vals = values[sorted_indices]
    # _add_bounds (fixed-shape: boundary slots are inf-padded when inactive)
    max_x = jnp.max(x)
    min_x = jnp.min(x)
    cond_lo = min_x < pts[0]
    cond_hi = max_x > pts[-1]
    if at_bounds == "constant":
        lo_val = vals[0]
        hi_val = vals[-1]
    else:
        lo_val = _linear_interpolate(min_x, pts[0], pts[1], vals[0], vals[1])
        hi_val = _linear_interpolate(max_x, pts[-2], pts[-1], vals[-2], vals[-1])
    pad_lo_pt = jnp.where(cond_lo, min_x, jnp.inf)
    pad_lo_val = jnp.where(cond_lo, lo_val, jnp.float32(0.0))
    pad_hi_pt = jnp.where(cond_hi, max_x, jnp.inf)
    pad_hi_val = jnp.where(cond_hi, hi_val, jnp.float32(0.0))
    pts_b = jnp.concatenate([pts, pad_lo_pt[None], pad_hi_pt[None]])
    vals_b = jnp.concatenate([vals, pad_lo_val[None], pad_hi_val[None]])
    i0 = find_best_match_indices(x, pts_b, less_or_equal=True)
    i1 = find_best_match_indices(x, pts_b, greater_or_equal=True)
    x0, y0 = pts_b[i0], vals_b[i0]
    x1, y1 = pts_b[i1], vals_b[i1]
    return _linear_interpolate(x, x0, x1, y0, y1)

if __name__ == "__main__":
    import jax
    _d = setup_inputs()
    print(jax.jit(kernel)(*tuple(_d.values())))

</pallas_src>

<mosaic_0001>
#map = affine_map<(d0, d1) -> (0)>
module attributes {stable_mosaic.version = 14 : i64} {
  func.func @_body(%arg0: i32, %arg1: i32, %arg2: memref<16384xf32, #tpu.memory_space<hbm>>, %arg3: memref<4096xf32, #tpu.memory_space<hbm>>, %arg4: memref<4096xf32, #tpu.memory_space<hbm>>, %arg5: memref<16384xf32, #tpu.memory_space<hbm>>, %arg6: memref<16384xf32, #tpu.memory_space<vmem>>, %arg7: memref<4096xf32, #tpu.memory_space<vmem>>, %arg8: memref<4096xf32, #tpu.memory_space<vmem>>, %arg9: memref<1024xf32, #tpu.memory_space<vmem>>, %arg10: memref<!tpu.dma_semaphore, #tpu.memory_space<semaphore_mem>>) attributes {dimension_semantics = [#tpu.dimension_semantics<core_parallel>, #tpu.dimension_semantics<subcore_parallel>], iteration_bounds = array<i64: 1, 16>, scalar_prefetch = 0 : i64, scratch_operands = 5 : i64, tpu.core_type = #tpu.core_type<sc_vector_subcore>, window_params = [{transform_indices = #map}, {transform_indices = #map}, {transform_indices = #map}, {transform_indices = #map}]} {
    %mul3A = arith.constant 1 : i32
    %mul3A_0 = arith.muli %arg1, %mul3A : i32
    %add3A = arith.addi %mul3A_0, %arg0 : i32
    tpu.enqueue_dma source(%arg2 : memref<16384xf32, #tpu.memory_space<hbm>>) target(%arg6 : memref<16384xf32, #tpu.memory_space<vmem>>) target_semaphore(%arg10 : memref<!tpu.dma_semaphore, #tpu.memory_space<semaphore_mem>>)
    tpu.enqueue_dma source(%arg3 : memref<4096xf32, #tpu.memory_space<hbm>>) target(%arg7 : memref<4096xf32, #tpu.memory_space<vmem>>) target_semaphore(%arg10 : memref<!tpu.dma_semaphore, #tpu.memory_space<semaphore_mem>>)
    tpu.enqueue_dma source(%arg4 : memref<4096xf32, #tpu.memory_space<hbm>>) target(%arg8 : memref<4096xf32, #tpu.memory_space<vmem>>) target_semaphore(%arg10 : memref<!tpu.dma_semaphore, #tpu.memory_space<semaphore_mem>>)
    tpu.wait_dma2 semaphore(%arg10 : memref<!tpu.dma_semaphore, #tpu.memory_space<semaphore_mem>>) src(%arg2 : memref<16384xf32, #tpu.memory_space<hbm>>) dst(%arg6 : memref<16384xf32, #tpu.memory_space<vmem>>)
    tpu.wait_dma2 semaphore(%arg10 : memref<!tpu.dma_semaphore, #tpu.memory_space<semaphore_mem>>) src(%arg3 : memref<4096xf32, #tpu.memory_space<hbm>>) dst(%arg7 : memref<4096xf32, #tpu.memory_space<vmem>>)
    tpu.wait_dma2 semaphore(%arg10 : memref<!tpu.dma_semaphore, #tpu.memory_space<semaphore_mem>>) src(%arg4 : memref<4096xf32, #tpu.memory_space<hbm>>) dst(%arg8 : memref<4096xf32, #tpu.memory_space<vmem>>)
    %broadcast_in_dim3A = arith.constant 0x7F800000 : f32
    %broadcast_in_dim3A_1 = vector.broadcast %broadcast_in_dim3A : f32 to vector<16xf32>
    %broadcast_in_dim3A_2 = arith.constant 0x7F800000 : f32
    %broadcast_in_dim3A_3 = vector.broadcast %broadcast_in_dim3A_2 : f32 to vector<16xf32>
    %broadcast_in_dim3A_4 = arith.constant 0x7F800000 : f32
    %broadcast_in_dim3A_5 = vector.broadcast %broadcast_in_dim3A_4 : f32 to vector<16xf32>
    %broadcast_in_dim3A_6 = arith.constant 0x7F800000 : f32
    %broadcast_in_dim3A_7 = vector.broadcast %broadcast_in_dim3A_6 : f32 to vector<16xf32>
    %broadcast_in_dim3A_8 = arith.constant 0x7F800000 : f32
    %broadcast_in_dim3A_9 = vector.broadcast %broadcast_in_dim3A_8 : f32 to vector<16xf32>
    %broadcast_in_dim3A_10 = arith.constant 0x7F800000 : f32
    %broadcast_in_dim3A_11 = vector.broadcast %broadcast_in_dim3A_10 : f32 to vector<16xf32>
    %broadcast_in_dim3A_12 = arith.constant 0x7F800000 : f32
    %broadcast_in_dim3A_13 = vector.broadcast %broadcast_in_dim3A_12 : f32 to vector<16xf32>
    %broadcast_in_dim3A_14 = arith.constant 0x7F800000 : f32
    %broadcast_in_dim3A_15 = vector.broadcast %broadcast_in_dim3A_14 : f32 to vector<16xf32>
    %broadcast_in_dim3A_16 = arith.constant 0xFF800000 : f32
    %broadcast_in_dim3A_17 = vector.broadcast %broadcast_in_dim3A_16 : f32 to vector<16xf32>
    %broadcast_in_dim3A_18 = arith.constant 0xFF800000 : f32
    %broadcast_in_dim3A_19 = vector.broadcast %broadcast_in_dim3A_18 : f32 to vector<16xf32>
    %broadcast_in_dim3A_20 = arith.constant 0xFF800000 : f32
    %broadcast_in_dim3A_21 = vector.broadcast %broadcast_in_dim3A_20 : f32 to vector<16xf32>
    %broadcast_in_dim3A_22 = arith.constant 0xFF800000 : f32
    %broadcast_in_dim3A_23 = vector.broadcast %broadcast_in_dim3A_22 : f32 to vector<16xf32>
    %broadcast_in_dim3A_24 = arith.constant 0xFF800000 : f32
    %broadcast_in_dim3A_25 = vector.broadcast %broadcast_in_dim3A_24 : f32 to vector<16xf32>
    %broadcast_in_dim3A_26 = arith.constant 0xFF800000 : f32
    %broadcast_in_dim3A_27 = vector.broadcast %broadcast_in_dim3A_26 : f32 to vector<16xf32>
    %broadcast_in_dim3A_28 = arith.constant 0xFF800000 : f32
    %broadcast_in_dim3A_29 = vector.broadcast %broadcast_in_dim3A_28 : f32 to vector<16xf32>
    %broadcast_in_dim3A_30 = arith.constant 0xFF800000 : f32
    %broadcast_in_dim3A_31 = vector.broadcast %broadcast_in_dim3A_30 : f32 to vector<16xf32>
    %scan3A = arith.constant 0 : i32
    %scan3A_32 = arith.constant 128 : i32
    %scan3A_33 = arith.addi %scan3A, %scan3A_32 : i32
    %scan3A_34 = arith.constant 1 : i32
    %scan3A_35:16 = scf.for %scan3A_216 = %scan3A to %scan3A_33 step %scan3A_34 iter_args(%scan3A_217 = %broadcast_in_dim3A_1, %scan3A_218 = %broadcast_in_dim3A_3, %scan3A_219 = %broadcast_in_dim3A_5, %scan3A_220 = %broadcast_in_dim3A_7, %scan3A_221 = %broadcast_in_dim3A_9, %scan3A_222 = %broadcast_in_dim3A_11, %scan3A_223 = %broadcast_in_dim3A_13, %scan3A_224 = %broadcast_in_dim3A_15, %scan3A_225 = %broadcast_in_dim3A_17, %scan3A_226 = %broadcast_in_dim3A_19, %scan3A_227 = %broadcast_in_dim3A_21, %scan3A_228 = %broadcast_in_dim3A_23, %scan3A_229 = %broadcast_in_dim3A_25, %scan3A_230 = %broadcast_in_dim3A_27, %scan3A_231 = %broadcast_in_dim3A_29, %scan3A_232 = %broadcast_in_dim3A_31) -> (vector<16xf32>, vector<16xf32>, vector<16xf32>, vector<16xf32>, vector<16xf32>, vector<16xf32>, vector<16xf32>, vector<16xf32>, vector<16xf32>, vector<16xf32>, vector<16xf32>, vector<16xf32>, vector<16xf32>, vector<16xf32>, vector<16xf32>, vector<16xf32>)  : i32 {
      %mul3A_233 = arith.constant 8 : i32
      %mul3A_234 = arith.muli %scan3A_216, %mul3A_233 : i32
      %add3A_235 = arith.constant 0 : i32
      %add3A_236 = arith.addi %mul3A_234, %add3A_235 : i32
      %mul3A_237 = arith.constant 16 : i32
      %mul3A_238 = arith.muli %add3A_236, %mul3A_237 : i32
      %get3A_239 = arith.index_cast %mul3A_238 : i32 to index
      %get3A_240 = tpu.vector_load %arg6[%get3A_239] {strides = array<i32>} : memref<16384xf32, #tpu.memory_space<vmem>>, vector<16xf32>,
      %min3A_241 = arith.minimumf %scan3A_217, %get3A_240 : vector<16xf32>
      %max3A_242 = arith.maximumf %scan3A_225, %get3A_240 : vector<16xf32>
      %mul3A_243 = arith.constant 8 : i32
      %mul3A_244 = arith.muli %scan3A_216, %mul3A_243 : i32
      %add3A_245 = arith.constant 1 : i32
      %add3A_246 = arith.addi %mul3A_244, %add3A_245 : i32
      %mul3A_247 = arith.constant 16 : i32
      %mul3A_248 = arith.muli %add3A_246, %mul3A_247 : i32
      %get3A_249 = arith.index_cast %mul3A_248 : i32 to index
      %get3A_250 = tpu.vector_load %arg6[%get3A_249] {strides = array<i32>} : memref<16384xf32, #tpu.memory_space<vmem>>, vector<16xf32>,
      %min3A_251 = arith.minimumf %scan3A_218, %get3A_250 : vector<16xf32>
      %max3A_252 = arith.maximumf %scan3A_226, %get3A_250 : vector<16xf32>
      %mul3A_253 = arith.constant 8 : i32
      %mul3A_254 = arith.muli %scan3A_216, %mul3A_253 : i32
      %add3A_255 = arith.constant 2 : i32
      %add3A_256 = arith.addi %mul3A_254, %add3A_255 : i32
      %mul3A_257 = arith.constant 16 : i32
      %mul3A_258 = arith.muli %add3A_256, %mul3A_257 : i32
      %get3A_259 = arith.index_cast %mul3A_258 : i32 to index
      %get3A_260 = tpu.vector_load %arg6[%get3A_259] {strides = array<i32>} : memref<16384xf32, #tpu.memory_space<vmem>>, vector<16xf32>,
      %min3A_261 = arith.minimumf %scan3A_219, %get3A_260 : vector<16xf32>
      %max3A_262 = arith.maximumf %scan3A_227, %get3A_260 : vector<16xf32>
      %mul3A_263 = arith.constant 8 : i32
      %mul3A_264 = arith.muli %scan3A_216, %mul3A_263 : i32
      %add3A_265 = arith.constant 3 : i32
      %add3A_266 = arith.addi %mul3A_264, %add3A_265 : i32
      %mul3A_267 = arith.constant 16 : i32
      %mul3A_268 = arith.muli %add3A_266, %mul3A_267 : i32
      %get3A_269 = arith.index_cast %mul3A_268 : i32 to index
      %get3A_270 = tpu.vector_load %arg6[%get3A_269] {strides = array<i32>} : memref<16384xf32, #tpu.memory_space<vmem>>, vector<16xf32>,
      %min3A_271 = arith.minimumf %scan3A_220, %get3A_270 : vector<16xf32>
      %max3A_272 = arith.maximumf %scan3A_228, %get3A_270 : vector<16xf32>
      %mul3A_273 = arith.constant 8 : i32
      %mul3A_274 = arith.muli %scan3A_216, %mul3A_273 : i32
      %add3A_275 = arith.constant 4 : i32
      %add3A_276 = arith.addi %mul3A_274, %add3A_275 : i32
      %mul3A_277 = arith.constant 16 : i32
      %mul3A_278 = arith.muli %add3A_276, %mul3A_277 : i32
      %get3A_279 = arith.index_cast %mul3A_278 : i32 to index
      %get3A_280 = tpu.vector_load %arg6[%get3A_279] {strides = array<i32>} : memref<16384xf32, #tpu.memory_space<vmem>>, vector<16xf32>,
      %min3A_281 = arith.minimumf %scan3A_221, %get3A_280 : vector<16xf32>
      %max3A_282 = arith.maximumf %scan3A_229, %get3A_280 : vector<16xf32>
      %mul3A_283 = arith.constant 8 : i32
      %mul3A_284 = arith.muli %scan3A_216, %mul3A_283 : i32
      %add3A_285 = arith.constant 5 : i32
      %add3A_286 = arith.addi %mul3A_284, %add3A_285 : i32
      %mul3A_287 = arith.constant 16 : i32
      %mul3A_288 = arith.muli %add3A_286, %mul3A_287 : i32
      %get3A_289 = arith.index_cast %mul3A_288 : i32 to index
      %get3A_290 = tpu.vector_load %arg6[%get3A_289] {strides = array<i32>} : memref<16384xf32, #tpu.memory_space<vmem>>, vector<16xf32>,
      %min3A_291 = arith.minimumf %scan3A_222, %get3A_290 : vector<16xf32>
      %max3A_292 = arith.maximumf %scan3A_230, %get3A_290 : vector<16xf32>
      %mul3A_293 = arith.constant 8 : i32
      %mul3A_294 = arith.muli %scan3A_216, %mul3A_293 : i32
      %add3A_295 = arith.constant 6 : i32
      %add3A_296 = arith.addi %mul3A_294, %add3A_295 : i32
      %mul3A_297 = arith.constant 16 : i32
      %mul3A_298 = arith.muli %add3A_296, %mul3A_297 : i32
      %get3A_299 = arith.index_cast %mul3A_298 : i32 to index
      %get3A_300 = tpu.vector_load %arg6[%get3A_299] {strides = array<i32>} : memref<16384xf32, #tpu.memory_space<vmem>>, vector<16xf32>,
      %min3A_301 = arith.minimumf %scan3A_223, %get3A_300 : vector<16xf32>
      %max3A_302 = arith.maximumf %scan3A_231, %get3A_300 : vector<16xf32>
      %mul3A_303 = arith.constant 8 : i32
      %mul3A_304 = arith.muli %scan3A_216, %mul3A_303 : i32
      %add3A_305 = arith.constant 7 : i32
      %add3A_306 = arith.addi %mul3A_304, %add3A_305 : i32
      %mul3A_307 = arith.constant 16 : i32
      %mul3A_308 = arith.muli %add3A_306, %mul3A_307 : i32
      %get3A_309 = arith.index_cast %mul3A_308 : i32 to index
      %get3A_310 = tpu.vector_load %arg6[%get3A_309] {strides = array<i32>} : memref<16384xf32, #tpu.memory_space<vmem>>, vector<16xf32>,
      %min3A_311 = arith.minimumf %scan3A_224, %get3A_310 : vector<16xf32>
      %max3A_312 = arith.maximumf %scan3A_232, %get3A_310 : vector<16xf32>
      scf.yield %min3A_241, %min3A_251, %min3A_261, %min3A_271, %min3A_281, %min3A_291, %min3A_301, %min3A_311, %max3A_242, %max3A_252, %max3A_262, %max3A_272, %max3A_282, %max3A_292, %max3A_302, %max3A_312 : vector<16xf32>, vector<16xf32>, vector<16xf32>, vector<16xf32>, vector<16xf32>, vector<16xf32>, vector<16xf32>, vector<16xf32>, vector<16xf32>, vector<16xf32>, vector<16xf32>, vector<16xf32>, vector<16xf32>, vector<16xf32>, vector<16xf32>, vector<16xf32>
    }
    %scan3A_36 = arith.constant 128 : i32
    %min3A = arith.minimumf %scan3A_35#0, %scan3A_35#1 : vector<16xf32>
    %min3A_37 = arith.minimumf %min3A, %scan3A_35#2 : vector<16xf32>
    %min3A_38 = arith.minimumf %min3A_37, %scan3A_35#3 : vector<16xf32>
    %min3A_39 = arith.minimumf %min3A_38, %scan3A_35#4 : vector<16xf32>
    %min3A_40 = arith.minimumf %min3A_39, %scan3A_35#5 : vector<16xf32>
    %min3A_41 = arith.minimumf %min3A_40, %scan3A_35#6 : vector<16xf32>
    %min3A_42 = arith.minimumf %min3A_41, %scan3A_35#7 : vector<16xf32>
    %max3A = arith.maximumf %scan3A_35#8, %scan3A_35#9 : vector<16xf32>
    %max3A_43 = arith.maximumf %max3A, %scan3A_35#10 : vector<16xf32>
    %max3A_44 = arith.maximumf %max3A_43, %scan3A_35#11 : vector<16xf32>
    %max3A_45 = arith.maximumf %max3A_44, %scan3A_35#12 : vector<16xf32>
    %max3A_46 = arith.maximumf %max3A_45, %scan3A_35#13 : vector<16xf32>
    %max3A_47 = arith.maximumf %max3A_46, %scan3A_35#14 : vector<16xf32>
    %max3A_48 = arith.maximumf %max3A_47, %scan3A_35#15 : vector<16xf32>
    %reduce_min3A = arith.constant true
    %reduce_min3A_49 = vector.broadcast %reduce_min3A : i1 to vector<16xi1>
    %reduce_min3A_50 = tpu.scan <min>, %min3A_42 masked %reduce_min3A_49 : vector<16xf32>, vector<16xi1> -> vector<16xf32>
    %reduce_min3A_51 = vector.extract %reduce_min3A_50[15] : f32 from vector<16xf32>
    %broadcast_in_dim3A_52 = vector.broadcast %reduce_min3A_51 : f32 to vector<16xf32>
    %reduce_max3A = arith.constant true
    %reduce_max3A_53 = vector.broadcast %reduce_max3A : i1 to vector<16xi1>
    %reduce_max3A_54 = tpu.scan <max>, %max3A_48 masked %reduce_max3A_53 : vector<16xf32>, vector<16xi1> -> vector<16xf32>
    %reduce_max3A_55 = vector.extract %reduce_max3A_54[15] : f32 from vector<16xf32>
    %broadcast_in_dim3A_56 = vector.broadcast %reduce_max3A_55 : f32 to vector<16xf32>
    %get3A = arith.constant 0 : index
    %get3A_57 = tpu.vector_load %arg7[%get3A] {strides = array<i32>} : memref<4096xf32, #tpu.memory_space<vmem>>, vector<16xf32>,
    %get3A_58 = arith.constant 4080 : index
    %get3A_59 = tpu.vector_load %arg7[%get3A_58] {strides = array<i32>} : memref<4096xf32, #tpu.memory_space<vmem>>, vector<16xf32>,
    %get3A_60 = arith.constant 0 : index
    %get3A_61 = tpu.vector_load %arg8[%get3A_60] {strides = array<i32>} : memref<4096xf32, #tpu.memory_space<vmem>>, vector<16xf32>,
    %get3A_62 = arith.constant 4080 : index
    %get3A_63 = tpu.vector_load %arg8[%get3A_62] {strides = array<i32>} : memref<4096xf32, #tpu.memory_space<vmem>>, vector<16xf32>,
    %slice3A = vector.extract_strided_slice %get3A_57 {offsets = [0], sizes = [1], strides = [1]} : vector<16xf32> to vector<1xf32>
    %squeeze3A = vector.extract %slice3A[0] : f32 from vector<1xf32>
    %broadcast_in_dim3A_64 = vector.broadcast %squeeze3A : f32 to vector<16xf32>
    %slice3A_65 = vector.extract_strided_slice %get3A_57 {offsets = [1], sizes = [1], strides = [1]} : vector<16xf32> to vector<1xf32>
    %squeeze3A_66 = vector.extract %slice3A_65[0] : f32 from vector<1xf32>
    %broadcast_in_dim3A_67 = vector.broadcast %squeeze3A_66 : f32 to vector<16xf32>
    %slice3A_68 = vector.extract_strided_slice %get3A_59 {offsets = [14], sizes = [1], strides = [1]} : vector<16xf32> to vector<1xf32>
    %squeeze3A_69 = vector.extract %slice3A_68[0] : f32 from vector<1xf32>
    %broadcast_in_dim3A_70 = vector.broadcast %squeeze3A_69 : f32 to vector<16xf32>
    %slice3A_71 = vector.extract_strided_slice %get3A_59 {offsets = [15], sizes = [1], strides = [1]} : vector<16xf32> to vector<1xf32>
    %squeeze3A_72 = vector.extract %slice3A_71[0] : f32 from vector<1xf32>
    %broadcast_in_dim3A_73 = vector.broadcast %squeeze3A_72 : f32 to vector<16xf32>
    %slice3A_74 = vector.extract_strided_slice %get3A_61 {offsets = [0], sizes = [1], strides = [1]} : vector<16xf32> to vector<1xf32>
    %squeeze3A_75 = vector.extract %slice3A_74[0] : f32 from vector<1xf32>
    %broadcast_in_dim3A_76 = vector.broadcast %squeeze3A_75 : f32 to vector<16xf32>
    %slice3A_77 = vector.extract_strided_slice %get3A_61 {offsets = [1], sizes = [1], strides = [1]} : vector<16xf32> to vector<1xf32>
    %squeeze3A_78 = vector.extract %slice3A_77[0] : f32 from vector<1xf32>
    %broadcast_in_dim3A_79 = vector.broadcast %squeeze3A_78 : f32 to vector<16xf32>
    %slice3A_80 = vector.extract_strided_slice %get3A_63 {offsets = [14], sizes = [1], strides = [1]} : vector<16xf32> to vector<1xf32>
    %squeeze3A_81 = vector.extract %slice3A_80[0] : f32 from vector<1xf32>
    %broadcast_in_dim3A_82 = vector.broadcast %squeeze3A_81 : f32 to vector<16xf32>
    %slice3A_83 = vector.extract_strided_slice %get3A_63 {offsets = [15], sizes = [1], strides = [1]} : vector<16xf32> to vector<1xf32>
    %squeeze3A_84 = vector.extract %slice3A_83[0] : f32 from vector<1xf32>
    %broadcast_in_dim3A_85 = vector.broadcast %squeeze3A_84 : f32 to vector<16xf32>
    %sub3A = arith.subf %broadcast_in_dim3A_67, %broadcast_in_dim3A_64 : vector<16xf32>
    %eq3A = arith.constant 0.000000e+00 : f32
    %eq3A_86 = vector.broadcast %eq3A : f32 to vector<16xf32>
    %eq3A_87 = arith.cmpf oeq, %sub3A, %eq3A_86 : vector<16xf32>
    %jit3A = arith.constant 1.000000e+00 : f32
    %broadcast_in_dim3A_88 = vector.broadcast %jit3A : f32 to vector<16xf32>
    %select_n3A = arith.select %eq3A_87, %broadcast_in_dim3A_88, %sub3A : vector<16xi1>, vector<16xf32>
    %sub3A_89 = arith.subf %broadcast_in_dim3A_79, %broadcast_in_dim3A_76 : vector<16xf32>
    %sub3A_90 = arith.subf %broadcast_in_dim3A_52, %broadcast_in_dim3A_64 : vector<16xf32>
    %mul3A_91 = arith.mulf %sub3A_89, %sub3A_90 : vector<16xf32>
    %div3A = arith.constant 1.000000e+00 : f32
    %div3A_92 = vector.broadcast %div3A : f32 to vector<16xf32>
    %div3A_93 = arith.divf %div3A_92, %select_n3A : vector<16xf32>
    %mul3A_94 = arith.mulf %select_n3A, %div3A_93 : vector<16xf32>
    %sub3A_95 = arith.constant 2.000000e+00 : f32
    %sub3A_96 = vector.broadcast %sub3A_95 : f32 to vector<16xf32>
    %sub3A_97 = arith.subf %sub3A_96, %mul3A_94 : vector<16xf32>
    %mul3A_98 = arith.mulf %div3A_93, %sub3A_97 : vector<16xf32>
    %mul3A_99 = arith.mulf %select_n3A, %mul3A_98 : vector<16xf32>
    %sub3A_100 = arith.constant 2.000000e+00 : f32
    %sub3A_101 = vector.broadcast %sub3A_100 : f32 to vector<16xf32>
    %sub3A_102 = arith.subf %sub3A_101, %mul3A_99 : vector<16xf32>
    %mul3A_103 = arith.mulf %mul3A_98, %sub3A_102 : vector<16xf32>
    %mul3A_104 = arith.mulf %mul3A_91, %mul3A_103 : vector<16xf32>
    %add3A_105 = arith.addf %broadcast_in_dim3A_76, %mul3A_104 : vector<16xf32>
    %select_n3A_106 = arith.select %eq3A_87, %broadcast_in_dim3A_76, %add3A_105 : vector<16xi1>, vector<16xf32>
    %sub3A_107 = arith.subf %broadcast_in_dim3A_73, %broadcast_in_dim3A_70 : vector<16xf32>
    %eq3A_108 = arith.constant 0.000000e+00 : f32
    %eq3A_109 = vector.broadcast %eq3A_108 : f32 to vector<16xf32>
    %eq3A_110 = arith.cmpf oeq, %sub3A_107, %eq3A_109 : vector<16xf32>
    %jit3A_111 = arith.constant 1.000000e+00 : f32
    %broadcast_in_dim3A_112 = vector.broadcast %jit3A_111 : f32 to vector<16xf32>
    %select_n3A_113 = arith.select %eq3A_110, %broadcast_in_dim3A_112, %sub3A_107 : vector<16xi1>, vector<16xf32>
    %sub3A_114 = arith.subf %broadcast_in_dim3A_85, %broadcast_in_dim3A_82 : vector<16xf32>
    %sub3A_115 = arith.subf %broadcast_in_dim3A_56, %broadcast_in_dim3A_70 : vector<16xf32>
    %mul3A_116 = arith.mulf %sub3A_114, %sub3A_115 : vector<16xf32>
    %div3A_117 = arith.constant 1.000000e+00 : f32
    %div3A_118 = vector.broadcast %div3A_117 : f32 to vector<16xf32>
    %div3A_119 = arith.divf %div3A_118, %select_n3A_113 : vector<16xf32>
    %mul3A_120 = arith.mulf %select_n3A_113, %div3A_119 : vector<16xf32>
    %sub3A_121 = arith.constant 2.000000e+00 : f32
    %sub3A_122 = vector.broadcast %sub3A_121 : f32 to vector<16xf32>
    %sub3A_123 = arith.subf %sub3A_122, %mul3A_120 : vector<16xf32>
    %mul3A_124 = arith.mulf %div3A_119, %sub3A_123 : vector<16xf32>
    %mul3A_125 = arith.mulf %select_n3A_113, %mul3A_124 : vector<16xf32>
    %sub3A_126 = arith.constant 2.000000e+00 : f32
    %sub3A_127 = vector.broadcast %sub3A_126 : f32 to vector<16xf32>
    %sub3A_128 = arith.subf %sub3A_127, %mul3A_125 : vector<16xf32>
    %mul3A_129 = arith.mulf %mul3A_124, %sub3A_128 : vector<16xf32>
    %mul3A_130 = arith.mulf %mul3A_116, %mul3A_129 : vector<16xf32>
    %add3A_131 = arith.addf %broadcast_in_dim3A_82, %mul3A_130 : vector<16xf32>
    %select_n3A_132 = arith.select %eq3A_110, %broadcast_in_dim3A_82, %add3A_131 : vector<16xi1>, vector<16xf32>
    %get3A_133 = arith.constant 240 : index
    %get3A_134 = tpu.vector_load %arg7[%get3A_133] {strides = array<i32>} : memref<4096xf32, #tpu.memory_space<vmem>>, vector<16xf32>,
    %slice3A_135 = vector.extract_strided_slice %get3A_134 {offsets = [15], sizes = [1], strides = [1]} : vector<16xf32> to vector<1xf32>
    %squeeze3A_136 = vector.extract %slice3A_135[0] : f32 from vector<1xf32>
    %broadcast_in_dim3A_137 = vector.broadcast %squeeze3A_136 : f32 to vector<16xf32>
    %get3A_138 = arith.constant 496 : index
    %get3A_139 = tpu.vector_load %arg7[%get3A_138] {strides = array<i32>} : memref<4096xf32, #tpu.memory_space<vmem>>, vector<16xf32>,
    %slice3A_140 = vector.extract_strided_slice %get3A_139 {offsets = [15], sizes = [1], strides = [1]} : vector<16xf32> to vector<1xf32>
    %squeeze3A_141 = vector.extract %slice3A_140[0] : f32 from vector<1xf32>
    %broadcast_in_dim3A_142 = vector.broadcast %squeeze3A_141 : f32 to vector<16xf32>
    %get3A_143 = arith.constant 752 : index
    %get3A_144 = tpu.vector_load %arg7[%get3A_143] {strides = array<i32>} : memref<4096xf32, #tpu.memory_space<vmem>>, vector<16xf32>,
    %slice3A_145 = vector.extract_strided_slice %get3A_144 {offsets = [15], sizes = [1], strides = [1]} : vector<16xf32> to vector<1xf32>
    %squeeze3A_146 = vector.extract %slice3A_145[0] : f32 from vector<1xf32>
    %broadcast_in_dim3A_147 = vector.broadcast %squeeze3A_146 : f32 to vector<16xf32>
    %get3A_148 = arith.constant 1008 : index
    %get3A_149 = tpu.vector_load %arg7[%get3A_148] {strides = array<i32>} : memref<4096xf32, #tpu.memory_space<vmem>>, vector<16xf32>,
    %slice3A_150 = vector.extract_strided_slice %get3A_149 {offsets = [15], sizes = [1], strides = [1]} : vector<16xf32> to vector<1xf32>
    %squeeze3A_151 = vector.extract %slice3A_150[0] : f32 from vector<1xf32>
    %broadcast_in_dim3A_152 = vector.broadcast %squeeze3A_151 : f32 to vector<16xf32>
    %get3A_153 = arith.constant 1264 : index
    %get3A_154 = tpu.vector_load %arg7[%get3A_153] {strides = array<i32>} : memref<4096xf32, #tpu.memory_space<vmem>>, vector<16xf32>,
    %slice3A_155 = vector.extract_strided_slice %get3A_154 {offsets = [15], sizes = [1], strides = [1]} : vector<16xf32> to vector<1xf32>
    %squeeze3A_156 = vector.extract %slice3A_155[0] : f32 from vector<1xf32>
    %broadcast_in_dim3A_157 = vector.broadcast %squeeze3A_156 : f32 to vector<16xf32>
    %get3A_158 = arith.constant 1520 : index
    %get3A_159 = tpu.vector_load %arg7[%get3A_158] {strides = array<i32>} : memref<4096xf32, #tpu.memory_space<vmem>>, vector<16xf32>,
    %slice3A_160 = vector.extract_strided_slice %get3A_159 {offsets = [15], sizes = [1], strides = [1]} : vector<16xf32> to vector<1xf32>
    %squeeze3A_161 = vector.extract %slice3A_160[0] : f32 from vector<1xf32>
    %broadcast_in_dim3A_162 = vector.broadcast %squeeze3A_161 : f32 to vector<16xf32>
    %get3A_163 = arith.constant 1776 : index
    %get3A_164 = tpu.vector_load %arg7[%get3A_163] {strides = array<i32>} : memref<4096xf32, #tpu.memory_space<vmem>>, vector<16xf32>,
    %slice3A_165 = vector.extract_strided_slice %get3A_164 {offsets = [15], sizes = [1], strides = [1]} : vector<16xf32> to vector<1xf32>
    %squeeze3A_166 = vector.extract %slice3A_165[0] : f32 from vector<1xf32>
    %broadcast_in_dim3A_167 = vector.broadcast %squeeze3A_166 : f32 to vector<16xf32>
    %get3A_168 = arith.constant 2032 : index
    %get3A_169 = tpu.vector_load %arg7[%get3A_168] {strides = array<i32>} : memref<4096xf32, #tpu.memory_space<vmem>>, vector<16xf32>,
    %slice3A_170 = vector.extract_strided_slice %get3A_169 {offsets = [15], sizes = [1], strides = [1]} : vector<16xf32> to vector<1xf32>
    %squeeze3A_171 = vector.extract %slice3A_170[0] : f32 from vector<1xf32>
    %broadcast_in_dim3A_172 = vector.broadcast %squeeze3A_171 : f32 to vector<16xf32>
    %get3A_173 = arith.constant 2288 : index
    %get3A_174 = tpu.vector_load %arg7[%get3A_173] {strides = array<i32>} : memref<4096xf32, #tpu.memory_space<vmem>>, vector<16xf32>,
    %slice3A_175 = vector.extract_strided_slice %get3A_174 {offsets = [15], sizes = [1], strides = [1]} : vector<16xf32> to vector<1xf32>
    %squeeze3A_176 = vector.extract %slice3A_175[0] : f32 from vector<1xf32>
    %broadcast_in_dim3A_177 = vector.broadcast %squeeze3A_176 : f32 to vector<16xf32>
    %get3A_178 = arith.constant 2544 : index
    %get3A_179 = tpu.vector_load %arg7[%get3A_178] {strides = array<i32>} : memref<4096xf32, #tpu.memory_space<vmem>>, vector<16xf32>,
    %slice3A_180 = vector.extract_strided_slice %get3A_179 {offsets = [15], sizes = [1], strides = [1]} : vector<16xf32> to vector<1xf32>
    %squeeze3A_181 = vector.extract %slice3A_180[0] : f32 from vector<1xf32>
    %broadcast_in_dim3A_182 = vector.broadcast %squeeze3A_181 : f32 to vector<16xf32>
    %get3A_183 = arith.constant 2800 : index
    %get3A_184 = tpu.vector_load %arg7[%get3A_183] {strides = array<i32>} : memref<4096xf32, #tpu.memory_space<vmem>>, vector<16xf32>,
    %slice3A_185 = vector.extract_strided_slice %get3A_184 {offsets = [15], sizes = [1], strides = [1]} : vector<16xf32> to vector<1xf32>
    %squeeze3A_186 = vector.extract %slice3A_185[0] : f32 from vector<1xf32>
    %broadcast_in_dim3A_187 = vector.broadcast %squeeze3A_186 : f32 to vector<16xf32>
    %get3A_188 = arith.constant 3056 : index
    %get3A_189 = tpu.vector_load %arg7[%get3A_188] {strides = array<i32>} : memref<4096xf32, #tpu.memory_space<vmem>>, vector<16xf32>,
    %slice3A_190 = vector.extract_strided_slice %get3A_189 {offsets = [15], sizes = [1], strides = [1]} : vector<16xf32> to vector<1xf32>
    %squeeze3A_191 = vector.extract %slice3A_190[0] : f32 from vector<1xf32>
    %broadcast_in_dim3A_192 = vector.broadcast %squeeze3A_191 : f32 to vector<16xf32>
    %get3A_193 = arith.constant 3312 : index
    %get3A_194 = tpu.vector_load %arg7[%get3A_193] {strides = array<i32>} : memref<4096xf32, #tpu.memory_space<vmem>>, vector<16xf32>,
    %slice3A_195 = vector.extract_strided_slice %get3A_194 {offsets = [15], sizes = [1], strides = [1]} : vector<16xf32> to vector<1xf32>
    %squeeze3A_196 = vector.extract %slice3A_195[0] : f32 from vector<1xf32>
    %broadcast_in_dim3A_197 = vector.broadcast %squeeze3A_196 : f32 to vector<16xf32>
    %get3A_198 = arith.constant 3568 : index
    %get3A_199 = tpu.vector_load %arg7[%get3A_198] {strides = array<i32>} : memref<4096xf32, #tpu.memory_space<vmem>>, vector<16xf32>,
    %slice3A_200 = vector.extract_strided_slice %get3A_199 {offsets = [15], sizes = [1], strides = [1]} : vector<16xf32> to vector<1xf32>
    %squeeze3A_201 = vector.extract %slice3A_200[0] : f32 from vector<1xf32>
    %broadcast_in_dim3A_202 = vector.broadcast %squeeze3A_201 : f32 to vector<16xf32>
    %get3A_203 = arith.constant 3824 : index
    %get3A_204 = tpu.vector_load %arg7[%get3A_203] {strides = array<i32>} : memref<4096xf32, #tpu.memory_space<vmem>>, vector<16xf32>,
    %slice3A_205 = vector.extract_strided_slice %get3A_204 {offsets = [15], sizes = [1], strides = [1]} : vector<16xf32> to vector<1xf32>
    %squeeze3A_206 = vector.extract %slice3A_205[0] : f32 from vector<1xf32>
    %broadcast_in_dim3A_207 = vector.broadcast %squeeze3A_206 : f32 to vector<16xf32>
    %mul3A_208 = arith.constant 1024 : i32
    %mul3A_209 = arith.muli %add3A, %mul3A_208 : i32
    %scan3A_210 = arith.constant 0 : i32
    %scan3A_211 = arith.constant 0 : i32
    %scan3A_212 = arith.constant 8 : i32
    %scan3A_213 = arith.addi %scan3A_211, %scan3A_212 : i32
    %scan3A_214 = arith.constant 1 : i32
    scf.for %scan3A_216 = %scan3A_211 to %scan3A_213 step %scan3A_214  : i32 {
      %mul3A_217 = arith.constant 8 : i32
      %mul3A_218 = arith.muli %scan3A_216, %mul3A_217 : i32
      %add3A_219 = arith.constant 0 : i32
      %add3A_220 = arith.addi %mul3A_218, %add3A_219 : i32
      %mul3A_221 = arith.constant 16 : i32
      %mul3A_222 = arith.muli %add3A_220, %mul3A_221 : i32
      %add3A_223 = arith.addi %mul3A_209, %mul3A_222 : i32
      %get3A_224 = arith.index_cast %add3A_223 : i32 to index
      %get3A_225 = tpu.vector_load %arg6[%get3A_224] {strides = array<i32>} : memref<16384xf32, #tpu.memory_space<vmem>>, vector<16xf32>,
      %add3A_226 = arith.constant 1 : i32
      %add3A_227 = arith.addi %mul3A_218, %add3A_226 : i32
      %mul3A_228 = arith.constant 16 : i32
      %mul3A_229 = arith.muli %add3A_227, %mul3A_228 : i32
      %add3A_230 = arith.addi %mul3A_209, %mul3A_229 : i32
      %get3A_231 = arith.index_cast %add3A_230 : i32 to index
      %get3A_232 = tpu.vector_load %arg6[%get3A_231] {strides = array<i32>} : memref<16384xf32, #tpu.memory_space<vmem>>, vector<16xf32>,
      %add3A_233 = arith.constant 2 : i32
      %add3A_234 = arith.addi %mul3A_218, %add3A_233 : i32
      %mul3A_235 = arith.constant 16 : i32
      %mul3A_236 = arith.muli %add3A_234, %mul3A_235 : i32
      %add3A_237 = arith.addi %mul3A_209, %mul3A_236 : i32
      %get3A_238 = arith.index_cast %add3A_237 : i32 to index
      %get3A_239 = tpu.vector_load %arg6[%get3A_238] {strides = array<i32>} : memref<16384xf32, #tpu.memory_space<vmem>>, vector<16xf32>,
      %add3A_240 = arith.constant 3 : i32
      %add3A_241 = arith.addi %mul3A_218, %add3A_240 : i32
      %mul3A_242 = arith.constant 16 : i32
      %mul3A_243 = arith.muli %add3A_241, %mul3A_242 : i32
      %add3A_244 = arith.addi %mul3A_209, %mul3A_243 : i32
      %get3A_245 = arith.index_cast %add3A_244 : i32 to index
      %get3A_246 = tpu.vector_load %arg6[%get3A_245] {strides = array<i32>} : memref<16384xf32, #tpu.memory_space<vmem>>, vector<16xf32>,
      %add3A_247 = arith.constant 4 : i32
      %add3A_248 = arith.addi %mul3A_218, %add3A_247 : i32
      %mul3A_249 = arith.constant 16 : i32
      %mul3A_250 = arith.muli %add3A_248, %mul3A_249 : i32
      %add3A_251 = arith.addi %mul3A_209, %mul3A_250 : i32
      %get3A_252 = arith.index_cast %add3A_251 : i32 to index
      %get3A_253 = tpu.vector_load %arg6[%get3A_252] {strides = array<i32>} : memref<16384xf32, #tpu.memory_space<vmem>>, vector<16xf32>,
      %add3A_254 = arith.constant 5 : i32
      %add3A_255 = arith.addi %mul3A_218, %add3A_254 : i32
      %mul3A_256 = arith.constant 16 : i32
      %mul3A_257 = arith.muli %add3A_255, %mul3A_256 : i32
      %add3A_258 = arith.addi %mul3A_209, %mul3A_257 : i32
      %get3A_259 = arith.index_cast %add3A_258 : i32 to index
      %get3A_260 = tpu.vector_load %arg6[%get3A_259] {strides = array<i32>} : memref<16384xf32, #tpu.memory_space<vmem>>, vector<16xf32>,
      %add3A_261 = arith.constant 6 : i32
      %add3A_262 = arith.addi %mul3A_218, %add3A_261 : i32
      %mul3A_263 = arith.constant 16 : i32
      %mul3A_264 = arith.muli %add3A_262, %mul3A_263 : i32
      %add3A_265 = arith.addi %mul3A_209, %mul3A_264 : i32
      %get3A_266 = arith.index_cast %add3A_265 : i32 to index
      %get3A_267 = tpu.vector_load %arg6[%get3A_266] {strides = array<i32>} : memref<16384xf32, #tpu.memory_space<vmem>>, vector<16xf32>,
      %add3A_268 = arith.constant 7 : i32
      %add3A_269 = arith.addi %mul3A_218, %add3A_268 : i32
      %mul3A_270 = arith.constant 16 : i32
      %mul3A_271 = arith.muli %add3A_269, %mul3A_270 : i32
      %add3A_272 = arith.addi %mul3A_209, %mul3A_271 : i32
      %get3A_273 = arith.index_cast %add3A_272 : i32 to index
      %get3A_274 = tpu.vector_load %arg6[%get3A_273] {strides = array<i32>} : memref<16384xf32, #tpu.memory_space<vmem>>, vector<16xf32>,
      %lt3A = arith.cmpf olt, %broadcast_in_dim3A_137, %get3A_225 : vector<16xf32>
      %jit3A_275 = arith.constant 256 : i32
      %jit3A_276 = arith.constant 0 : i32
      %broadcast_in_dim3A_277 = vector.broadcast %jit3A_275 : i32 to vector<16xi32>
      %broadcast_in_dim3A_278 = vector.broadcast %jit3A_276 : i32 to vector<16xi32>
      %select_n3A_279 = arith.select %lt3A, %broadcast_in_dim3A_277, %broadcast_in_dim3A_278 : vector<16xi1>, vector<16xi32>
      %lt3A_280 = arith.cmpf olt, %broadcast_in_dim3A_142, %get3A_225 : vector<16xf32>
      %jit3A_281 = arith.constant 256 : i32
      %jit3A_282 = arith.constant 0 : i32
      %broadcast_in_dim3A_283 = vector.broadcast %jit3A_281 : i32 to vector<16xi32>
      %broadcast_in_dim3A_284 = vector.broadcast %jit3A_282 : i32 to vector<16xi32>
      %select_n3A_285 = arith.select %lt3A_280, %broadcast_in_dim3A_283, %broadcast_in_dim3A_284 : vector<16xi1>, vector<16xi32>
      %add3A_286 = arith.addi %select_n3A_279, %select_n3A_285 : vector<16xi32>
      %lt3A_287 = arith.cmpf olt, %broadcast_in_dim3A_147, %get3A_225 : vector<16xf32>
      %jit3A_288 = arith.constant 256 : i32
      %jit3A_289 = arith.constant 0 : i32
      %broadcast_in_dim3A_290 = vector.broadcast %jit3A_288 : i32 to vector<16xi32>
      %broadcast_in_dim3A_291 = vector.broadcast %jit3A_289 : i32 to vector<16xi32>
      %select_n3A_292 = arith.select %lt3A_287, %broadcast_in_dim3A_290, %broadcast_in_dim3A_291 : vector<16xi1>, vector<16xi32>
      %add3A_293 = arith.addi %add3A_286, %select_n3A_292 : vector<16xi32>
      %lt3A_294 = arith.cmpf olt, %broadcast_in_dim3A_152, %get3A_225 : vector<16xf32>
      %jit3A_295 = arith.constant 256 : i32
      %jit3A_296 = arith.constant 0 : i32
      %broadcast_in_dim3A_297 = vector.broadcast %jit3A_295 : i32 to vector<16xi32>
      %broadcast_in_dim3A_298 = vector.broadcast %jit3A_296 : i32 to vector<16xi32>
      %select_n3A_299 = arith.select %lt3A_294, %broadcast_in_dim3A_297, %broadcast_in_dim3A_298 : vector<16xi1>, vector<16xi32>
      %add3A_300 = arith.addi %add3A_293, %select_n3A_299 : vector<16xi32>
      %lt3A_301 = arith.cmpf olt, %broadcast_in_dim3A_157, %get3A_225 : vector<16xf32>
      %jit3A_302 = arith.constant 256 : i32
      %jit3A_303 = arith.constant 0 : i32
      %broadcast_in_dim3A_304 = vector.broadcast %jit3A_302 : i32 to vector<16xi32>
      %broadcast_in_dim3A_305 = vector.broadcast %jit3A_303 : i32 to vector<16xi32>
      %select_n3A_306 = arith.select %lt3A_301, %broadcast_in_dim3A_304, %broadcast_in_dim3A_305 : vector<16xi1>, vector<16xi32>
      %add3A_307 = arith.addi %add3A_300, %select_n3A_306 : vector<16xi32>
      %lt3A_308 = arith.cmpf olt, %broadcast_in_dim3A_162, %get3A_225 : vector<16xf32>
      %jit3A_309 = arith.constant 256 : i32
      %jit3A_310 = arith.constant 0 : i32
      %broadcast_in_dim3A_311 = vector.broadcast %jit3A_309 : i32 to vector<16xi32>
      %broadcast_in_dim3A_312 = vector.broadcast %jit3A_310 : i32 to vector<16xi32>
      %select_n3A_313 = arith.select %lt3A_308, %broadcast_in_dim3A_311, %broadcast_in_dim3A_312 : vector<16xi1>, vector<16xi32>
      %add3A_314 = arith.addi %add3A_307, %select_n3A_313 : vector<16xi32>
      %lt3A_315 = arith.cmpf olt, %broadcast_in_dim3A_167, %get3A_225 : vector<16xf32>
      %jit3A_316 = arith.constant 256 : i32
      %jit3A_317 = arith.constant 0 : i32
      %broadcast_in_dim3A_318 = vector.broadcast %jit3A_316 : i32 to vector<16xi32>
      %broadcast_in_dim3A_319 = vector.broadcast %jit3A_317 : i32 to vector<16xi32>
      %select_n3A_320 = arith.select %lt3A_315, %broadcast_in_dim3A_318, %broadcast_in_dim3A_319 : vector<16xi1>, vector<16xi32>
      %add3A_321 = arith.addi %add3A_314, %select_n3A_320 : vector<16xi32>
      %lt3A_322 = arith.cmpf olt, %broadcast_in_dim3A_172, %get3A_225 : vector<16xf32>
      %jit3A_323 = arith.constant 256 : i32
      %jit3A_324 = arith.constant 0 : i32
      %broadcast_in_dim3A_325 = vector.broadcast %jit3A_323 : i32 to vector<16xi32>
      %broadcast_in_dim3A_326 = vector.broadcast %jit3A_324 : i32 to vector<16xi32>
      %select_n3A_327 = arith.select %lt3A_322, %broadcast_in_dim3A_325, %broadcast_in_dim3A_326 : vector<16xi1>, vector<16xi32>
      %add3A_328 = arith.addi %add3A_321, %select_n3A_327 : vector<16xi32>
      %lt3A_329 = arith.cmpf olt, %broadcast_in_dim3A_177, %get3A_225 : vector<16xf32>
      %jit3A_330 = arith.constant 256 : i32
      %jit3A_331 = arith.constant 0 : i32
      %broadcast_in_dim3A_332 = vector.broadcast %jit3A_330 : i32 to vector<16xi32>
      %broadcast_in_dim3A_333 = vector.broadcast %jit3A_331 : i32 to vector<16xi32>
      %select_n3A_334 = arith.select %lt3A_329, %broadcast_in_dim3A_332, %broadcast_in_dim3A_333 : vector<16xi1>, vector<16xi32>
      %add3A_335 = arith.addi %add3A_328, %select_n3A_334 : vector<16xi32>
      %lt3A_336 = arith.cmpf olt, %broadcast_in_dim3A_182, %get3A_225 : vector<16xf32>
      %jit3A_337 = arith.constant 256 : i32
      %jit3A_338 = arith.constant 0 : i32
      %broadcast_in_dim3A_339 = vector.broadcast %jit3A_337 : i32 to vector<16xi32>
      %broadcast_in_dim3A_340 = vector.broadcast %jit3A_338 : i32 to vector<16xi32>
      %select_n3A_341 = arith.select %lt3A_336, %broadcast_in_dim3A_339, %broadcast_in_dim3A_340 : vector<16xi1>, vector<16xi32>
      %add3A_342 = arith.addi %add3A_335, %select_n3A_341 : vector<16xi32>
      %lt3A_343 = arith.cmpf olt, %broadcast_in_dim3A_187, %get3A_225 : vector<16xf32>
      %jit3A_344 = arith.constant 256 : i32
      %jit3A_345 = arith.constant 0 : i32
      %broadcast_in_dim3A_346 = vector.broadcast %jit3A_344 : i32 to vector<16xi32>
      %broadcast_in_dim3A_347 = vector.broadcast %jit3A_345 : i32 to vector<16xi32>
      %select_n3A_348 = arith.select %lt3A_343, %broadcast_in_dim3A_346, %broadcast_in_dim3A_347 : vector<16xi1>, vector<16xi32>
      %add3A_349 = arith.addi %add3A_342, %select_n3A_348 : vector<16xi32>
      %lt3A_350 = arith.cmpf olt, %broadcast_in_dim3A_192, %get3A_225 : vector<16xf32>
      %jit3A_351 = arith.constant 256 : i32
      %jit3A_352 = arith.constant 0 : i32
      %broadcast_in_dim3A_353 = vector.broadcast %jit3A_351 : i32 to vector<16xi32>
      %broadcast_in_dim3A_354 = vector.broadcast %jit3A_352 : i32 to vector<16xi32>
      %select_n3A_355 = arith.select %lt3A_350, %broadcast_in_dim3A_353, %broadcast_in_dim3A_354 : vector<16xi1>, vector<16xi32>
      %add3A_356 = arith.addi %add3A_349, %select_n3A_355 : vector<16xi32>
      %lt3A_357 = arith.cmpf olt, %broadcast_in_dim3A_197, %get3A_225 : vector<16xf32>
      %jit3A_358 = arith.constant 256 : i32
      %jit3A_359 = arith.constant 0 : i32
      %broadcast_in_dim3A_360 = vector.broadcast %jit3A_358 : i32 to vector<16xi32>
      %broadcast_in_dim3A_361 = vector.broadcast %jit3A_359 : i32 to vector<16xi32>
      %select_n3A_362 = arith.select %lt3A_357, %broadcast_in_dim3A_360, %broadcast_in_dim3A_361 : vector<16xi1>, vector<16xi32>
      %add3A_363 = arith.addi %add3A_356, %select_n3A_362 : vector<16xi32>
      %lt3A_364 = arith.cmpf olt, %broadcast_in_dim3A_202, %get3A_225 : vector<16xf32>
      %jit3A_365 = arith.constant 256 : i32
      %jit3A_366 = arith.constant 0 : i32
      %broadcast_in_dim3A_367 = vector.broadcast %jit3A_365 : i32 to vector<16xi32>
      %broadcast_in_dim3A_368 = vector.broadcast %jit3A_366 : i32 to vector<16xi32>
      %select_n3A_369 = arith.select %lt3A_364, %broadcast_in_dim3A_367, %broadcast_in_dim3A_368 : vector<16xi1>, vector<16xi32>
      %add3A_370 = arith.addi %add3A_363, %select_n3A_369 : vector<16xi32>
      %lt3A_371 = arith.cmpf olt, %broadcast_in_dim3A_207, %get3A_225 : vector<16xf32>
      %jit3A_372 = arith.constant 256 : i32
      %jit3A_373 = arith.constant 0 : i32
      %broadcast_in_dim3A_374 = vector.broadcast %jit3A_372 : i32 to vector<16xi32>
      %broadcast_in_dim3A_375 = vector.broadcast %jit3A_373 : i32 to vector<16xi32>
      %select_n3A_376 = arith.select %lt3A_371, %broadcast_in_dim3A_374, %broadcast_in_dim3A_375 : vector<16xi1>, vector<16xi32>
      %add3A_377 = arith.addi %add3A_370, %select_n3A_376 : vector<16xi32>
      %lt3A_378 = arith.cmpf olt, %broadcast_in_dim3A_137, %get3A_232 : vector<16xf32>
      %jit3A_379 = arith.constant 256 : i32
      %jit3A_380 = arith.constant 0 : i32
      %broadcast_in_dim3A_381 = vector.broadcast %jit3A_379 : i32 to vector<16xi32>
      %broadcast_in_dim3A_382 = vector.broadcast %jit3A_380 : i32 to vector<16xi32>
      %select_n3A_383 = arith.select %lt3A_378, %broadcast_in_dim3A_381, %broadcast_in_dim3A_382 : vector<16xi1>, vector<16xi32>
      %lt3A_384 = arith.cmpf olt, %broadcast_in_dim3A_142, %get3A_232 : vector<16xf32>
      %jit3A_385 = arith.constant 256 : i32
      %jit3A_386 = arith.constant 0 : i32
      %broadcast_in_dim3A_387 = vector.broadcast %jit3A_385 : i32 to vector<16xi32>
      %broadcast_in_dim3A_388 = vector.broadcast %jit3A_386 : i32 to vector<16xi32>
      %select_n3A_389 = arith.select %lt3A_384, %broadcast_in_dim3A_387, %broadcast_in_dim3A_388 : vector<16xi1>, vector<16xi32>
      %add3A_390 = arith.addi %select_n3A_383, %select_n3A_389 : vector<16xi32>
      %lt3A_391 = arith.cmpf olt, %broadcast_in_dim3A_147, %get3A_232 : vector<16xf32>
      %jit3A_392 = arith.constant 256 : i32
      %jit3A_393 = arith.constant 0 : i32
      %broadcast_in_dim3A_394 = vector.broadcast %jit3A_392 : i32 to vector<16xi32>
      %broadcast_in_dim3A_395 = vector.broadcast %jit3A_393 : i32 to vector<16xi32>
      %select_n3A_396 = arith.select %lt3A_391, %broadcast_in_dim3A_394, %broadcast_in_dim3A_395 : vector<16xi1>, vector<16xi32>
      %add3A_397 = arith.addi %add3A_390, %select_n3A_396 : vector<16xi32>
      %lt3A_398 = arith.cmpf olt, %broadcast_in_dim3A_152, %get3A_232 : vector<16xf32>
      %jit3A_399 = arith.constant 256 : i32
      %jit3A_400 = arith.constant 0 : i32
      %broadcast_in_dim3A_401 = vector.broadcast %jit3A_399 : i32 to vector<16xi32>
      %broadcast_in_dim3A_402 = vector.broadcast %jit3A_400 : i32 to vector<16xi32>
      %select_n3A_403 = arith.select %lt3A_398, %broadcast_in_dim3A_401, %broadcast_in_dim3A_402 : vector<16xi1>, vector<16xi32>
      %add3A_404 = arith.addi %add3A_397, %select_n3A_403 : vector<16xi32>
      %lt3A_405 = arith.cmpf olt, %broadcast_in_dim3A_157, %get3A_232 : vector<16xf32>
      %jit3A_406 = arith.constant 256 : i32
      %jit3A_407 = arith.constant 0 : i32
      %broadcast_in_dim3A_408 = vector.broadcast %jit3A_406 : i32 to vector<16xi32>
      %broadcast_in_dim3A_409 = vector.broadcast %jit3A_407 : i32 to vector<16xi32>
      %select_n3A_410 = arith.select %lt3A_405, %broadcast_in_dim3A_408, %broadcast_in_dim3A_409 : vector<16xi1>, vector<16xi32>
      %add3A_411 = arith.addi %add3A_404, %select_n3A_410 : vector<16xi32>
      %lt3A_412 = arith.cmpf olt, %broadcast_in_dim3A_162, %get3A_232 : vector<16xf32>
      %jit3A_413 = arith.constant 256 : i32
      %jit3A_414 = arith.constant 0 : i32
      %broadcast_in_dim3A_415 = vector.broadcast %jit3A_413 : i32 to vector<16xi32>
      %broadcast_in_dim3A_416 = vector.broadcast %jit3A_414 : i32 to vector<16xi32>
      %select_n3A_417 = arith.select %lt3A_412, %broadcast_in_dim3A_415, %broadcast_in_dim3A_416 : vector<16xi1>, vector<16xi32>
      %add3A_418 = arith.addi %add3A_411, %select_n3A_417 : vector<16xi32>
      %lt3A_419 = arith.cmpf olt, %broadcast_in_dim3A_167, %get3A_232 : vector<16xf32>
      %jit3A_420 = arith.constant 256 : i32
      %jit3A_421 = arith.constant 0 : i32
      %broadcast_in_dim3A_422 = vector.broadcast %jit3A_420 : i32 to vector<16xi32>
      %broadcast_in_dim3A_423 = vector.broadcast %jit3A_421 : i32 to vector<16xi32>
      %select_n3A_424 = arith.select %lt3A_419, %broadcast_in_dim3A_422, %broadcast_in_dim3A_423 : vector<16xi1>, vector<16xi32>
      %add3A_425 = arith.addi %add3A_418, %select_n3A_424 : vector<16xi32>
      %lt3A_426 = arith.cmpf olt, %broadcast_in_dim3A_172, %get3A_232 : vector<16xf32>
      %jit3A_427 = arith.constant 256 : i32
      %jit3A_428 = arith.constant 0 : i32
      %broadcast_in_dim3A_429 = vector.broadcast %jit3A_427 : i32 to vector<16xi32>
      %broadcast_in_dim3A_430 = vector.broadcast %jit3A_428 : i32 to vector<16xi32>
      %select_n3A_431 = arith.select %lt3A_426, %broadcast_in_dim3A_429, %broadcast_in_dim3A_430 : vector<16xi1>, vector<16xi32>
      %add3A_432 = arith.addi %add3A_425, %select_n3A_431 : vector<16xi32>
      %lt3A_433 = arith.cmpf olt, %broadcast_in_dim3A_177, %get3A_232 : vector<16xf32>
      %jit3A_434 = arith.constant 256 : i32
      %jit3A_435 = arith.constant 0 : i32
      %broadcast_in_dim3A_436 = vector.broadcast %jit3A_434 : i32 to vector<16xi32>
      %broadcast_in_dim3A_437 = vector.broadcast %jit3A_435 : i32 to vector<16xi32>
      %select_n3A_438 = arith.select %lt3A_433, %broadcast_in_dim3A_436, %broadcast_in_dim3A_437 : vector<16xi1>, vector<16xi32>
      %add3A_439 = arith.addi %add3A_432, %select_n3A_438 : vector<16xi32>
      %lt3A_440 = arith.cmpf olt, %broadcast_in_dim3A_182, %get3A_232 : vector<16xf32>
      %jit3A_441 = arith.constant 256 : i32
      %jit3A_442 = arith.constant 0 : i32
      %broadcast_in_dim3A_443 = vector.broadcast %jit3A_441 : i32 to vector<16xi32>
      %broadcast_in_dim3A_444 = vector.broadcast %jit3A_442 : i32 to vector<16xi32>
      %select_n3A_445 = arith.select %lt3A_440, %broadcast_in_dim3A_443, %broadcast_in_dim3A_444 : vector<16xi1>, vector<16xi32>
      %add3A_446 = arith.addi %add3A_439, %select_n3A_445 : vector<16xi32>
      %lt3A_447 = arith.cmpf olt, %broadcast_in_dim3A_187, %get3A_232 : vector<16xf32>
      %jit3A_448 = arith.constant 256 : i32
      %jit3A_449 = arith.constant 0 : i32
      %broadcast_in_dim3A_450 = vector.broadcast %jit3A_448 : i32 to vector<16xi32>
      %broadcast_in_dim3A_451 = vector.broadcast %jit3A_449 : i32 to vector<16xi32>
      %select_n3A_452 = arith.select %lt3A_447, %broadcast_in_dim3A_450, %broadcast_in_dim3A_451 : vector<16xi1>, vector<16xi32>
      %add3A_453 = arith.addi %add3A_446, %select_n3A_452 : vector<16xi32>
      %lt3A_454 = arith.cmpf olt, %broadcast_in_dim3A_192, %get3A_232 : vector<16xf32>
      %jit3A_455 = arith.constant 256 : i32
      %jit3A_456 = arith.constant 0 : i32
      %broadcast_in_dim3A_457 = vector.broadcast %jit3A_455 : i32 to vector<16xi32>
      %broadcast_in_dim3A_458 = vector.broadcast %jit3A_456 : i32 to vector<16xi32>
      %select_n3A_459 = arith.select %lt3A_454, %broadcast_in_dim3A_457, %broadcast_in_dim3A_458 : vector<16xi1>, vector<16xi32>
      %add3A_460 = arith.addi %add3A_453, %select_n3A_459 : vector<16xi32>
      %lt3A_461 = arith.cmpf olt, %broadcast_in_dim3A_197, %get3A_232 : vector<16xf32>
      %jit3A_462 = arith.constant 256 : i32
      %jit3A_463 = arith.constant 0 : i32
      %broadcast_in_dim3A_464 = vector.broadcast %jit3A_462 : i32 to vector<16xi32>
      %broadcast_in_dim3A_465 = vector.broadcast %jit3A_463 : i32 to vector<16xi32>
      %select_n3A_466 = arith.select %lt3A_461, %broadcast_in_dim3A_464, %broadcast_in_dim3A_465 : vector<16xi1>, vector<16xi32>
      %add3A_467 = arith.addi %add3A_460, %select_n3A_466 : vector<16xi32>
      %lt3A_468 = arith.cmpf olt, %broadcast_in_dim3A_202, %get3A_232 : vector<16xf32>
      %jit3A_469 = arith.constant 256 : i32
      %jit3A_470 = arith.constant 0 : i32
      %broadcast_in_dim3A_471 = vector.broadcast %jit3A_469 : i32 to vector<16xi32>
      %broadcast_in_dim3A_472 = vector.broadcast %jit3A_470 : i32 to vector<16xi32>
      %select_n3A_473 = arith.select %lt3A_468, %broadcast_in_dim3A_471, %broadcast_in_dim3A_472 : vector<16xi1>, vector<16xi32>
      %add3A_474 = arith.addi %add3A_467, %select_n3A_473 : vector<16xi32>
      %lt3A_475 = arith.cmpf olt, %broadcast_in_dim3A_207, %get3A_232 : vector<16xf32>
      %jit3A_476 = arith.constant 256 : i32
      %jit3A_477 = arith.constant 0 : i32
      %broadcast_in_dim3A_478 = vector.broadcast %jit3A_476 : i32 to vector<16xi32>
      %broadcast_in_dim3A_479 = vector.broadcast %jit3A_477 : i32 to vector<16xi32>
      %select_n3A_480 = arith.select %lt3A_475, %broadcast_in_dim3A_478, %broadcast_in_dim3A_479 : vector<16xi1>, vector<16xi32>
      %add3A_481 = arith.addi %add3A_474, %select_n3A_480 : vector<16xi32>
      %lt3A_482 = arith.cmpf olt, %broadcast_in_dim3A_137, %get3A_239 : vector<16xf32>
      %jit3A_483 = arith.constant 256 : i32
      %jit3A_484 = arith.constant 0 : i32
      %broadcast_in_dim3A_485 = vector.broadcast %jit3A_483 : i32 to vector<16xi32>
      %broadcast_in_dim3A_486 = vector.broadcast %jit3A_484 : i32 to vector<16xi32>
      %select_n3A_487 = arith.select %lt3A_482, %broadcast_in_dim3A_485, %broadcast_in_dim3A_486 : vector<16xi1>, vector<16xi32>
      %lt3A_488 = arith.cmpf olt, %broadcast_in_dim3A_142, %get3A_239 : vector<16xf32>
      %jit3A_489 = arith.constant 256 : i32
      %jit3A_490 = arith.constant 0 : i32
      %broadcast_in_dim3A_491 = vector.broadcast %jit3A_489 : i32 to vector<16xi32>
      %broadcast_in_dim3A_492 = vector.broadcast %jit3A_490 : i32 to vector<16xi32>
      %select_n3A_493 = arith.select %lt3A_488, %broadcast_in_dim3A_491, %broadcast_in_dim3A_492 : vector<16xi1>, vector<16xi32>
      %add3A_494 = arith.addi %select_n3A_487, %select_n3A_493 : vector<16xi32>
      %lt3A_495 = arith.cmpf olt, %broadcast_in_dim3A_147, %get3A_239 : vector<16xf32>
      %jit3A_496 = arith.constant 256 : i32
      %jit3A_497 = arith.constant 0 : i32
      %broadcast_in_dim3A_498 = vector.broadcast %jit3A_496 : i32 to vector<16xi32>
      %broadcast_in_dim3A_499 = vector.broadcast %jit3A_497 : i32 to vector<16xi32>
      %select_n3A_500 = arith.select %lt3A_495, %broadcast_in_dim3A_498, %broadcast_in_dim3A_499 : vector<16xi1>, vector<16xi32>
      %add3A_501 = arith.addi %add3A_494, %select_n3A_500 : vector<16xi32>
      %lt3A_502 = arith.cmpf olt, %broadcast_in_dim3A_152, %get3A_239 : vector<16xf32>
      %jit3A_503 = arith.constant 256 : i32
      %jit3A_504 = arith.constant 0 : i32
      %broadcast_in_dim3A_505 = vector.broadcast %jit3A_503 : i32 to vector<16xi32>
      %broadcast_in_dim3A_506 = vector.broadcast %jit3A_504 : i32 to vector<16xi32>
      %select_n3A_507 = arith.select %lt3A_502, %broadcast_in_dim3A_505, %broadcast_in_dim3A_506 : vector<16xi1>, vector<16xi32>
      %add3A_508 = arith.addi %add3A_501, %select_n3A_507 : vector<16xi32>
      %lt3A_509 = arith.cmpf olt, %broadcast_in_dim3A_157, %get3A_239 : vector<16xf32>
      %jit3A_510 = arith.constant 256 : i32
      %jit3A_511 = arith.constant 0 : i32
      %broadcast_in_dim3A_512 = vector.broadcast %jit3A_510 : i32 to vector<16xi32>
      %broadcast_in_dim3A_513 = vector.broadcast %jit3A_511 : i32 to vector<16xi32>
      %select_n3A_514 = arith.select %lt3A_509, %broadcast_in_dim3A_512, %broadcast_in_dim3A_513 : vector<16xi1>, vector<16xi32>
      %add3A_515 = arith.addi %add3A_508, %select_n3A_514 : vector<16xi32>
      %lt3A_516 = arith.cmpf olt, %broadcast_in_dim3A_162, %get3A_239 : vector<16xf32>
      %jit3A_517 = arith.constant 256 : i32
      %jit3A_518 = arith.constant 0 : i32
      %broadcast_in_dim3A_519 = vector.broadcast %jit3A_517 : i32 to vector<16xi32>
      %broadcast_in_dim3A_520 = vector.broadcast %jit3A_518 : i32 to vector<16xi32>
      %select_n3A_521 = arith.select %lt3A_516, %broadcast_in_dim3A_519, %broadcast_in_dim3A_520 : vector<16xi1>, vector<16xi32>
      %add3A_522 = arith.addi %add3A_515, %select_n3A_521 : vector<16xi32>
      %lt3A_523 = arith.cmpf olt, %broadcast_in_dim3A_167, %get3A_239 : vector<16xf32>
      %jit3A_524 = arith.constant 256 : i32
      %jit3A_525 = arith.constant 0 : i32
      %broadcast_in_dim3A_526 = vector.broadcast %jit3A_524 : i32 to vector<16xi32>
      %broadcast_in_dim3A_527 = vector.broadcast %jit3A_525 : i32 to vector<16xi32>
      %select_n3A_528 = arith.select %lt3A_523, %broadcast_in_dim3A_526, %broadcast_in_dim3A_527 : vector<16xi1>, vector<16xi32>
      %add3A_529 = arith.addi %add3A_522, %select_n3A_528 : vector<16xi32>
      %lt3A_530 = arith.cmpf olt, %broadcast_in_dim3A_172, %get3A_239 : vector<16xf32>
      %jit3A_531 = arith.constant 256 : i32
      %jit3A_532 = arith.constant 0 : i32
      %broadcast_in_dim3A_533 = vector.broadcast %jit3A_531 : i32 to vector<16xi32>
      %broadcast_in_dim3A_534 = vector.broadcast %jit3A_532 : i32 to vector<16xi32>
      %select_n3A_535 = arith.select %lt3A_530, %broadcast_in_dim3A_533, %broadcast_in_dim3A_534 : vector<16xi1>, vector<16xi32>
      %add3A_536 = arith.addi %add3A_529, %select_n3A_535 : vector<16xi32>
      %lt3A_537 = arith.cmpf olt, %broadcast_in_dim3A_177, %get3A_239 : vector<16xf32>
      %jit3A_538 = arith.constant 256 : i32
      %jit3A_539 = arith.constant 0 : i32
      %broadcast_in_dim3A_540 = vector.broadcast %jit3A_538 : i32 to vector<16xi32>
      %broadcast_in_dim3A_541 = vector.broadcast %jit3A_539 : i32 to vector<16xi32>
      %select_n3A_542 = arith.select %lt3A_537, %broadcast_in_dim3A_540, %broadcast_in_dim3A_541 : vector<16xi1>, vector<16xi32>
      %add3A_543 = arith.addi %add3A_536, %select_n3A_542 : vector<16xi32>
      %lt3A_544 = arith.cmpf olt, %broadcast_in_dim3A_182, %get3A_239 : vector<16xf32>
      %jit3A_545 = arith.constant 256 : i32
      %jit3A_546 = arith.constant 0 : i32
      %broadcast_in_dim3A_547 = vector.broadcast %jit3A_545 : i32 to vector<16xi32>
      %broadcast_in_dim3A_548 = vector.broadcast %jit3A_546 : i32 to vector<16xi32>
      %select_n3A_549 = arith.select %lt3A_544, %broadcast_in_dim3A_547, %broadcast_in_dim3A_548 : vector<16xi1>, vector<16xi32>
      %add3A_550 = arith.addi %add3A_543, %select_n3A_549 : vector<16xi32>
      %lt3A_551 = arith.cmpf olt, %broadcast_in_dim3A_187, %get3A_239 : vector<16xf32>
      %jit3A_552 = arith.constant 256 : i32
      %jit3A_553 = arith.constant 0 : i32
      %broadcast_in_dim3A_554 = vector.broadcast %jit3A_552 : i32 to vector<16xi32>
      %broadcast_in_dim3A_555 = vector.broadcast %jit3A_553 : i32 to vector<16xi32>
      %select_n3A_556 = arith.select %lt3A_551, %broadcast_in_dim3A_554, %broadcast_in_dim3A_555 : vector<16xi1>, vector<16xi32>
      %add3A_557 = arith.addi %add3A_550, %select_n3A_556 : vector<16xi32>
      %lt3A_558 = arith.cmpf olt, %broadcast_in_dim3A_192, %get3A_239 : vector<16xf32>
      %jit3A_559 = arith.constant 256 : i32
      %jit3A_560 = arith.constant 0 : i32
      %broadcast_in_dim3A_561 = vector.broadcast %jit3A_559 : i32 to vector<16xi32>
      %broadcast_in_dim3A_562 = vector.broadcast %jit3A_560 : i32 to vector<16xi32>
      %select_n3A_563 = arith.select %lt3A_558, %broadcast_in_dim3A_561, %broadcast_in_dim3A_562 : vector<16xi1>, vector<16xi32>
      %add3A_564 = arith.addi %add3A_557, %select_n3A_563 : vector<16xi32>
      %lt3A_565 = arith.cmpf olt, %broadcast_in_dim3A_197, %get3A_239 : vector<16xf32>
      %jit3A_566 = arith.constant 256 : i32
      %jit3A_567 = arith.constant 0 : i32
      %broadcast_in_dim3A_568 = vector.broadcast %jit3A_566 : i32 to vector<16xi32>
      %broadcast_in_dim3A_569 = vector.broadcast %jit3A_567 : i32 to vector<16xi32>
      %select_n3A_570 = arith.select %lt3A_565, %broadcast_in_dim3A_568, %broadcast_in_dim3A_569 : vector<16xi1>, vector<16xi32>
      %add3A_571 = arith.addi %add3A_564, %select_n3A_570 : vector<16xi32>
      %lt3A_572 = arith.cmpf olt, %broadcast_in_dim3A_202, %get3A_239 : vector<16xf32>
      %jit3A_573 = arith.constant 256 : i32
      %jit3A_574 = arith.constant 0 : i32
      %broadcast_in_dim3A_575 = vector.broadcast %jit3A_573 : i32 to vector<16xi32>
      %broadcast_in_dim3A_576 = vector.broadcast %jit3A_574 : i32 to vector<16xi32>
      %select_n3A_577 = arith.select %lt3A_572, %broadcast_in_dim3A_575, %broadcast_in_dim3A_576 : vector<16xi1>, vector<16xi32>
      %add3A_578 = arith.addi %add3A_571, %select_n3A_577 : vector<16xi32>
      %lt3A_579 = arith.cmpf olt, %broadcast_in_dim3A_207, %get3A_239 : vector<16xf32>
      %jit3A_580 = arith.constant 256 : i32
      %jit3A_581 = arith.constant 0 : i32
      %broadcast_in_dim3A_582 = vector.broadcast %jit3A_580 : i32 to vector<16xi32>
      %broadcast_in_dim3A_583 = vector.broadcast %jit3A_581 : i32 to vector<16xi32>
      %select_n3A_584 = arith.select %lt3A_579, %broadcast_in_dim3A_582, %broadcast_in_dim3A_583 : vector<16xi1>, vector<16xi32>
      %add3A_585 = arith.addi %add3A_578, %select_n3A_584 : vector<16xi32>
      %lt3A_586 = arith.cmpf olt, %broadcast_in_dim3A_137, %get3A_246 : vector<16xf32>
      %jit3A_587 = arith.constant 256 : i32
      %jit3A_588 = arith.constant 0 : i32
      %broadcast_in_dim3A_589 = vector.broadcast %jit3A_587 : i32 to vector<16xi32>
      %broadcast_in_dim3A_590 = vector.broadcast %jit3A_588 : i32 to vector<16xi32>
      %select_n3A_591 = arith.select %lt3A_586, %broadcast_in_dim3A_589, %broadcast_in_dim3A_590 : vector<16xi1>, vector<16xi32>
      %lt3A_592 = arith.cmpf olt, %broadcast_in_dim3A_142, %get3A_246 : vector<16xf32>
      %jit3A_593 = arith.constant 256 : i32
      %jit3A_594 = arith.constant 0 : i32
      %broadcast_in_dim3A_595 = vector.broadcast %jit3A_593 : i32 to vector<16xi32>
      %broadcast_in_dim3A_596 = vector.broadcast %jit3A_594 : i32 to vector<16xi32>
      %select_n3A_597 = arith.select %lt3A_592, %broadcast_in_dim3A_595, %broadcast_in_dim3A_596 : vector<16xi1>, vector<16xi32>
      %add3A_598 = arith.addi %select_n3A_591, %select_n3A_597 : vector<16xi32>
      %lt3A_599 = arith.cmpf olt, %broadcast_in_dim3A_147, %get3A_246 : vector<16xf32>
      %jit3A_600 = arith.constant 256 : i32
      %jit3A_601 = arith.constant 0 : i32
      %broadcast_in_dim3A_602 = vector.broadcast %jit3A_600 : i32 to vector<16xi32>
      %broadcast_in_dim3A_603 = vector.broadcast %jit3A_601 : i32 to vector<16xi32>
      %select_n3A_604 = arith.select %lt3A_599, %broadcast_in_dim3A_602, %broadcast_in_dim3A_603 : vector<16xi1>, vector<16xi32>
      %add3A_605 = arith.addi %add3A_598, %select_n3A_604 : vector<16xi32>
      %lt3A_606 = arith.cmpf olt, %broadcast_in_dim3A_152, %get3A_246 : vector<16xf32>
      %jit3A_607 = arith.constant 256 : i32
      %jit3A_608 = arith.constant 0 : i32
      %broadcast_in_dim3A_609 = vector.broadcast %jit3A_607 : i32 to vector<16xi32>
      %broadcast_in_dim3A_610 = vector.broadcast %jit3A_608 : i32 to vector<16xi32>
      %select_n3A_611 = arith.select %lt3A_606, %broadcast_in_dim3A_609, %broadcast_in_dim3A_610 : vector<16xi1>, vector<16xi32>
      %add3A_612 = arith.addi %add3A_605, %select_n3A_611 : vector<16xi32>
      %lt3A_613 = arith.cmpf olt, %broadcast_in_dim3A_157, %get3A_246 : vector<16xf32>
      %jit3A_614 = arith.constant 256 : i32
      %jit3A_615 = arith.constant 0 : i32
      %broadcast_in_dim3A_616 = vector.broadcast %jit3A_614 : i32 to vector<16xi32>
      %broadcast_in_dim3A_617 = vector.broadcast %jit3A_615 : i32 to vector<16xi32>
      %select_n3A_618 = arith.select %lt3A_613, %broadcast_in_dim3A_616, %broadcast_in_dim3A_617 : vector<16xi1>, vector<16xi32>
      %add3A_619 = arith.addi %add3A_612, %select_n3A_618 : vector<16xi32>
      %lt3A_620 = arith.cmpf olt, %broadcast_in_dim3A_162, %get3A_246 : vector<16xf32>
      %jit3A_621 = arith.constant 256 : i32
      %jit3A_622 = arith.constant 0 : i32
      %broadcast_in_dim3A_623 = vector.broadcast %jit3A_621 : i32 to vector<16xi32>
      %broadcast_in_dim3A_624 = vector.broadcast %jit3A_622 : i32 to vector<16xi32>
      %select_n3A_625 = arith.select %lt3A_620, %broadcast_in_dim3A_623, %broadcast_in_dim3A_624 : vector<16xi1>, vector<16xi32>
      %add3A_626 = arith.addi %add3A_619, %select_n3A_625 : vector<16xi32>
      %lt3A_627 = arith.cmpf olt, %broadcast_in_dim3A_167, %get3A_246 : vector<16xf32>
      %jit3A_628 = arith.constant 256 : i32
      %jit3A_629 = arith.constant 0 : i32
      %broadcast_in_dim3A_630 = vector.broadcast %jit3A_628 : i32 to vector<16xi32>
      %broadcast_in_dim3A_631 = vector.broadcast %jit3A_629 : i32 to vector<16xi32>
      %select_n3A_632 = arith.select %lt3A_627, %broadcast_in_dim3A_630, %broadcast_in_dim3A_631 : vector<16xi1>, vector<16xi32>
      %add3A_633 = arith.addi %add3A_626, %select_n3A_632 : vector<16xi32>
      %lt3A_634 = arith.cmpf olt, %broadcast_in_dim3A_172, %get3A_246 : vector<16xf32>
      %jit3A_635 = arith.constant 256 : i32
      %jit3A_636 = arith.constant 0 : i32
      %broadcast_in_dim3A_637 = vector.broadcast %jit3A_635 : i32 to vector<16xi32>
      %broadcast_in_dim3A_638 = vector.broadcast %jit3A_636 : i32 to vector<16xi32>
      %select_n3A_639 = arith.select %lt3A_634, %broadcast_in_dim3A_637, %broadcast_in_dim3A_638 : vector<16xi1>, vector<16xi32>
      %add3A_640 = arith.addi %add3A_633, %select_n3A_639 : vector<16xi32>
      %lt3A_641 = arith.cmpf olt, %broadcast_in_dim3A_177, %get3A_246 : vector<16xf32>
      %jit3A_642 = arith.constant 256 : i32
      %jit3A_643 = arith.constant 0 : i32
      %broadcast_in_dim3A_644 = vector.broadcast %jit3A_642 : i32 to vector<16xi32>
      %broadcast_in_dim3A_645 = vector.broadcast %jit3A_643 : i32 to vector<16xi32>
      %select_n3A_646 = arith.select %lt3A_641, %broadcast_in_dim3A_644, %broadcast_in_dim3A_645 : vector<16xi1>, vector<16xi32>
      %add3A_647 = arith.addi %add3A_640, %select_n3A_646 : vector<16xi32>
      %lt3A_648 = arith.cmpf olt, %broadcast_in_dim3A_182, %get3A_246 : vector<16xf32>
      %jit3A_649 = arith.constant 256 : i32
      %jit3A_650 = arith.constant 0 : i32
      %broadcast_in_dim3A_651 = vector.broadcast %jit3A_649 : i32 to vector<16xi32>
      %broadcast_in_dim3A_652 = vector.broadcast %jit3A_650 : i32 to vector<16xi32>
      %select_n3A_653 = arith.select %lt3A_648, %broadcast_in_dim3A_651, %broadcast_in_dim3A_652 : vector<16xi1>, vector<16xi32>
      %add3A_654 = arith.addi %add3A_647, %select_n3A_653 : vector<16xi32>
      %lt3A_655 = arith.cmpf olt, %broadcast_in_dim3A_187, %get3A_246 : vector<16xf32>
      %jit3A_656 = arith.constant 256 : i32
      %jit3A_657 = arith.constant 0 : i32
      %broadcast_in_dim3A_658 = vector.broadcast %jit3A_656 : i32 to vector<16xi32>
      %broadcast_in_dim3A_659 = vector.broadcast %jit3A_657 : i32 to vector<16xi32>
      %select_n3A_660 = arith.select %lt3A_655, %broadcast_in_dim3A_658, %broadcast_in_dim3A_659 : vector<16xi1>, vector<16xi32>
      %add3A_661 = arith.addi %add3A_654, %select_n3A_660 : vector<16xi32>
      %lt3A_662 = arith.cmpf olt, %broadcast_in_dim3A_192, %get3A_246 : vector<16xf32>
      %jit3A_663 = arith.constant 256 : i32
      %jit3A_664 = arith.constant 0 : i32
      %broadcast_in_dim3A_665 = vector.broadcast %jit3A_663 : i32 to vector<16xi32>
      %broadcast_in_dim3A_666 = vector.broadcast %jit3A_664 : i32 to vector<16xi32>
      %select_n3A_667 = arith.select %lt3A_662, %broadcast_in_dim3A_665, %broadcast_in_dim3A_666 : vector<16xi1>, vector<16xi32>
      %add3A_668 = arith.addi %add3A_661, %select_n3A_667 : vector<16xi32>
      %lt3A_669 = arith.cmpf olt, %broadcast_in_dim3A_197, %get3A_246 : vector<16xf32>
      %jit3A_670 = arith.constant 256 : i32
      %jit3A_671 = arith.constant 0 : i32
      %broadcast_in_dim3A_672 = vector.broadcast %jit3A_670 : i32 to vector<16xi32>
      %broadcast_in_dim3A_673 = vector.broadcast %jit3A_671 : i32 to vector<16xi32>
      %select_n3A_674 = arith.select %lt3A_669, %broadcast_in_dim3A_672, %broadcast_in_dim3A_673 : vector<16xi1>, vector<16xi32>
      %add3A_675 = arith.addi %add3A_668, %select_n3A_674 : vector<16xi32>
      %lt3A_676 = arith.cmpf olt, %broadcast_in_dim3A_202, %get3A_246 : vector<16xf32>
      %jit3A_677 = arith.constant 256 : i32
      %jit3A_678 = arith.constant 0 : i32
      %broadcast_in_dim3A_679 = vector.broadcast %jit3A_677 : i32 to vector<16xi32>
      %broadcast_in_dim3A_680 = vector.broadcast %jit3A_678 : i32 to vector<16xi32>
      %select_n3A_681 = arith.select %lt3A_676, %broadcast_in_dim3A_679, %broadcast_in_dim3A_680 : vector<16xi1>, vector<16xi32>
      %add3A_682 = arith.addi %add3A_675, %select_n3A_681 : vector<16xi32>
      %lt3A_683 = arith.cmpf olt, %broadcast_in_dim3A_207, %get3A_246 : vector<16xf32>
      %jit3A_684 = arith.constant 256 : i32
      %jit3A_685 = arith.constant 0 : i32
      %broadcast_in_dim3A_686 = vector.broadcast %jit3A_684 : i32 to vector<16xi32>
      %broadcast_in_dim3A_687 = vector.broadcast %jit3A_685 : i32 to vector<16xi32>
      %select_n3A_688 = arith.select %lt3A_683, %broadcast_in_dim3A_686, %broadcast_in_dim3A_687 : vector<16xi1>, vector<16xi32>
      %add3A_689 = arith.addi %add3A_682, %select_n3A_688 : vector<16xi32>
      %lt3A_690 = arith.cmpf olt, %broadcast_in_dim3A_137, %get3A_253 : vector<16xf32>
      %jit3A_691 = arith.constant 256 : i32
      %jit3A_692 = arith.constant 0 : i32
      %broadcast_in_dim3A_693 = vector.broadcast %jit3A_691 : i32 to vector<16xi32>
      %broadcast_in_dim3A_694 = vector.broadcast %jit3A_692 : i32 to vector<16xi32>
      %select_n3A_695 = arith.select %lt3A_690, %broadcast_in_dim3A_693, %broadcast_in_dim3A_694 : vector<16xi1>, vector<16xi32>
      %lt3A_696 = arith.cmpf olt, %broadcast_in_dim3A_142, %get3A_253 : vector<16xf32>
      %jit3A_697 = arith.constant 256 : i32
      %jit3A_698 = arith.constant 0 : i32
      %broadcast_in_dim3A_699 = vector.broadcast %jit3A_697 : i32 to vector<16xi32>
      %broadcast_in_dim3A_700 = vector.broadcast %jit3A_698 : i32 to vector<16xi32>
      %select_n3A_701 = arith.select %lt3A_696, %broadcast_in_dim3A_699, %broadcast_in_dim3A_700 : vector<16xi1>, vector<16xi32>
      %add3A_702 = arith.addi %select_n3A_695, %select_n3A_701 : vector<16xi32>
      %lt3A_703 = arith.cmpf olt, %broadcast_in_dim3A_147, %get3A_253 : vector<16xf32>
      %jit3A_704 = arith.constant 256 : i32
      %jit3A_705 = arith.constant 0 : i32
      %broadcast_in_dim3A_706 = vector.broadcast %jit3A_704 : i32 to vector<16xi32>
      %broadcast_in_dim3A_707 = vector.broadcast %jit3A_705 : i32 to vector<16xi32>
      %select_n3A_708 = arith.select %lt3A_703, %broadcast_in_dim3A_706, %broadcast_in_dim3A_707 : vector<16xi1>, vector<16xi32>
      %add3A_709 = arith.addi %add3A_702, %select_n3A_708 : vector<16xi32>
      %lt3A_710 = arith.cmpf olt, %broadcast_in_dim3A_152, %get3A_253 : vector<16xf32>
      %jit3A_711 = arith.constant 256 : i32
      %jit3A_712 = arith.constant 0 : i32
      %broadcast_in_dim3A_713 = vector.broadcast %jit3A_711 : i32 to vector<16xi32>
      %broadcast_in_dim3A_714 = vector.broadcast %jit3A_712 : i32 to vector<16xi32>
      %select_n3A_715 = arith.select %lt3A_710, %broadcast_in_dim3A_713, %broadcast_in_dim3A_714 : vector<16xi1>, vector<16xi32>
      %add3A_716 = arith.addi %add3A_709, %select_n3A_715 : vector<16xi32>
      %lt3A_717 = arith.cmpf olt, %broadcast_in_dim3A_157, %get3A_253 : vector<16xf32>
      %jit3A_718 = arith.constant 256 : i32
      %jit3A_719 = arith.constant 0 : i32
      %broadcast_in_dim3A_720 = vector.broadcast %jit3A_718 : i32 to vector<16xi32>
      %broadcast_in_dim3A_721 = vector.broadcast %jit3A_719 : i32 to vector<16xi32>
      %select_n3A_722 = arith.select %lt3A_717, %broadcast_in_dim3A_720, %broadcast_in_dim3A_721 : vector<16xi1>, vector<16xi32>
      %add3A_723 = arith.addi %add3A_716, %select_n3A_722 : vector<16xi32>
      %lt3A_724 = arith.cmpf olt, %broadcast_in_dim3A_162, %get3A_253 : vector<16xf32>
      %jit3A_725 = arith.constant 256 : i32
      %jit3A_726 = arith.constant 0 : i32
      %broadcast_in_dim3A_727 = vector.broadcast %jit3A_725 : i32 to vector<16xi32>
      %broadcast_in_dim3A_728 = vector.broadcast %jit3A_726 : i32 to vector<16xi32>
      %select_n3A_729 = arith.select %lt3A_724, %broadcast_in_dim3A_727, %broadcast_in_dim3A_728 : vector<16xi1>, vector<16xi32>
      %add3A_730 = arith.addi %add3A_723, %select_n3A_729 : vector<16xi32>
      %lt3A_731 = arith.cmpf olt, %broadcast_in_dim3A_167, %get3A_253 : vector<16xf32>
      %jit3A_732 = arith.constant 256 : i32
      %jit3A_733 = arith.constant 0 : i32
      %broadcast_in_dim3A_734 = vector.broadcast %jit3A_732 : i32 to vector<16xi32>
      %broadcast_in_dim3A_735 = vector.broadcast %jit3A_733 : i32 to vector<16xi32>
      %select_n3A_736 = arith.select %lt3A_731, %broadcast_in_dim3A_734, %broadcast_in_dim3A_735 : vector<16xi1>, vector<16xi32>
      %add3A_737 = arith.addi %add3A_730, %select_n3A_736 : vector<16xi32>
      %lt3A_738 = arith.cmpf olt, %broadcast_in_dim3A_172, %get3A_253 : vector<16xf32>
      %jit3A_739 = arith.constant 256 : i32
      %jit3A_740 = arith.constant 0 : i32
      %broadcast_in_dim3A_741 = vector.broadcast %jit3A_739 : i32 to vector<16xi32>
      %broadcast_in_dim3A_742 = vector.broadcast %jit3A_740 : i32 to vector<16xi32>
      %select_n3A_743 = arith.select %lt3A_738, %broadcast_in_dim3A_741, %broadcast_in_dim3A_742 : vector<16xi1>, vector<16xi32>
      %add3A_744 = arith.addi %add3A_737, %select_n3A_743 : vector<16xi32>
      %lt3A_745 = arith.cmpf olt, %broadcast_in_dim3A_177, %get3A_253 : vector<16xf32>
      %jit3A_746 = arith.constant 256 : i32
      %jit3A_747 = arith.constant 0 : i32
      %broadcast_in_dim3A_748 = vector.broadcast %jit3A_746 : i32 to vector<16xi32>
      %broadcast_in_dim3A_749 = vector.broadcast %jit3A_747 : i32 to vector<16xi32>
      %select_n3A_750 = arith.select %lt3A_745, %broadcast_in_dim3A_748, %broadcast_in_dim3A_749 : vector<16xi1>, vector<16xi32>
      %add3A_751 = arith.addi %add3A_744, %select_n3A_750 : vector<16xi32>
      %lt3A_752 = arith.cmpf olt, %broadcast_in_dim3A_182, %get3A_253 : vector<16xf32>
      %jit3A_753 = arith.constant 256 : i32
      %jit3A_754 = arith.constant 0 : i32
      %broadcast_in_dim3A_755 = vector.broadcast %jit3A_753 : i32 to vector<16xi32>
      %broadcast_in_dim3A_756 = vector.broadcast %jit3A_754 : i32 to vector<16xi32>
      %select_n3A_757 = arith.select %lt3A_752, %broadcast_in_dim3A_755, %broadcast_in_dim3A_756 : vector<16xi1>, vector<16xi32>
      %add3A_758 = arith.addi %add3A_751, %select_n3A_757 : vector<16xi32>
      %lt3A_759 = arith.cmpf olt, %broadcast_in_dim3A_187, %get3A_253 : vector<16xf32>
      %jit3A_760 = arith.constant 256 : i32
      %jit3A_761 = arith.constant 0 : i32
      %broadcast_in_dim3A_762 = vector.broadcast %jit3A_760 : i32 to vector<16xi32>
      %broadcast_in_dim3A_763 = vector.broadcast %jit3A_761 : i32 to vector<16xi32>
      %select_n3A_764 = arith.select %lt3A_759, %broadcast_in_dim3A_762, %broadcast_in_dim3A_763 : vector<16xi1>, vector<16xi32>
      %add3A_765 = arith.addi %add3A_758, %select_n3A_764 : vector<16xi32>
      %lt3A_766 = arith.cmpf olt, %broadcast_in_dim3A_192, %get3A_253 : vector<16xf32>
      %jit3A_767 = arith.constant 256 : i32
      %jit3A_768 = arith.constant 0 : i32
      %broadcast_in_dim3A_769 = vector.broadcast %jit3A_767 : i32 to vector<16xi32>
      %broadcast_in_dim3A_770 = vector.broadcast %jit3A_768 : i32 to vector<16xi32>
      %select_n3A_771 = arith.select %lt3A_766, %broadcast_in_dim3A_769, %broadcast_in_dim3A_770 : vector<16xi1>, vector<16xi32>
      %add3A_772 = arith.addi %add3A_765, %select_n3A_771 : vector<16xi32>
      %lt3A_773 = arith.cmpf olt, %broadcast_in_dim3A_197, %get3A_253 : vector<16xf32>
      %jit3A_774 = arith.constant 256 : i32
      %jit3A_775 = arith.constant 0 : i32
      %broadcast_in_dim3A_776 = vector.broadcast %jit3A_774 : i32 to vector<16xi32>
      %broadcast_in_dim3A_777 = vector.broadcast %jit3A_775 : i32 to vector<16xi32>
      %select_n3A_778 = arith.select %lt3A_773, %broadcast_in_dim3A_776, %broadcast_in_dim3A_777 : vector<16xi1>, vector<16xi32>
      %add3A_779 = arith.addi %add3A_772, %select_n3A_778 : vector<16xi32>
      %lt3A_780 = arith.cmpf olt, %broadcast_in_dim3A_202, %get3A_253 : vector<16xf32>
      %jit3A_781 = arith.constant 256 : i32
      %jit3A_782 = arith.constant 0 : i32
      %broadcast_in_dim3A_783 = vector.broadcast %jit3A_781 : i32 to vector<16xi32>
      %broadcast_in_dim3A_784 = vector.broadcast %jit3A_782 : i32 to vector<16xi32>
      %select_n3A_785 = arith.select %lt3A_780, %broadcast_in_dim3A_783, %broadcast_in_dim3A_784 : vector<16xi1>, vector<16xi32>
      %add3A_786 = arith.addi %add3A_779, %select_n3A_785 : vector<16xi32>
      %lt3A_787 = arith.cmpf olt, %broadcast_in_dim3A_207, %get3A_253 : vector<16xf32>
      %jit3A_788 = arith.constant 256 : i32
      %jit3A_789 = arith.constant 0 : i32
      %broadcast_in_dim3A_790 = vector.broadcast %jit3A_788 : i32 to vector<16xi32>
      %broadcast_in_dim3A_791 = vector.broadcast %jit3A_789 : i32 to vector<16xi32>
      %select_n3A_792 = arith.select %lt3A_787, %broadcast_in_dim3A_790, %broadcast_in_dim3A_791 : vector<16xi1>, vector<16xi32>
      %add3A_793 = arith.addi %add3A_786, %select_n3A_792 : vector<16xi32>
      %lt3A_794 = arith.cmpf olt, %broadcast_in_dim3A_137, %get3A_260 : vector<16xf32>
      %jit3A_795 = arith.constant 256 : i32
      %jit3A_796 = arith.constant 0 : i32
      %broadcast_in_dim3A_797 = vector.broadcast %jit3A_795 : i32 to vector<16xi32>
      %broadcast_in_dim3A_798 = vector.broadcast %jit3A_796 : i32 to vector<16xi32>
      %select_n3A_799 = arith.select %lt3A_794, %broadcast_in_dim3A_797, %broadcast_in_dim3A_798 : vector<16xi1>, vector<16xi32>
      %lt3A_800 = arith.cmpf olt, %broadcast_in_dim3A_142, %get3A_260 : vector<16xf32>
      %jit3A_801 = arith.constant 256 : i32
      %jit3A_802 = arith.constant 0 : i32
      %broadcast_in_dim3A_803 = vector.broadcast %jit3A_801 : i32 to vector<16xi32>
      %broadcast_in_dim3A_804 = vector.broadcast %jit3A_802 : i32 to vector<16xi32>
      %select_n3A_805 = arith.select %lt3A_800, %broadcast_in_dim3A_803, %broadcast_in_dim3A_804 : vector<16xi1>, vector<16xi32>
      %add3A_806 = arith.addi %select_n3A_799, %select_n3A_805 : vector<16xi32>
      %lt3A_807 = arith.cmpf olt, %broadcast_in_dim3A_147, %get3A_260 : vector<16xf32>
      %jit3A_808 = arith.constant 256 : i32
      %jit3A_809 = arith.constant 0 : i32
      %broadcast_in_dim3A_810 = vector.broadcast %jit3A_808 : i32 to vector<16xi32>
      %broadcast_in_dim3A_811 = vector.broadcast %jit3A_809 : i32 to vector<16xi32>
      %select_n3A_812 = arith.select %lt3A_807, %broadcast_in_dim3A_810, %broadcast_in_dim3A_811 : vector<16xi1>, vector<16xi32>
      %add3A_813 = arith.addi %add3A_806, %select_n3A_812 : vector<16xi32>
      %lt3A_814 = arith.cmpf olt, %broadcast_in_dim3A_152, %get3A_260 : vector<16xf32>
      %jit3A_815 = arith.constant 256 : i32
      %jit3A_816 = arith.constant 0 : i32
      %broadcast_in_dim3A_817 = vector.broadcast %jit3A_815 : i32 to vector<16xi32>
      %broadcast_in_dim3A_818 = vector.broadcast %jit3A_816 : i32 to vector<16xi32>
      %select_n3A_819 = arith.select %lt3A_814, %broadcast_in_dim3A_817, %broadcast_in_dim3A_818 : vector<16xi1>, vector<16xi32>
      %add3A_820 = arith.addi %add3A_813, %select_n3A_819 : vector<16xi32>
      %lt3A_821 = arith.cmpf olt, %broadcast_in_dim3A_157, %get3A_260 : vector<16xf32>
      %jit3A_822 = arith.constant 256 : i32
      %jit3A_823 = arith.constant 0 : i32
      %broadcast_in_dim3A_824 = vector.broadcast %jit3A_822 : i32 to vector<16xi32>
      %broadcast_in_dim3A_825 = vector.broadcast %jit3A_823 : i32 to vector<16xi32>
      %select_n3A_826 = arith.select %lt3A_821, %broadcast_in_dim3A_824, %broadcast_in_dim3A_825 : vector<16xi1>, vector<16xi32>
      %add3A_827 = arith.addi %add3A_820, %select_n3A_826 : vector<16xi32>
      %lt3A_828 = arith.cmpf olt, %broadcast_in_dim3A_162, %get3A_260 : vector<16xf32>
      %jit3A_829 = arith.constant 256 : i32
      %jit3A_830 = arith.constant 0 : i32
      %broadcast_in_dim3A_831 = vector.broadcast %jit3A_829 : i32 to vector<16xi32>
      %broadcast_in_dim3A_832 = vector.broadcast %jit3A_830 : i32 to vector<16xi32>
      %select_n3A_833 = arith.select %lt3A_828, %broadcast_in_dim3A_831, %broadcast_in_dim3A_832 : vector<16xi1>, vector<16xi32>
      %add3A_834 = arith.addi %add3A_827, %select_n3A_833 : vector<16xi32>
      %lt3A_835 = arith.cmpf olt, %broadcast_in_dim3A_167, %get3A_260 : vector<16xf32>
      %jit3A_836 = arith.constant 256 : i32
      %jit3A_837 = arith.constant 0 : i32
      %broadcast_in_dim3A_838 = vector.broadcast %jit3A_836 : i32 to vector<16xi32>
      %broadcast_in_dim3A_839 = vector.broadcast %jit3A_837 : i32 to vector<16xi32>
      %select_n3A_840 = arith.select %lt3A_835, %broadcast_in_dim3A_838, %broadcast_in_dim3A_839 : vector<16xi1>, vector<16xi32>
      %add3A_841 = arith.addi %add3A_834, %select_n3A_840 : vector<16xi32>
      %lt3A_842 = arith.cmpf olt, %broadcast_in_dim3A_172, %get3A_260 : vector<16xf32>
      %jit3A_843 = arith.constant 256 : i32
      %jit3A_844 = arith.constant 0 : i32
      %broadcast_in_dim3A_845 = vector.broadcast %jit3A_843 : i32 to vector<16xi32>
      %broadcast_in_dim3A_846 = vector.broadcast %jit3A_844 : i32 to vector<16xi32>
      %select_n3A_847 = arith.select %lt3A_842, %broadcast_in_dim3A_845, %broadcast_in_dim3A_846 : vector<16xi1>, vector<16xi32>
      %add3A_848 = arith.addi %add3A_841, %select_n3A_847 : vector<16xi32>
      %lt3A_849 = arith.cmpf olt, %broadcast_in_dim3A_177, %get3A_260 : vector<16xf32>
      %jit3A_850 = arith.constant 256 : i32
      %jit3A_851 = arith.constant 0 : i32
      %broadcast_in_dim3A_852 = vector.broadcast %jit3A_850 : i32 to vector<16xi32>
      %broadcast_in_dim3A_853 = vector.broadcast %jit3A_851 : i32 to vector<16xi32>
      %select_n3A_854 = arith.select %lt3A_849, %broadcast_in_dim3A_852, %broadcast_in_dim3A_853 : vector<16xi1>, vector<16xi32>
      %add3A_855 = arith.addi %add3A_848, %select_n3A_854 : vector<16xi32>
      %lt3A_856 = arith.cmpf olt, %broadcast_in_dim3A_182, %get3A_260 : vector<16xf32>
      %jit3A_857 = arith.constant 256 : i32
      %jit3A_858 = arith.constant 0 : i32
      %broadcast_in_dim3A_859 = vector.broadcast %jit3A_857 : i32 to vector<16xi32>
      %broadcast_in_dim3A_860 = vector.broadcast %jit3A_858 : i32 to vector<16xi32>
      %select_n3A_861 = arith.select %lt3A_856, %broadcast_in_dim3A_859, %broadcast_in_dim3A_860 : vector<16xi1>, vector<16xi32>
      %add3A_862 = arith.addi %add3A_855, %select_n3A_861 : vector<16xi32>
      %lt3A_863 = arith.cmpf olt, %broadcast_in_dim3A_187, %get3A_260 : vector<16xf32>
      %jit3A_864 = arith.constant 256 : i32
      %jit3A_865 = arith.constant 0 : i32
      %broadcast_in_dim3A_866 = vector.broadcast %jit3A_864 : i32 to vector<16xi32>
      %broadcast_in_dim3A_867 = vector.broadcast %jit3A_865 : i32 to vector<16xi32>
      %select_n3A_868 = arith.select %lt3A_863, %broadcast_in_dim3A_866, %broadcast_in_dim3A_867 : vector<16xi1>, vector<16xi32>
      %add3A_869 = arith.addi %add3A_862, %select_n3A_868 : vector<16xi32>
      %lt3A_870 = arith.cmpf olt, %broadcast_in_dim3A_192, %get3A_260 : vector<16xf32>
      %jit3A_871 = arith.constant 256 : i32
      %jit3A_872 = arith.constant 0 : i32
      %broadcast_in_dim3A_873 = vector.broadcast %jit3A_871 : i32 to vector<16xi32>
      %broadcast_in_dim3A_874 = vector.broadcast %jit3A_872 : i32 to vector<16xi32>
      %select_n3A_875 = arith.select %lt3A_870, %broadcast_in_dim3A_873, %broadcast_in_dim3A_874 : vector<16xi1>, vector<16xi32>
      %add3A_876 = arith.addi %add3A_869, %select_n3A_875 : vector<16xi32>
      %lt3A_877 = arith.cmpf olt, %broadcast_in_dim3A_197, %get3A_260 : vector<16xf32>
      %jit3A_878 = arith.constant 256 : i32
      %jit3A_879 = arith.constant 0 : i32
      %broadcast_in_dim3A_880 = vector.broadcast %jit3A_878 : i32 to vector<16xi32>
      %broadcast_in_dim3A_881 = vector.broadcast %jit3A_879 : i32 to vector<16xi32>
      %select_n3A_882 = arith.select %lt3A_877, %broadcast_in_dim3A_880, %broadcast_in_dim3A_881 : vector<16xi1>, vector<16xi32>
      %add3A_883 = arith.addi %add3A_876, %select_n3A_882 : vector<16xi32>
      %lt3A_884 = arith.cmpf olt, %broadcast_in_dim3A_202, %get3A_260 : vector<16xf32>
      %jit3A_885 = arith.constant 256 : i32
      %jit3A_886 = arith.constant 0 : i32
      %broadcast_in_dim3A_887 = vector.broadcast %jit3A_885 : i32 to vector<16xi32>
      %broadcast_in_dim3A_888 = vector.broadcast %jit3A_886 : i32 to vector<16xi32>
      %select_n3A_889 = arith.select %lt3A_884, %broadcast_in_dim3A_887, %broadcast_in_dim3A_888 : vector<16xi1>, vector<16xi32>
      %add3A_890 = arith.addi %add3A_883, %select_n3A_889 : vector<16xi32>
      %lt3A_891 = arith.cmpf olt, %broadcast_in_dim3A_207, %get3A_260 : vector<16xf32>
      %jit3A_892 = arith.constant 256 : i32
      %jit3A_893 = arith.constant 0 : i32
      %broadcast_in_dim3A_894 = vector.broadcast %jit3A_892 : i32 to vector<16xi32>
      %broadcast_in_dim3A_895 = vector.broadcast %jit3A_893 : i32 to vector<16xi32>
      %select_n3A_896 = arith.select %lt3A_891, %broadcast_in_dim3A_894, %broadcast_in_dim3A_895 : vector<16xi1>, vector<16xi32>
      %add3A_897 = arith.addi %add3A_890, %select_n3A_896 : vector<16xi32>
      %lt3A_898 = arith.cmpf olt, %broadcast_in_dim3A_137, %get3A_267 : vector<16xf32>
      %jit3A_899 = arith.constant 256 : i32
      %jit3A_900 = arith.constant 0 : i32
      %broadcast_in_dim3A_901 = vector.broadcast %jit3A_899 : i32 to vector<16xi32>
      %broadcast_in_dim3A_902 = vector.broadcast %jit3A_900 : i32 to vector<16xi32>
      %select_n3A_903 = arith.select %lt3A_898, %broadcast_in_dim3A_901, %broadcast_in_dim3A_902 : vector<16xi1>, vector<16xi32>
      %lt3A_904 = arith.cmpf olt, %broadcast_in_dim3A_142, %get3A_267 : vector<16xf32>
      %jit3A_905 = arith.constant 256 : i32
      %jit3A_906 = arith.constant 0 : i32
      %broadcast_in_dim3A_907 = vector.broadcast %jit3A_905 : i32 to vector<16xi32>
      %broadcast_in_dim3A_908 = vector.broadcast %jit3A_906 : i32 to vector<16xi32>
      %select_n3A_909 = arith.select %lt3A_904, %broadcast_in_dim3A_907, %broadcast_in_dim3A_908 : vector<16xi1>, vector<16xi32>
      %add3A_910 = arith.addi %select_n3A_903, %select_n3A_909 : vector<16xi32>
      %lt3A_911 = arith.cmpf olt, %broadcast_in_dim3A_147, %get3A_267 : vector<16xf32>
      %jit3A_912 = arith.constant 256 : i32
      %jit3A_913 = arith.constant 0 : i32
      %broadcast_in_dim3A_914 = vector.broadcast %jit3A_912 : i32 to vector<16xi32>
      %broadcast_in_dim3A_915 = vector.broadcast %jit3A_913 : i32 to vector<16xi32>
      %select_n3A_916 = arith.select %lt3A_911, %broadcast_in_dim3A_914, %broadcast_in_dim3A_915 : vector<16xi1>, vector<16xi32>
      %add3A_917 = arith.addi %add3A_910, %select_n3A_916 : vector<16xi32>
      %lt3A_918 = arith.cmpf olt, %broadcast_in_dim3A_152, %get3A_267 : vector<16xf32>
      %jit3A_919 = arith.constant 256 : i32
      %jit3A_920 = arith.constant 0 : i32
      %broadcast_in_dim3A_921 = vector.broadcast %jit3A_919 : i32 to vector<16xi32>
      %broadcast_in_dim3A_922 = vector.broadcast %jit3A_920 : i32 to vector<16xi32>
      %select_n3A_923 = arith.select %lt3A_918, %broadcast_in_dim3A_921, %broadcast_in_dim3A_922 : vector<16xi1>, vector<16xi32>
      %add3A_924 = arith.addi %add3A_917, %select_n3A_923 : vector<16xi32>
      %lt3A_925 = arith.cmpf olt, %broadcast_in_dim3A_157, %get3A_267 : vector<16xf32>
      %jit3A_926 = arith.constant 256 : i32
      %jit3A_927 = arith.constant 0 : i32
      %broadcast_in_dim3A_928 = vector.broadcast %jit3A_926 : i32 to vector<16xi32>
      %broadcast_in_dim3A_929 = vector.broadcast %jit3A_927 : i32 to vector<16xi32>
      %select_n3A_930 = arith.select %lt3A_925, %broadcast_in_dim3A_928, %broadcast_in_dim3A_929 : vector<16xi1>, vector<16xi32>
      %add3A_931 = arith.addi %add3A_924, %select_n3A_930 : vector<16xi32>
      %lt3A_932 = arith.cmpf olt, %broadcast_in_dim3A_162, %get3A_267 : vector<16xf32>
      %jit3A_933 = arith.constant 256 : i32
      %jit3A_934 = arith.constant 0 : i32
      %broadcast_in_dim3A_935 = vector.broadcast %jit3A_933 : i32 to vector<16xi32>
      %broadcast_in_dim3A_936 = vector.broadcast %jit3A_934 : i32 to vector<16xi32>
      %select_n3A_937 = arith.select %lt3A_932, %broadcast_in_dim3A_935, %broadcast_in_dim3A_936 : vector<16xi1>, vector<16xi32>
      %add3A_938 = arith.addi %add3A_931, %select_n3A_937 : vector<16xi32>
      %lt3A_939 = arith.cmpf olt, %broadcast_in_dim3A_167, %get3A_267 : vector<16xf32>
      %jit3A_940 = arith.constant 256 : i32
      %jit3A_941 = arith.constant 0 : i32
      %broadcast_in_dim3A_942 = vector.broadcast %jit3A_940 : i32 to vector<16xi32>
      %broadcast_in_dim3A_943 = vector.broadcast %jit3A_941 : i32 to vector<16xi32>
      %select_n3A_944 = arith.select %lt3A_939, %broadcast_in_dim3A_942, %broadcast_in_dim3A_943 : vector<16xi1>, vector<16xi32>
      %add3A_945 = arith.addi %add3A_938, %select_n3A_944 : vector<16xi32>
      %lt3A_946 = arith.cmpf olt, %broadcast_in_dim3A_172, %get3A_267 : vector<16xf32>
      %jit3A_947 = arith.constant 256 : i32
      %jit3A_948 = arith.constant 0 : i32
      %broadcast_in_dim3A_949 = vector.broadcast %jit3A_947 : i32 to vector<16xi32>
      %broadcast_in_dim3A_950 = vector.broadcast %jit3A_948 : i32 to vector<16xi32>
      %select_n3A_951 = arith.select %lt3A_946, %broadcast_in_dim3A_949, %broadcast_in_dim3A_950 : vector<16xi1>, vector<16xi32>
      %add3A_952 = arith.addi %add3A_945, %select_n3A_951 : vector<16xi32>
      %lt3A_953 = arith.cmpf olt, %broadcast_in_dim3A_177, %get3A_267 : vector<16xf32>
      %jit3A_954 = arith.constant 256 : i32
      %jit3A_955 = arith.constant 0 : i32
      %broadcast_in_dim3A_956 = vector.broadcast %jit3A_954 : i32 to vector<16xi32>
      %broadcast_in_dim3A_957 = vector.broadcast %jit3A_955 : i32 to vector<16xi32>
      %select_n3A_958 = arith.select %lt3A_953, %broadcast_in_dim3A_956, %broadcast_in_dim3A_957 : vector<16xi1>, vector<16xi32>
      %add3A_959 = arith.addi %add3A_952, %select_n3A_958 : vector<16xi32>
      %lt3A_960 = arith.cmpf olt, %broadcast_in_dim3A_182, %get3A_267 : vector<16xf32>
      %jit3A_961 = arith.constant 256 : i32
      %jit3A_962 = arith.constant 0 : i32
      %broadcast_in_dim3A_963 = vector.broadcast %jit3A_961 : i32 to vector<16xi32>
      %broadcast_in_dim3A_964 = vector.broadcast %jit3A_962 : i32 to vector<16xi32>
      %select_n3A_965 = arith.select %lt3A_960, %broadcast_in_dim3A_963, %broadcast_in_dim3A_964 : vector<16xi1>, vector<16xi32>
      %add3A_966 = arith.addi %add3A_959, %select_n3A_965 : vector<16xi32>
      %lt3A_967 = arith.cmpf olt, %broadcast_in_dim3A_187, %get3A_267 : vector<16xf32>
      %jit3A_968 = arith.constant 256 : i32
      %jit3A_969 = arith.constant 0 : i32
      %broadcast_in_dim3A_970 = vector.broadcast %jit3A_968 : i32 to vector<16xi32>
      %broadcast_in_dim3A_971 = vector.broadcast %jit3A_969 : i32 to vector<16xi32>
      %select_n3A_972 = arith.select %lt3A_967, %broadcast_in_dim3A_970, %broadcast_in_dim3A_971 : vector<16xi1>, vector<16xi32>
      %add3A_973 = arith.addi %add3A_966, %select_n3A_972 : vector<16xi32>
      %lt3A_974 = arith.cmpf olt, %broadcast_in_dim3A_192, %get3A_267 : vector<16xf32>
      %jit3A_975 = arith.constant 256 : i32
      %jit3A_976 = arith.constant 0 : i32
      %broadcast_in_dim3A_977 = vector.broadcast %jit3A_975 : i32 to vector<16xi32>
      %broadcast_in_dim3A_978 = vector.broadcast %jit3A_976 : i32 to vector<16xi32>
      %select_n3A_979 = arith.select %lt3A_974, %broadcast_in_dim3A_977, %broadcast_in_dim3A_978 : vector<16xi1>, vector<16xi32>
      %add3A_980 = arith.addi %add3A_973, %select_n3A_979 : vector<16xi32>
      %lt3A_981 = arith.cmpf olt, %broadcast_in_dim3A_197, %get3A_267 : vector<16xf32>
      %jit3A_982 = arith.constant 256 : i32
      %jit3A_983 = arith.constant 0 : i32
      %broadcast_in_dim3A_984 = vector.broadcast %jit3A_982 : i32 to vector<16xi32>
      %broadcast_in_dim3A_985 = vector.broadcast %jit3A_983 : i32 to vector<16xi32>
      %select_n3A_986 = arith.select %lt3A_981, %broadcast_in_dim3A_984, %broadcast_in_dim3A_985 : vector<16xi1>, vector<16xi32>
      %add3A_987 = arith.addi %add3A_980, %select_n3A_986 : vector<16xi32>
      %lt3A_988 = arith.cmpf olt, %broadcast_in_dim3A_202, %get3A_267 : vector<16xf32>
      %jit3A_989 = arith.constant 256 : i32
      %jit3A_990 = arith.constant 0 : i32
      %broadcast_in_dim3A_991 = vector.broadcast %jit3A_989 : i32 to vector<16xi32>
      %broadcast_in_dim3A_992 = vector.broadcast %jit3A_990 : i32 to vector<16xi32>
      %select_n3A_993 = arith.select %lt3A_988, %broadcast_in_dim3A_991, %broadcast_in_dim3A_992 : vector<16xi1>, vector<16xi32>
      %add3A_994 = arith.addi %add3A_987, %select_n3A_993 : vector<16xi32>
      %lt3A_995 = arith.cmpf olt, %broadcast_in_dim3A_207, %get3A_267 : vector<16xf32>
      %jit3A_996 = arith.constant 256 : i32
      %jit3A_997 = arith.constant 0 : i32
      %broadcast_in_dim3A_998 = vector.broadcast %jit3A_996 : i32 to vector<16xi32>
      %broadcast_in_dim3A_999 = vector.broadcast %jit3A_997 : i32 to vector<16xi32>
      %select_n3A_1000 = arith.select %lt3A_995, %broadcast_in_dim3A_998, %broadcast_in_dim3A_999 : vector<16xi1>, vector<16xi32>
      %add3A_1001 = arith.addi %add3A_994, %select_n3A_1000 : vector<16xi32>
      %lt3A_1002 = arith.cmpf olt, %broadcast_in_dim3A_137, %get3A_274 : vector<16xf32>
      %jit3A_1003 = arith.constant 256 : i32
      %jit3A_1004 = arith.constant 0 : i32
      %broadcast_in_dim3A_1005 = vector.broadcast %jit3A_1003 : i32 to vector<16xi32>
      %broadcast_in_dim3A_1006 = vector.broadcast %jit3A_1004 : i32 to vector<16xi32>
      %select_n3A_1007 = arith.select %lt3A_1002, %broadcast_in_dim3A_1005, %broadcast_in_dim3A_1006 : vector<16xi1>, vector<16xi32>
      %lt3A_1008 = arith.cmpf olt, %broadcast_in_dim3A_142, %get3A_274 : vector<16xf32>
      %jit3A_1009 = arith.constant 256 : i32
      %jit3A_1010 = arith.constant 0 : i32
      %broadcast_in_dim3A_1011 = vector.broadcast %jit3A_1009 : i32 to vector<16xi32>
      %broadcast_in_dim3A_1012 = vector.broadcast %jit3A_1010 : i32 to vector<16xi32>
      %select_n3A_1013 = arith.select %lt3A_1008, %broadcast_in_dim3A_1011, %broadcast_in_dim3A_1012 : vector<16xi1>, vector<16xi32>
      %add3A_1014 = arith.addi %select_n3A_1007, %select_n3A_1013 : vector<16xi32>
      %lt3A_1015 = arith.cmpf olt, %broadcast_in_dim3A_147, %get3A_274 : vector<16xf32>
      %jit3A_1016 = arith.constant 256 : i32
      %jit3A_1017 = arith.constant 0 : i32
      %broadcast_in_dim3A_1018 = vector.broadcast %jit3A_1016 : i32 to vector<16xi32>
      %broadcast_in_dim3A_1019 = vector.broadcast %jit3A_1017 : i32 to vector<16xi32>
      %select_n3A_1020 = arith.select %lt3A_1015, %broadcast_in_dim3A_1018, %broadcast_in_dim3A_1019 : vector<16xi1>, vector<16xi32>
      %add3A_1021 = arith.addi %add3A_1014, %select_n3A_1020 : vector<16xi32>
      %lt3A_1022 = arith.cmpf olt, %broadcast_in_dim3A_152, %get3A_274 : vector<16xf32>
      %jit3A_1023 = arith.constant 256 : i32
      %jit3A_1024 = arith.constant 0 : i32
      %broadcast_in_dim3A_1025 = vector.broadcast %jit3A_1023 : i32 to vector<16xi32>
      %broadcast_in_dim3A_1026 = vector.broadcast %jit3A_1024 : i32 to vector<16xi32>
      %select_n3A_1027 = arith.select %lt3A_1022, %broadcast_in_dim3A_1025, %broadcast_in_dim3A_1026 : vector<16xi1>, vector<16xi32>
      %add3A_1028 = arith.addi %add3A_1021, %select_n3A_1027 : vector<16xi32>
      %lt3A_1029 = arith.cmpf olt, %broadcast_in_dim3A_157, %get3A_274 : vector<16xf32>
      %jit3A_1030 = arith.constant 256 : i32
      %jit3A_1031 = arith.constant 0 : i32
      %broadcast_in_dim3A_1032 = vector.broadcast %jit3A_1030 : i32 to vector<16xi32>
      %broadcast_in_dim3A_1033 = vector.broadcast %jit3A_1031 : i32 to vector<16xi32>
      %select_n3A_1034 = arith.select %lt3A_1029, %broadcast_in_dim3A_1032, %broadcast_in_dim3A_1033 : vector<16xi1>, vector<16xi32>
      %add3A_1035 = arith.addi %add3A_1028, %select_n3A_1034 : vector<16xi32>
      %lt3A_1036 = arith.cmpf olt, %broadcast_in_dim3A_162, %get3A_274 : vector<16xf32>
      %jit3A_1037 = arith.constant 256 : i32
      %jit3A_1038 = arith.constant 0 : i32
      %broadcast_in_dim3A_1039 = vector.broadcast %jit3A_1037 : i32 to vector<16xi32>
      %broadcast_in_dim3A_1040 = vector.broadcast %jit3A_1038 : i32 to vector<16xi32>
      %select_n3A_1041 = arith.select %lt3A_1036, %broadcast_in_dim3A_1039, %broadcast_in_dim3A_1040 : vector<16xi1>, vector<16xi32>
      %add3A_1042 = arith.addi %add3A_1035, %select_n3A_1041 : vector<16xi32>
      %lt3A_1043 = arith.cmpf olt, %broadcast_in_dim3A_167, %get3A_274 : vector<16xf32>
      %jit3A_1044 = arith.constant 256 : i32
      %jit3A_1045 = arith.constant 0 : i32
      %broadcast_in_dim3A_1046 = vector.broadcast %jit3A_1044 : i32 to vector<16xi32>
      %broadcast_in_dim3A_1047 = vector.broadcast %jit3A_1045 : i32 to vector<16xi32>
      %select_n3A_1048 = arith.select %lt3A_1043, %broadcast_in_dim3A_1046, %broadcast_in_dim3A_1047 : vector<16xi1>, vector<16xi32>
      %add3A_1049 = arith.addi %add3A_1042, %select_n3A_1048 : vector<16xi32>
      %lt3A_1050 = arith.cmpf olt, %broadcast_in_dim3A_172, %get3A_274 : vector<16xf32>
      %jit3A_1051 = arith.constant 256 : i32
      %jit3A_1052 = arith.constant 0 : i32
      %broadcast_in_dim3A_1053 = vector.broadcast %jit3A_1051 : i32 to vector<16xi32>
      %broadcast_in_dim3A_1054 = vector.broadcast %jit3A_1052 : i32 to vector<16xi32>
      %select_n3A_1055 = arith.select %lt3A_1050, %broadcast_in_dim3A_1053, %broadcast_in_dim3A_1054 : vector<16xi1>, vector<16xi32>
      %add3A_1056 = arith.addi %add3A_1049, %select_n3A_1055 : vector<16xi32>
      %lt3A_1057 = arith.cmpf olt, %broadcast_in_dim3A_177, %get3A_274 : vector<16xf32>
      %jit3A_1058 = arith.constant 256 : i32
      %jit3A_1059 = arith.constant 0 : i32
      %broadcast_in_dim3A_1060 = vector.broadcast %jit3A_1058 : i32 to vector<16xi32>
      %broadcast_in_dim3A_1061 = vector.broadcast %jit3A_1059 : i32 to vector<16xi32>
      %select_n3A_1062 = arith.select %lt3A_1057, %broadcast_in_dim3A_1060, %broadcast_in_dim3A_1061 : vector<16xi1>, vector<16xi32>
      %add3A_1063 = arith.addi %add3A_1056, %select_n3A_1062 : vector<16xi32>
      %lt3A_1064 = arith.cmpf olt, %broadcast_in_dim3A_182, %get3A_274 : vector<16xf32>
      %jit3A_1065 = arith.constant 256 : i32
      %jit3A_1066 = arith.constant 0 : i32
      %broadcast_in_dim3A_1067 = vector.broadcast %jit3A_1065 : i32 to vector<16xi32>
      %broadcast_in_dim3A_1068 = vector.broadcast %jit3A_1066 : i32 to vector<16xi32>
      %select_n3A_1069 = arith.select %lt3A_1064, %broadcast_in_dim3A_1067, %broadcast_in_dim3A_1068 : vector<16xi1>, vector<16xi32>
      %add3A_1070 = arith.addi %add3A_1063, %select_n3A_1069 : vector<16xi32>
      %lt3A_1071 = arith.cmpf olt, %broadcast_in_dim3A_187, %get3A_274 : vector<16xf32>
      %jit3A_1072 = arith.constant 256 : i32
      %jit3A_1073 = arith.constant 0 : i32
      %broadcast_in_dim3A_1074 = vector.broadcast %jit3A_1072 : i32 to vector<16xi32>
      %broadcast_in_dim3A_1075 = vector.broadcast %jit3A_1073 : i32 to vector<16xi32>
      %select_n3A_1076 = arith.select %lt3A_1071, %broadcast_in_dim3A_1074, %broadcast_in_dim3A_1075 : vector<16xi1>, vector<16xi32>
      %add3A_1077 = arith.addi %add3A_1070, %select_n3A_1076 : vector<16xi32>
      %lt3A_1078 = arith.cmpf olt, %broadcast_in_dim3A_192, %get3A_274 : vector<16xf32>
      %jit3A_1079 = arith.constant 256 : i32
      %jit3A_1080 = arith.constant 0 : i32
      %broadcast_in_dim3A_1081 = vector.broadcast %jit3A_1079 : i32 to vector<16xi32>
      %broadcast_in_dim3A_1082 = vector.broadcast %jit3A_1080 : i32 to vector<16xi32>
      %select_n3A_1083 = arith.select %lt3A_1078, %broadcast_in_dim3A_1081, %broadcast_in_dim3A_1082 : vector<16xi1>, vector<16xi32>
      %add3A_1084 = arith.addi %add3A_1077, %select_n3A_1083 : vector<16xi32>
      %lt3A_1085 = arith.cmpf olt, %broadcast_in_dim3A_197, %get3A_274 : vector<16xf32>
      %jit3A_1086 = arith.constant 256 : i32
      %jit3A_1087 = arith.constant 0 : i32
      %broadcast_in_dim3A_1088 = vector.broadcast %jit3A_1086 : i32 to vector<16xi32>
      %broadcast_in_dim3A_1089 = vector.broadcast %jit3A_1087 : i32 to vector<16xi32>
      %select_n3A_1090 = arith.select %lt3A_1085, %broadcast_in_dim3A_1088, %broadcast_in_dim3A_1089 : vector<16xi1>, vector<16xi32>
      %add3A_1091 = arith.addi %add3A_1084, %select_n3A_1090 : vector<16xi32>
      %lt3A_1092 = arith.cmpf olt, %broadcast_in_dim3A_202, %get3A_274 : vector<16xf32>
      %jit3A_1093 = arith.constant 256 : i32
      %jit3A_1094 = arith.constant 0 : i32
      %broadcast_in_dim3A_1095 = vector.broadcast %jit3A_1093 : i32 to vector<16xi32>
      %broadcast_in_dim3A_1096 = vector.broadcast %jit3A_1094 : i32 to vector<16xi32>
      %select_n3A_1097 = arith.select %lt3A_1092, %broadcast_in_dim3A_1095, %broadcast_in_dim3A_1096 : vector<16xi1>, vector<16xi32>
      %add3A_1098 = arith.addi %add3A_1091, %select_n3A_1097 : vector<16xi32>
      %lt3A_1099 = arith.cmpf olt, %broadcast_in_dim3A_207, %get3A_274 : vector<16xf32>
      %jit3A_1100 = arith.constant 256 : i32
      %jit3A_1101 = arith.constant 0 : i32
      %broadcast_in_dim3A_1102 = vector.broadcast %jit3A_1100 : i32 to vector<16xi32>
      %broadcast_in_dim3A_1103 = vector.broadcast %jit3A_1101 : i32 to vector<16xi32>
      %select_n3A_1104 = arith.select %lt3A_1099, %broadcast_in_dim3A_1102, %broadcast_in_dim3A_1103 : vector<16xi1>, vector<16xi32>
      %add3A_1105 = arith.addi %add3A_1098, %select_n3A_1104 : vector<16xi32>
      %add3A_1106 = arith.constant 127 : i32
      %add3A_1107 = vector.broadcast %add3A_1106 : i32 to vector<16xi32>
      %add3A_1108 = arith.addi %add3A_377, %add3A_1107 : vector<16xi32>
      %gather3A = tpu.vector_load_idx %arg7[%add3A_1108] : memref<4096xf32, #tpu.memory_space<vmem>>[vector<16xi32>], vector<16xf32>,
      %lt3A_1109 = arith.cmpf olt, %gather3A, %get3A_225 : vector<16xf32>
      %add3A_1110 = arith.constant 128 : i32
      %add3A_1111 = vector.broadcast %add3A_1110 : i32 to vector<16xi32>
      %add3A_1112 = arith.addi %add3A_377, %add3A_1111 : vector<16xi32>
      %select_n3A_1113 = arith.select %lt3A_1109, %add3A_1112, %add3A_377 : vector<16xi1>, vector<16xi32>
      %add3A_1114 = arith.constant 127 : i32
      %add3A_1115 = vector.broadcast %add3A_1114 : i32 to vector<16xi32>
      %add3A_1116 = arith.addi %add3A_481, %add3A_1115 : vector<16xi32>
      %gather3A_1117 = tpu.vector_load_idx %arg7[%add3A_1116] : memref<4096xf32, #tpu.memory_space<vmem>>[vector<16xi32>], vector<16xf32>,
      %lt3A_1118 = arith.cmpf olt, %gather3A_1117, %get3A_232 : vector<16xf32>
      %add3A_1119 = arith.constant 128 : i32
      %add3A_1120 = vector.broadcast %add3A_1119 : i32 to vector<16xi32>
      %add3A_1121 = arith.addi %add3A_481, %add3A_1120 : vector<16xi32>
      %select_n3A_1122 = arith.select %lt3A_1118, %add3A_1121, %add3A_481 : vector<16xi1>, vector<16xi32>
      %add3A_1123 = arith.constant 127 : i32
      %add3A_1124 = vector.broadcast %add3A_1123 : i32 to vector<16xi32>
      %add3A_1125 = arith.addi %add3A_585, %add3A_1124 : vector<16xi32>
      %gather3A_1126 = tpu.vector_load_idx %arg7[%add3A_1125] : memref<4096xf32, #tpu.memory_space<vmem>>[vector<16xi32>], vector<16xf32>,
      %lt3A_1127 = arith.cmpf olt, %gather3A_1126, %get3A_239 : vector<16xf32>
      %add3A_1128 = arith.constant 128 : i32
      %add3A_1129 = vector.broadcast %add3A_1128 : i32 to vector<16xi32>
      %add3A_1130 = arith.addi %add3A_585, %add3A_1129 : vector<16xi32>
      %select_n3A_1131 = arith.select %lt3A_1127, %add3A_1130, %add3A_585 : vector<16xi1>, vector<16xi32>
      %add3A_1132 = arith.constant 127 : i32
      %add3A_1133 = vector.broadcast %add3A_1132 : i32 to vector<16xi32>
      %add3A_1134 = arith.addi %add3A_689, %add3A_1133 : vector<16xi32>
      %gather3A_1135 = tpu.vector_load_idx %arg7[%add3A_1134] : memref<4096xf32, #tpu.memory_space<vmem>>[vector<16xi32>], vector<16xf32>,
      %lt3A_1136 = arith.cmpf olt, %gather3A_1135, %get3A_246 : vector<16xf32>
      %add3A_1137 = arith.constant 128 : i32
      %add3A_1138 = vector.broadcast %add3A_1137 : i32 to vector<16xi32>
      %add3A_1139 = arith.addi %add3A_689, %add3A_1138 : vector<16xi32>
      %select_n3A_1140 = arith.select %lt3A_1136, %add3A_1139, %add3A_689 : vector<16xi1>, vector<16xi32>
      %add3A_1141 = arith.constant 127 : i32
      %add3A_1142 = vector.broadcast %add3A_1141 : i32 to vector<16xi32>
      %add3A_1143 = arith.addi %add3A_793, %add3A_1142 : vector<16xi32>
      %gather3A_1144 = tpu.vector_load_idx %arg7[%add3A_1143] : memref<4096xf32, #tpu.memory_space<vmem>>[vector<16xi32>], vector<16xf32>,
      %lt3A_1145 = arith.cmpf olt, %gather3A_1144, %get3A_253 : vector<16xf32>
      %add3A_1146 = arith.constant 128 : i32
      %add3A_1147 = vector.broadcast %add3A_1146 : i32 to vector<16xi32>
      %add3A_1148 = arith.addi %add3A_793, %add3A_1147 : vector<16xi32>
      %select_n3A_1149 = arith.select %lt3A_1145, %add3A_1148, %add3A_793 : vector<16xi1>, vector<16xi32>
      %add3A_1150 = arith.constant 127 : i32
      %add3A_1151 = vector.broadcast %add3A_1150 : i32 to vector<16xi32>
      %add3A_1152 = arith.addi %add3A_897, %add3A_1151 : vector<16xi32>
      %gather3A_1153 = tpu.vector_load_idx %arg7[%add3A_1152] : memref<4096xf32, #tpu.memory_space<vmem>>[vector<16xi32>], vector<16xf32>,
      %lt3A_1154 = arith.cmpf olt, %gather3A_1153, %get3A_260 : vector<16xf32>
      %add3A_1155 = arith.constant 128 : i32
      %add3A_1156 = vector.broadcast %add3A_1155 : i32 to vector<16xi32>
      %add3A_1157 = arith.addi %add3A_897, %add3A_1156 : vector<16xi32>
      %select_n3A_1158 = arith.select %lt3A_1154, %add3A_1157, %add3A_897 : vector<16xi1>, vector<16xi32>
      %add3A_1159 = arith.constant 127 : i32
      %add3A_1160 = vector.broadcast %add3A_1159 : i32 to vector<16xi32>
      %add3A_1161 = arith.addi %add3A_1001, %add3A_1160 : vector<16xi32>
      %gather3A_1162 = tpu.vector_load_idx %arg7[%add3A_1161] : memref<4096xf32, #tpu.memory_space<vmem>>[vector<16xi32>], vector<16xf32>,
      %lt3A_1163 = arith.cmpf olt, %gather3A_1162, %get3A_267 : vector<16xf32>
      %add3A_1164 = arith.constant 128 : i32
      %add3A_1165 = vector.broadcast %add3A_1164 : i32 to vector<16xi32>
      %add3A_1166 = arith.addi %add3A_1001, %add3A_1165 : vector<16xi32>
      %select_n3A_1167 = arith.select %lt3A_1163, %add3A_1166, %add3A_1001 : vector<16xi1>, vector<16xi32>
      %add3A_1168 = arith.constant 127 : i32
      %add3A_1169 = vector.broadcast %add3A_1168 : i32 to vector<16xi32>
      %add3A_1170 = arith.addi %add3A_1105, %add3A_1169 : vector<16xi32>
      %gather3A_1171 = tpu.vector_load_idx %arg7[%add3A_1170] : memref<4096xf32, #tpu.memory_space<vmem>>[vector<16xi32>], vector<16xf32>,
      %lt3A_1172 = arith.cmpf olt, %gather3A_1171, %get3A_274 : vector<16xf32>
      %add3A_1173 = arith.constant 128 : i32
      %add3A_1174 = vector.broadcast %add3A_1173 : i32 to vector<16xi32>
      %add3A_1175 = arith.addi %add3A_1105, %add3A_1174 : vector<16xi32>
      %select_n3A_1176 = arith.select %lt3A_1172, %add3A_1175, %add3A_1105 : vector<16xi1>, vector<16xi32>
      %add3A_1177 = arith.constant 63 : i32
      %add3A_1178 = vector.broadcast %add3A_1177 : i32 to vector<16xi32>
      %add3A_1179 = arith.addi %select_n3A_1113, %add3A_1178 : vector<16xi32>
      %gather3A_1180 = tpu.vector_load_idx %arg7[%add3A_1179] : memref<4096xf32, #tpu.memory_space<vmem>>[vector<16xi32>], vector<16xf32>,
      %lt3A_1181 = arith.cmpf olt, %gather3A_1180, %get3A_225 : vector<16xf32>
      %add3A_1182 = arith.constant 64 : i32
      %add3A_1183 = vector.broadcast %add3A_1182 : i32 to vector<16xi32>
      %add3A_1184 = arith.addi %select_n3A_1113, %add3A_1183 : vector<16xi32>
      %select_n3A_1185 = arith.select %lt3A_1181, %add3A_1184, %select_n3A_1113 : vector<16xi1>, vector<16xi32>
      %add3A_1186 = arith.constant 63 : i32
      %add3A_1187 = vector.broadcast %add3A_1186 : i32 to vector<16xi32>
      %add3A_1188 = arith.addi %select_n3A_1122, %add3A_1187 : vector<16xi32>
      %gather3A_1189 = tpu.vector_load_idx %arg7[%add3A_1188] : memref<4096xf32, #tpu.memory_space<vmem>>[vector<16xi32>], vector<16xf32>,
      %lt3A_1190 = arith.cmpf olt, %gather3A_1189, %get3A_232 : vector<16xf32>
      %add3A_1191 = arith.constant 64 : i32
      %add3A_1192 = vector.broadcast %add3A_1191 : i32 to vector<16xi32>
      %add3A_1193 = arith.addi %select_n3A_1122, %add3A_1192 : vector<16xi32>
      %select_n3A_1194 = arith.select %lt3A_1190, %add3A_1193, %select_n3A_1122 : vector<16xi1>, vector<16xi32>
      %add3A_1195 = arith.constant 63 : i32
      %add3A_1196 = vector.broadcast %add3A_1195 : i32 to vector<16xi32>
      %add3A_1197 = arith.addi %select_n3A_1131, %add3A_1196 : vector<16xi32>
      %gather3A_1198 = tpu.vector_load_idx %arg7[%add3A_1197] : memref<4096xf32, #tpu.memory_space<vmem>>[vector<16xi32>], vector<16xf32>,
      %lt3A_1199 = arith.cmpf olt, %gather3A_1198, %get3A_239 : vector<16xf32>
      %add3A_1200 = arith.constant 64 : i32
      %add3A_1201 = vector.broadcast %add3A_1200 : i32 to vector<16xi32>
      %add3A_1202 = arith.addi %select_n3A_1131, %add3A_1201 : vector<16xi32>
      %select_n3A_1203 = arith.select %lt3A_1199, %add3A_1202, %select_n3A_1131 : vector<16xi1>, vector<16xi32>
      %add3A_1204 = arith.constant 63 : i32
      %add3A_1205 = vector.broadcast %add3A_1204 : i32 to vector<16xi32>
      %add3A_1206 = arith.addi %select_n3A_1140, %add3A_1205 : vector<16xi32>
      %gather3A_1207 = tpu.vector_load_idx %arg7[%add3A_1206] : memref<4096xf32, #tpu.memory_space<vmem>>[vector<16xi32>], vector<16xf32>,
      %lt3A_1208 = arith.cmpf olt, %gather3A_1207, %get3A_246 : vector<16xf32>
      %add3A_1209 = arith.constant 64 : i32
      %add3A_1210 = vector.broadcast %add3A_1209 : i32 to vector<16xi32>
      %add3A_1211 = arith.addi %select_n3A_1140, %add3A_1210 : vector<16xi32>
      %select_n3A_1212 = arith.select %lt3A_1208, %add3A_1211, %select_n3A_1140 : vector<16xi1>, vector<16xi32>
      %add3A_1213 = arith.constant 63 : i32
      %add3A_1214 = vector.broadcast %add3A_1213 : i32 to vector<16xi32>
      %add3A_1215 = arith.addi %select_n3A_1149, %add3A_1214 : vector<16xi32>
      %gather3A_1216 = tpu.vector_load_idx %arg7[%add3A_1215] : memref<4096xf32, #tpu.memory_space<vmem>>[vector<16xi32>], vector<16xf32>,
      %lt3A_1217 = arith.cmpf olt, %gather3A_1216, %get3A_253 : vector<16xf32>
      %add3A_1218 = arith.constant 64 : i32
      %add3A_1219 = vector.broadcast %add3A_1218 : i32 to vector<16xi32>
      %add3A_1220 = arith.addi %select_n3A_1149, %add3A_1219 : vector<16xi32>
      %select_n3A_1221 = arith.select %lt3A_1217, %add3A_1220, %select_n3A_1149 : vector<16xi1>, vector<16xi32>
      %add3A_1222 = arith.constant 63 : i32
      %add3A_1223 = vector.broadcast %add3A_1222 : i32 to vector<16xi32>
      %add3A_1224 = arith.addi %select_n3A_1158, %add3A_1223 : vector<16xi32>
      %gather3A_1225 = tpu.vector_load_idx %arg7[%add3A_1224] : memref<4096xf32, #tpu.memory_space<vmem>>[vector<16xi32>], vector<16xf32>,
      %lt3A_1226 = arith.cmpf olt, %gather3A_1225, %get3A_260 : vector<16xf32>
      %add3A_1227 = arith.constant 64 : i32
      %add3A_1228 = vector.broadcast %add3A_1227 : i32 to vector<16xi32>
      %add3A_1229 = arith.addi %select_n3A_1158, %add3A_1228 : vector<16xi32>
      %select_n3A_1230 = arith.select %lt3A_1226, %add3A_1229, %select_n3A_1158 : vector<16xi1>, vector<16xi32>
      %add3A_1231 = arith.constant 63 : i32
      %add3A_1232 = vector.broadcast %add3A_1231 : i32 to vector<16xi32>
      %add3A_1233 = arith.addi %select_n3A_1167, %add3A_1232 : vector<16xi32>
      %gather3A_1234 = tpu.vector_load_idx %arg7[%add3A_1233] : memref<4096xf32, #tpu.memory_space<vmem>>[vector<16xi32>], vector<16xf32>,
      %lt3A_1235 = arith.cmpf olt, %gather3A_1234, %get3A_267 : vector<16xf32>
      %add3A_1236 = arith.constant 64 : i32
      %add3A_1237 = vector.broadcast %add3A_1236 : i32 to vector<16xi32>
      %add3A_1238 = arith.addi %select_n3A_1167, %add3A_1237 : vector<16xi32>
      %select_n3A_1239 = arith.select %lt3A_1235, %add3A_1238, %select_n3A_1167 : vector<16xi1>, vector<16xi32>
      %add3A_1240 = arith.constant 63 : i32
      %add3A_1241 = vector.broadcast %add3A_1240 : i32 to vector<16xi32>
      %add3A_1242 = arith.addi %select_n3A_1176, %add3A_1241 : vector<16xi32>
      %gather3A_1243 = tpu.vector_load_idx %arg7[%add3A_1242] : memref<4096xf32, #tpu.memory_space<vmem>>[vector<16xi32>], vector<16xf32>,
      %lt3A_1244 = arith.cmpf olt, %gather3A_1243, %get3A_274 : vector<16xf32>
      %add3A_1245 = arith.constant 64 : i32
      %add3A_1246 = vector.broadcast %add3A_1245 : i32 to vector<16xi32>
      %add3A_1247 = arith.addi %select_n3A_1176, %add3A_1246 : vector<16xi32>
      %select_n3A_1248 = arith.select %lt3A_1244, %add3A_1247, %select_n3A_1176 : vector<16xi1>, vector<16xi32>
      %add3A_1249 = arith.constant 31 : i32
      %add3A_1250 = vector.broadcast %add3A_1249 : i32 to vector<16xi32>
      %add3A_1251 = arith.addi %select_n3A_1185, %add3A_1250 : vector<16xi32>
      %gather3A_1252 = tpu.vector_load_idx %arg7[%add3A_1251] : memref<4096xf32, #tpu.memory_space<vmem>>[vector<16xi32>], vector<16xf32>,
      %lt3A_1253 = arith.cmpf olt, %gather3A_1252, %get3A_225 : vector<16xf32>
      %add3A_1254 = arith.constant 32 : i32
      %add3A_1255 = vector.broadcast %add3A_1254 : i32 to vector<16xi32>
      %add3A_1256 = arith.addi %select_n3A_1185, %add3A_1255 : vector<16xi32>
      %select_n3A_1257 = arith.select %lt3A_1253, %add3A_1256, %select_n3A_1185 : vector<16xi1>, vector<16xi32>
      %add3A_1258 = arith.constant 31 : i32
      %add3A_1259 = vector.broadcast %add3A_1258 : i32 to vector<16xi32>
      %add3A_1260 = arith.addi %select_n3A_1194, %add3A_1259 : vector<16xi32>
      %gather3A_1261 = tpu.vector_load_idx %arg7[%add3A_1260] : memref<4096xf32, #tpu.memory_space<vmem>>[vector<16xi32>], vector<16xf32>,
      %lt3A_1262 = arith.cmpf olt, %gather3A_1261, %get3A_232 : vector<16xf32>
      %add3A_1263 = arith.constant 32 : i32
      %add3A_1264 = vector.broadcast %add3A_1263 : i32 to vector<16xi32>
      %add3A_1265 = arith.addi %select_n3A_1194, %add3A_1264 : vector<16xi32>
      %select_n3A_1266 = arith.select %lt3A_1262, %add3A_1265, %select_n3A_1194 : vector<16xi1>, vector<16xi32>
      %add3A_1267 = arith.constant 31 : i32
      %add3A_1268 = vector.broadcast %add3A_1267 : i32 to vector<16xi32>
      %add3A_1269 = arith.addi %select_n3A_1203, %add3A_1268 : vector<16xi32>
      %gather3A_1270 = tpu.vector_load_idx %arg7[%add3A_1269] : memref<4096xf32, #tpu.memory_space<vmem>>[vector<16xi32>], vector<16xf32>,
      %lt3A_1271 = arith.cmpf olt, %gather3A_1270, %get3A_239 : vector<16xf32>
      %add3A_1272 = arith.constant 32 : i32
      %add3A_1273 = vector.broadcast %add3A_1272 : i32 to vector<16xi32>
      %add3A_1274 = arith.addi %select_n3A_1203, %add3A_1273 : vector<16xi32>
      %select_n3A_1275 = arith.select %lt3A_1271, %add3A_1274, %select_n3A_1203 : vector<16xi1>, vector<16xi32>
      %add3A_1276 = arith.constant 31 : i32
      %add3A_1277 = vector.broadcast %add3A_1276 : i32 to vector<16xi32>
      %add3A_1278 = arith.addi %select_n3A_1212, %add3A_1277 : vector<16xi32>
      %gather3A_1279 = tpu.vector_load_idx %arg7[%add3A_1278] : memref<4096xf32, #tpu.memory_space<vmem>>[vector<16xi32>], vector<16xf32>,
      %lt3A_1280 = arith.cmpf olt, %gather3A_1279, %get3A_246 : vector<16xf32>
      %add3A_1281 = arith.constant 32 : i32
      %add3A_1282 = vector.broadcast %add3A_1281 : i32 to vector<16xi32>
      %add3A_1283 = arith.addi %select_n3A_1212, %add3A_1282 : vector<16xi32>
      %select_n3A_1284 = arith.select %lt3A_1280, %add3A_1283, %select_n3A_1212 : vector<16xi1>, vector<16xi32>
      %add3A_1285 = arith.constant 31 : i32
      %add3A_1286 = vector.broadcast %add3A_1285 : i32 to vector<16xi32>
      %add3A_1287 = arith.addi %select_n3A_1221, %add3A_1286 : vector<16xi32>
      %gather3A_1288 = tpu.vector_load_idx %arg7[%add3A_1287] : memref<4096xf32, #tpu.memory_space<vmem>>[vector<16xi32>], vector<16xf32>,
      %lt3A_1289 = arith.cmpf olt, %gather3A_1288, %get3A_253 : vector<16xf32>
      %add3A_1290 = arith.constant 32 : i32
      %add3A_1291 = vector.broadcast %add3A_1290 : i32 to vector<16xi32>
      %add3A_1292 = arith.addi %select_n3A_1221, %add3A_1291 : vector<16xi32>
      %select_n3A_1293 = arith.select %lt3A_1289, %add3A_1292, %select_n3A_1221 : vector<16xi1>, vector<16xi32>
      %add3A_1294 = arith.constant 31 : i32
      %add3A_1295 = vector.broadcast %add3A_1294 : i32 to vector<16xi32>
      %add3A_1296 = arith.addi %select_n3A_1230, %add3A_1295 : vector<16xi32>
      %gather3A_1297 = tpu.vector_load_idx %arg7[%add3A_1296] : memref<4096xf32, #tpu.memory_space<vmem>>[vector<16xi32>], vector<16xf32>,
      %lt3A_1298 = arith.cmpf olt, %gather3A_1297, %get3A_260 : vector<16xf32>
      %add3A_1299 = arith.constant 32 : i32
      %add3A_1300 = vector.broadcast %add3A_1299 : i32 to vector<16xi32>
      %add3A_1301 = arith.addi %select_n3A_1230, %add3A_1300 : vector<16xi32>
      %select_n3A_1302 = arith.select %lt3A_1298, %add3A_1301, %select_n3A_1230 : vector<16xi1>, vector<16xi32>
      %add3A_1303 = arith.constant 31 : i32
      %add3A_1304 = vector.broadcast %add3A_1303 : i32 to vector<16xi32>
      %add3A_1305 = arith.addi %select_n3A_1239, %add3A_1304 : vector<16xi32>
      %gather3A_1306 = tpu.vector_load_idx %arg7[%add3A_1305] : memref<4096xf32, #tpu.memory_space<vmem>>[vector<16xi32>], vector<16xf32>,
      %lt3A_1307 = arith.cmpf olt, %gather3A_1306, %get3A_267 : vector<16xf32>
      %add3A_1308 = arith.constant 32 : i32
      %add3A_1309 = vector.broadcast %add3A_1308 : i32 to vector<16xi32>
      %add3A_1310 = arith.addi %select_n3A_1239, %add3A_1309 : vector<16xi32>
      %select_n3A_1311 = arith.select %lt3A_1307, %add3A_1310, %select_n3A_1239 : vector<16xi1>, vector<16xi32>
      %add3A_1312 = arith.constant 31 : i32
      %add3A_1313 = vector.broadcast %add3A_1312 : i32 to vector<16xi32>
      %add3A_1314 = arith.addi %select_n3A_1248, %add3A_1313 : vector<16xi32>
      %gather3A_1315 = tpu.vector_load_idx %arg7[%add3A_1314] : memref<4096xf32, #tpu.memory_space<vmem>>[vector<16xi32>], vector<16xf32>,
      %lt3A_1316 = arith.cmpf olt, %gather3A_1315, %get3A_274 : vector<16xf32>
      %add3A_1317 = arith.constant 32 : i32
      %add3A_1318 = vector.broadcast %add3A_1317 : i32 to vector<16xi32>
      %add3A_1319 = arith.addi %select_n3A_1248, %add3A_1318 : vector<16xi32>
      %select_n3A_1320 = arith.select %lt3A_1316, %add3A_1319, %select_n3A_1248 : vector<16xi1>, vector<16xi32>
      %add3A_1321 = arith.constant 15 : i32
      %add3A_1322 = vector.broadcast %add3A_1321 : i32 to vector<16xi32>
      %add3A_1323 = arith.addi %select_n3A_1257, %add3A_1322 : vector<16xi32>
      %gather3A_1324 = tpu.vector_load_idx %arg7[%add3A_1323] : memref<4096xf32, #tpu.memory_space<vmem>>[vector<16xi32>], vector<16xf32>,
      %lt3A_1325 = arith.cmpf olt, %gather3A_1324, %get3A_225 : vector<16xf32>
      %add3A_1326 = arith.constant 16 : i32
      %add3A_1327 = vector.broadcast %add3A_1326 : i32 to vector<16xi32>
      %add3A_1328 = arith.addi %select_n3A_1257, %add3A_1327 : vector<16xi32>
      %select_n3A_1329 = arith.select %lt3A_1325, %add3A_1328, %select_n3A_1257 : vector<16xi1>, vector<16xi32>
      %add3A_1330 = arith.constant 15 : i32
      %add3A_1331 = vector.broadcast %add3A_1330 : i32 to vector<16xi32>
      %add3A_1332 = arith.addi %select_n3A_1266, %add3A_1331 : vector<16xi32>
      %gather3A_1333 = tpu.vector_load_idx %arg7[%add3A_1332] : memref<4096xf32, #tpu.memory_space<vmem>>[vector<16xi32>], vector<16xf32>,
      %lt3A_1334 = arith.cmpf olt, %gather3A_1333, %get3A_232 : vector<16xf32>
      %add3A_1335 = arith.constant 16 : i32
      %add3A_1336 = vector.broadcast %add3A_1335 : i32 to vector<16xi32>
      %add3A_1337 = arith.addi %select_n3A_1266, %add3A_1336 : vector<16xi32>
      %select_n3A_1338 = arith.select %lt3A_1334, %add3A_1337, %select_n3A_1266 : vector<16xi1>, vector<16xi32>
      %add3A_1339 = arith.constant 15 : i32
      %add3A_1340 = vector.broadcast %add3A_1339 : i32 to vector<16xi32>
      %add3A_1341 = arith.addi %select_n3A_1275, %add3A_1340 : vector<16xi32>
      %gather3A_1342 = tpu.vector_load_idx %arg7[%add3A_1341] : memref<4096xf32, #tpu.memory_space<vmem>>[vector<16xi32>], vector<16xf32>,
      %lt3A_1343 = arith.cmpf olt, %gather3A_1342, %get3A_239 : vector<16xf32>
      %add3A_1344 = arith.constant 16 : i32
      %add3A_1345 = vector.broadcast %add3A_1344 : i32 to vector<16xi32>
      %add3A_1346 = arith.addi %select_n3A_1275, %add3A_1345 : vector<16xi32>
      %select_n3A_1347 = arith.select %lt3A_1343, %add3A_1346, %select_n3A_1275 : vector<16xi1>, vector<16xi32>
      %add3A_1348 = arith.constant 15 : i32
      %add3A_1349 = vector.broadcast %add3A_1348 : i32 to vector<16xi32>
      %add3A_1350 = arith.addi %select_n3A_1284, %add3A_1349 : vector<16xi32>
      %gather3A_1351 = tpu.vector_load_idx %arg7[%add3A_1350] : memref<4096xf32, #tpu.memory_space<vmem>>[vector<16xi32>], vector<16xf32>,
      %lt3A_1352 = arith.cmpf olt, %gather3A_1351, %get3A_246 : vector<16xf32>
      %add3A_1353 = arith.constant 16 : i32
      %add3A_1354 = vector.broadcast %add3A_1353 : i32 to vector<16xi32>
      %add3A_1355 = arith.addi %select_n3A_1284, %add3A_1354 : vector<16xi32>
      %select_n3A_1356 = arith.select %lt3A_1352, %add3A_1355, %select_n3A_1284 : vector<16xi1>, vector<16xi32>
      %add3A_1357 = arith.constant 15 : i32
      %add3A_1358 = vector.broadcast %add3A_1357 : i32 to vector<16xi32>
      %add3A_1359 = arith.addi %select_n3A_1293, %add3A_1358 : vector<16xi32>
      %gather3A_1360 = tpu.vector_load_idx %arg7[%add3A_1359] : memref<4096xf32, #tpu.memory_space<vmem>>[vector<16xi32>], vector<16xf32>,
      %lt3A_1361 = arith.cmpf olt, %gather3A_1360, %get3A_253 : vector<16xf32>
      %add3A_1362 = arith.constant 16 : i32
      %add3A_1363 = vector.broadcast %add3A_1362 : i32 to vector<16xi32>
      %add3A_1364 = arith.addi %select_n3A_1293, %add3A_1363 : vector<16xi32>
      %select_n3A_1365 = arith.select %lt3A_1361, %add3A_1364, %select_n3A_1293 : vector<16xi1>, vector<16xi32>
      %add3A_1366 = arith.constant 15 : i32
      %add3A_1367 = vector.broadcast %add3A_1366 : i32 to vector<16xi32>
      %add3A_1368 = arith.addi %select_n3A_1302, %add3A_1367 : vector<16xi32>
      %gather3A_1369 = tpu.vector_load_idx %arg7[%add3A_1368] : memref<4096xf32, #tpu.memory_space<vmem>>[vector<16xi32>], vector<16xf32>,
      %lt3A_1370 = arith.cmpf olt, %gather3A_1369, %get3A_260 : vector<16xf32>
      %add3A_1371 = arith.constant 16 : i32
      %add3A_1372 = vector.broadcast %add3A_1371 : i32 to vector<16xi32>
      %add3A_1373 = arith.addi %select_n3A_1302, %add3A_1372 : vector<16xi32>
      %select_n3A_1374 = arith.select %lt3A_1370, %add3A_1373, %select_n3A_1302 : vector<16xi1>, vector<16xi32>
      %add3A_1375 = arith.constant 15 : i32
      %add3A_1376 = vector.broadcast %add3A_1375 : i32 to vector<16xi32>
      %add3A_1377 = arith.addi %select_n3A_1311, %add3A_1376 : vector<16xi32>
      %gather3A_1378 = tpu.vector_load_idx %arg7[%add3A_1377] : memref<4096xf32, #tpu.memory_space<vmem>>[vector<16xi32>], vector<16xf32>,
      %lt3A_1379 = arith.cmpf olt, %gather3A_1378, %get3A_267 : vector<16xf32>
      %add3A_1380 = arith.constant 16 : i32
      %add3A_1381 = vector.broadcast %add3A_1380 : i32 to vector<16xi32>
      %add3A_1382 = arith.addi %select_n3A_1311, %add3A_1381 : vector<16xi32>
      %select_n3A_1383 = arith.select %lt3A_1379, %add3A_1382, %select_n3A_1311 : vector<16xi1>, vector<16xi32>
      %add3A_1384 = arith.constant 15 : i32
      %add3A_1385 = vector.broadcast %add3A_1384 : i32 to vector<16xi32>
      %add3A_1386 = arith.addi %select_n3A_1320, %add3A_1385 : vector<16xi32>
      %gather3A_1387 = tpu.vector_load_idx %arg7[%add3A_1386] : memref<4096xf32, #tpu.memory_space<vmem>>[vector<16xi32>], vector<16xf32>,
      %lt3A_1388 = arith.cmpf olt, %gather3A_1387, %get3A_274 : vector<16xf32>
      %add3A_1389 = arith.constant 16 : i32
      %add3A_1390 = vector.broadcast %add3A_1389 : i32 to vector<16xi32>
      %add3A_1391 = arith.addi %select_n3A_1320, %add3A_1390 : vector<16xi32>
      %select_n3A_1392 = arith.select %lt3A_1388, %add3A_1391, %select_n3A_1320 : vector<16xi1>, vector<16xi32>
      %add3A_1393 = arith.constant 7 : i32
      %add3A_1394 = vector.broadcast %add3A_1393 : i32 to vector<16xi32>
      %add3A_1395 = arith.addi %select_n3A_1329, %add3A_1394 : vector<16xi32>
      %gather3A_1396 = tpu.vector_load_idx %arg7[%add3A_1395] : memref<4096xf32, #tpu.memory_space<vmem>>[vector<16xi32>], vector<16xf32>,
      %lt3A_1397 = arith.cmpf olt, %gather3A_1396, %get3A_225 : vector<16xf32>
      %add3A_1398 = arith.constant 8 : i32
      %add3A_1399 = vector.broadcast %add3A_1398 : i32 to vector<16xi32>
      %add3A_1400 = arith.addi %select_n3A_1329, %add3A_1399 : vector<16xi32>
      %select_n3A_1401 = arith.select %lt3A_1397, %add3A_1400, %select_n3A_1329 : vector<16xi1>, vector<16xi32>
      %add3A_1402 = arith.constant 7 : i32
      %add3A_1403 = vector.broadcast %add3A_1402 : i32 to vector<16xi32>
      %add3A_1404 = arith.addi %select_n3A_1338, %add3A_1403 : vector<16xi32>
      %gather3A_1405 = tpu.vector_load_idx %arg7[%add3A_1404] : memref<4096xf32, #tpu.memory_space<vmem>>[vector<16xi32>], vector<16xf32>,
      %lt3A_1406 = arith.cmpf olt, %gather3A_1405, %get3A_232 : vector<16xf32>
      %add3A_1407 = arith.constant 8 : i32
      %add3A_1408 = vector.broadcast %add3A_1407 : i32 to vector<16xi32>
      %add3A_1409 = arith.addi %select_n3A_1338, %add3A_1408 : vector<16xi32>
      %select_n3A_1410 = arith.select %lt3A_1406, %add3A_1409, %select_n3A_1338 : vector<16xi1>, vector<16xi32>
      %add3A_1411 = arith.constant 7 : i32
      %add3A_1412 = vector.broadcast %add3A_1411 : i32 to vector<16xi32>
      %add3A_1413 = arith.addi %select_n3A_1347, %add3A_1412 : vector<16xi32>
      %gather3A_1414 = tpu.vector_load_idx %arg7[%add3A_1413] : memref<4096xf32, #tpu.memory_space<vmem>>[vector<16xi32>], vector<16xf32>,
      %lt3A_1415 = arith.cmpf olt, %gather3A_1414, %get3A_239 : vector<16xf32>
      %add3A_1416 = arith.constant 8 : i32
      %add3A_1417 = vector.broadcast %add3A_1416 : i32 to vector<16xi32>
      %add3A_1418 = arith.addi %select_n3A_1347, %add3A_1417 : vector<16xi32>
      %select_n3A_1419 = arith.select %lt3A_1415, %add3A_1418, %select_n3A_1347 : vector<16xi1>, vector<16xi32>
      %add3A_1420 = arith.constant 7 : i32
      %add3A_1421 = vector.broadcast %add3A_1420 : i32 to vector<16xi32>
      %add3A_1422 = arith.addi %select_n3A_1356, %add3A_1421 : vector<16xi32>
      %gather3A_1423 = tpu.vector_load_idx %arg7[%add3A_1422] : memref<4096xf32, #tpu.memory_space<vmem>>[vector<16xi32>], vector<16xf32>,
      %lt3A_1424 = arith.cmpf olt, %gather3A_1423, %get3A_246 : vector<16xf32>
      %add3A_1425 = arith.constant 8 : i32
      %add3A_1426 = vector.broadcast %add3A_1425 : i32 to vector<16xi32>
      %add3A_1427 = arith.addi %select_n3A_1356, %add3A_1426 : vector<16xi32>
      %select_n3A_1428 = arith.select %lt3A_1424, %add3A_1427, %select_n3A_1356 : vector<16xi1>, vector<16xi32>
      %add3A_1429 = arith.constant 7 : i32
      %add3A_1430 = vector.broadcast %add3A_1429 : i32 to vector<16xi32>
      %add3A_1431 = arith.addi %select_n3A_1365, %add3A_1430 : vector<16xi32>
      %gather3A_1432 = tpu.vector_load_idx %arg7[%add3A_1431] : memref<4096xf32, #tpu.memory_space<vmem>>[vector<16xi32>], vector<16xf32>,
      %lt3A_1433 = arith.cmpf olt, %gather3A_1432, %get3A_253 : vector<16xf32>
      %add3A_1434 = arith.constant 8 : i32
      %add3A_1435 = vector.broadcast %add3A_1434 : i32 to vector<16xi32>
      %add3A_1436 = arith.addi %select_n3A_1365, %add3A_1435 : vector<16xi32>
      %select_n3A_1437 = arith.select %lt3A_1433, %add3A_1436, %select_n3A_1365 : vector<16xi1>, vector<16xi32>
      %add3A_1438 = arith.constant 7 : i32
      %add3A_1439 = vector.broadcast %add3A_1438 : i32 to vector<16xi32>
      %add3A_1440 = arith.addi %select_n3A_1374, %add3A_1439 : vector<16xi32>
      %gather3A_1441 = tpu.vector_load_idx %arg7[%add3A_1440] : memref<4096xf32, #tpu.memory_space<vmem>>[vector<16xi32>], vector<16xf32>,
      %lt3A_1442 = arith.cmpf olt, %gather3A_1441, %get3A_260 : vector<16xf32>
      %add3A_1443 = arith.constant 8 : i32
      %add3A_1444 = vector.broadcast %add3A_1443 : i32 to vector<16xi32>
      %add3A_1445 = arith.addi %select_n3A_1374, %add3A_1444 : vector<16xi32>
      %select_n3A_1446 = arith.select %lt3A_1442, %add3A_1445, %select_n3A_1374 : vector<16xi1>, vector<16xi32>
      %add3A_1447 = arith.constant 7 : i32
      %add3A_1448 = vector.broadcast %add3A_1447 : i32 to vector<16xi32>
      %add3A_1449 = arith.addi %select_n3A_1383, %add3A_1448 : vector<16xi32>
      %gather3A_1450 = tpu.vector_load_idx %arg7[%add3A_1449] : memref<4096xf32, #tpu.memory_space<vmem>>[vector<16xi32>], vector<16xf32>,
      %lt3A_1451 = arith.cmpf olt, %gather3A_1450, %get3A_267 : vector<16xf32>
      %add3A_1452 = arith.constant 8 : i32
      %add3A_1453 = vector.broadcast %add3A_1452 : i32 to vector<16xi32>
      %add3A_1454 = arith.addi %select_n3A_1383, %add3A_1453 : vector<16xi32>
      %select_n3A_1455 = arith.select %lt3A_1451, %add3A_1454, %select_n3A_1383 : vector<16xi1>, vector<16xi32>
      %add3A_1456 = arith.constant 7 : i32
      %add3A_1457 = vector.broadcast %add3A_1456 : i32 to vector<16xi32>
      %add3A_1458 = arith.addi %select_n3A_1392, %add3A_1457 : vector<16xi32>
      %gather3A_1459 = tpu.vector_load_idx %arg7[%add3A_1458] : memref<4096xf32, #tpu.memory_space<vmem>>[vector<16xi32>], vector<16xf32>,
      %lt3A_1460 = arith.cmpf olt, %gather3A_1459, %get3A_274 : vector<16xf32>
      %add3A_1461 = arith.constant 8 : i32
      %add3A_1462 = vector.broadcast %add3A_1461 : i32 to vector<16xi32>
      %add3A_1463 = arith.addi %select_n3A_1392, %add3A_1462 : vector<16xi32>
      %select_n3A_1464 = arith.select %lt3A_1460, %add3A_1463, %select_n3A_1392 : vector<16xi1>, vector<16xi32>
      %add3A_1465 = arith.constant 3 : i32
      %add3A_1466 = vector.broadcast %add3A_1465 : i32 to vector<16xi32>
      %add3A_1467 = arith.addi %select_n3A_1401, %add3A_1466 : vector<16xi32>
      %gather3A_1468 = tpu.vector_load_idx %arg7[%add3A_1467] : memref<4096xf32, #tpu.memory_space<vmem>>[vector<16xi32>], vector<16xf32>,
      %lt3A_1469 = arith.cmpf olt, %gather3A_1468, %get3A_225 : vector<16xf32>
      %add3A_1470 = arith.constant 4 : i32
      %add3A_1471 = vector.broadcast %add3A_1470 : i32 to vector<16xi32>
      %add3A_1472 = arith.addi %select_n3A_1401, %add3A_1471 : vector<16xi32>
      %select_n3A_1473 = arith.select %lt3A_1469, %add3A_1472, %select_n3A_1401 : vector<16xi1>, vector<16xi32>
      %add3A_1474 = arith.constant 3 : i32
      %add3A_1475 = vector.broadcast %add3A_1474 : i32 to vector<16xi32>
      %add3A_1476 = arith.addi %select_n3A_1410, %add3A_1475 : vector<16xi32>
      %gather3A_1477 = tpu.vector_load_idx %arg7[%add3A_1476] : memref<4096xf32, #tpu.memory_space<vmem>>[vector<16xi32>], vector<16xf32>,
      %lt3A_1478 = arith.cmpf olt, %gather3A_1477, %get3A_232 : vector<16xf32>
      %add3A_1479 = arith.constant 4 : i32
      %add3A_1480 = vector.broadcast %add3A_1479 : i32 to vector<16xi32>
      %add3A_1481 = arith.addi %select_n3A_1410, %add3A_1480 : vector<16xi32>
      %select_n3A_1482 = arith.select %lt3A_1478, %add3A_1481, %select_n3A_1410 : vector<16xi1>, vector<16xi32>
      %add3A_1483 = arith.constant 3 : i32
      %add3A_1484 = vector.broadcast %add3A_1483 : i32 to vector<16xi32>
      %add3A_1485 = arith.addi %select_n3A_1419, %add3A_1484 : vector<16xi32>
      %gather3A_1486 = tpu.vector_load_idx %arg7[%add3A_1485] : memref<4096xf32, #tpu.memory_space<vmem>>[vector<16xi32>], vector<16xf32>,
      %lt3A_1487 = arith.cmpf olt, %gather3A_1486, %get3A_239 : vector<16xf32>
      %add3A_1488 = arith.constant 4 : i32
      %add3A_1489 = vector.broadcast %add3A_1488 : i32 to vector<16xi32>
      %add3A_1490 = arith.addi %select_n3A_1419, %add3A_1489 : vector<16xi32>
      %select_n3A_1491 = arith.select %lt3A_1487, %add3A_1490, %select_n3A_1419 : vector<16xi1>, vector<16xi32>
      %add3A_1492 = arith.constant 3 : i32
      %add3A_1493 = vector.broadcast %add3A_1492 : i32 to vector<16xi32>
      %add3A_1494 = arith.addi %select_n3A_1428, %add3A_1493 : vector<16xi32>
      %gather3A_1495 = tpu.vector_load_idx %arg7[%add3A_1494] : memref<4096xf32, #tpu.memory_space<vmem>>[vector<16xi32>], vector<16xf32>,
      %lt3A_1496 = arith.cmpf olt, %gather3A_1495, %get3A_246 : vector<16xf32>
      %add3A_1497 = arith.constant 4 : i32
      %add3A_1498 = vector.broadcast %add3A_1497 : i32 to vector<16xi32>
      %add3A_1499 = arith.addi %select_n3A_1428, %add3A_1498 : vector<16xi32>
      %select_n3A_1500 = arith.select %lt3A_1496, %add3A_1499, %select_n3A_1428 : vector<16xi1>, vector<16xi32>
      %add3A_1501 = arith.constant 3 : i32
      %add3A_1502 = vector.broadcast %add3A_1501 : i32 to vector<16xi32>
      %add3A_1503 = arith.addi %select_n3A_1437, %add3A_1502 : vector<16xi32>
      %gather3A_1504 = tpu.vector_load_idx %arg7[%add3A_1503] : memref<4096xf32, #tpu.memory_space<vmem>>[vector<16xi32>], vector<16xf32>,
      %lt3A_1505 = arith.cmpf olt, %gather3A_1504, %get3A_253 : vector<16xf32>
      %add3A_1506 = arith.constant 4 : i32
      %add3A_1507 = vector.broadcast %add3A_1506 : i32 to vector<16xi32>
      %add3A_1508 = arith.addi %select_n3A_1437, %add3A_1507 : vector<16xi32>
      %select_n3A_1509 = arith.select %lt3A_1505, %add3A_1508, %select_n3A_1437 : vector<16xi1>, vector<16xi32>
      %add3A_1510 = arith.constant 3 : i32
      %add3A_1511 = vector.broadcast %add3A_1510 : i32 to vector<16xi32>
      %add3A_1512 = arith.addi %select_n3A_1446, %add3A_1511 : vector<16xi32>
      %gather3A_1513 = tpu.vector_load_idx %arg7[%add3A_1512] : memref<4096xf32, #tpu.memory_space<vmem>>[vector<16xi32>], vector<16xf32>,
      %lt3A_1514 = arith.cmpf olt, %gather3A_1513, %get3A_260 : vector<16xf32>
      %add3A_1515 = arith.constant 4 : i32
      %add3A_1516 = vector.broadcast %add3A_1515 : i32 to vector<16xi32>
      %add3A_1517 = arith.addi %select_n3A_1446, %add3A_1516 : vector<16xi32>
      %select_n3A_1518 = arith.select %lt3A_1514, %add3A_1517, %select_n3A_1446 : vector<16xi1>, vector<16xi32>
      %add3A_1519 = arith.constant 3 : i32
      %add3A_1520 = vector.broadcast %add3A_1519 : i32 to vector<16xi32>
      %add3A_1521 = arith.addi %select_n3A_1455, %add3A_1520 : vector<16xi32>
      %gather3A_1522 = tpu.vector_load_idx %arg7[%add3A_1521] : memref<4096xf32, #tpu.memory_space<vmem>>[vector<16xi32>], vector<16xf32>,
      %lt3A_1523 = arith.cmpf olt, %gather3A_1522, %get3A_267 : vector<16xf32>
      %add3A_1524 = arith.constant 4 : i32
      %add3A_1525 = vector.broadcast %add3A_1524 : i32 to vector<16xi32>
      %add3A_1526 = arith.addi %select_n3A_1455, %add3A_1525 : vector<16xi32>
      %select_n3A_1527 = arith.select %lt3A_1523, %add3A_1526, %select_n3A_1455 : vector<16xi1>, vector<16xi32>
      %add3A_1528 = arith.constant 3 : i32
      %add3A_1529 = vector.broadcast %add3A_1528 : i32 to vector<16xi32>
      %add3A_1530 = arith.addi %select_n3A_1464, %add3A_1529 : vector<16xi32>
      %gather3A_1531 = tpu.vector_load_idx %arg7[%add3A_1530] : memref<4096xf32, #tpu.memory_space<vmem>>[vector<16xi32>], vector<16xf32>,
      %lt3A_1532 = arith.cmpf olt, %gather3A_1531, %get3A_274 : vector<16xf32>
      %add3A_1533 = arith.constant 4 : i32
      %add3A_1534 = vector.broadcast %add3A_1533 : i32 to vector<16xi32>
      %add3A_1535 = arith.addi %select_n3A_1464, %add3A_1534 : vector<16xi32>
      %select_n3A_1536 = arith.select %lt3A_1532, %add3A_1535, %select_n3A_1464 : vector<16xi1>, vector<16xi32>
      %add3A_1537 = arith.constant 1 : i32
      %add3A_1538 = vector.broadcast %add3A_1537 : i32 to vector<16xi32>
      %add3A_1539 = arith.addi %select_n3A_1473, %add3A_1538 : vector<16xi32>
      %gather3A_1540 = tpu.vector_load_idx %arg7[%add3A_1539] : memref<4096xf32, #tpu.memory_space<vmem>>[vector<16xi32>], vector<16xf32>,
      %lt3A_1541 = arith.cmpf olt, %gather3A_1540, %get3A_225 : vector<16xf32>
      %add3A_1542 = arith.constant 2 : i32
      %add3A_1543 = vector.broadcast %add3A_1542 : i32 to vector<16xi32>
      %add3A_1544 = arith.addi %select_n3A_1473, %add3A_1543 : vector<16xi32>
      %select_n3A_1545 = arith.select %lt3A_1541, %add3A_1544, %select_n3A_1473 : vector<16xi1>, vector<16xi32>
      %add3A_1546 = arith.constant 1 : i32
      %add3A_1547 = vector.broadcast %add3A_1546 : i32 to vector<16xi32>
      %add3A_1548 = arith.addi %select_n3A_1482, %add3A_1547 : vector<16xi32>
      %gather3A_1549 = tpu.vector_load_idx %arg7[%add3A_1548] : memref<4096xf32, #tpu.memory_space<vmem>>[vector<16xi32>], vector<16xf32>,
      %lt3A_1550 = arith.cmpf olt, %gather3A_1549, %get3A_232 : vector<16xf32>
      %add3A_1551 = arith.constant 2 : i32
      %add3A_1552 = vector.broadcast %add3A_1551 : i32 to vector<16xi32>
      %add3A_1553 = arith.addi %select_n3A_1482, %add3A_1552 : vector<16xi32>
      %select_n3A_1554 = arith.select %lt3A_1550, %add3A_1553, %select_n3A_1482 : vector<16xi1>, vector<16xi32>
      %add3A_1555 = arith.constant 1 : i32
      %add3A_1556 = vector.broadcast %add3A_1555 : i32 to vector<16xi32>
      %add3A_1557 = arith.addi %select_n3A_1491, %add3A_1556 : vector<16xi32>
      %gather3A_1558 = tpu.vector_load_idx %arg7[%add3A_1557] : memref<4096xf32, #tpu.memory_space<vmem>>[vector<16xi32>], vector<16xf32>,
      %lt3A_1559 = arith.cmpf olt, %gather3A_1558, %get3A_239 : vector<16xf32>
      %add3A_1560 = arith.constant 2 : i32
      %add3A_1561 = vector.broadcast %add3A_1560 : i32 to vector<16xi32>
      %add3A_1562 = arith.addi %select_n3A_1491, %add3A_1561 : vector<16xi32>
      %select_n3A_1563 = arith.select %lt3A_1559, %add3A_1562, %select_n3A_1491 : vector<16xi1>, vector<16xi32>
      %add3A_1564 = arith.constant 1 : i32
      %add3A_1565 = vector.broadcast %add3A_1564 : i32 to vector<16xi32>
      %add3A_1566 = arith.addi %select_n3A_1500, %add3A_1565 : vector<16xi32>
      %gather3A_1567 = tpu.vector_load_idx %arg7[%add3A_1566] : memref<4096xf32, #tpu.memory_space<vmem>>[vector<16xi32>], vector<16xf32>,
      %lt3A_1568 = arith.cmpf olt, %gather3A_1567, %get3A_246 : vector<16xf32>
      %add3A_1569 = arith.constant 2 : i32
      %add3A_1570 = vector.broadcast %add3A_1569 : i32 to vector<16xi32>
      %add3A_1571 = arith.addi %select_n3A_1500, %add3A_1570 : vector<16xi32>
      %select_n3A_1572 = arith.select %lt3A_1568, %add3A_1571, %select_n3A_1500 : vector<16xi1>, vector<16xi32>
      %add3A_1573 = arith.constant 1 : i32
      %add3A_1574 = vector.broadcast %add3A_1573 : i32 to vector<16xi32>
      %add3A_1575 = arith.addi %select_n3A_1509, %add3A_1574 : vector<16xi32>
      %gather3A_1576 = tpu.vector_load_idx %arg7[%add3A_1575] : memref<4096xf32, #tpu.memory_space<vmem>>[vector<16xi32>], vector<16xf32>,
      %lt3A_1577 = arith.cmpf olt, %gather3A_1576, %get3A_253 : vector<16xf32>
      %add3A_1578 = arith.constant 2 : i32
      %add3A_1579 = vector.broadcast %add3A_1578 : i32 to vector<16xi32>
      %add3A_1580 = arith.addi %select_n3A_1509, %add3A_1579 : vector<16xi32>
      %select_n3A_1581 = arith.select %lt3A_1577, %add3A_1580, %select_n3A_1509 : vector<16xi1>, vector<16xi32>
      %add3A_1582 = arith.constant 1 : i32
      %add3A_1583 = vector.broadcast %add3A_1582 : i32 to vector<16xi32>
      %add3A_1584 = arith.addi %select_n3A_1518, %add3A_1583 : vector<16xi32>
      %gather3A_1585 = tpu.vector_load_idx %arg7[%add3A_1584] : memref<4096xf32, #tpu.memory_space<vmem>>[vector<16xi32>], vector<16xf32>,
      %lt3A_1586 = arith.cmpf olt, %gather3A_1585, %get3A_260 : vector<16xf32>
      %add3A_1587 = arith.constant 2 : i32
      %add3A_1588 = vector.broadcast %add3A_1587 : i32 to vector<16xi32>
      %add3A_1589 = arith.addi %select_n3A_1518, %add3A_1588 : vector<16xi32>
      %select_n3A_1590 = arith.select %lt3A_1586, %add3A_1589, %select_n3A_1518 : vector<16xi1>, vector<16xi32>
      %add3A_1591 = arith.constant 1 : i32
      %add3A_1592 = vector.broadcast %add3A_1591 : i32 to vector<16xi32>
      %add3A_1593 = arith.addi %select_n3A_1527, %add3A_1592 : vector<16xi32>
      %gather3A_1594 = tpu.vector_load_idx %arg7[%add3A_1593] : memref<4096xf32, #tpu.memory_space<vmem>>[vector<16xi32>], vector<16xf32>,
      %lt3A_1595 = arith.cmpf olt, %gather3A_1594, %get3A_267 : vector<16xf32>
      %add3A_1596 = arith.constant 2 : i32
      %add3A_1597 = vector.broadcast %add3A_1596 : i32 to vector<16xi32>
      %add3A_1598 = arith.addi %select_n3A_1527, %add3A_1597 : vector<16xi32>
      %select_n3A_1599 = arith.select %lt3A_1595, %add3A_1598, %select_n3A_1527 : vector<16xi1>, vector<16xi32>
      %add3A_1600 = arith.constant 1 : i32
      %add3A_1601 = vector.broadcast %add3A_1600 : i32 to vector<16xi32>
      %add3A_1602 = arith.addi %select_n3A_1536, %add3A_1601 : vector<16xi32>
      %gather3A_1603 = tpu.vector_load_idx %arg7[%add3A_1602] : memref<4096xf32, #tpu.memory_space<vmem>>[vector<16xi32>], vector<16xf32>,
      %lt3A_1604 = arith.cmpf olt, %gather3A_1603, %get3A_274 : vector<16xf32>
      %add3A_1605 = arith.constant 2 : i32
      %add3A_1606 = vector.broadcast %add3A_1605 : i32 to vector<16xi32>
      %add3A_1607 = arith.addi %select_n3A_1536, %add3A_1606 : vector<16xi32>
      %select_n3A_1608 = arith.select %lt3A_1604, %add3A_1607, %select_n3A_1536 : vector<16xi1>, vector<16xi32>
      %add3A_1609 = arith.constant 0 : i32
      %add3A_1610 = vector.broadcast %add3A_1609 : i32 to vector<16xi32>
      %add3A_1611 = arith.addi %select_n3A_1545, %add3A_1610 : vector<16xi32>
      %gather3A_1612 = tpu.vector_load_idx %arg7[%add3A_1611] : memref<4096xf32, #tpu.memory_space<vmem>>[vector<16xi32>], vector<16xf32>,
      %lt3A_1613 = arith.cmpf olt, %gather3A_1612, %get3A_225 : vector<16xf32>
      %add3A_1614 = arith.constant 1 : i32
      %add3A_1615 = vector.broadcast %add3A_1614 : i32 to vector<16xi32>
      %add3A_1616 = arith.addi %select_n3A_1545, %add3A_1615 : vector<16xi32>
      %select_n3A_1617 = arith.select %lt3A_1613, %add3A_1616, %select_n3A_1545 : vector<16xi1>, vector<16xi32>
      %add3A_1618 = arith.constant 0 : i32
      %add3A_1619 = vector.broadcast %add3A_1618 : i32 to vector<16xi32>
      %add3A_1620 = arith.addi %select_n3A_1554, %add3A_1619 : vector<16xi32>
      %gather3A_1621 = tpu.vector_load_idx %arg7[%add3A_1620] : memref<4096xf32, #tpu.memory_space<vmem>>[vector<16xi32>], vector<16xf32>,
      %lt3A_1622 = arith.cmpf olt, %gather3A_1621, %get3A_232 : vector<16xf32>
      %add3A_1623 = arith.constant 1 : i32
      %add3A_1624 = vector.broadcast %add3A_1623 : i32 to vector<16xi32>
      %add3A_1625 = arith.addi %select_n3A_1554, %add3A_1624 : vector<16xi32>
      %select_n3A_1626 = arith.select %lt3A_1622, %add3A_1625, %select_n3A_1554 : vector<16xi1>, vector<16xi32>
      %add3A_1627 = arith.constant 0 : i32
      %add3A_1628 = vector.broadcast %add3A_1627 : i32 to vector<16xi32>
      %add3A_1629 = arith.addi %select_n3A_1563, %add3A_1628 : vector<16xi32>
      %gather3A_1630 = tpu.vector_load_idx %arg7[%add3A_1629] : memref<4096xf32, #tpu.memory_space<vmem>>[vector<16xi32>], vector<16xf32>,
      %lt3A_1631 = arith.cmpf olt, %gather3A_1630, %get3A_239 : vector<16xf32>
      %add3A_1632 = arith.constant 1 : i32
      %add3A_1633 = vector.broadcast %add3A_1632 : i32 to vector<16xi32>
      %add3A_1634 = arith.addi %select_n3A_1563, %add3A_1633 : vector<16xi32>
      %select_n3A_1635 = arith.select %lt3A_1631, %add3A_1634, %select_n3A_1563 : vector<16xi1>, vector<16xi32>
      %add3A_1636 = arith.constant 0 : i32
      %add3A_1637 = vector.broadcast %add3A_1636 : i32 to vector<16xi32>
      %add3A_1638 = arith.addi %select_n3A_1572, %add3A_1637 : vector<16xi32>
      %gather3A_1639 = tpu.vector_load_idx %arg7[%add3A_1638] : memref<4096xf32, #tpu.memory_space<vmem>>[vector<16xi32>], vector<16xf32>,
      %lt3A_1640 = arith.cmpf olt, %gather3A_1639, %get3A_246 : vector<16xf32>
      %add3A_1641 = arith.constant 1 : i32
      %add3A_1642 = vector.broadcast %add3A_1641 : i32 to vector<16xi32>
      %add3A_1643 = arith.addi %select_n3A_1572, %add3A_1642 : vector<16xi32>
      %select_n3A_1644 = arith.select %lt3A_1640, %add3A_1643, %select_n3A_1572 : vector<16xi1>, vector<16xi32>
      %add3A_1645 = arith.constant 0 : i32
      %add3A_1646 = vector.broadcast %add3A_1645 : i32 to vector<16xi32>
      %add3A_1647 = arith.addi %select_n3A_1581, %add3A_1646 : vector<16xi32>
      %gather3A_1648 = tpu.vector_load_idx %arg7[%add3A_1647] : memref<4096xf32, #tpu.memory_space<vmem>>[vector<16xi32>], vector<16xf32>,
      %lt3A_1649 = arith.cmpf olt, %gather3A_1648, %get3A_253 : vector<16xf32>
      %add3A_1650 = arith.constant 1 : i32
      %add3A_1651 = vector.broadcast %add3A_1650 : i32 to vector<16xi32>
      %add3A_1652 = arith.addi %select_n3A_1581, %add3A_1651 : vector<16xi32>
      %select_n3A_1653 = arith.select %lt3A_1649, %add3A_1652, %select_n3A_1581 : vector<16xi1>, vector<16xi32>
      %add3A_1654 = arith.constant 0 : i32
      %add3A_1655 = vector.broadcast %add3A_1654 : i32 to vector<16xi32>
      %add3A_1656 = arith.addi %select_n3A_1590, %add3A_1655 : vector<16xi32>
      %gather3A_1657 = tpu.vector_load_idx %arg7[%add3A_1656] : memref<4096xf32, #tpu.memory_space<vmem>>[vector<16xi32>], vector<16xf32>,
      %lt3A_1658 = arith.cmpf olt, %gather3A_1657, %get3A_260 : vector<16xf32>
      %add3A_1659 = arith.constant 1 : i32
      %add3A_1660 = vector.broadcast %add3A_1659 : i32 to vector<16xi32>
      %add3A_1661 = arith.addi %select_n3A_1590, %add3A_1660 : vector<16xi32>
      %select_n3A_1662 = arith.select %lt3A_1658, %add3A_1661, %select_n3A_1590 : vector<16xi1>, vector<16xi32>
      %add3A_1663 = arith.constant 0 : i32
      %add3A_1664 = vector.broadcast %add3A_1663 : i32 to vector<16xi32>
      %add3A_1665 = arith.addi %select_n3A_1599, %add3A_1664 : vector<16xi32>
      %gather3A_1666 = tpu.vector_load_idx %arg7[%add3A_1665] : memref<4096xf32, #tpu.memory_space<vmem>>[vector<16xi32>], vector<16xf32>,
      %lt3A_1667 = arith.cmpf olt, %gather3A_1666, %get3A_267 : vector<16xf32>
      %add3A_1668 = arith.constant 1 : i32
      %add3A_1669 = vector.broadcast %add3A_1668 : i32 to vector<16xi32>
      %add3A_1670 = arith.addi %select_n3A_1599, %add3A_1669 : vector<16xi32>
      %select_n3A_1671 = arith.select %lt3A_1667, %add3A_1670, %select_n3A_1599 : vector<16xi1>, vector<16xi32>
      %add3A_1672 = arith.constant 0 : i32
      %add3A_1673 = vector.broadcast %add3A_1672 : i32 to vector<16xi32>
      %add3A_1674 = arith.addi %select_n3A_1608, %add3A_1673 : vector<16xi32>
      %gather3A_1675 = tpu.vector_load_idx %arg7[%add3A_1674] : memref<4096xf32, #tpu.memory_space<vmem>>[vector<16xi32>], vector<16xf32>,
      %lt3A_1676 = arith.cmpf olt, %gather3A_1675, %get3A_274 : vector<16xf32>
      %add3A_1677 = arith.constant 1 : i32
      %add3A_1678 = vector.broadcast %add3A_1677 : i32 to vector<16xi32>
      %add3A_1679 = arith.addi %select_n3A_1608, %add3A_1678 : vector<16xi32>
      %select_n3A_1680 = arith.select %lt3A_1676, %add3A_1679, %select_n3A_1608 : vector<16xi1>, vector<16xi32>
      %add3A_1681 = arith.constant 0 : i32
      %add3A_1682 = vector.broadcast %add3A_1681 : i32 to vector<16xi32>
      %add3A_1683 = arith.addi %select_n3A_1617, %add3A_1682 : vector<16xi32>
      %gather3A_1684 = tpu.vector_load_idx %arg7[%add3A_1683] : memref<4096xf32, #tpu.memory_space<vmem>>[vector<16xi32>], vector<16xf32>,
      %lt3A_1685 = arith.cmpf olt, %gather3A_1684, %get3A_225 : vector<16xf32>
      %add3A_1686 = arith.constant 1 : i32
      %add3A_1687 = vector.broadcast %add3A_1686 : i32 to vector<16xi32>
      %add3A_1688 = arith.addi %select_n3A_1617, %add3A_1687 : vector<16xi32>
      %select_n3A_1689 = arith.select %lt3A_1685, %add3A_1688, %select_n3A_1617 : vector<16xi1>, vector<16xi32>
      %add3A_1690 = arith.constant 0 : i32
      %add3A_1691 = vector.broadcast %add3A_1690 : i32 to vector<16xi32>
      %add3A_1692 = arith.addi %select_n3A_1626, %add3A_1691 : vector<16xi32>
      %gather3A_1693 = tpu.vector_load_idx %arg7[%add3A_1692] : memref<4096xf32, #tpu.memory_space<vmem>>[vector<16xi32>], vector<16xf32>,
      %lt3A_1694 = arith.cmpf olt, %gather3A_1693, %get3A_232 : vector<16xf32>
      %add3A_1695 = arith.constant 1 : i32
      %add3A_1696 = vector.broadcast %add3A_1695 : i32 to vector<16xi32>
      %add3A_1697 = arith.addi %select_n3A_1626, %add3A_1696 : vector<16xi32>
      %select_n3A_1698 = arith.select %lt3A_1694, %add3A_1697, %select_n3A_1626 : vector<16xi1>, vector<16xi32>
      %add3A_1699 = arith.constant 0 : i32
      %add3A_1700 = vector.broadcast %add3A_1699 : i32 to vector<16xi32>
      %add3A_1701 = arith.addi %select_n3A_1635, %add3A_1700 : vector<16xi32>
      %gather3A_1702 = tpu.vector_load_idx %arg7[%add3A_1701] : memref<4096xf32, #tpu.memory_space<vmem>>[vector<16xi32>], vector<16xf32>,
      %lt3A_1703 = arith.cmpf olt, %gather3A_1702, %get3A_239 : vector<16xf32>
      %add3A_1704 = arith.constant 1 : i32
      %add3A_1705 = vector.broadcast %add3A_1704 : i32 to vector<16xi32>
      %add3A_1706 = arith.addi %select_n3A_1635, %add3A_1705 : vector<16xi32>
      %select_n3A_1707 = arith.select %lt3A_1703, %add3A_1706, %select_n3A_1635 : vector<16xi1>, vector<16xi32>
      %add3A_1708 = arith.constant 0 : i32
      %add3A_1709 = vector.broadcast %add3A_1708 : i32 to vector<16xi32>
      %add3A_1710 = arith.addi %select_n3A_1644, %add3A_1709 : vector<16xi32>
      %gather3A_1711 = tpu.vector_load_idx %arg7[%add3A_1710] : memref<4096xf32, #tpu.memory_space<vmem>>[vector<16xi32>], vector<16xf32>,
      %lt3A_1712 = arith.cmpf olt, %gather3A_1711, %get3A_246 : vector<16xf32>
      %add3A_1713 = arith.constant 1 : i32
      %add3A_1714 = vector.broadcast %add3A_1713 : i32 to vector<16xi32>
      %add3A_1715 = arith.addi %select_n3A_1644, %add3A_1714 : vector<16xi32>
      %select_n3A_1716 = arith.select %lt3A_1712, %add3A_1715, %select_n3A_1644 : vector<16xi1>, vector<16xi32>
      %add3A_1717 = arith.constant 0 : i32
      %add3A_1718 = vector.broadcast %add3A_1717 : i32 to vector<16xi32>
      %add3A_1719 = arith.addi %select_n3A_1653, %add3A_1718 : vector<16xi32>
      %gather3A_1720 = tpu.vector_load_idx %arg7[%add3A_1719] : memref<4096xf32, #tpu.memory_space<vmem>>[vector<16xi32>], vector<16xf32>,
      %lt3A_1721 = arith.cmpf olt, %gather3A_1720, %get3A_253 : vector<16xf32>
      %add3A_1722 = arith.constant 1 : i32
      %add3A_1723 = vector.broadcast %add3A_1722 : i32 to vector<16xi32>
      %add3A_1724 = arith.addi %select_n3A_1653, %add3A_1723 : vector<16xi32>
      %select_n3A_1725 = arith.select %lt3A_1721, %add3A_1724, %select_n3A_1653 : vector<16xi1>, vector<16xi32>
      %add3A_1726 = arith.constant 0 : i32
      %add3A_1727 = vector.broadcast %add3A_1726 : i32 to vector<16xi32>
      %add3A_1728 = arith.addi %select_n3A_1662, %add3A_1727 : vector<16xi32>
      %gather3A_1729 = tpu.vector_load_idx %arg7[%add3A_1728] : memref<4096xf32, #tpu.memory_space<vmem>>[vector<16xi32>], vector<16xf32>,
      %lt3A_1730 = arith.cmpf olt, %gather3A_1729, %get3A_260 : vector<16xf32>
      %add3A_1731 = arith.constant 1 : i32
      %add3A_1732 = vector.broadcast %add3A_1731 : i32 to vector<16xi32>
      %add3A_1733 = arith.addi %select_n3A_1662, %add3A_1732 : vector<16xi32>
      %select_n3A_1734 = arith.select %lt3A_1730, %add3A_1733, %select_n3A_1662 : vector<16xi1>, vector<16xi32>
      %add3A_1735 = arith.constant 0 : i32
      %add3A_1736 = vector.broadcast %add3A_1735 : i32 to vector<16xi32>
      %add3A_1737 = arith.addi %select_n3A_1671, %add3A_1736 : vector<16xi32>
      %gather3A_1738 = tpu.vector_load_idx %arg7[%add3A_1737] : memref<4096xf32, #tpu.memory_space<vmem>>[vector<16xi32>], vector<16xf32>,
      %lt3A_1739 = arith.cmpf olt, %gather3A_1738, %get3A_267 : vector<16xf32>
      %add3A_1740 = arith.constant 1 : i32
      %add3A_1741 = vector.broadcast %add3A_1740 : i32 to vector<16xi32>
      %add3A_1742 = arith.addi %select_n3A_1671, %add3A_1741 : vector<16xi32>
      %select_n3A_1743 = arith.select %lt3A_1739, %add3A_1742, %select_n3A_1671 : vector<16xi1>, vector<16xi32>
      %add3A_1744 = arith.constant 0 : i32
      %add3A_1745 = vector.broadcast %add3A_1744 : i32 to vector<16xi32>
      %add3A_1746 = arith.addi %select_n3A_1680, %add3A_1745 : vector<16xi32>
      %gather3A_1747 = tpu.vector_load_idx %arg7[%add3A_1746] : memref<4096xf32, #tpu.memory_space<vmem>>[vector<16xi32>], vector<16xf32>,
      %lt3A_1748 = arith.cmpf olt, %gather3A_1747, %get3A_274 : vector<16xf32>
      %add3A_1749 = arith.constant 1 : i32
      %add3A_1750 = vector.broadcast %add3A_1749 : i32 to vector<16xi32>
      %add3A_1751 = arith.addi %select_n3A_1680, %add3A_1750 : vector<16xi32>
      %select_n3A_1752 = arith.select %lt3A_1748, %add3A_1751, %select_n3A_1680 : vector<16xi1>, vector<16xi32>
      %min3A_1753 = arith.constant 4095 : i32
      %min3A_1754 = vector.broadcast %min3A_1753 : i32 to vector<16xi32>
      %min3A_1755 = arith.minsi %select_n3A_1689, %min3A_1754 : vector<16xi32>
      %gather3A_1756 = tpu.vector_load_idx %arg7[%min3A_1755] : memref<4096xf32, #tpu.memory_space<vmem>>[vector<16xi32>], vector<16xf32>,
      %gather3A_1757 = tpu.vector_load_idx %arg8[%min3A_1755] : memref<4096xf32, #tpu.memory_space<vmem>>[vector<16xi32>], vector<16xf32>,
      %sub3A_1758 = arith.constant 1 : i32
      %sub3A_1759 = vector.broadcast %sub3A_1758 : i32 to vector<16xi32>
      %sub3A_1760 = arith.subi %select_n3A_1689, %sub3A_1759 : vector<16xi32>
      %max3A_1761 = arith.constant 0 : i32
      %max3A_1762 = vector.broadcast %max3A_1761 : i32 to vector<16xi32>
      %max3A_1763 = arith.maxsi %sub3A_1760, %max3A_1762 : vector<16xi32>
      %sub3A_1764 = arith.constant 2 : i32
      %sub3A_1765 = vector.broadcast %sub3A_1764 : i32 to vector<16xi32>
      %sub3A_1766 = arith.subi %select_n3A_1689, %sub3A_1765 : vector<16xi32>
      %max3A_1767 = arith.constant 0 : i32
      %max3A_1768 = vector.broadcast %max3A_1767 : i32 to vector<16xi32>
      %max3A_1769 = arith.maxsi %sub3A_1766, %max3A_1768 : vector<16xi32>
      %gather3A_1770 = tpu.vector_load_idx %arg7[%max3A_1763] : memref<4096xf32, #tpu.memory_space<vmem>>[vector<16xi32>], vector<16xf32>,
      %gather3A_1771 = tpu.vector_load_idx %arg7[%max3A_1769] : memref<4096xf32, #tpu.memory_space<vmem>>[vector<16xi32>], vector<16xf32>,
      %gt3A = arith.constant 0 : i32
      %gt3A_1772 = vector.broadcast %gt3A : i32 to vector<16xi32>
      %gt3A_1773 = arith.cmpi sgt, %max3A_1763, %gt3A_1772 : vector<16xi32>
      %eq3A_1774 = arith.cmpf oeq, %gather3A_1771, %gather3A_1770 : vector<16xf32>
      %and3A = arith.andi %gt3A_1773, %eq3A_1774 : vector<16xi1>
      %min3A_1775 = arith.constant 4095 : i32
      %min3A_1776 = vector.broadcast %min3A_1775 : i32 to vector<16xi32>
      %min3A_1777 = arith.minsi %select_n3A_1698, %min3A_1776 : vector<16xi32>
      %gather3A_1778 = tpu.vector_load_idx %arg7[%min3A_1777] : memref<4096xf32, #tpu.memory_space<vmem>>[vector<16xi32>], vector<16xf32>,
      %gather3A_1779 = tpu.vector_load_idx %arg8[%min3A_1777] : memref<4096xf32, #tpu.memory_space<vmem>>[vector<16xi32>], vector<16xf32>,
      %sub3A_1780 = arith.constant 1 : i32
      %sub3A_1781 = vector.broadcast %sub3A_1780 : i32 to vector<16xi32>
      %sub3A_1782 = arith.subi %select_n3A_1698, %sub3A_1781 : vector<16xi32>
      %max3A_1783 = arith.constant 0 : i32
      %max3A_1784 = vector.broadcast %max3A_1783 : i32 to vector<16xi32>
      %max3A_1785 = arith.maxsi %sub3A_1782, %max3A_1784 : vector<16xi32>
      %sub3A_1786 = arith.constant 2 : i32
      %sub3A_1787 = vector.broadcast %sub3A_1786 : i32 to vector<16xi32>
      %sub3A_1788 = arith.subi %select_n3A_1698, %sub3A_1787 : vector<16xi32>
      %max3A_1789 = arith.constant 0 : i32
      %max3A_1790 = vector.broadcast %max3A_1789 : i32 to vector<16xi32>
      %max3A_1791 = arith.maxsi %sub3A_1788, %max3A_1790 : vector<16xi32>
      %gather3A_1792 = tpu.vector_load_idx %arg7[%max3A_1785] : memref<4096xf32, #tpu.memory_space<vmem>>[vector<16xi32>], vector<16xf32>,
      %gather3A_1793 = tpu.vector_load_idx %arg7[%max3A_1791] : memref<4096xf32, #tpu.memory_space<vmem>>[vector<16xi32>], vector<16xf32>,
      %gt3A_1794 = arith.constant 0 : i32
      %gt3A_1795 = vector.broadcast %gt3A_1794 : i32 to vector<16xi32>
      %gt3A_1796 = arith.cmpi sgt, %max3A_1785, %gt3A_1795 : vector<16xi32>
      %eq3A_1797 = arith.cmpf oeq, %gather3A_1793, %gather3A_1792 : vector<16xf32>
      %and3A_1798 = arith.andi %gt3A_1796, %eq3A_1797 : vector<16xi1>
      %or3A = arith.ori %and3A, %and3A_1798 : vector<16xi1>
      %min3A_1799 = arith.constant 4095 : i32
      %min3A_1800 = vector.broadcast %min3A_1799 : i32 to vector<16xi32>
      %min3A_1801 = arith.minsi %select_n3A_1707, %min3A_1800 : vector<16xi32>
      %gather3A_1802 = tpu.vector_load_idx %arg7[%min3A_1801] : memref<4096xf32, #tpu.memory_space<vmem>>[vector<16xi32>], vector<16xf32>,
      %gather3A_1803 = tpu.vector_load_idx %arg8[%min3A_1801] : memref<4096xf32, #tpu.memory_space<vmem>>[vector<16xi32>], vector<16xf32>,
      %sub3A_1804 = arith.constant 1 : i32
      %sub3A_1805 = vector.broadcast %sub3A_1804 : i32 to vector<16xi32>
      %sub3A_1806 = arith.subi %select_n3A_1707, %sub3A_1805 : vector<16xi32>
      %max3A_1807 = arith.constant 0 : i32
      %max3A_1808 = vector.broadcast %max3A_1807 : i32 to vector<16xi32>
      %max3A_1809 = arith.maxsi %sub3A_1806, %max3A_1808 : vector<16xi32>
      %sub3A_1810 = arith.constant 2 : i32
      %sub3A_1811 = vector.broadcast %sub3A_1810 : i32 to vector<16xi32>
      %sub3A_1812 = arith.subi %select_n3A_1707, %sub3A_1811 : vector<16xi32>
      %max3A_1813 = arith.constant 0 : i32
      %max3A_1814 = vector.broadcast %max3A_1813 : i32 to vector<16xi32>
      %max3A_1815 = arith.maxsi %sub3A_1812, %max3A_1814 : vector<16xi32>
      %gather3A_1816 = tpu.vector_load_idx %arg7[%max3A_1809] : memref<4096xf32, #tpu.memory_space<vmem>>[vector<16xi32>], vector<16xf32>,
      %gather3A_1817 = tpu.vector_load_idx %arg7[%max3A_1815] : memref<4096xf32, #tpu.memory_space<vmem>>[vector<16xi32>], vector<16xf32>,
      %gt3A_1818 = arith.constant 0 : i32
      %gt3A_1819 = vector.broadcast %gt3A_1818 : i32 to vector<16xi32>
      %gt3A_1820 = arith.cmpi sgt, %max3A_1809, %gt3A_1819 : vector<16xi32>
      %eq3A_1821 = arith.cmpf oeq, %gather3A_1817, %gather3A_1816 : vector<16xf32>
      %and3A_1822 = arith.andi %gt3A_1820, %eq3A_1821 : vector<16xi1>
      %or3A_1823 = arith.ori %or3A, %and3A_1822 : vector<16xi1>
      %min3A_1824 = arith.constant 4095 : i32
      %min3A_1825 = vector.broadcast %min3A_1824 : i32 to vector<16xi32>
      %min3A_1826 = arith.minsi %select_n3A_1716, %min3A_1825 : vector<16xi32>
      %gather3A_1827 = tpu.vector_load_idx %arg7[%min3A_1826] : memref<4096xf32, #tpu.memory_space<vmem>>[vector<16xi32>], vector<16xf32>,
      %gather3A_1828 = tpu.vector_load_idx %arg8[%min3A_1826] : memref<4096xf32, #tpu.memory_space<vmem>>[vector<16xi32>], vector<16xf32>,
      %sub3A_1829 = arith.constant 1 : i32
      %sub3A_1830 = vector.broadcast %sub3A_1829 : i32 to vector<16xi32>
      %sub3A_1831 = arith.subi %select_n3A_1716, %sub3A_1830 : vector<16xi32>
      %max3A_1832 = arith.constant 0 : i32
      %max3A_1833 = vector.broadcast %max3A_1832 : i32 to vector<16xi32>
      %max3A_1834 = arith.maxsi %sub3A_1831, %max3A_1833 : vector<16xi32>
      %sub3A_1835 = arith.constant 2 : i32
      %sub3A_1836 = vector.broadcast %sub3A_1835 : i32 to vector<16xi32>
      %sub3A_1837 = arith.subi %select_n3A_1716, %sub3A_1836 : vector<16xi32>
      %max3A_1838 = arith.constant 0 : i32
      %max3A_1839 = vector.broadcast %max3A_1838 : i32 to vector<16xi32>
      %max3A_1840 = arith.maxsi %sub3A_1837, %max3A_1839 : vector<16xi32>
      %gather3A_1841 = tpu.vector_load_idx %arg7[%max3A_1834] : memref<4096xf32, #tpu.memory_space<vmem>>[vector<16xi32>], vector<16xf32>,
      %gather3A_1842 = tpu.vector_load_idx %arg7[%max3A_1840] : memref<4096xf32, #tpu.memory_space<vmem>>[vector<16xi32>], vector<16xf32>,
      %gt3A_1843 = arith.constant 0 : i32
      %gt3A_1844 = vector.broadcast %gt3A_1843 : i32 to vector<16xi32>
      %gt3A_1845 = arith.cmpi sgt, %max3A_1834, %gt3A_1844 : vector<16xi32>
      %eq3A_1846 = arith.cmpf oeq, %gather3A_1842, %gather3A_1841 : vector<16xf32>
      %and3A_1847 = arith.andi %gt3A_1845, %eq3A_1846 : vector<16xi1>
      %or3A_1848 = arith.ori %or3A_1823, %and3A_1847 : vector<16xi1>
      %min3A_1849 = arith.constant 4095 : i32
      %min3A_1850 = vector.broadcast %min3A_1849 : i32 to vector<16xi32>
      %min3A_1851 = arith.minsi %select_n3A_1725, %min3A_1850 : vector<16xi32>
      %gather3A_1852 = tpu.vector_load_idx %arg7[%min3A_1851] : memref<4096xf32, #tpu.memory_space<vmem>>[vector<16xi32>], vector<16xf32>,
      %gather3A_1853 = tpu.vector_load_idx %arg8[%min3A_1851] : memref<4096xf32, #tpu.memory_space<vmem>>[vector<16xi32>], vector<16xf32>,
      %sub3A_1854 = arith.constant 1 : i32
      %sub3A_1855 = vector.broadcast %sub3A_1854 : i32 to vector<16xi32>
      %sub3A_1856 = arith.subi %select_n3A_1725, %sub3A_1855 : vector<16xi32>
      %max3A_1857 = arith.constant 0 : i32
      %max3A_1858 = vector.broadcast %max3A_1857 : i32 to vector<16xi32>
      %max3A_1859 = arith.maxsi %sub3A_1856, %max3A_1858 : vector<16xi32>
      %sub3A_1860 = arith.constant 2 : i32
      %sub3A_1861 = vector.broadcast %sub3A_1860 : i32 to vector<16xi32>
      %sub3A_1862 = arith.subi %select_n3A_1725, %sub3A_1861 : vector<16xi32>
      %max3A_1863 = arith.constant 0 : i32
      %max3A_1864 = vector.broadcast %max3A_1863 : i32 to vector<16xi32>
      %max3A_1865 = arith.maxsi %sub3A_1862, %max3A_1864 : vector<16xi32>
      %gather3A_1866 = tpu.vector_load_idx %arg7[%max3A_1859] : memref<4096xf32, #tpu.memory_space<vmem>>[vector<16xi32>], vector<16xf32>,
      %gather3A_1867 = tpu.vector_load_idx %arg7[%max3A_1865] : memref<4096xf32, #tpu.memory_space<vmem>>[vector<16xi32>], vector<16xf32>,
      %gt3A_1868 = arith.constant 0 : i32
      %gt3A_1869 = vector.broadcast %gt3A_1868 : i32 to vector<16xi32>
      %gt3A_1870 = arith.cmpi sgt, %max3A_1859, %gt3A_1869 : vector<16xi32>
      %eq3A_1871 = arith.cmpf oeq, %gather3A_1867, %gather3A_1866 : vector<16xf32>
      %and3A_1872 = arith.andi %gt3A_1870, %eq3A_1871 : vector<16xi1>
      %or3A_1873 = arith.ori %or3A_1848, %and3A_1872 : vector<16xi1>
      %min3A_1874 = arith.constant 4095 : i32
      %min3A_1875 = vector.broadcast %min3A_1874 : i32 to vector<16xi32>
      %min3A_1876 = arith.minsi %select_n3A_1734, %min3A_1875 : vector<16xi32>
      %gather3A_1877 = tpu.vector_load_idx %arg7[%min3A_1876] : memref<4096xf32, #tpu.memory_space<vmem>>[vector<16xi32>], vector<16xf32>,
      %gather3A_1878 = tpu.vector_load_idx %arg8[%min3A_1876] : memref<4096xf32, #tpu.memory_space<vmem>>[vector<16xi32>], vector<16xf32>,
      %sub3A_1879 = arith.constant 1 : i32
      %sub3A_1880 = vector.broadcast %sub3A_1879 : i32 to vector<16xi32>
      %sub3A_1881 = arith.subi %select_n3A_1734, %sub3A_1880 : vector<16xi32>
      %max3A_1882 = arith.constant 0 : i32
      %max3A_1883 = vector.broadcast %max3A_1882 : i32 to vector<16xi32>
      %max3A_1884 = arith.maxsi %sub3A_1881, %max3A_1883 : vector<16xi32>
      %sub3A_1885 = arith.constant 2 : i32
      %sub3A_1886 = vector.broadcast %sub3A_1885 : i32 to vector<16xi32>
      %sub3A_1887 = arith.subi %select_n3A_1734, %sub3A_1886 : vector<16xi32>
      %max3A_1888 = arith.constant 0 : i32
      %max3A_1889 = vector.broadcast %max3A_1888 : i32 to vector<16xi32>
      %max3A_1890 = arith.maxsi %sub3A_1887, %max3A_1889 : vector<16xi32>
      %gather3A_1891 = tpu.vector_load_idx %arg7[%max3A_1884] : memref<4096xf32, #tpu.memory_space<vmem>>[vector<16xi32>], vector<16xf32>,
      %gather3A_1892 = tpu.vector_load_idx %arg7[%max3A_1890] : memref<4096xf32, #tpu.memory_space<vmem>>[vector<16xi32>], vector<16xf32>,
      %gt3A_1893 = arith.constant 0 : i32
      %gt3A_1894 = vector.broadcast %gt3A_1893 : i32 to vector<16xi32>
      %gt3A_1895 = arith.cmpi sgt, %max3A_1884, %gt3A_1894 : vector<16xi32>
      %eq3A_1896 = arith.cmpf oeq, %gather3A_1892, %gather3A_1891 : vector<16xf32>
      %and3A_1897 = arith.andi %gt3A_1895, %eq3A_1896 : vector<16xi1>
      %or3A_1898 = arith.ori %or3A_1873, %and3A_1897 : vector<16xi1>
      %min3A_1899 = arith.constant 4095 : i32
      %min3A_1900 = vector.broadcast %min3A_1899 : i32 to vector<16xi32>
      %min3A_1901 = arith.minsi %select_n3A_1743, %min3A_1900 : vector<16xi32>
      %gather3A_1902 = tpu.vector_load_idx %arg7[%min3A_1901] : memref<4096xf32, #tpu.memory_space<vmem>>[vector<16xi32>], vector<16xf32>,
      %gather3A_1903 = tpu.vector_load_idx %arg8[%min3A_1901] : memref<4096xf32, #tpu.memory_space<vmem>>[vector<16xi32>], vector<16xf32>,
      %sub3A_1904 = arith.constant 1 : i32
      %sub3A_1905 = vector.broadcast %sub3A_1904 : i32 to vector<16xi32>
      %sub3A_1906 = arith.subi %select_n3A_1743, %sub3A_1905 : vector<16xi32>
      %max3A_1907 = arith.constant 0 : i32
      %max3A_1908 = vector.broadcast %max3A_1907 : i32 to vector<16xi32>
      %max3A_1909 = arith.maxsi %sub3A_1906, %max3A_1908 : vector<16xi32>
      %sub3A_1910 = arith.constant 2 : i32
      %sub3A_1911 = vector.broadcast %sub3A_1910 : i32 to vector<16xi32>
      %sub3A_1912 = arith.subi %select_n3A_1743, %sub3A_1911 : vector<16xi32>
      %max3A_1913 = arith.constant 0 : i32
      %max3A_1914 = vector.broadcast %max3A_1913 : i32 to vector<16xi32>
      %max3A_1915 = arith.maxsi %sub3A_1912, %max3A_1914 : vector<16xi32>
      %gather3A_1916 = tpu.vector_load_idx %arg7[%max3A_1909] : memref<4096xf32, #tpu.memory_space<vmem>>[vector<16xi32>], vector<16xf32>,
      %gather3A_1917 = tpu.vector_load_idx %arg7[%max3A_1915] : memref<4096xf32, #tpu.memory_space<vmem>>[vector<16xi32>], vector<16xf32>,
      %gt3A_1918 = arith.constant 0 : i32
      %gt3A_1919 = vector.broadcast %gt3A_1918 : i32 to vector<16xi32>
      %gt3A_1920 = arith.cmpi sgt, %max3A_1909, %gt3A_1919 : vector<16xi32>
      %eq3A_1921 = arith.cmpf oeq, %gather3A_1917, %gather3A_1916 : vector<16xf32>
      %and3A_1922 = arith.andi %gt3A_1920, %eq3A_1921 : vector<16xi1>
      %or3A_1923 = arith.ori %or3A_1898, %and3A_1922 : vector<16xi1>
      %min3A_1924 = arith.constant 4095 : i32
      %min3A_1925 = vector.broadcast %min3A_1924 : i32 to vector<16xi32>
      %min3A_1926 = arith.minsi %select_n3A_1752, %min3A_1925 : vector<16xi32>
      %gather3A_1927 = tpu.vector_load_idx %arg7[%min3A_1926] : memref<4096xf32, #tpu.memory_space<vmem>>[vector<16xi32>], vector<16xf32>,
      %gather3A_1928 = tpu.vector_load_idx %arg8[%min3A_1926] : memref<4096xf32, #tpu.memory_space<vmem>>[vector<16xi32>], vector<16xf32>,
      %sub3A_1929 = arith.constant 1 : i32
      %sub3A_1930 = vector.broadcast %sub3A_1929 : i32 to vector<16xi32>
      %sub3A_1931 = arith.subi %select_n3A_1752, %sub3A_1930 : vector<16xi32>
      %max3A_1932 = arith.constant 0 : i32
      %max3A_1933 = vector.broadcast %max3A_1932 : i32 to vector<16xi32>
      %max3A_1934 = arith.maxsi %sub3A_1931, %max3A_1933 : vector<16xi32>
      %sub3A_1935 = arith.constant 2 : i32
      %sub3A_1936 = vector.broadcast %sub3A_1935 : i32 to vector<16xi32>
      %sub3A_1937 = arith.subi %select_n3A_1752, %sub3A_1936 : vector<16xi32>
      %max3A_1938 = arith.constant 0 : i32
      %max3A_1939 = vector.broadcast %max3A_1938 : i32 to vector<16xi32>
      %max3A_1940 = arith.maxsi %sub3A_1937, %max3A_1939 : vector<16xi32>
      %gather3A_1941 = tpu.vector_load_idx %arg7[%max3A_1934] : memref<4096xf32, #tpu.memory_space<vmem>>[vector<16xi32>], vector<16xf32>,
      %gather3A_1942 = tpu.vector_load_idx %arg7[%max3A_1940] : memref<4096xf32, #tpu.memory_space<vmem>>[vector<16xi32>], vector<16xf32>,
      %gt3A_1943 = arith.constant 0 : i32
      %gt3A_1944 = vector.broadcast %gt3A_1943 : i32 to vector<16xi32>
      %gt3A_1945 = arith.cmpi sgt, %max3A_1934, %gt3A_1944 : vector<16xi32>
      %eq3A_1946 = arith.cmpf oeq, %gather3A_1942, %gather3A_1941 : vector<16xf32>
      %and3A_1947 = arith.andi %gt3A_1945, %eq3A_1946 : vector<16xi1>
      %or3A_1948 = arith.ori %or3A_1923, %and3A_1947 : vector<16xi1>
      %reduce_or3A = arith.constant 1.000000e+00 : f32
      %reduce_or3A_1949 = arith.constant 0.000000e+00 : f32
      %reduce_or3A_1950 = vector.broadcast %reduce_or3A : f32 to vector<16xf32>
      %reduce_or3A_1951 = vector.broadcast %reduce_or3A_1949 : f32 to vector<16xf32>
      %reduce_or3A_1952 = arith.select %or3A_1948, %reduce_or3A_1950, %reduce_or3A_1951 : vector<16xi1>, vector<16xf32>
      %reduce_or3A_1953 = arith.constant true
      %reduce_or3A_1954 = vector.broadcast %reduce_or3A_1953 : i1 to vector<16xi1>
      %reduce_or3A_1955 = tpu.scan <max>, %reduce_or3A_1952 masked %reduce_or3A_1954 : vector<16xf32>, vector<16xi1> -> vector<16xf32>
      %reduce_or3A_1956 = vector.extract %reduce_or3A_1955[15] : f32 from vector<16xf32>
      %reduce_or3A_1957 = arith.constant 0.000000e+00 : f32
      %reduce_or3A_1958 = arith.cmpf ogt, %reduce_or3A_1956, %reduce_or3A_1957 : f32
      %convert_element_type3A = arith.extui %reduce_or3A_1958 : i1 to i32
      %cond3A = arith.constant 0 : i32
      %cond3A_1959 = arith.cmpi ne, %convert_element_type3A, %cond3A : i32
      %cond3A_1960:8 = scf.if %cond3A_1959 -> (vector<16xf32>, vector<16xf32>, vector<16xf32>, vector<16xf32>, vector<16xf32>, vector<16xf32>, vector<16xf32>, vector<16xf32>) {
        %lt3A_2319 = arith.cmpf olt, %broadcast_in_dim3A_137, %gather3A_1770 : vector<16xf32>
        %jit3A_2320 = arith.constant 256 : i32
        %jit3A_2321 = arith.constant 0 : i32
        %broadcast_in_dim3A_2322 = vector.broadcast %jit3A_2320 : i32 to vector<16xi32>
        %broadcast_in_dim3A_2323 = vector.broadcast %jit3A_2321 : i32 to vector<16xi32>
        %select_n3A_2324 = arith.select %lt3A_2319, %broadcast_in_dim3A_2322, %broadcast_in_dim3A_2323 : vector<16xi1>, vector<16xi32>
        %lt3A_2325 = arith.cmpf olt, %broadcast_in_dim3A_142, %gather3A_1770 : vector<16xf32>
        %jit3A_2326 = arith.constant 256 : i32
        %jit3A_2327 = arith.constant 0 : i32
        %broadcast_in_dim3A_2328 = vector.broadcast %jit3A_2326 : i32 to vector<16xi32>
        %broadcast_in_dim3A_2329 = vector.broadcast %jit3A_2327 : i32 to vector<16xi32>
        %select_n3A_2330 = arith.select %lt3A_2325, %broadcast_in_dim3A_2328, %broadcast_in_dim3A_2329 : vector<16xi1>, vector<16xi32>
        %add3A_2331 = arith.addi %select_n3A_2324, %select_n3A_2330 : vector<16xi32>
        %lt3A_2332 = arith.cmpf olt, %broadcast_in_dim3A_147, %gather3A_1770 : vector<16xf32>
        %jit3A_2333 = arith.constant 256 : i32
        %jit3A_2334 = arith.constant 0 : i32
        %broadcast_in_dim3A_2335 = vector.broadcast %jit3A_2333 : i32 to vector<16xi32>
        %broadcast_in_dim3A_2336 = vector.broadcast %jit3A_2334 : i32 to vector<16xi32>
        %select_n3A_2337 = arith.select %lt3A_2332, %broadcast_in_dim3A_2335, %broadcast_in_dim3A_2336 : vector<16xi1>, vector<16xi32>
        %add3A_2338 = arith.addi %add3A_2331, %select_n3A_2337 : vector<16xi32>
        %lt3A_2339 = arith.cmpf olt, %broadcast_in_dim3A_152, %gather3A_1770 : vector<16xf32>
        %jit3A_2340 = arith.constant 256 : i32
        %jit3A_2341 = arith.constant 0 : i32
        %broadcast_in_dim3A_2342 = vector.broadcast %jit3A_2340 : i32 to vector<16xi32>
        %broadcast_in_dim3A_2343 = vector.broadcast %jit3A_2341 : i32 to vector<16xi32>
        %select_n3A_2344 = arith.select %lt3A_2339, %broadcast_in_dim3A_2342, %broadcast_in_dim3A_2343 : vector<16xi1>, vector<16xi32>
        %add3A_2345 = arith.addi %add3A_2338, %select_n3A_2344 : vector<16xi32>
        %lt3A_2346 = arith.cmpf olt, %broadcast_in_dim3A_157, %gather3A_1770 : vector<16xf32>
        %jit3A_2347 = arith.constant 256 : i32
        %jit3A_2348 = arith.constant 0 : i32
        %broadcast_in_dim3A_2349 = vector.broadcast %jit3A_2347 : i32 to vector<16xi32>
        %broadcast_in_dim3A_2350 = vector.broadcast %jit3A_2348 : i32 to vector<16xi32>
        %select_n3A_2351 = arith.select %lt3A_2346, %broadcast_in_dim3A_2349, %broadcast_in_dim3A_2350 : vector<16xi1>, vector<16xi32>
        %add3A_2352 = arith.addi %add3A_2345, %select_n3A_2351 : vector<16xi32>
        %lt3A_2353 = arith.cmpf olt, %broadcast_in_dim3A_162, %gather3A_1770 : vector<16xf32>
        %jit3A_2354 = arith.constant 256 : i32
        %jit3A_2355 = arith.constant 0 : i32
        %broadcast_in_dim3A_2356 = vector.broadcast %jit3A_2354 : i32 to vector<16xi32>
        %broadcast_in_dim3A_2357 = vector.broadcast %jit3A_2355 : i32 to vector<16xi32>
        %select_n3A_2358 = arith.select %lt3A_2353, %broadcast_in_dim3A_2356, %broadcast_in_dim3A_2357 : vector<16xi1>, vector<16xi32>
        %add3A_2359 = arith.addi %add3A_2352, %select_n3A_2358 : vector<16xi32>
        %lt3A_2360 = arith.cmpf olt, %broadcast_in_dim3A_167, %gather3A_1770 : vector<16xf32>
        %jit3A_2361 = arith.constant 256 : i32
        %jit3A_2362 = arith.constant 0 : i32
        %broadcast_in_dim3A_2363 = vector.broadcast %jit3A_2361 : i32 to vector<16xi32>
        %broadcast_in_dim3A_2364 = vector.broadcast %jit3A_2362 : i32 to vector<16xi32>
        %select_n3A_2365 = arith.select %lt3A_2360, %broadcast_in_dim3A_2363, %broadcast_in_dim3A_2364 : vector<16xi1>, vector<16xi32>
        %add3A_2366 = arith.addi %add3A_2359, %select_n3A_2365 : vector<16xi32>
        %lt3A_2367 = arith.cmpf olt, %broadcast_in_dim3A_172, %gather3A_1770 : vector<16xf32>
        %jit3A_2368 = arith.constant 256 : i32
        %jit3A_2369 = arith.constant 0 : i32
        %broadcast_in_dim3A_2370 = vector.broadcast %jit3A_2368 : i32 to vector<16xi32>
        %broadcast_in_dim3A_2371 = vector.broadcast %jit3A_2369 : i32 to vector<16xi32>
        %select_n3A_2372 = arith.select %lt3A_2367, %broadcast_in_dim3A_2370, %broadcast_in_dim3A_2371 : vector<16xi1>, vector<16xi32>
        %add3A_2373 = arith.addi %add3A_2366, %select_n3A_2372 : vector<16xi32>
        %lt3A_2374 = arith.cmpf olt, %broadcast_in_dim3A_177, %gather3A_1770 : vector<16xf32>
        %jit3A_2375 = arith.constant 256 : i32
        %jit3A_2376 = arith.constant 0 : i32
        %broadcast_in_dim3A_2377 = vector.broadcast %jit3A_2375 : i32 to vector<16xi32>
        %broadcast_in_dim3A_2378 = vector.broadcast %jit3A_2376 : i32 to vector<16xi32>
        %select_n3A_2379 = arith.select %lt3A_2374, %broadcast_in_dim3A_2377, %broadcast_in_dim3A_2378 : vector<16xi1>, vector<16xi32>
        %add3A_2380 = arith.addi %add3A_2373, %select_n3A_2379 : vector<16xi32>
        %lt3A_2381 = arith.cmpf olt, %broadcast_in_dim3A_182, %gather3A_1770 : vector<16xf32>
        %jit3A_2382 = arith.constant 256 : i32
        %jit3A_2383 = arith.constant 0 : i32
        %broadcast_in_dim3A_2384 = vector.broadcast %jit3A_2382 : i32 to vector<16xi32>
        %broadcast_in_dim3A_2385 = vector.broadcast %jit3A_2383 : i32 to vector<16xi32>
        %select_n3A_2386 = arith.select %lt3A_2381, %broadcast_in_dim3A_2384, %broadcast_in_dim3A_2385 : vector<16xi1>, vector<16xi32>
        %add3A_2387 = arith.addi %add3A_2380, %select_n3A_2386 : vector<16xi32>
        %lt3A_2388 = arith.cmpf olt, %broadcast_in_dim3A_187, %gather3A_1770 : vector<16xf32>
        %jit3A_2389 = arith.constant 256 : i32
        %jit3A_2390 = arith.constant 0 : i32
        %broadcast_in_dim3A_2391 = vector.broadcast %jit3A_2389 : i32 to vector<16xi32>
        %broadcast_in_dim3A_2392 = vector.broadcast %jit3A_2390 : i32 to vector<16xi32>
        %select_n3A_2393 = arith.select %lt3A_2388, %broadcast_in_dim3A_2391, %broadcast_in_dim3A_2392 : vector<16xi1>, vector<16xi32>
        %add3A_2394 = arith.addi %add3A_2387, %select_n3A_2393 : vector<16xi32>
        %lt3A_2395 = arith.cmpf olt, %broadcast_in_dim3A_192, %gather3A_1770 : vector<16xf32>
        %jit3A_2396 = arith.constant 256 : i32
        %jit3A_2397 = arith.constant 0 : i32
        %broadcast_in_dim3A_2398 = vector.broadcast %jit3A_2396 : i32 to vector<16xi32>
        %broadcast_in_dim3A_2399 = vector.broadcast %jit3A_2397 : i32 to vector<16xi32>
        %select_n3A_2400 = arith.select %lt3A_2395, %broadcast_in_dim3A_2398, %broadcast_in_dim3A_2399 : vector<16xi1>, vector<16xi32>
        %add3A_2401 = arith.addi %add3A_2394, %select_n3A_2400 : vector<16xi32>
        %lt3A_2402 = arith.cmpf olt, %broadcast_in_dim3A_197, %gather3A_1770 : vector<16xf32>
        %jit3A_2403 = arith.constant 256 : i32
        %jit3A_2404 = arith.constant 0 : i32
        %broadcast_in_dim3A_2405 = vector.broadcast %jit3A_2403 : i32 to vector<16xi32>
        %broadcast_in_dim3A_2406 = vector.broadcast %jit3A_2404 : i32 to vector<16xi32>
        %select_n3A_2407 = arith.select %lt3A_2402, %broadcast_in_dim3A_2405, %broadcast_in_dim3A_2406 : vector<16xi1>, vector<16xi32>
        %add3A_2408 = arith.addi %add3A_2401, %select_n3A_2407 : vector<16xi32>
        %lt3A_2409 = arith.cmpf olt, %broadcast_in_dim3A_202, %gather3A_1770 : vector<16xf32>
        %jit3A_2410 = arith.constant 256 : i32
        %jit3A_2411 = arith.constant 0 : i32
        %broadcast_in_dim3A_2412 = vector.broadcast %jit3A_2410 : i32 to vector<16xi32>
        %broadcast_in_dim3A_2413 = vector.broadcast %jit3A_2411 : i32 to vector<16xi32>
        %select_n3A_2414 = arith.select %lt3A_2409, %broadcast_in_dim3A_2412, %broadcast_in_dim3A_2413 : vector<16xi1>, vector<16xi32>
        %add3A_2415 = arith.addi %add3A_2408, %select_n3A_2414 : vector<16xi32>
        %lt3A_2416 = arith.cmpf olt, %broadcast_in_dim3A_207, %gather3A_1770 : vector<16xf32>
        %jit3A_2417 = arith.constant 256 : i32
        %jit3A_2418 = arith.constant 0 : i32
        %broadcast_in_dim3A_2419 = vector.broadcast %jit3A_2417 : i32 to vector<16xi32>
        %broadcast_in_dim3A_2420 = vector.broadcast %jit3A_2418 : i32 to vector<16xi32>
        %select_n3A_2421 = arith.select %lt3A_2416, %broadcast_in_dim3A_2419, %broadcast_in_dim3A_2420 : vector<16xi1>, vector<16xi32>
        %add3A_2422 = arith.addi %add3A_2415, %select_n3A_2421 : vector<16xi32>
        %lt3A_2423 = arith.cmpf olt, %broadcast_in_dim3A_137, %gather3A_1792 : vector<16xf32>
        %jit3A_2424 = arith.constant 256 : i32
        %jit3A_2425 = arith.constant 0 : i32
        %broadcast_in_dim3A_2426 = vector.broadcast %jit3A_2424 : i32 to vector<16xi32>
        %broadcast_in_dim3A_2427 = vector.broadcast %jit3A_2425 : i32 to vector<16xi32>
        %select_n3A_2428 = arith.select %lt3A_2423, %broadcast_in_dim3A_2426, %broadcast_in_dim3A_2427 : vector<16xi1>, vector<16xi32>
        %lt3A_2429 = arith.cmpf olt, %broadcast_in_dim3A_142, %gather3A_1792 : vector<16xf32>
        %jit3A_2430 = arith.constant 256 : i32
        %jit3A_2431 = arith.constant 0 : i32
        %broadcast_in_dim3A_2432 = vector.broadcast %jit3A_2430 : i32 to vector<16xi32>
        %broadcast_in_dim3A_2433 = vector.broadcast %jit3A_2431 : i32 to vector<16xi32>
        %select_n3A_2434 = arith.select %lt3A_2429, %broadcast_in_dim3A_2432, %broadcast_in_dim3A_2433 : vector<16xi1>, vector<16xi32>
        %add3A_2435 = arith.addi %select_n3A_2428, %select_n3A_2434 : vector<16xi32>
        %lt3A_2436 = arith.cmpf olt, %broadcast_in_dim3A_147, %gather3A_1792 : vector<16xf32>
        %jit3A_2437 = arith.constant 256 : i32
        %jit3A_2438 = arith.constant 0 : i32
        %broadcast_in_dim3A_2439 = vector.broadcast %jit3A_2437 : i32 to vector<16xi32>
        %broadcast_in_dim3A_2440 = vector.broadcast %jit3A_2438 : i32 to vector<16xi32>
        %select_n3A_2441 = arith.select %lt3A_2436, %broadcast_in_dim3A_2439, %broadcast_in_dim3A_2440 : vector<16xi1>, vector<16xi32>
        %add3A_2442 = arith.addi %add3A_2435, %select_n3A_2441 : vector<16xi32>
        %lt3A_2443 = arith.cmpf olt, %broadcast_in_dim3A_152, %gather3A_1792 : vector<16xf32>
        %jit3A_2444 = arith.constant 256 : i32
        %jit3A_2445 = arith.constant 0 : i32
        %broadcast_in_dim3A_2446 = vector.broadcast %jit3A_2444 : i32 to vector<16xi32>
        %broadcast_in_dim3A_2447 = vector.broadcast %jit3A_2445 : i32 to vector<16xi32>
        %select_n3A_2448 = arith.select %lt3A_2443, %broadcast_in_dim3A_2446, %broadcast_in_dim3A_2447 : vector<16xi1>, vector<16xi32>
        %add3A_2449 = arith.addi %add3A_2442, %select_n3A_2448 : vector<16xi32>
        %lt3A_2450 = arith.cmpf olt, %broadcast_in_dim3A_157, %gather3A_1792 : vector<16xf32>
        %jit3A_2451 = arith.constant 256 : i32
        %jit3A_2452 = arith.constant 0 : i32
        %broadcast_in_dim3A_2453 = vector.broadcast %jit3A_2451 : i32 to vector<16xi32>
        %broadcast_in_dim3A_2454 = vector.broadcast %jit3A_2452 : i32 to vector<16xi32>
        %select_n3A_2455 = arith.select %lt3A_2450, %broadcast_in_dim3A_2453, %broadcast_in_dim3A_2454 : vector<16xi1>, vector<16xi32>
        %add3A_2456 = arith.addi %add3A_2449, %select_n3A_2455 : vector<16xi32>
        %lt3A_2457 = arith.cmpf olt, %broadcast_in_dim3A_162, %gather3A_1792 : vector<16xf32>
        %jit3A_2458 = arith.constant 256 : i32
        %jit3A_2459 = arith.constant 0 : i32
        %broadcast_in_dim3A_2460 = vector.broadcast %jit3A_2458 : i32 to vector<16xi32>
        %broadcast_in_dim3A_2461 = vector.broadcast %jit3A_2459 : i32 to vector<16xi32>
        %select_n3A_2462 = arith.select %lt3A_2457, %broadcast_in_dim3A_2460, %broadcast_in_dim3A_2461 : vector<16xi1>, vector<16xi32>
        %add3A_2463 = arith.addi %add3A_2456, %select_n3A_2462 : vector<16xi32>
        %lt3A_2464 = arith.cmpf olt, %broadcast_in_dim3A_167, %gather3A_1792 : vector<16xf32>
        %jit3A_2465 = arith.constant 256 : i32
        %jit3A_2466 = arith.constant 0 : i32
        %broadcast_in_dim3A_2467 = vector.broadcast %jit3A_2465 : i32 to vector<16xi32>
        %broadcast_in_dim3A_2468 = vector.broadcast %jit3A_2466 : i32 to vector<16xi32>
        %select_n3A_2469 = arith.select %lt3A_2464, %broadcast_in_dim3A_2467, %broadcast_in_dim3A_2468 : vector<16xi1>, vector<16xi32>
        %add3A_2470 = arith.addi %add3A_2463, %select_n3A_2469 : vector<16xi32>
        %lt3A_2471 = arith.cmpf olt, %broadcast_in_dim3A_172, %gather3A_1792 : vector<16xf32>
        %jit3A_2472 = arith.constant 256 : i32
        %jit3A_2473 = arith.constant 0 : i32
        %broadcast_in_dim3A_2474 = vector.broadcast %jit3A_2472 : i32 to vector<16xi32>
        %broadcast_in_dim3A_2475 = vector.broadcast %jit3A_2473 : i32 to vector<16xi32>
        %select_n3A_2476 = arith.select %lt3A_2471, %broadcast_in_dim3A_2474, %broadcast_in_dim3A_2475 : vector<16xi1>, vector<16xi32>
        %add3A_2477 = arith.addi %add3A_2470, %select_n3A_2476 : vector<16xi32>
        %lt3A_2478 = arith.cmpf olt, %broadcast_in_dim3A_177, %gather3A_1792 : vector<16xf32>
        %jit3A_2479 = arith.constant 256 : i32
        %jit3A_2480 = arith.constant 0 : i32
        %broadcast_in_dim3A_2481 = vector.broadcast %jit3A_2479 : i32 to vector<16xi32>
        %broadcast_in_dim3A_2482 = vector.broadcast %jit3A_2480 : i32 to vector<16xi32>
        %select_n3A_2483 = arith.select %lt3A_2478, %broadcast_in_dim3A_2481, %broadcast_in_dim3A_2482 : vector<16xi1>, vector<16xi32>
        %add3A_2484 = arith.addi %add3A_2477, %select_n3A_2483 : vector<16xi32>
        %lt3A_2485 = arith.cmpf olt, %broadcast_in_dim3A_182, %gather3A_1792 : vector<16xf32>
        %jit3A_2486 = arith.constant 256 : i32
        %jit3A_2487 = arith.constant 0 : i32
        %broadcast_in_dim3A_2488 = vector.broadcast %jit3A_2486 : i32 to vector<16xi32>
        %broadcast_in_dim3A_2489 = vector.broadcast %jit3A_2487 : i32 to vector<16xi32>
        %select_n3A_2490 = arith.select %lt3A_2485, %broadcast_in_dim3A_2488, %broadcast_in_dim3A_2489 : vector<16xi1>, vector<16xi32>
        %add3A_2491 = arith.addi %add3A_2484, %select_n3A_2490 : vector<16xi32>
        %lt3A_2492 = arith.cmpf olt, %broadcast_in_dim3A_187, %gather3A_1792 : vector<16xf32>
        %jit3A_2493 = arith.constant 256 : i32
        %jit3A_2494 = arith.constant 0 : i32
        %broadcast_in_dim3A_2495 = vector.broadcast %jit3A_2493 : i32 to vector<16xi32>
        %broadcast_in_dim3A_2496 = vector.broadcast %jit3A_2494 : i32 to vector<16xi32>
        %select_n3A_2497 = arith.select %lt3A_2492, %broadcast_in_dim3A_2495, %broadcast_in_dim3A_2496 : vector<16xi1>, vector<16xi32>
        %add3A_2498 = arith.addi %add3A_2491, %select_n3A_2497 : vector<16xi32>
        %lt3A_2499 = arith.cmpf olt, %broadcast_in_dim3A_192, %gather3A_1792 : vector<16xf32>
        %jit3A_2500 = arith.constant 256 : i32
        %jit3A_2501 = arith.constant 0 : i32
        %broadcast_in_dim3A_2502 = vector.broadcast %jit3A_2500 : i32 to vector<16xi32>
        %broadcast_in_dim3A_2503 = vector.broadcast %jit3A_2501 : i32 to vector<16xi32>
        %select_n3A_2504 = arith.select %lt3A_2499, %broadcast_in_dim3A_2502, %broadcast_in_dim3A_2503 : vector<16xi1>, vector<16xi32>
        %add3A_2505 = arith.addi %add3A_2498, %select_n3A_2504 : vector<16xi32>
        %lt3A_2506 = arith.cmpf olt, %broadcast_in_dim3A_197, %gather3A_1792 : vector<16xf32>
        %jit3A_2507 = arith.constant 256 : i32
        %jit3A_2508 = arith.constant 0 : i32
        %broadcast_in_dim3A_2509 = vector.broadcast %jit3A_2507 : i32 to vector<16xi32>
        %broadcast_in_dim3A_2510 = vector.broadcast %jit3A_2508 : i32 to vector<16xi32>
        %select_n3A_2511 = arith.select %lt3A_2506, %broadcast_in_dim3A_2509, %broadcast_in_dim3A_2510 : vector<16xi1>, vector<16xi32>
        %add3A_2512 = arith.addi %add3A_2505, %select_n3A_2511 : vector<16xi32>
        %lt3A_2513 = arith.cmpf olt, %broadcast_in_dim3A_202, %gather3A_1792 : vector<16xf32>
        %jit3A_2514 = arith.constant 256 : i32
        %jit3A_2515 = arith.constant 0 : i32
        %broadcast_in_dim3A_2516 = vector.broadcast %jit3A_2514 : i32 to vector<16xi32>
        %broadcast_in_dim3A_2517 = vector.broadcast %jit3A_2515 : i32 to vector<16xi32>
        %select_n3A_2518 = arith.select %lt3A_2513, %broadcast_in_dim3A_2516, %broadcast_in_dim3A_2517 : vector<16xi1>, vector<16xi32>
        %add3A_2519 = arith.addi %add3A_2512, %select_n3A_2518 : vector<16xi32>
        %lt3A_2520 = arith.cmpf olt, %broadcast_in_dim3A_207, %gather3A_1792 : vector<16xf32>
        %jit3A_2521 = arith.constant 256 : i32
        %jit3A_2522 = arith.constant 0 : i32
        %broadcast_in_dim3A_2523 = vector.broadcast %jit3A_2521 : i32 to vector<16xi32>
        %broadcast_in_dim3A_2524 = vector.broadcast %jit3A_2522 : i32 to vector<16xi32>
        %select_n3A_2525 = arith.select %lt3A_2520, %broadcast_in_dim3A_2523, %broadcast_in_dim3A_2524 : vector<16xi1>, vector<16xi32>
        %add3A_2526 = arith.addi %add3A_2519, %select_n3A_2525 : vector<16xi32>
        %lt3A_2527 = arith.cmpf olt, %broadcast_in_dim3A_137, %gather3A_1816 : vector<16xf32>
        %jit3A_2528 = arith.constant 256 : i32
        %jit3A_2529 = arith.constant 0 : i32
        %broadcast_in_dim3A_2530 = vector.broadcast %jit3A_2528 : i32 to vector<16xi32>
        %broadcast_in_dim3A_2531 = vector.broadcast %jit3A_2529 : i32 to vector<16xi32>
        %select_n3A_2532 = arith.select %lt3A_2527, %broadcast_in_dim3A_2530, %broadcast_in_dim3A_2531 : vector<16xi1>, vector<16xi32>
        %lt3A_2533 = arith.cmpf olt, %broadcast_in_dim3A_142, %gather3A_1816 : vector<16xf32>
        %jit3A_2534 = arith.constant 256 : i32
        %jit3A_2535 = arith.constant 0 : i32
        %broadcast_in_dim3A_2536 = vector.broadcast %jit3A_2534 : i32 to vector<16xi32>
        %broadcast_in_dim3A_2537 = vector.broadcast %jit3A_2535 : i32 to vector<16xi32>
        %select_n3A_2538 = arith.select %lt3A_2533, %broadcast_in_dim3A_2536, %broadcast_in_dim3A_2537 : vector<16xi1>, vector<16xi32>
        %add3A_2539 = arith.addi %select_n3A_2532, %select_n3A_2538 : vector<16xi32>
        %lt3A_2540 = arith.cmpf olt, %broadcast_in_dim3A_147, %gather3A_1816 : vector<16xf32>
        %jit3A_2541 = arith.constant 256 : i32
        %jit3A_2542 = arith.constant 0 : i32
        %broadcast_in_dim3A_2543 = vector.broadcast %jit3A_2541 : i32 to vector<16xi32>
        %broadcast_in_dim3A_2544 = vector.broadcast %jit3A_2542 : i32 to vector<16xi32>
        %select_n3A_2545 = arith.select %lt3A_2540, %broadcast_in_dim3A_2543, %broadcast_in_dim3A_2544 : vector<16xi1>, vector<16xi32>
        %add3A_2546 = arith.addi %add3A_2539, %select_n3A_2545 : vector<16xi32>
        %lt3A_2547 = arith.cmpf olt, %broadcast_in_dim3A_152, %gather3A_1816 : vector<16xf32>
        %jit3A_2548 = arith.constant 256 : i32
        %jit3A_2549 = arith.constant 0 : i32
        %broadcast_in_dim3A_2550 = vector.broadcast %jit3A_2548 : i32 to vector<16xi32>
        %broadcast_in_dim3A_2551 = vector.broadcast %jit3A_2549 : i32 to vector<16xi32>
        %select_n3A_2552 = arith.select %lt3A_2547, %broadcast_in_dim3A_2550, %broadcast_in_dim3A_2551 : vector<16xi1>, vector<16xi32>
        %add3A_2553 = arith.addi %add3A_2546, %select_n3A_2552 : vector<16xi32>
        %lt3A_2554 = arith.cmpf olt, %broadcast_in_dim3A_157, %gather3A_1816 : vector<16xf32>
        %jit3A_2555 = arith.constant 256 : i32
        %jit3A_2556 = arith.constant 0 : i32
        %broadcast_in_dim3A_2557 = vector.broadcast %jit3A_2555 : i32 to vector<16xi32>
        %broadcast_in_dim3A_2558 = vector.broadcast %jit3A_2556 : i32 to vector<16xi32>
        %select_n3A_2559 = arith.select %lt3A_2554, %broadcast_in_dim3A_2557, %broadcast_in_dim3A_2558 : vector<16xi1>, vector<16xi32>
        %add3A_2560 = arith.addi %add3A_2553, %select_n3A_2559 : vector<16xi32>
        %lt3A_2561 = arith.cmpf olt, %broadcast_in_dim3A_162, %gather3A_1816 : vector<16xf32>
        %jit3A_2562 = arith.constant 256 : i32
        %jit3A_2563 = arith.constant 0 : i32
        %broadcast_in_dim3A_2564 = vector.broadcast %jit3A_2562 : i32 to vector<16xi32>
        %broadcast_in_dim3A_2565 = vector.broadcast %jit3A_2563 : i32 to vector<16xi32>
        %select_n3A_2566 = arith.select %lt3A_2561, %broadcast_in_dim3A_2564, %broadcast_in_dim3A_2565 : vector<16xi1>, vector<16xi32>
        %add3A_2567 = arith.addi %add3A_2560, %select_n3A_2566 : vector<16xi32>
        %lt3A_2568 = arith.cmpf olt, %broadcast_in_dim3A_167, %gather3A_1816 : vector<16xf32>
        %jit3A_2569 = arith.constant 256 : i32
        %jit3A_2570 = arith.constant 0 : i32
        %broadcast_in_dim3A_2571 = vector.broadcast %jit3A_2569 : i32 to vector<16xi32>
        %broadcast_in_dim3A_2572 = vector.broadcast %jit3A_2570 : i32 to vector<16xi32>
        %select_n3A_2573 = arith.select %lt3A_2568, %broadcast_in_dim3A_2571, %broadcast_in_dim3A_2572 : vector<16xi1>, vector<16xi32>
        %add3A_2574 = arith.addi %add3A_2567, %select_n3A_2573 : vector<16xi32>
        %lt3A_2575 = arith.cmpf olt, %broadcast_in_dim3A_172, %gather3A_1816 : vector<16xf32>
        %jit3A_2576 = arith.constant 256 : i32
        %jit3A_2577 = arith.constant 0 : i32
        %broadcast_in_dim3A_2578 = vector.broadcast %jit3A_2576 : i32 to vector<16xi32>
        %broadcast_in_dim3A_2579 = vector.broadcast %jit3A_2577 : i32 to vector<16xi32>
        %select_n3A_2580 = arith.select %lt3A_2575, %broadcast_in_dim3A_2578, %broadcast_in_dim3A_2579 : vector<16xi1>, vector<16xi32>
        %add3A_2581 = arith.addi %add3A_2574, %select_n3A_2580 : vector<16xi32>
        %lt3A_2582 = arith.cmpf olt, %broadcast_in_dim3A_177, %gather3A_1816 : vector<16xf32>
        %jit3A_2583 = arith.constant 256 : i32
        %jit3A_2584 = arith.constant 0 : i32
        %broadcast_in_dim3A_2585 = vector.broadcast %jit3A_2583 : i32 to vector<16xi32>
        %broadcast_in_dim3A_2586 = vector.broadcast %jit3A_2584 : i32 to vector<16xi32>
        %select_n3A_2587 = arith.select %lt3A_2582, %broadcast_in_dim3A_2585, %broadcast_in_dim3A_2586 : vector<16xi1>, vector<16xi32>
        %add3A_2588 = arith.addi %add3A_2581, %select_n3A_2587 : vector<16xi32>
        %lt3A_2589 = arith.cmpf olt, %broadcast_in_dim3A_182, %gather3A_1816 : vector<16xf32>
        %jit3A_2590 = arith.constant 256 : i32
        %jit3A_2591 = arith.constant 0 : i32
        %broadcast_in_dim3A_2592 = vector.broadcast %jit3A_2590 : i32 to vector<16xi32>
        %broadcast_in_dim3A_2593 = vector.broadcast %jit3A_2591 : i32 to vector<16xi32>
        %select_n3A_2594 = arith.select %lt3A_2589, %broadcast_in_dim3A_2592, %broadcast_in_dim3A_2593 : vector<16xi1>, vector<16xi32>
        %add3A_2595 = arith.addi %add3A_2588, %select_n3A_2594 : vector<16xi32>
        %lt3A_2596 = arith.cmpf olt, %broadcast_in_dim3A_187, %gather3A_1816 : vector<16xf32>
        %jit3A_2597 = arith.constant 256 : i32
        %jit3A_2598 = arith.constant 0 : i32
        %broadcast_in_dim3A_2599 = vector.broadcast %jit3A_2597 : i32 to vector<16xi32>
        %broadcast_in_dim3A_2600 = vector.broadcast %jit3A_2598 : i32 to vector<16xi32>
        %select_n3A_2601 = arith.select %lt3A_2596, %broadcast_in_dim3A_2599, %broadcast_in_dim3A_2600 : vector<16xi1>, vector<16xi32>
        %add3A_2602 = arith.addi %add3A_2595, %select_n3A_2601 : vector<16xi32>
        %lt3A_2603 = arith.cmpf olt, %broadcast_in_dim3A_192, %gather3A_1816 : vector<16xf32>
        %jit3A_2604 = arith.constant 256 : i32
        %jit3A_2605 = arith.constant 0 : i32
        %broadcast_in_dim3A_2606 = vector.broadcast %jit3A_2604 : i32 to vector<16xi32>
        %broadcast_in_dim3A_2607 = vector.broadcast %jit3A_2605 : i32 to vector<16xi32>
        %select_n3A_2608 = arith.select %lt3A_2603, %broadcast_in_dim3A_2606, %broadcast_in_dim3A_2607 : vector<16xi1>, vector<16xi32>
        %add3A_2609 = arith.addi %add3A_2602, %select_n3A_2608 : vector<16xi32>
        %lt3A_2610 = arith.cmpf olt, %broadcast_in_dim3A_197, %gather3A_1816 : vector<16xf32>
        %jit3A_2611 = arith.constant 256 : i32
        %jit3A_2612 = arith.constant 0 : i32
        %broadcast_in_dim3A_2613 = vector.broadcast %jit3A_2611 : i32 to vector<16xi32>
        %broadcast_in_dim3A_2614 = vector.broadcast %jit3A_2612 : i32 to vector<16xi32>
        %select_n3A_2615 = arith.select %lt3A_2610, %broadcast_in_dim3A_2613, %broadcast_in_dim3A_2614 : vector<16xi1>, vector<16xi32>
        %add3A_2616 = arith.addi %add3A_2609, %select_n3A_2615 : vector<16xi32>
        %lt3A_2617 = arith.cmpf olt, %broadcast_in_dim3A_202, %gather3A_1816 : vector<16xf32>
        %jit3A_2618 = arith.constant 256 : i32
        %jit3A_2619 = arith.constant 0 : i32
        %broadcast_in_dim3A_2620 = vector.broadcast %jit3A_2618 : i32 to vector<16xi32>
        %broadcast_in_dim3A_2621 = vector.broadcast %jit3A_2619 : i32 to vector<16xi32>
        %select_n3A_2622 = arith.select %lt3A_2617, %broadcast_in_dim3A_2620, %broadcast_in_dim3A_2621 : vector<16xi1>, vector<16xi32>
        %add3A_2623 = arith.addi %add3A_2616, %select_n3A_2622 : vector<16xi32>
        %lt3A_2624 = arith.cmpf olt, %broadcast_in_dim3A_207, %gather3A_1816 : vector<16xf32>
        %jit3A_2625 = arith.constant 256 : i32
        %jit3A_2626 = arith.constant 0 : i32
        %broadcast_in_dim3A_2627 = vector.broadcast %jit3A_2625 : i32 to vector<16xi32>
        %broadcast_in_dim3A_2628 = vector.broadcast %jit3A_2626 : i32 to vector<16xi32>
        %select_n3A_2629 = arith.select %lt3A_2624, %broadcast_in_dim3A_2627, %broadcast_in_dim3A_2628 : vector<16xi1>, vector<16xi32>
        %add3A_2630 = arith.addi %add3A_2623, %select_n3A_2629 : vector<16xi32>
        %lt3A_2631 = arith.cmpf olt, %broadcast_in_dim3A_137, %gather3A_1841 : vector<16xf32>
        %jit3A_2632 = arith.constant 256 : i32
        %jit3A_2633 = arith.constant 0 : i32
        %broadcast_in_dim3A_2634 = vector.broadcast %jit3A_2632 : i32 to vector<16xi32>
        %broadcast_in_dim3A_2635 = vector.broadcast %jit3A_2633 : i32 to vector<16xi32>
        %select_n3A_2636 = arith.select %lt3A_2631, %broadcast_in_dim3A_2634, %broadcast_in_dim3A_2635 : vector<16xi1>, vector<16xi32>
        %lt3A_2637 = arith.cmpf olt, %broadcast_in_dim3A_142, %gather3A_1841 : vector<16xf32>
        %jit3A_2638 = arith.constant 256 : i32
        %jit3A_2639 = arith.constant 0 : i32
        %broadcast_in_dim3A_2640 = vector.broadcast %jit3A_2638 : i32 to vector<16xi32>
        %broadcast_in_dim3A_2641 = vector.broadcast %jit3A_2639 : i32 to vector<16xi32>
        %select_n3A_2642 = arith.select %lt3A_2637, %broadcast_in_dim3A_2640, %broadcast_in_dim3A_2641 : vector<16xi1>, vector<16xi32>
        %add3A_2643 = arith.addi %select_n3A_2636, %select_n3A_2642 : vector<16xi32>
        %lt3A_2644 = arith.cmpf olt, %broadcast_in_dim3A_147, %gather3A_1841 : vector<16xf32>
        %jit3A_2645 = arith.constant 256 : i32
        %jit3A_2646 = arith.constant 0 : i32
        %broadcast_in_dim3A_2647 = vector.broadcast %jit3A_2645 : i32 to vector<16xi32>
        %broadcast_in_dim3A_2648 = vector.broadcast %jit3A_2646 : i32 to vector<16xi32>
        %select_n3A_2649 = arith.select %lt3A_2644, %broadcast_in_dim3A_2647, %broadcast_in_dim3A_2648 : vector<16xi1>, vector<16xi32>
        %add3A_2650 = arith.addi %add3A_2643, %select_n3A_2649 : vector<16xi32>
        %lt3A_2651 = arith.cmpf olt, %broadcast_in_dim3A_152, %gather3A_1841 : vector<16xf32>
        %jit3A_2652 = arith.constant 256 : i32
        %jit3A_2653 = arith.constant 0 : i32
        %broadcast_in_dim3A_2654 = vector.broadcast %jit3A_2652 : i32 to vector<16xi32>
        %broadcast_in_dim3A_2655 = vector.broadcast %jit3A_2653 : i32 to vector<16xi32>
        %select_n3A_2656 = arith.select %lt3A_2651, %broadcast_in_dim3A_2654, %broadcast_in_dim3A_2655 : vector<16xi1>, vector<16xi32>
        %add3A_2657 = arith.addi %add3A_2650, %select_n3A_2656 : vector<16xi32>
        %lt3A_2658 = arith.cmpf olt, %broadcast_in_dim3A_157, %gather3A_1841 : vector<16xf32>
        %jit3A_2659 = arith.constant 256 : i32
        %jit3A_2660 = arith.constant 0 : i32
        %broadcast_in_dim3A_2661 = vector.broadcast %jit3A_2659 : i32 to vector<16xi32>
        %broadcast_in_dim3A_2662 = vector.broadcast %jit3A_2660 : i32 to vector<16xi32>
        %select_n3A_2663 = arith.select %lt3A_2658, %broadcast_in_dim3A_2661, %broadcast_in_dim3A_2662 : vector<16xi1>, vector<16xi32>
        %add3A_2664 = arith.addi %add3A_2657, %select_n3A_2663 : vector<16xi32>
        %lt3A_2665 = arith.cmpf olt, %broadcast_in_dim3A_162, %gather3A_1841 : vector<16xf32>
        %jit3A_2666 = arith.constant 256 : i32
        %jit3A_2667 = arith.constant 0 : i32
        %broadcast_in_dim3A_2668 = vector.broadcast %jit3A_2666 : i32 to vector<16xi32>
        %broadcast_in_dim3A_2669 = vector.broadcast %jit3A_2667 : i32 to vector<16xi32>
        %select_n3A_2670 = arith.select %lt3A_2665, %broadcast_in_dim3A_2668, %broadcast_in_dim3A_2669 : vector<16xi1>, vector<16xi32>
        %add3A_2671 = arith.addi %add3A_2664, %select_n3A_2670 : vector<16xi32>
        %lt3A_2672 = arith.cmpf olt, %broadcast_in_dim3A_167, %gather3A_1841 : vector<16xf32>
        %jit3A_2673 = arith.constant 256 : i32
        %jit3A_2674 = arith.constant 0 : i32
        %broadcast_in_dim3A_2675 = vector.broadcast %jit3A_2673 : i32 to vector<16xi32>
        %broadcast_in_dim3A_2676 = vector.broadcast %jit3A_2674 : i32 to vector<16xi32>
        %select_n3A_2677 = arith.select %lt3A_2672, %broadcast_in_dim3A_2675, %broadcast_in_dim3A_2676 : vector<16xi1>, vector<16xi32>
        %add3A_2678 = arith.addi %add3A_2671, %select_n3A_2677 : vector<16xi32>
        %lt3A_2679 = arith.cmpf olt, %broadcast_in_dim3A_172, %gather3A_1841 : vector<16xf32>
        %jit3A_2680 = arith.constant 256 : i32
        %jit3A_2681 = arith.constant 0 : i32
        %broadcast_in_dim3A_2682 = vector.broadcast %jit3A_2680 : i32 to vector<16xi32>
        %broadcast_in_dim3A_2683 = vector.broadcast %jit3A_2681 : i32 to vector<16xi32>
        %select_n3A_2684 = arith.select %lt3A_2679, %broadcast_in_dim3A_2682, %broadcast_in_dim3A_2683 : vector<16xi1>, vector<16xi32>
        %add3A_2685 = arith.addi %add3A_2678, %select_n3A_2684 : vector<16xi32>
        %lt3A_2686 = arith.cmpf olt, %broadcast_in_dim3A_177, %gather3A_1841 : vector<16xf32>
        %jit3A_2687 = arith.constant 256 : i32
        %jit3A_2688 = arith.constant 0 : i32
        %broadcast_in_dim3A_2689 = vector.broadcast %jit3A_2687 : i32 to vector<16xi32>
        %broadcast_in_dim3A_2690 = vector.broadcast %jit3A_2688 : i32 to vector<16xi32>
        %select_n3A_2691 = arith.select %lt3A_2686, %broadcast_in_dim3A_2689, %broadcast_in_dim3A_2690 : vector<16xi1>, vector<16xi32>
        %add3A_2692 = arith.addi %add3A_2685, %select_n3A_2691 : vector<16xi32>
        %lt3A_2693 = arith.cmpf olt, %broadcast_in_dim3A_182, %gather3A_1841 : vector<16xf32>
        %jit3A_2694 = arith.constant 256 : i32
        %jit3A_2695 = arith.constant 0 : i32
        %broadcast_in_dim3A_2696 = vector.broadcast %jit3A_2694 : i32 to vector<16xi32>
        %broadcast_in_dim3A_2697 = vector.broadcast %jit3A_2695 : i32 to vector<16xi32>
        %select_n3A_2698 = arith.select %lt3A_2693, %broadcast_in_dim3A_2696, %broadcast_in_dim3A_2697 : vector<16xi1>, vector<16xi32>
        %add3A_2699 = arith.addi %add3A_2692, %select_n3A_2698 : vector<16xi32>
        %lt3A_2700 = arith.cmpf olt, %broadcast_in_dim3A_187, %gather3A_1841 : vector<16xf32>
        %jit3A_2701 = arith.constant 256 : i32
        %jit3A_2702 = arith.constant 0 : i32
        %broadcast_in_dim3A_2703 = vector.broadcast %jit3A_2701 : i32 to vector<16xi32>
        %broadcast_in_dim3A_2704 = vector.broadcast %jit3A_2702 : i32 to vector<16xi32>
        %select_n3A_2705 = arith.select %lt3A_2700, %broadcast_in_dim3A_2703, %broadcast_in_dim3A_2704 : vector<16xi1>, vector<16xi32>
        %add3A_2706 = arith.addi %add3A_2699, %select_n3A_2705 : vector<16xi32>
        %lt3A_2707 = arith.cmpf olt, %broadcast_in_dim3A_192, %gather3A_1841 : vector<16xf32>
        %jit3A_2708 = arith.constant 256 : i32
        %jit3A_2709 = arith.constant 0 : i32
        %broadcast_in_dim3A_2710 = vector.broadcast %jit3A_2708 : i32 to vector<16xi32>
        %broadcast_in_dim3A_2711 = vector.broadcast %jit3A_2709 : i32 to vector<16xi32>
        %select_n3A_2712 = arith.select %lt3A_2707, %broadcast_in_dim3A_2710, %broadcast_in_dim3A_2711 : vector<16xi1>, vector<16xi32>
        %add3A_2713 = arith.addi %add3A_2706, %select_n3A_2712 : vector<16xi32>
        %lt3A_2714 = arith.cmpf olt, %broadcast_in_dim3A_197, %gather3A_1841 : vector<16xf32>
        %jit3A_2715 = arith.constant 256 : i32
        %jit3A_2716 = arith.constant 0 : i32
        %broadcast_in_dim3A_2717 = vector.broadcast %jit3A_2715 : i32 to vector<16xi32>
        %broadcast_in_dim3A_2718 = vector.broadcast %jit3A_2716 : i32 to vector<16xi32>
        %select_n3A_2719 = arith.select %lt3A_2714, %broadcast_in_dim3A_2717, %broadcast_in_dim3A_2718 : vector<16xi1>, vector<16xi32>
        %add3A_2720 = arith.addi %add3A_2713, %select_n3A_2719 : vector<16xi32>
        %lt3A_2721 = arith.cmpf olt, %broadcast_in_dim3A_202, %gather3A_1841 : vector<16xf32>
        %jit3A_2722 = arith.constant 256 : i32
        %jit3A_2723 = arith.constant 0 : i32
        %broadcast_in_dim3A_2724 = vector.broadcast %jit3A_2722 : i32 to vector<16xi32>
        %broadcast_in_dim3A_2725 = vector.broadcast %jit3A_2723 : i32 to vector<16xi32>
        %select_n3A_2726 = arith.select %lt3A_2721, %broadcast_in_dim3A_2724, %broadcast_in_dim3A_2725 : vector<16xi1>, vector<16xi32>
        %add3A_2727 = arith.addi %add3A_2720, %select_n3A_2726 : vector<16xi32>
        %lt3A_2728 = arith.cmpf olt, %broadcast_in_dim3A_207, %gather3A_1841 : vector<16xf32>
        %jit3A_2729 = arith.constant 256 : i32
        %jit3A_2730 = arith.constant 0 : i32
        %broadcast_in_dim3A_2731 = vector.broadcast %jit3A_2729 : i32 to vector<16xi32>
        %broadcast_in_dim3A_2732 = vector.broadcast %jit3A_2730 : i32 to vector<16xi32>
        %select_n3A_2733 = arith.select %lt3A_2728, %broadcast_in_dim3A_2731, %broadcast_in_dim3A_2732 : vector<16xi1>, vector<16xi32>
        %add3A_2734 = arith.addi %add3A_2727, %select_n3A_2733 : vector<16xi32>
        %lt3A_2735 = arith.cmpf olt, %broadcast_in_dim3A_137, %gather3A_1866 : vector<16xf32>
        %jit3A_2736 = arith.constant 256 : i32
        %jit3A_2737 = arith.constant 0 : i32
        %broadcast_in_dim3A_2738 = vector.broadcast %jit3A_2736 : i32 to vector<16xi32>
        %broadcast_in_dim3A_2739 = vector.broadcast %jit3A_2737 : i32 to vector<16xi32>
        %select_n3A_2740 = arith.select %lt3A_2735, %broadcast_in_dim3A_2738, %broadcast_in_dim3A_2739 : vector<16xi1>, vector<16xi32>
        %lt3A_2741 = arith.cmpf olt, %broadcast_in_dim3A_142, %gather3A_1866 : vector<16xf32>
        %jit3A_2742 = arith.constant 256 : i32
        %jit3A_2743 = arith.constant 0 : i32
        %broadcast_in_dim3A_2744 = vector.broadcast %jit3A_2742 : i32 to vector<16xi32>
        %broadcast_in_dim3A_2745 = vector.broadcast %jit3A_2743 : i32 to vector<16xi32>
        %select_n3A_2746 = arith.select %lt3A_2741, %broadcast_in_dim3A_2744, %broadcast_in_dim3A_2745 : vector<16xi1>, vector<16xi32>
        %add3A_2747 = arith.addi %select_n3A_2740, %select_n3A_2746 : vector<16xi32>
        %lt3A_2748 = arith.cmpf olt, %broadcast_in_dim3A_147, %gather3A_1866 : vector<16xf32>
        %jit3A_2749 = arith.constant 256 : i32
        %jit3A_2750 = arith.constant 0 : i32
        %broadcast_in_dim3A_2751 = vector.broadcast %jit3A_2749 : i32 to vector<16xi32>
        %broadcast_in_dim3A_2752 = vector.broadcast %jit3A_2750 : i32 to vector<16xi32>
        %select_n3A_2753 = arith.select %lt3A_2748, %broadcast_in_dim3A_2751, %broadcast_in_dim3A_2752 : vector<16xi1>, vector<16xi32>
        %add3A_2754 = arith.addi %add3A_2747, %select_n3A_2753 : vector<16xi32>
        %lt3A_2755 = arith.cmpf olt, %broadcast_in_dim3A_152, %gather3A_1866 : vector<16xf32>
        %jit3A_2756 = arith.constant 256 : i32
        %jit3A_2757 = arith.constant 0 : i32
        %broadcast_in_dim3A_2758 = vector.broadcast %jit3A_2756 : i32 to vector<16xi32>
        %broadcast_in_dim3A_2759 = vector.broadcast %jit3A_2757 : i32 to vector<16xi32>
        %select_n3A_2760 = arith.select %lt3A_2755, %broadcast_in_dim3A_2758, %broadcast_in_dim3A_2759 : vector<16xi1>, vector<16xi32>
        %add3A_2761 = arith.addi %add3A_2754, %select_n3A_2760 : vector<16xi32>
        %lt3A_2762 = arith.cmpf olt, %broadcast_in_dim3A_157, %gather3A_1866 : vector<16xf32>
        %jit3A_2763 = arith.constant 256 : i32
        %jit3A_2764 = arith.constant 0 : i32
        %broadcast_in_dim3A_2765 = vector.broadcast %jit3A_2763 : i32 to vector<16xi32>
        %broadcast_in_dim3A_2766 = vector.broadcast %jit3A_2764 : i32 to vector<16xi32>
        %select_n3A_2767 = arith.select %lt3A_2762, %broadcast_in_dim3A_2765, %broadcast_in_dim3A_2766 : vector<16xi1>, vector<16xi32>
        %add3A_2768 = arith.addi %add3A_2761, %select_n3A_2767 : vector<16xi32>
        %lt3A_2769 = arith.cmpf olt, %broadcast_in_dim3A_162, %gather3A_1866 : vector<16xf32>
        %jit3A_2770 = arith.constant 256 : i32
        %jit3A_2771 = arith.constant 0 : i32
        %broadcast_in_dim3A_2772 = vector.broadcast %jit3A_2770 : i32 to vector<16xi32>
        %broadcast_in_dim3A_2773 = vector.broadcast %jit3A_2771 : i32 to vector<16xi32>
        %select_n3A_2774 = arith.select %lt3A_2769, %broadcast_in_dim3A_2772, %broadcast_in_dim3A_2773 : vector<16xi1>, vector<16xi32>
        %add3A_2775 = arith.addi %add3A_2768, %select_n3A_2774 : vector<16xi32>
        %lt3A_2776 = arith.cmpf olt, %broadcast_in_dim3A_167, %gather3A_1866 : vector<16xf32>
        %jit3A_2777 = arith.constant 256 : i32
        %jit3A_2778 = arith.constant 0 : i32
        %broadcast_in_dim3A_2779 = vector.broadcast %jit3A_2777 : i32 to vector<16xi32>
        %broadcast_in_dim3A_2780 = vector.broadcast %jit3A_2778 : i32 to vector<16xi32>
        %select_n3A_2781 = arith.select %lt3A_2776, %broadcast_in_dim3A_2779, %broadcast_in_dim3A_2780 : vector<16xi1>, vector<16xi32>
        %add3A_2782 = arith.addi %add3A_2775, %select_n3A_2781 : vector<16xi32>
        %lt3A_2783 = arith.cmpf olt, %broadcast_in_dim3A_172, %gather3A_1866 : vector<16xf32>
        %jit3A_2784 = arith.constant 256 : i32
        %jit3A_2785 = arith.constant 0 : i32
        %broadcast_in_dim3A_2786 = vector.broadcast %jit3A_2784 : i32 to vector<16xi32>
        %broadcast_in_dim3A_2787 = vector.broadcast %jit3A_2785 : i32 to vector<16xi32>
        %select_n3A_2788 = arith.select %lt3A_2783, %broadcast_in_dim3A_2786, %broadcast_in_dim3A_2787 : vector<16xi1>, vector<16xi32>
        %add3A_2789 = arith.addi %add3A_2782, %select_n3A_2788 : vector<16xi32>
        %lt3A_2790 = arith.cmpf olt, %broadcast_in_dim3A_177, %gather3A_1866 : vector<16xf32>
        %jit3A_2791 = arith.constant 256 : i32
        %jit3A_2792 = arith.constant 0 : i32
        %broadcast_in_dim3A_2793 = vector.broadcast %jit3A_2791 : i32 to vector<16xi32>
        %broadcast_in_dim3A_2794 = vector.broadcast %jit3A_2792 : i32 to vector<16xi32>
        %select_n3A_2795 = arith.select %lt3A_2790, %broadcast_in_dim3A_2793, %broadcast_in_dim3A_2794 : vector<16xi1>, vector<16xi32>
        %add3A_2796 = arith.addi %add3A_2789, %select_n3A_2795 : vector<16xi32>
        %lt3A_2797 = arith.cmpf olt, %broadcast_in_dim3A_182, %gather3A_1866 : vector<16xf32>
        %jit3A_2798 = arith.constant 256 : i32
        %jit3A_2799 = arith.constant 0 : i32
        %broadcast_in_dim3A_2800 = vector.broadcast %jit3A_2798 : i32 to vector<16xi32>
        %broadcast_in_dim3A_2801 = vector.broadcast %jit3A_2799 : i32 to vector<16xi32>
        %select_n3A_2802 = arith.select %lt3A_2797, %broadcast_in_dim3A_2800, %broadcast_in_dim3A_2801 : vector<16xi1>, vector<16xi32>
        %add3A_2803 = arith.addi %add3A_2796, %select_n3A_2802 : vector<16xi32>
        %lt3A_2804 = arith.cmpf olt, %broadcast_in_dim3A_187, %gather3A_1866 : vector<16xf32>
        %jit3A_2805 = arith.constant 256 : i32
        %jit3A_2806 = arith.constant 0 : i32
        %broadcast_in_dim3A_2807 = vector.broadcast %jit3A_2805 : i32 to vector<16xi32>
        %broadcast_in_dim3A_2808 = vector.broadcast %jit3A_2806 : i32 to vector<16xi32>
        %select_n3A_2809 = arith.select %lt3A_2804, %broadcast_in_dim3A_2807, %broadcast_in_dim3A_2808 : vector<16xi1>, vector<16xi32>
        %add3A_2810 = arith.addi %add3A_2803, %select_n3A_2809 : vector<16xi32>
        %lt3A_2811 = arith.cmpf olt, %broadcast_in_dim3A_192, %gather3A_1866 : vector<16xf32>
        %jit3A_2812 = arith.constant 256 : i32
        %jit3A_2813 = arith.constant 0 : i32
        %broadcast_in_dim3A_2814 = vector.broadcast %jit3A_2812 : i32 to vector<16xi32>
        %broadcast_in_dim3A_2815 = vector.broadcast %jit3A_2813 : i32 to vector<16xi32>
        %select_n3A_2816 = arith.select %lt3A_2811, %broadcast_in_dim3A_2814, %broadcast_in_dim3A_2815 : vector<16xi1>, vector<16xi32>
        %add3A_2817 = arith.addi %add3A_2810, %select_n3A_2816 : vector<16xi32>
        %lt3A_2818 = arith.cmpf olt, %broadcast_in_dim3A_197, %gather3A_1866 : vector<16xf32>
        %jit3A_2819 = arith.constant 256 : i32
        %jit3A_2820 = arith.constant 0 : i32
        %broadcast_in_dim3A_2821 = vector.broadcast %jit3A_2819 : i32 to vector<16xi32>
        %broadcast_in_dim3A_2822 = vector.broadcast %jit3A_2820 : i32 to vector<16xi32>
        %select_n3A_2823 = arith.select %lt3A_2818, %broadcast_in_dim3A_2821, %broadcast_in_dim3A_2822 : vector<16xi1>, vector<16xi32>
        %add3A_2824 = arith.addi %add3A_2817, %select_n3A_2823 : vector<16xi32>
        %lt3A_2825 = arith.cmpf olt, %broadcast_in_dim3A_202, %gather3A_1866 : vector<16xf32>
        %jit3A_2826 = arith.constant 256 : i32
        %jit3A_2827 = arith.constant 0 : i32
        %broadcast_in_dim3A_2828 = vector.broadcast %jit3A_2826 : i32 to vector<16xi32>
        %broadcast_in_dim3A_2829 = vector.broadcast %jit3A_2827 : i32 to vector<16xi32>
        %select_n3A_2830 = arith.select %lt3A_2825, %broadcast_in_dim3A_2828, %broadcast_in_dim3A_2829 : vector<16xi1>, vector<16xi32>
        %add3A_2831 = arith.addi %add3A_2824, %select_n3A_2830 : vector<16xi32>
        %lt3A_2832 = arith.cmpf olt, %broadcast_in_dim3A_207, %gather3A_1866 : vector<16xf32>
        %jit3A_2833 = arith.constant 256 : i32
        %jit3A_2834 = arith.constant 0 : i32
        %broadcast_in_dim3A_2835 = vector.broadcast %jit3A_2833 : i32 to vector<16xi32>
        %broadcast_in_dim3A_2836 = vector.broadcast %jit3A_2834 : i32 to vector<16xi32>
        %select_n3A_2837 = arith.select %lt3A_2832, %broadcast_in_dim3A_2835, %broadcast_in_dim3A_2836 : vector<16xi1>, vector<16xi32>
        %add3A_2838 = arith.addi %add3A_2831, %select_n3A_2837 : vector<16xi32>
        %lt3A_2839 = arith.cmpf olt, %broadcast_in_dim3A_137, %gather3A_1891 : vector<16xf32>
        %jit3A_2840 = arith.constant 256 : i32
        %jit3A_2841 = arith.constant 0 : i32
        %broadcast_in_dim3A_2842 = vector.broadcast %jit3A_2840 : i32 to vector<16xi32>
        %broadcast_in_dim3A_2843 = vector.broadcast %jit3A_2841 : i32 to vector<16xi32>
        %select_n3A_2844 = arith.select %lt3A_2839, %broadcast_in_dim3A_2842, %broadcast_in_dim3A_2843 : vector<16xi1>, vector<16xi32>
        %lt3A_2845 = arith.cmpf olt, %broadcast_in_dim3A_142, %gather3A_1891 : vector<16xf32>
        %jit3A_2846 = arith.constant 256 : i32
        %jit3A_2847 = arith.constant 0 : i32
        %broadcast_in_dim3A_2848 = vector.broadcast %jit3A_2846 : i32 to vector<16xi32>
        %broadcast_in_dim3A_2849 = vector.broadcast %jit3A_2847 : i32 to vector<16xi32>
        %select_n3A_2850 = arith.select %lt3A_2845, %broadcast_in_dim3A_2848, %broadcast_in_dim3A_2849 : vector<16xi1>, vector<16xi32>
        %add3A_2851 = arith.addi %select_n3A_2844, %select_n3A_2850 : vector<16xi32>
        %lt3A_2852 = arith.cmpf olt, %broadcast_in_dim3A_147, %gather3A_1891 : vector<16xf32>
        %jit3A_2853 = arith.constant 256 : i32
        %jit3A_2854 = arith.constant 0 : i32
        %broadcast_in_dim3A_2855 = vector.broadcast %jit3A_2853 : i32 to vector<16xi32>
        %broadcast_in_dim3A_2856 = vector.broadcast %jit3A_2854 : i32 to vector<16xi32>
        %select_n3A_2857 = arith.select %lt3A_2852, %broadcast_in_dim3A_2855, %broadcast_in_dim3A_2856 : vector<16xi1>, vector<16xi32>
        %add3A_2858 = arith.addi %add3A_2851, %select_n3A_2857 : vector<16xi32>
        %lt3A_2859 = arith.cmpf olt, %broadcast_in_dim3A_152, %gather3A_1891 : vector<16xf32>
        %jit3A_2860 = arith.constant 256 : i32
        %jit3A_2861 = arith.constant 0 : i32
        %broadcast_in_dim3A_2862 = vector.broadcast %jit3A_2860 : i32 to vector<16xi32>
        %broadcast_in_dim3A_2863 = vector.broadcast %jit3A_2861 : i32 to vector<16xi32>
        %select_n3A_2864 = arith.select %lt3A_2859, %broadcast_in_dim3A_2862, %broadcast_in_dim3A_2863 : vector<16xi1>, vector<16xi32>
        %add3A_2865 = arith.addi %add3A_2858, %select_n3A_2864 : vector<16xi32>
        %lt3A_2866 = arith.cmpf olt, %broadcast_in_dim3A_157, %gather3A_1891 : vector<16xf32>
        %jit3A_2867 = arith.constant 256 : i32
        %jit3A_2868 = arith.constant 0 : i32
        %broadcast_in_dim3A_2869 = vector.broadcast %jit3A_2867 : i32 to vector<16xi32>
        %broadcast_in_dim3A_2870 = vector.broadcast %jit3A_2868 : i32 to vector<16xi32>
        %select_n3A_2871 = arith.select %lt3A_2866, %broadcast_in_dim3A_2869, %broadcast_in_dim3A_2870 : vector<16xi1>, vector<16xi32>
        %add3A_2872 = arith.addi %add3A_2865, %select_n3A_2871 : vector<16xi32>
        %lt3A_2873 = arith.cmpf olt, %broadcast_in_dim3A_162, %gather3A_1891 : vector<16xf32>
        %jit3A_2874 = arith.constant 256 : i32
        %jit3A_2875 = arith.constant 0 : i32
        %broadcast_in_dim3A_2876 = vector.broadcast %jit3A_2874 : i32 to vector<16xi32>
        %broadcast_in_dim3A_2877 = vector.broadcast %jit3A_2875 : i32 to vector<16xi32>
        %select_n3A_2878 = arith.select %lt3A_2873, %broadcast_in_dim3A_2876, %broadcast_in_dim3A_2877 : vector<16xi1>, vector<16xi32>
        %add3A_2879 = arith.addi %add3A_2872, %select_n3A_2878 : vector<16xi32>
        %lt3A_2880 = arith.cmpf olt, %broadcast_in_dim3A_167, %gather3A_1891 : vector<16xf32>
        %jit3A_2881 = arith.constant 256 : i32
        %jit3A_2882 = arith.constant 0 : i32
        %broadcast_in_dim3A_2883 = vector.broadcast %jit3A_2881 : i32 to vector<16xi32>
        %broadcast_in_dim3A_2884 = vector.broadcast %jit3A_2882 : i32 to vector<16xi32>
        %select_n3A_2885 = arith.select %lt3A_2880, %broadcast_in_dim3A_2883, %broadcast_in_dim3A_2884 : vector<16xi1>, vector<16xi32>
        %add3A_2886 = arith.addi %add3A_2879, %select_n3A_2885 : vector<16xi32>
        %lt3A_2887 = arith.cmpf olt, %broadcast_in_dim3A_172, %gather3A_1891 : vector<16xf32>
        %jit3A_2888 = arith.constant 256 : i32
        %jit3A_2889 = arith.constant 0 : i32
        %broadcast_in_dim3A_2890 = vector.broadcast %jit3A_2888 : i32 to vector<16xi32>
        %broadcast_in_dim3A_2891 = vector.broadcast %jit3A_2889 : i32 to vector<16xi32>
        %select_n3A_2892 = arith.select %lt3A_2887, %broadcast_in_dim3A_2890, %broadcast_in_dim3A_2891 : vector<16xi1>, vector<16xi32>
        %add3A_2893 = arith.addi %add3A_2886, %select_n3A_2892 : vector<16xi32>
        %lt3A_2894 = arith.cmpf olt, %broadcast_in_dim3A_177, %gather3A_1891 : vector<16xf32>
        %jit3A_2895 = arith.constant 256 : i32
        %jit3A_2896 = arith.constant 0 : i32
        %broadcast_in_dim3A_2897 = vector.broadcast %jit3A_2895 : i32 to vector<16xi32>
        %broadcast_in_dim3A_2898 = vector.broadcast %jit3A_2896 : i32 to vector<16xi32>
        %select_n3A_2899 = arith.select %lt3A_2894, %broadcast_in_dim3A_2897, %broadcast_in_dim3A_2898 : vector<16xi1>, vector<16xi32>
        %add3A_2900 = arith.addi %add3A_2893, %select_n3A_2899 : vector<16xi32>
        %lt3A_2901 = arith.cmpf olt, %broadcast_in_dim3A_182, %gather3A_1891 : vector<16xf32>
        %jit3A_2902 = arith.constant 256 : i32
        %jit3A_2903 = arith.constant 0 : i32
        %broadcast_in_dim3A_2904 = vector.broadcast %jit3A_2902 : i32 to vector<16xi32>
        %broadcast_in_dim3A_2905 = vector.broadcast %jit3A_2903 : i32 to vector<16xi32>
        %select_n3A_2906 = arith.select %lt3A_2901, %broadcast_in_dim3A_2904, %broadcast_in_dim3A_2905 : vector<16xi1>, vector<16xi32>
        %add3A_2907 = arith.addi %add3A_2900, %select_n3A_2906 : vector<16xi32>
        %lt3A_2908 = arith.cmpf olt, %broadcast_in_dim3A_187, %gather3A_1891 : vector<16xf32>
        %jit3A_2909 = arith.constant 256 : i32
        %jit3A_2910 = arith.constant 0 : i32
        %broadcast_in_dim3A_2911 = vector.broadcast %jit3A_2909 : i32 to vector<16xi32>
        %broadcast_in_dim3A_2912 = vector.broadcast %jit3A_2910 : i32 to vector<16xi32>
        %select_n3A_2913 = arith.select %lt3A_2908, %broadcast_in_dim3A_2911, %broadcast_in_dim3A_2912 : vector<16xi1>, vector<16xi32>
        %add3A_2914 = arith.addi %add3A_2907, %select_n3A_2913 : vector<16xi32>
        %lt3A_2915 = arith.cmpf olt, %broadcast_in_dim3A_192, %gather3A_1891 : vector<16xf32>
        %jit3A_2916 = arith.constant 256 : i32
        %jit3A_2917 = arith.constant 0 : i32
        %broadcast_in_dim3A_2918 = vector.broadcast %jit3A_2916 : i32 to vector<16xi32>
        %broadcast_in_dim3A_2919 = vector.broadcast %jit3A_2917 : i32 to vector<16xi32>
        %select_n3A_2920 = arith.select %lt3A_2915, %broadcast_in_dim3A_2918, %broadcast_in_dim3A_2919 : vector<16xi1>, vector<16xi32>
        %add3A_2921 = arith.addi %add3A_2914, %select_n3A_2920 : vector<16xi32>
        %lt3A_2922 = arith.cmpf olt, %broadcast_in_dim3A_197, %gather3A_1891 : vector<16xf32>
        %jit3A_2923 = arith.constant 256 : i32
        %jit3A_2924 = arith.constant 0 : i32
        %broadcast_in_dim3A_2925 = vector.broadcast %jit3A_2923 : i32 to vector<16xi32>
        %broadcast_in_dim3A_2926 = vector.broadcast %jit3A_2924 : i32 to vector<16xi32>
        %select_n3A_2927 = arith.select %lt3A_2922, %broadcast_in_dim3A_2925, %broadcast_in_dim3A_2926 : vector<16xi1>, vector<16xi32>
        %add3A_2928 = arith.addi %add3A_2921, %select_n3A_2927 : vector<16xi32>
        %lt3A_2929 = arith.cmpf olt, %broadcast_in_dim3A_202, %gather3A_1891 : vector<16xf32>
        %jit3A_2930 = arith.constant 256 : i32
        %jit3A_2931 = arith.constant 0 : i32
        %broadcast_in_dim3A_2932 = vector.broadcast %jit3A_2930 : i32 to vector<16xi32>
        %broadcast_in_dim3A_2933 = vector.broadcast %jit3A_2931 : i32 to vector<16xi32>
        %select_n3A_2934 = arith.select %lt3A_2929, %broadcast_in_dim3A_2932, %broadcast_in_dim3A_2933 : vector<16xi1>, vector<16xi32>
        %add3A_2935 = arith.addi %add3A_2928, %select_n3A_2934 : vector<16xi32>
        %lt3A_2936 = arith.cmpf olt, %broadcast_in_dim3A_207, %gather3A_1891 : vector<16xf32>
        %jit3A_2937 = arith.constant 256 : i32
        %jit3A_2938 = arith.constant 0 : i32
        %broadcast_in_dim3A_2939 = vector.broadcast %jit3A_2937 : i32 to vector<16xi32>
        %broadcast_in_dim3A_2940 = vector.broadcast %jit3A_2938 : i32 to vector<16xi32>
        %select_n3A_2941 = arith.select %lt3A_2936, %broadcast_in_dim3A_2939, %broadcast_in_dim3A_2940 : vector<16xi1>, vector<16xi32>
        %add3A_2942 = arith.addi %add3A_2935, %select_n3A_2941 : vector<16xi32>
        %lt3A_2943 = arith.cmpf olt, %broadcast_in_dim3A_137, %gather3A_1916 : vector<16xf32>
        %jit3A_2944 = arith.constant 256 : i32
        %jit3A_2945 = arith.constant 0 : i32
        %broadcast_in_dim3A_2946 = vector.broadcast %jit3A_2944 : i32 to vector<16xi32>
        %broadcast_in_dim3A_2947 = vector.broadcast %jit3A_2945 : i32 to vector<16xi32>
        %select_n3A_2948 = arith.select %lt3A_2943, %broadcast_in_dim3A_2946, %broadcast_in_dim3A_2947 : vector<16xi1>, vector<16xi32>
        %lt3A_2949 = arith.cmpf olt, %broadcast_in_dim3A_142, %gather3A_1916 : vector<16xf32>
        %jit3A_2950 = arith.constant 256 : i32
        %jit3A_2951 = arith.constant 0 : i32
        %broadcast_in_dim3A_2952 = vector.broadcast %jit3A_2950 : i32 to vector<16xi32>
        %broadcast_in_dim3A_2953 = vector.broadcast %jit3A_2951 : i32 to vector<16xi32>
        %select_n3A_2954 = arith.select %lt3A_2949, %broadcast_in_dim3A_2952, %broadcast_in_dim3A_2953 : vector<16xi1>, vector<16xi32>
        %add3A_2955 = arith.addi %select_n3A_2948, %select_n3A_2954 : vector<16xi32>
        %lt3A_2956 = arith.cmpf olt, %broadcast_in_dim3A_147, %gather3A_1916 : vector<16xf32>
        %jit3A_2957 = arith.constant 256 : i32
        %jit3A_2958 = arith.constant 0 : i32
        %broadcast_in_dim3A_2959 = vector.broadcast %jit3A_2957 : i32 to vector<16xi32>
        %broadcast_in_dim3A_2960 = vector.broadcast %jit3A_2958 : i32 to vector<16xi32>
        %select_n3A_2961 = arith.select %lt3A_2956, %broadcast_in_dim3A_2959, %broadcast_in_dim3A_2960 : vector<16xi1>, vector<16xi32>
        %add3A_2962 = arith.addi %add3A_2955, %select_n3A_2961 : vector<16xi32>
        %lt3A_2963 = arith.cmpf olt, %broadcast_in_dim3A_152, %gather3A_1916 : vector<16xf32>
        %jit3A_2964 = arith.constant 256 : i32
        %jit3A_2965 = arith.constant 0 : i32
        %broadcast_in_dim3A_2966 = vector.broadcast %jit3A_2964 : i32 to vector<16xi32>
        %broadcast_in_dim3A_2967 = vector.broadcast %jit3A_2965 : i32 to vector<16xi32>
        %select_n3A_2968 = arith.select %lt3A_2963, %broadcast_in_dim3A_2966, %broadcast_in_dim3A_2967 : vector<16xi1>, vector<16xi32>
        %add3A_2969 = arith.addi %add3A_2962, %select_n3A_2968 : vector<16xi32>
        %lt3A_2970 = arith.cmpf olt, %broadcast_in_dim3A_157, %gather3A_1916 : vector<16xf32>
        %jit3A_2971 = arith.constant 256 : i32
        %jit3A_2972 = arith.constant 0 : i32
        %broadcast_in_dim3A_2973 = vector.broadcast %jit3A_2971 : i32 to vector<16xi32>
        %broadcast_in_dim3A_2974 = vector.broadcast %jit3A_2972 : i32 to vector<16xi32>
        %select_n3A_2975 = arith.select %lt3A_2970, %broadcast_in_dim3A_2973, %broadcast_in_dim3A_2974 : vector<16xi1>, vector<16xi32>
        %add3A_2976 = arith.addi %add3A_2969, %select_n3A_2975 : vector<16xi32>
        %lt3A_2977 = arith.cmpf olt, %broadcast_in_dim3A_162, %gather3A_1916 : vector<16xf32>
        %jit3A_2978 = arith.constant 256 : i32
        %jit3A_2979 = arith.constant 0 : i32
        %broadcast_in_dim3A_2980 = vector.broadcast %jit3A_2978 : i32 to vector<16xi32>
        %broadcast_in_dim3A_2981 = vector.broadcast %jit3A_2979 : i32 to vector<16xi32>
        %select_n3A_2982 = arith.select %lt3A_2977, %broadcast_in_dim3A_2980, %broadcast_in_dim3A_2981 : vector<16xi1>, vector<16xi32>
        %add3A_2983 = arith.addi %add3A_2976, %select_n3A_2982 : vector<16xi32>
        %lt3A_2984 = arith.cmpf olt, %broadcast_in_dim3A_167, %gather3A_1916 : vector<16xf32>
        %jit3A_2985 = arith.constant 256 : i32
        %jit3A_2986 = arith.constant 0 : i32
        %broadcast_in_dim3A_2987 = vector.broadcast %jit3A_2985 : i32 to vector<16xi32>
        %broadcast_in_dim3A_2988 = vector.broadcast %jit3A_2986 : i32 to vector<16xi32>
        %select_n3A_2989 = arith.select %lt3A_2984, %broadcast_in_dim3A_2987, %broadcast_in_dim3A_2988 : vector<16xi1>, vector<16xi32>
        %add3A_2990 = arith.addi %add3A_2983, %select_n3A_2989 : vector<16xi32>
        %lt3A_2991 = arith.cmpf olt, %broadcast_in_dim3A_172, %gather3A_1916 : vector<16xf32>
        %jit3A_2992 = arith.constant 256 : i32
        %jit3A_2993 = arith.constant 0 : i32
        %broadcast_in_dim3A_2994 = vector.broadcast %jit3A_2992 : i32 to vector<16xi32>
        %broadcast_in_dim3A_2995 = vector.broadcast %jit3A_2993 : i32 to vector<16xi32>
        %select_n3A_2996 = arith.select %lt3A_2991, %broadcast_in_dim3A_2994, %broadcast_in_dim3A_2995 : vector<16xi1>, vector<16xi32>
        %add3A_2997 = arith.addi %add3A_2990, %select_n3A_2996 : vector<16xi32>
        %lt3A_2998 = arith.cmpf olt, %broadcast_in_dim3A_177, %gather3A_1916 : vector<16xf32>
        %jit3A_2999 = arith.constant 256 : i32
        %jit3A_3000 = arith.constant 0 : i32
        %broadcast_in_dim3A_3001 = vector.broadcast %jit3A_2999 : i32 to vector<16xi32>
        %broadcast_in_dim3A_3002 = vector.broadcast %jit3A_3000 : i32 to vector<16xi32>
        %select_n3A_3003 = arith.select %lt3A_2998, %broadcast_in_dim3A_3001, %broadcast_in_dim3A_3002 : vector<16xi1>, vector<16xi32>
        %add3A_3004 = arith.addi %add3A_2997, %select_n3A_3003 : vector<16xi32>
        %lt3A_3005 = arith.cmpf olt, %broadcast_in_dim3A_182, %gather3A_1916 : vector<16xf32>
        %jit3A_3006 = arith.constant 256 : i32
        %jit3A_3007 = arith.constant 0 : i32
        %broadcast_in_dim3A_3008 = vector.broadcast %jit3A_3006 : i32 to vector<16xi32>
        %broadcast_in_dim3A_3009 = vector.broadcast %jit3A_3007 : i32 to vector<16xi32>
        %select_n3A_3010 = arith.select %lt3A_3005, %broadcast_in_dim3A_3008, %broadcast_in_dim3A_3009 : vector<16xi1>, vector<16xi32>
        %add3A_3011 = arith.addi %add3A_3004, %select_n3A_3010 : vector<16xi32>
        %lt3A_3012 = arith.cmpf olt, %broadcast_in_dim3A_187, %gather3A_1916 : vector<16xf32>
        %jit3A_3013 = arith.constant 256 : i32
        %jit3A_3014 = arith.constant 0 : i32
        %broadcast_in_dim3A_3015 = vector.broadcast %jit3A_3013 : i32 to vector<16xi32>
        %broadcast_in_dim3A_3016 = vector.broadcast %jit3A_3014 : i32 to vector<16xi32>
        %select_n3A_3017 = arith.select %lt3A_3012, %broadcast_in_dim3A_3015, %broadcast_in_dim3A_3016 : vector<16xi1>, vector<16xi32>
        %add3A_3018 = arith.addi %add3A_3011, %select_n3A_3017 : vector<16xi32>
        %lt3A_3019 = arith.cmpf olt, %broadcast_in_dim3A_192, %gather3A_1916 : vector<16xf32>
        %jit3A_3020 = arith.constant 256 : i32
        %jit3A_3021 = arith.constant 0 : i32
        %broadcast_in_dim3A_3022 = vector.broadcast %jit3A_3020 : i32 to vector<16xi32>
        %broadcast_in_dim3A_3023 = vector.broadcast %jit3A_3021 : i32 to vector<16xi32>
        %select_n3A_3024 = arith.select %lt3A_3019, %broadcast_in_dim3A_3022, %broadcast_in_dim3A_3023 : vector<16xi1>, vector<16xi32>
        %add3A_3025 = arith.addi %add3A_3018, %select_n3A_3024 : vector<16xi32>
        %lt3A_3026 = arith.cmpf olt, %broadcast_in_dim3A_197, %gather3A_1916 : vector<16xf32>
        %jit3A_3027 = arith.constant 256 : i32
        %jit3A_3028 = arith.constant 0 : i32
        %broadcast_in_dim3A_3029 = vector.broadcast %jit3A_3027 : i32 to vector<16xi32>
        %broadcast_in_dim3A_3030 = vector.broadcast %jit3A_3028 : i32 to vector<16xi32>
        %select_n3A_3031 = arith.select %lt3A_3026, %broadcast_in_dim3A_3029, %broadcast_in_dim3A_3030 : vector<16xi1>, vector<16xi32>
        %add3A_3032 = arith.addi %add3A_3025, %select_n3A_3031 : vector<16xi32>
        %lt3A_3033 = arith.cmpf olt, %broadcast_in_dim3A_202, %gather3A_1916 : vector<16xf32>
        %jit3A_3034 = arith.constant 256 : i32
        %jit3A_3035 = arith.constant 0 : i32
        %broadcast_in_dim3A_3036 = vector.broadcast %jit3A_3034 : i32 to vector<16xi32>
        %broadcast_in_dim3A_3037 = vector.broadcast %jit3A_3035 : i32 to vector<16xi32>
        %select_n3A_3038 = arith.select %lt3A_3033, %broadcast_in_dim3A_3036, %broadcast_in_dim3A_3037 : vector<16xi1>, vector<16xi32>
        %add3A_3039 = arith.addi %add3A_3032, %select_n3A_3038 : vector<16xi32>
        %lt3A_3040 = arith.cmpf olt, %broadcast_in_dim3A_207, %gather3A_1916 : vector<16xf32>
        %jit3A_3041 = arith.constant 256 : i32
        %jit3A_3042 = arith.constant 0 : i32
        %broadcast_in_dim3A_3043 = vector.broadcast %jit3A_3041 : i32 to vector<16xi32>
        %broadcast_in_dim3A_3044 = vector.broadcast %jit3A_3042 : i32 to vector<16xi32>
        %select_n3A_3045 = arith.select %lt3A_3040, %broadcast_in_dim3A_3043, %broadcast_in_dim3A_3044 : vector<16xi1>, vector<16xi32>
        %add3A_3046 = arith.addi %add3A_3039, %select_n3A_3045 : vector<16xi32>
        %lt3A_3047 = arith.cmpf olt, %broadcast_in_dim3A_137, %gather3A_1941 : vector<16xf32>
        %jit3A_3048 = arith.constant 256 : i32
        %jit3A_3049 = arith.constant 0 : i32
        %broadcast_in_dim3A_3050 = vector.broadcast %jit3A_3048 : i32 to vector<16xi32>
        %broadcast_in_dim3A_3051 = vector.broadcast %jit3A_3049 : i32 to vector<16xi32>
        %select_n3A_3052 = arith.select %lt3A_3047, %broadcast_in_dim3A_3050, %broadcast_in_dim3A_3051 : vector<16xi1>, vector<16xi32>
        %lt3A_3053 = arith.cmpf olt, %broadcast_in_dim3A_142, %gather3A_1941 : vector<16xf32>
        %jit3A_3054 = arith.constant 256 : i32
        %jit3A_3055 = arith.constant 0 : i32
        %broadcast_in_dim3A_3056 = vector.broadcast %jit3A_3054 : i32 to vector<16xi32>
        %broadcast_in_dim3A_3057 = vector.broadcast %jit3A_3055 : i32 to vector<16xi32>
        %select_n3A_3058 = arith.select %lt3A_3053, %broadcast_in_dim3A_3056, %broadcast_in_dim3A_3057 : vector<16xi1>, vector<16xi32>
        %add3A_3059 = arith.addi %select_n3A_3052, %select_n3A_3058 : vector<16xi32>
        %lt3A_3060 = arith.cmpf olt, %broadcast_in_dim3A_147, %gather3A_1941 : vector<16xf32>
        %jit3A_3061 = arith.constant 256 : i32
        %jit3A_3062 = arith.constant 0 : i32
        %broadcast_in_dim3A_3063 = vector.broadcast %jit3A_3061 : i32 to vector<16xi32>
        %broadcast_in_dim3A_3064 = vector.broadcast %jit3A_3062 : i32 to vector<16xi32>
        %select_n3A_3065 = arith.select %lt3A_3060, %broadcast_in_dim3A_3063, %broadcast_in_dim3A_3064 : vector<16xi1>, vector<16xi32>
        %add3A_3066 = arith.addi %add3A_3059, %select_n3A_3065 : vector<16xi32>
        %lt3A_3067 = arith.cmpf olt, %broadcast_in_dim3A_152, %gather3A_1941 : vector<16xf32>
        %jit3A_3068 = arith.constant 256 : i32
        %jit3A_3069 = arith.constant 0 : i32
        %broadcast_in_dim3A_3070 = vector.broadcast %jit3A_3068 : i32 to vector<16xi32>
        %broadcast_in_dim3A_3071 = vector.broadcast %jit3A_3069 : i32 to vector<16xi32>
        %select_n3A_3072 = arith.select %lt3A_3067, %broadcast_in_dim3A_3070, %broadcast_in_dim3A_3071 : vector<16xi1>, vector<16xi32>
        %add3A_3073 = arith.addi %add3A_3066, %select_n3A_3072 : vector<16xi32>
        %lt3A_3074 = arith.cmpf olt, %broadcast_in_dim3A_157, %gather3A_1941 : vector<16xf32>
        %jit3A_3075 = arith.constant 256 : i32
        %jit3A_3076 = arith.constant 0 : i32
        %broadcast_in_dim3A_3077 = vector.broadcast %jit3A_3075 : i32 to vector<16xi32>
        %broadcast_in_dim3A_3078 = vector.broadcast %jit3A_3076 : i32 to vector<16xi32>
        %select_n3A_3079 = arith.select %lt3A_3074, %broadcast_in_dim3A_3077, %broadcast_in_dim3A_3078 : vector<16xi1>, vector<16xi32>
        %add3A_3080 = arith.addi %add3A_3073, %select_n3A_3079 : vector<16xi32>
        %lt3A_3081 = arith.cmpf olt, %broadcast_in_dim3A_162, %gather3A_1941 : vector<16xf32>
        %jit3A_3082 = arith.constant 256 : i32
        %jit3A_3083 = arith.constant 0 : i32
        %broadcast_in_dim3A_3084 = vector.broadcast %jit3A_3082 : i32 to vector<16xi32>
        %broadcast_in_dim3A_3085 = vector.broadcast %jit3A_3083 : i32 to vector<16xi32>
        %select_n3A_3086 = arith.select %lt3A_3081, %broadcast_in_dim3A_3084, %broadcast_in_dim3A_3085 : vector<16xi1>, vector<16xi32>
        %add3A_3087 = arith.addi %add3A_3080, %select_n3A_3086 : vector<16xi32>
        %lt3A_3088 = arith.cmpf olt, %broadcast_in_dim3A_167, %gather3A_1941 : vector<16xf32>
        %jit3A_3089 = arith.constant 256 : i32
        %jit3A_3090 = arith.constant 0 : i32
        %broadcast_in_dim3A_3091 = vector.broadcast %jit3A_3089 : i32 to vector<16xi32>
        %broadcast_in_dim3A_3092 = vector.broadcast %jit3A_3090 : i32 to vector<16xi32>
        %select_n3A_3093 = arith.select %lt3A_3088, %broadcast_in_dim3A_3091, %broadcast_in_dim3A_3092 : vector<16xi1>, vector<16xi32>
        %add3A_3094 = arith.addi %add3A_3087, %select_n3A_3093 : vector<16xi32>
        %lt3A_3095 = arith.cmpf olt, %broadcast_in_dim3A_172, %gather3A_1941 : vector<16xf32>
        %jit3A_3096 = arith.constant 256 : i32
        %jit3A_3097 = arith.constant 0 : i32
        %broadcast_in_dim3A_3098 = vector.broadcast %jit3A_3096 : i32 to vector<16xi32>
        %broadcast_in_dim3A_3099 = vector.broadcast %jit3A_3097 : i32 to vector<16xi32>
        %select_n3A_3100 = arith.select %lt3A_3095, %broadcast_in_dim3A_3098, %broadcast_in_dim3A_3099 : vector<16xi1>, vector<16xi32>
        %add3A_3101 = arith.addi %add3A_3094, %select_n3A_3100 : vector<16xi32>
        %lt3A_3102 = arith.cmpf olt, %broadcast_in_dim3A_177, %gather3A_1941 : vector<16xf32>
        %jit3A_3103 = arith.constant 256 : i32
        %jit3A_3104 = arith.constant 0 : i32
        %broadcast_in_dim3A_3105 = vector.broadcast %jit3A_3103 : i32 to vector<16xi32>
        %broadcast_in_dim3A_3106 = vector.broadcast %jit3A_3104 : i32 to vector<16xi32>
        %select_n3A_3107 = arith.select %lt3A_3102, %broadcast_in_dim3A_3105, %broadcast_in_dim3A_3106 : vector<16xi1>, vector<16xi32>
        %add3A_3108 = arith.addi %add3A_3101, %select_n3A_3107 : vector<16xi32>
        %lt3A_3109 = arith.cmpf olt, %broadcast_in_dim3A_182, %gather3A_1941 : vector<16xf32>
        %jit3A_3110 = arith.constant 256 : i32
        %jit3A_3111 = arith.constant 0 : i32
        %broadcast_in_dim3A_3112 = vector.broadcast %jit3A_3110 : i32 to vector<16xi32>
        %broadcast_in_dim3A_3113 = vector.broadcast %jit3A_3111 : i32 to vector<16xi32>
        %select_n3A_3114 = arith.select %lt3A_3109, %broadcast_in_dim3A_3112, %broadcast_in_dim3A_3113 : vector<16xi1>, vector<16xi32>
        %add3A_3115 = arith.addi %add3A_3108, %select_n3A_3114 : vector<16xi32>
        %lt3A_3116 = arith.cmpf olt, %broadcast_in_dim3A_187, %gather3A_1941 : vector<16xf32>
        %jit3A_3117 = arith.constant 256 : i32
        %jit3A_3118 = arith.constant 0 : i32
        %broadcast_in_dim3A_3119 = vector.broadcast %jit3A_3117 : i32 to vector<16xi32>
        %broadcast_in_dim3A_3120 = vector.broadcast %jit3A_3118 : i32 to vector<16xi32>
        %select_n3A_3121 = arith.select %lt3A_3116, %broadcast_in_dim3A_3119, %broadcast_in_dim3A_3120 : vector<16xi1>, vector<16xi32>
        %add3A_3122 = arith.addi %add3A_3115, %select_n3A_3121 : vector<16xi32>
        %lt3A_3123 = arith.cmpf olt, %broadcast_in_dim3A_192, %gather3A_1941 : vector<16xf32>
        %jit3A_3124 = arith.constant 256 : i32
        %jit3A_3125 = arith.constant 0 : i32
        %broadcast_in_dim3A_3126 = vector.broadcast %jit3A_3124 : i32 to vector<16xi32>
        %broadcast_in_dim3A_3127 = vector.broadcast %jit3A_3125 : i32 to vector<16xi32>
        %select_n3A_3128 = arith.select %lt3A_3123, %broadcast_in_dim3A_3126, %broadcast_in_dim3A_3127 : vector<16xi1>, vector<16xi32>
        %add3A_3129 = arith.addi %add3A_3122, %select_n3A_3128 : vector<16xi32>
        %lt3A_3130 = arith.cmpf olt, %broadcast_in_dim3A_197, %gather3A_1941 : vector<16xf32>
        %jit3A_3131 = arith.constant 256 : i32
        %jit3A_3132 = arith.constant 0 : i32
        %broadcast_in_dim3A_3133 = vector.broadcast %jit3A_3131 : i32 to vector<16xi32>
        %broadcast_in_dim3A_3134 = vector.broadcast %jit3A_3132 : i32 to vector<16xi32>
        %select_n3A_3135 = arith.select %lt3A_3130, %broadcast_in_dim3A_3133, %broadcast_in_dim3A_3134 : vector<16xi1>, vector<16xi32>
        %add3A_3136 = arith.addi %add3A_3129, %select_n3A_3135 : vector<16xi32>
        %lt3A_3137 = arith.cmpf olt, %broadcast_in_dim3A_202, %gather3A_1941 : vector<16xf32>
        %jit3A_3138 = arith.constant 256 : i32
        %jit3A_3139 = arith.constant 0 : i32
        %broadcast_in_dim3A_3140 = vector.broadcast %jit3A_3138 : i32 to vector<16xi32>
        %broadcast_in_dim3A_3141 = vector.broadcast %jit3A_3139 : i32 to vector<16xi32>
        %select_n3A_3142 = arith.select %lt3A_3137, %broadcast_in_dim3A_3140, %broadcast_in_dim3A_3141 : vector<16xi1>, vector<16xi32>
        %add3A_3143 = arith.addi %add3A_3136, %select_n3A_3142 : vector<16xi32>
        %lt3A_3144 = arith.cmpf olt, %broadcast_in_dim3A_207, %gather3A_1941 : vector<16xf32>
        %jit3A_3145 = arith.constant 256 : i32
        %jit3A_3146 = arith.constant 0 : i32
        %broadcast_in_dim3A_3147 = vector.broadcast %jit3A_3145 : i32 to vector<16xi32>
        %broadcast_in_dim3A_3148 = vector.broadcast %jit3A_3146 : i32 to vector<16xi32>
        %select_n3A_3149 = arith.select %lt3A_3144, %broadcast_in_dim3A_3147, %broadcast_in_dim3A_3148 : vector<16xi1>, vector<16xi32>
        %add3A_3150 = arith.addi %add3A_3143, %select_n3A_3149 : vector<16xi32>
        %add3A_3151 = arith.constant 127 : i32
        %add3A_3152 = vector.broadcast %add3A_3151 : i32 to vector<16xi32>
        %add3A_3153 = arith.addi %add3A_2422, %add3A_3152 : vector<16xi32>
        %gather3A_3154 = tpu.vector_load_idx %arg7[%add3A_3153] : memref<4096xf32, #tpu.memory_space<vmem>>[vector<16xi32>], vector<16xf32>,
        %lt3A_3155 = arith.cmpf olt, %gather3A_3154, %gather3A_1770 : vector<16xf32>
        %add3A_3156 = arith.constant 128 : i32
        %add3A_3157 = vector.broadcast %add3A_3156 : i32 to vector<16xi32>
        %add3A_3158 = arith.addi %add3A_2422, %add3A_3157 : vector<16xi32>
        %select_n3A_3159 = arith.select %lt3A_3155, %add3A_3158, %add3A_2422 : vector<16xi1>, vector<16xi32>
        %add3A_3160 = arith.constant 127 : i32
        %add3A_3161 = vector.broadcast %add3A_3160 : i32 to vector<16xi32>
        %add3A_3162 = arith.addi %add3A_2526, %add3A_3161 : vector<16xi32>
        %gather3A_3163 = tpu.vector_load_idx %arg7[%add3A_3162] : memref<4096xf32, #tpu.memory_space<vmem>>[vector<16xi32>], vector<16xf32>,
        %lt3A_3164 = arith.cmpf olt, %gather3A_3163, %gather3A_1792 : vector<16xf32>
        %add3A_3165 = arith.constant 128 : i32
        %add3A_3166 = vector.broadcast %add3A_3165 : i32 to vector<16xi32>
        %add3A_3167 = arith.addi %add3A_2526, %add3A_3166 : vector<16xi32>
        %select_n3A_3168 = arith.select %lt3A_3164, %add3A_3167, %add3A_2526 : vector<16xi1>, vector<16xi32>
        %add3A_3169 = arith.constant 127 : i32
        %add3A_3170 = vector.broadcast %add3A_3169 : i32 to vector<16xi32>
        %add3A_3171 = arith.addi %add3A_2630, %add3A_3170 : vector<16xi32>
        %gather3A_3172 = tpu.vector_load_idx %arg7[%add3A_3171] : memref<4096xf32, #tpu.memory_space<vmem>>[vector<16xi32>], vector<16xf32>,
        %lt3A_3173 = arith.cmpf olt, %gather3A_3172, %gather3A_1816 : vector<16xf32>
        %add3A_3174 = arith.constant 128 : i32
        %add3A_3175 = vector.broadcast %add3A_3174 : i32 to vector<16xi32>
        %add3A_3176 = arith.addi %add3A_2630, %add3A_3175 : vector<16xi32>
        %select_n3A_3177 = arith.select %lt3A_3173, %add3A_3176, %add3A_2630 : vector<16xi1>, vector<16xi32>
        %add3A_3178 = arith.constant 127 : i32
        %add3A_3179 = vector.broadcast %add3A_3178 : i32 to vector<16xi32>
        %add3A_3180 = arith.addi %add3A_2734, %add3A_3179 : vector<16xi32>
        %gather3A_3181 = tpu.vector_load_idx %arg7[%add3A_3180] : memref<4096xf32, #tpu.memory_space<vmem>>[vector<16xi32>], vector<16xf32>,
        %lt3A_3182 = arith.cmpf olt, %gather3A_3181, %gather3A_1841 : vector<16xf32>
        %add3A_3183 = arith.constant 128 : i32
        %add3A_3184 = vector.broadcast %add3A_3183 : i32 to vector<16xi32>
        %add3A_3185 = arith.addi %add3A_2734, %add3A_3184 : vector<16xi32>
        %select_n3A_3186 = arith.select %lt3A_3182, %add3A_3185, %add3A_2734 : vector<16xi1>, vector<16xi32>
        %add3A_3187 = arith.constant 127 : i32
        %add3A_3188 = vector.broadcast %add3A_3187 : i32 to vector<16xi32>
        %add3A_3189 = arith.addi %add3A_2838, %add3A_3188 : vector<16xi32>
        %gather3A_3190 = tpu.vector_load_idx %arg7[%add3A_3189] : memref<4096xf32, #tpu.memory_space<vmem>>[vector<16xi32>], vector<16xf32>,
        %lt3A_3191 = arith.cmpf olt, %gather3A_3190, %gather3A_1866 : vector<16xf32>
        %add3A_3192 = arith.constant 128 : i32
        %add3A_3193 = vector.broadcast %add3A_3192 : i32 to vector<16xi32>
        %add3A_3194 = arith.addi %add3A_2838, %add3A_3193 : vector<16xi32>
        %select_n3A_3195 = arith.select %lt3A_3191, %add3A_3194, %add3A_2838 : vector<16xi1>, vector<16xi32>
        %add3A_3196 = arith.constant 127 : i32
        %add3A_3197 = vector.broadcast %add3A_3196 : i32 to vector<16xi32>
        %add3A_3198 = arith.addi %add3A_2942, %add3A_3197 : vector<16xi32>
        %gather3A_3199 = tpu.vector_load_idx %arg7[%add3A_3198] : memref<4096xf32, #tpu.memory_space<vmem>>[vector<16xi32>], vector<16xf32>,
        %lt3A_3200 = arith.cmpf olt, %gather3A_3199, %gather3A_1891 : vector<16xf32>
        %add3A_3201 = arith.constant 128 : i32
        %add3A_3202 = vector.broadcast %add3A_3201 : i32 to vector<16xi32>
        %add3A_3203 = arith.addi %add3A_2942, %add3A_3202 : vector<16xi32>
        %select_n3A_3204 = arith.select %lt3A_3200, %add3A_3203, %add3A_2942 : vector<16xi1>, vector<16xi32>
        %add3A_3205 = arith.constant 127 : i32
        %add3A_3206 = vector.broadcast %add3A_3205 : i32 to vector<16xi32>
        %add3A_3207 = arith.addi %add3A_3046, %add3A_3206 : vector<16xi32>
        %gather3A_3208 = tpu.vector_load_idx %arg7[%add3A_3207] : memref<4096xf32, #tpu.memory_space<vmem>>[vector<16xi32>], vector<16xf32>,
        %lt3A_3209 = arith.cmpf olt, %gather3A_3208, %gather3A_1916 : vector<16xf32>
        %add3A_3210 = arith.constant 128 : i32
        %add3A_3211 = vector.broadcast %add3A_3210 : i32 to vector<16xi32>
        %add3A_3212 = arith.addi %add3A_3046, %add3A_3211 : vector<16xi32>
        %select_n3A_3213 = arith.select %lt3A_3209, %add3A_3212, %add3A_3046 : vector<16xi1>, vector<16xi32>
        %add3A_3214 = arith.constant 127 : i32
        %add3A_3215 = vector.broadcast %add3A_3214 : i32 to vector<16xi32>
        %add3A_3216 = arith.addi %add3A_3150, %add3A_3215 : vector<16xi32>
        %gather3A_3217 = tpu.vector_load_idx %arg7[%add3A_3216] : memref<4096xf32, #tpu.memory_space<vmem>>[vector<16xi32>], vector<16xf32>,
        %lt3A_3218 = arith.cmpf olt, %gather3A_3217, %gather3A_1941 : vector<16xf32>
        %add3A_3219 = arith.constant 128 : i32
        %add3A_3220 = vector.broadcast %add3A_3219 : i32 to vector<16xi32>
        %add3A_3221 = arith.addi %add3A_3150, %add3A_3220 : vector<16xi32>
        %select_n3A_3222 = arith.select %lt3A_3218, %add3A_3221, %add3A_3150 : vector<16xi1>, vector<16xi32>
        %add3A_3223 = arith.constant 63 : i32
        %add3A_3224 = vector.broadcast %add3A_3223 : i32 to vector<16xi32>
        %add3A_3225 = arith.addi %select_n3A_3159, %add3A_3224 : vector<16xi32>
        %gather3A_3226 = tpu.vector_load_idx %arg7[%add3A_3225] : memref<4096xf32, #tpu.memory_space<vmem>>[vector<16xi32>], vector<16xf32>,
        %lt3A_3227 = arith.cmpf olt, %gather3A_3226, %gather3A_1770 : vector<16xf32>
        %add3A_3228 = arith.constant 64 : i32
        %add3A_3229 = vector.broadcast %add3A_3228 : i32 to vector<16xi32>
        %add3A_3230 = arith.addi %select_n3A_3159, %add3A_3229 : vector<16xi32>
        %select_n3A_3231 = arith.select %lt3A_3227, %add3A_3230, %select_n3A_3159 : vector<16xi1>, vector<16xi32>
        %add3A_3232 = arith.constant 63 : i32
        %add3A_3233 = vector.broadcast %add3A_3232 : i32 to vector<16xi32>
        %add3A_3234 = arith.addi %select_n3A_3168, %add3A_3233 : vector<16xi32>
        %gather3A_3235 = tpu.vector_load_idx %arg7[%add3A_3234] : memref<4096xf32, #tpu.memory_space<vmem>>[vector<16xi32>], vector<16xf32>,
        %lt3A_3236 = arith.cmpf olt, %gather3A_3235, %gather3A_1792 : vector<16xf32>
        %add3A_3237 = arith.constant 64 : i32
        %add3A_3238 = vector.broadcast %add3A_3237 : i32 to vector<16xi32>
        %add3A_3239 = arith.addi %select_n3A_3168, %add3A_3238 : vector<16xi32>
        %select_n3A_3240 = arith.select %lt3A_3236, %add3A_3239, %select_n3A_3168 : vector<16xi1>, vector<16xi32>
        %add3A_3241 = arith.constant 63 : i32
        %add3A_3242 = vector.broadcast %add3A_3241 : i32 to vector<16xi32>
        %add3A_3243 = arith.addi %select_n3A_3177, %add3A_3242 : vector<16xi32>
        %gather3A_3244 = tpu.vector_load_idx %arg7[%add3A_3243] : memref<4096xf32, #tpu.memory_space<vmem>>[vector<16xi32>], vector<16xf32>,
        %lt3A_3245 = arith.cmpf olt, %gather3A_3244, %gather3A_1816 : vector<16xf32>
        %add3A_3246 = arith.constant 64 : i32
        %add3A_3247 = vector.broadcast %add3A_3246 : i32 to vector<16xi32>
        %add3A_3248 = arith.addi %select_n3A_3177, %add3A_3247 : vector<16xi32>
        %select_n3A_3249 = arith.select %lt3A_3245, %add3A_3248, %select_n3A_3177 : vector<16xi1>, vector<16xi32>
        %add3A_3250 = arith.constant 63 : i32
        %add3A_3251 = vector.broadcast %add3A_3250 : i32 to vector<16xi32>
        %add3A_3252 = arith.addi %select_n3A_3186, %add3A_3251 : vector<16xi32>
        %gather3A_3253 = tpu.vector_load_idx %arg7[%add3A_3252] : memref<4096xf32, #tpu.memory_space<vmem>>[vector<16xi32>], vector<16xf32>,
        %lt3A_3254 = arith.cmpf olt, %gather3A_3253, %gather3A_1841 : vector<16xf32>
        %add3A_3255 = arith.constant 64 : i32
        %add3A_3256 = vector.broadcast %add3A_3255 : i32 to vector<16xi32>
        %add3A_3257 = arith.addi %select_n3A_3186, %add3A_3256 : vector<16xi32>
        %select_n3A_3258 = arith.select %lt3A_3254, %add3A_3257, %select_n3A_3186 : vector<16xi1>, vector<16xi32>
        %add3A_3259 = arith.constant 63 : i32
        %add3A_3260 = vector.broadcast %add3A_3259 : i32 to vector<16xi32>
        %add3A_3261 = arith.addi %select_n3A_3195, %add3A_3260 : vector<16xi32>
        %gather3A_3262 = tpu.vector_load_idx %arg7[%add3A_3261] : memref<4096xf32, #tpu.memory_space<vmem>>[vector<16xi32>], vector<16xf32>,
        %lt3A_3263 = arith.cmpf olt, %gather3A_3262, %gather3A_1866 : vector<16xf32>
        %add3A_3264 = arith.constant 64 : i32
        %add3A_3265 = vector.broadcast %add3A_3264 : i32 to vector<16xi32>
        %add3A_3266 = arith.addi %select_n3A_3195, %add3A_3265 : vector<16xi32>
        %select_n3A_3267 = arith.select %lt3A_3263, %add3A_3266, %select_n3A_3195 : vector<16xi1>, vector<16xi32>
        %add3A_3268 = arith.constant 63 : i32
        %add3A_3269 = vector.broadcast %add3A_3268 : i32 to vector<16xi32>
        %add3A_3270 = arith.addi %select_n3A_3204, %add3A_3269 : vector<16xi32>
        %gather3A_3271 = tpu.vector_load_idx %arg7[%add3A_3270] : memref<4096xf32, #tpu.memory_space<vmem>>[vector<16xi32>], vector<16xf32>,
        %lt3A_3272 = arith.cmpf olt, %gather3A_3271, %gather3A_1891 : vector<16xf32>
        %add3A_3273 = arith.constant 64 : i32
        %add3A_3274 = vector.broadcast %add3A_3273 : i32 to vector<16xi32>
        %add3A_3275 = arith.addi %select_n3A_3204, %add3A_3274 : vector<16xi32>
        %select_n3A_3276 = arith.select %lt3A_3272, %add3A_3275, %select_n3A_3204 : vector<16xi1>, vector<16xi32>
        %add3A_3277 = arith.constant 63 : i32
        %add3A_3278 = vector.broadcast %add3A_3277 : i32 to vector<16xi32>
        %add3A_3279 = arith.addi %select_n3A_3213, %add3A_3278 : vector<16xi32>
        %gather3A_3280 = tpu.vector_load_idx %arg7[%add3A_3279] : memref<4096xf32, #tpu.memory_space<vmem>>[vector<16xi32>], vector<16xf32>,
        %lt3A_3281 = arith.cmpf olt, %gather3A_3280, %gather3A_1916 : vector<16xf32>
        %add3A_3282 = arith.constant 64 : i32
        %add3A_3283 = vector.broadcast %add3A_3282 : i32 to vector<16xi32>
        %add3A_3284 = arith.addi %select_n3A_3213, %add3A_3283 : vector<16xi32>
        %select_n3A_3285 = arith.select %lt3A_3281, %add3A_3284, %select_n3A_3213 : vector<16xi1>, vector<16xi32>
        %add3A_3286 = arith.constant 63 : i32
        %add3A_3287 = vector.broadcast %add3A_3286 : i32 to vector<16xi32>
        %add3A_3288 = arith.addi %select_n3A_3222, %add3A_3287 : vector<16xi32>
        %gather3A_3289 = tpu.vector_load_idx %arg7[%add3A_3288] : memref<4096xf32, #tpu.memory_space<vmem>>[vector<16xi32>], vector<16xf32>,
        %lt3A_3290 = arith.cmpf olt, %gather3A_3289, %gather3A_1941 : vector<16xf32>
        %add3A_3291 = arith.constant 64 : i32
        %add3A_3292 = vector.broadcast %add3A_3291 : i32 to vector<16xi32>
        %add3A_3293 = arith.addi %select_n3A_3222, %add3A_3292 : vector<16xi32>
        %select_n3A_3294 = arith.select %lt3A_3290, %add3A_3293, %select_n3A_3222 : vector<16xi1>, vector<16xi32>
        %add3A_3295 = arith.constant 31 : i32
        %add3A_3296 = vector.broadcast %add3A_3295 : i32 to vector<16xi32>
        %add3A_3297 = arith.addi %select_n3A_3231, %add3A_3296 : vector<16xi32>
        %gather3A_3298 = tpu.vector_load_idx %arg7[%add3A_3297] : memref<4096xf32, #tpu.memory_space<vmem>>[vector<16xi32>], vector<16xf32>,
        %lt3A_3299 = arith.cmpf olt, %gather3A_3298, %gather3A_1770 : vector<16xf32>
        %add3A_3300 = arith.constant 32 : i32
        %add3A_3301 = vector.broadcast %add3A_3300 : i32 to vector<16xi32>
        %add3A_3302 = arith.addi %select_n3A_3231, %add3A_3301 : vector<16xi32>
        %select_n3A_3303 = arith.select %lt3A_3299, %add3A_3302, %select_n3A_3231 : vector<16xi1>, vector<16xi32>
        %add3A_3304 = arith.constant 31 : i32
        %add3A_3305 = vector.broadcast %add3A_3304 : i32 to vector<16xi32>
        %add3A_3306 = arith.addi %select_n3A_3240, %add3A_3305 : vector<16xi32>
        %gather3A_3307 = tpu.vector_load_idx %arg7[%add3A_3306] : memref<4096xf32, #tpu.memory_space<vmem>>[vector<16xi32>], vector<16xf32>,
        %lt3A_3308 = arith.cmpf olt, %gather3A_3307, %gather3A_1792 : vector<16xf32>
        %add3A_3309 = arith.constant 32 : i32
        %add3A_3310 = vector.broadcast %add3A_3309 : i32 to vector<16xi32>
        %add3A_3311 = arith.addi %select_n3A_3240, %add3A_3310 : vector<16xi32>
        %select_n3A_3312 = arith.select %lt3A_3308, %add3A_3311, %select_n3A_3240 : vector<16xi1>, vector<16xi32>
        %add3A_3313 = arith.constant 31 : i32
        %add3A_3314 = vector.broadcast %add3A_3313 : i32 to vector<16xi32>
        %add3A_3315 = arith.addi %select_n3A_3249, %add3A_3314 : vector<16xi32>
        %gather3A_3316 = tpu.vector_load_idx %arg7[%add3A_3315] : memref<4096xf32, #tpu.memory_space<vmem>>[vector<16xi32>], vector<16xf32>,
        %lt3A_3317 = arith.cmpf olt, %gather3A_3316, %gather3A_1816 : vector<16xf32>
        %add3A_3318 = arith.constant 32 : i32
        %add3A_3319 = vector.broadcast %add3A_3318 : i32 to vector<16xi32>
        %add3A_3320 = arith.addi %select_n3A_3249, %add3A_3319 : vector<16xi32>
        %select_n3A_3321 = arith.select %lt3A_3317, %add3A_3320, %select_n3A_3249 : vector<16xi1>, vector<16xi32>
        %add3A_3322 = arith.constant 31 : i32
        %add3A_3323 = vector.broadcast %add3A_3322 : i32 to vector<16xi32>
        %add3A_3324 = arith.addi %select_n3A_3258, %add3A_3323 : vector<16xi32>
        %gather3A_3325 = tpu.vector_load_idx %arg7[%add3A_3324] : memref<4096xf32, #tpu.memory_space<vmem>>[vector<16xi32>], vector<16xf32>,
        %lt3A_3326 = arith.cmpf olt, %gather3A_3325, %gather3A_1841 : vector<16xf32>
        %add3A_3327 = arith.constant 32 : i32
        %add3A_3328 = vector.broadcast %add3A_3327 : i32 to vector<16xi32>
        %add3A_3329 = arith.addi %select_n3A_3258, %add3A_3328 : vector<16xi32>
        %select_n3A_3330 = arith.select %lt3A_3326, %add3A_3329, %select_n3A_3258 : vector<16xi1>, vector<16xi32>
        %add3A_3331 = arith.constant 31 : i32
        %add3A_3332 = vector.broadcast %add3A_3331 : i32 to vector<16xi32>
        %add3A_3333 = arith.addi %select_n3A_3267, %add3A_3332 : vector<16xi32>
        %gather3A_3334 = tpu.vector_load_idx %arg7[%add3A_3333] : memref<4096xf32, #tpu.memory_space<vmem>>[vector<16xi32>], vector<16xf32>,
        %lt3A_3335 = arith.cmpf olt, %gather3A_3334, %gather3A_1866 : vector<16xf32>
        %add3A_3336 = arith.constant 32 : i32
        %add3A_3337 = vector.broadcast %add3A_3336 : i32 to vector<16xi32>
        %add3A_3338 = arith.addi %select_n3A_3267, %add3A_3337 : vector<16xi32>
        %select_n3A_3339 = arith.select %lt3A_3335, %add3A_3338, %select_n3A_3267 : vector<16xi1>, vector<16xi32>
        %add3A_3340 = arith.constant 31 : i32
        %add3A_3341 = vector.broadcast %add3A_3340 : i32 to vector<16xi32>
        %add3A_3342 = arith.addi %select_n3A_3276, %add3A_3341 : vector<16xi32>
        %gather3A_3343 = tpu.vector_load_idx %arg7[%add3A_3342] : memref<4096xf32, #tpu.memory_space<vmem>>[vector<16xi32>], vector<16xf32>,
        %lt3A_3344 = arith.cmpf olt, %gather3A_3343, %gather3A_1891 : vector<16xf32>
        %add3A_3345 = arith.constant 32 : i32
        %add3A_3346 = vector.broadcast %add3A_3345 : i32 to vector<16xi32>
        %add3A_3347 = arith.addi %select_n3A_3276, %add3A_3346 : vector<16xi32>
        %select_n3A_3348 = arith.select %lt3A_3344, %add3A_3347, %select_n3A_3276 : vector<16xi1>, vector<16xi32>
        %add3A_3349 = arith.constant 31 : i32
        %add3A_3350 = vector.broadcast %add3A_3349 : i32 to vector<16xi32>
        %add3A_3351 = arith.addi %select_n3A_3285, %add3A_3350 : vector<16xi32>
        %gather3A_3352 = tpu.vector_load_idx %arg7[%add3A_3351] : memref<4096xf32, #tpu.memory_space<vmem>>[vector<16xi32>], vector<16xf32>,
        %lt3A_3353 = arith.cmpf olt, %gather3A_3352, %gather3A_1916 : vector<16xf32>
        %add3A_3354 = arith.constant 32 : i32
        %add3A_3355 = vector.broadcast %add3A_3354 : i32 to vector<16xi32>
        %add3A_3356 = arith.addi %select_n3A_3285, %add3A_3355 : vector<16xi32>
        %select_n3A_3357 = arith.select %lt3A_3353, %add3A_3356, %select_n3A_3285 : vector<16xi1>, vector<16xi32>
        %add3A_3358 = arith.constant 31 : i32
        %add3A_3359 = vector.broadcast %add3A_3358 : i32 to vector<16xi32>
        %add3A_3360 = arith.addi %select_n3A_3294, %add3A_3359 : vector<16xi32>
        %gather3A_3361 = tpu.vector_load_idx %arg7[%add3A_3360] : memref<4096xf32, #tpu.memory_space<vmem>>[vector<16xi32>], vector<16xf32>,
        %lt3A_3362 = arith.cmpf olt, %gather3A_3361, %gather3A_1941 : vector<16xf32>
        %add3A_3363 = arith.constant 32 : i32
        %add3A_3364 = vector.broadcast %add3A_3363 : i32 to vector<16xi32>
        %add3A_3365 = arith.addi %select_n3A_3294, %add3A_3364 : vector<16xi32>
        %select_n3A_3366 = arith.select %lt3A_3362, %add3A_3365, %select_n3A_3294 : vector<16xi1>, vector<16xi32>
        %add3A_3367 = arith.constant 15 : i32
        %add3A_3368 = vector.broadcast %add3A_3367 : i32 to vector<16xi32>
        %add3A_3369 = arith.addi %select_n3A_3303, %add3A_3368 : vector<16xi32>
        %gather3A_3370 = tpu.vector_load_idx %arg7[%add3A_3369] : memref<4096xf32, #tpu.memory_space<vmem>>[vector<16xi32>], vector<16xf32>,
        %lt3A_3371 = arith.cmpf olt, %gather3A_3370, %gather3A_1770 : vector<16xf32>
        %add3A_3372 = arith.constant 16 : i32
        %add3A_3373 = vector.broadcast %add3A_3372 : i32 to vector<16xi32>
        %add3A_3374 = arith.addi %select_n3A_3303, %add3A_3373 : vector<16xi32>
        %select_n3A_3375 = arith.select %lt3A_3371, %add3A_3374, %select_n3A_3303 : vector<16xi1>, vector<16xi32>
        %add3A_3376 = arith.constant 15 : i32
        %add3A_3377 = vector.broadcast %add3A_3376 : i32 to vector<16xi32>
        %add3A_3378 = arith.addi %select_n3A_3312, %add3A_3377 : vector<16xi32>
        %gather3A_3379 = tpu.vector_load_idx %arg7[%add3A_3378] : memref<4096xf32, #tpu.memory_space<vmem>>[vector<16xi32>], vector<16xf32>,
        %lt3A_3380 = arith.cmpf olt, %gather3A_3379, %gather3A_1792 : vector<16xf32>
        %add3A_3381 = arith.constant 16 : i32
        %add3A_3382 = vector.broadcast %add3A_3381 : i32 to vector<16xi32>
        %add3A_3383 = arith.addi %select_n3A_3312, %add3A_3382 : vector<16xi32>
        %select_n3A_3384 = arith.select %lt3A_3380, %add3A_3383, %select_n3A_3312 : vector<16xi1>, vector<16xi32>
        %add3A_3385 = arith.constant 15 : i32
        %add3A_3386 = vector.broadcast %add3A_3385 : i32 to vector<16xi32>
        %add3A_3387 = arith.addi %select_n3A_3321, %add3A_3386 : vector<16xi32>
        %gather3A_3388 = tpu.vector_load_idx %arg7[%add3A_3387] : memref<4096xf32, #tpu.memory_space<vmem>>[vector<16xi32>], vector<16xf32>,
        %lt3A_3389 = arith.cmpf olt, %gather3A_3388, %gather3A_1816 : vector<16xf32>
        %add3A_3390 = arith.constant 16 : i32
        %add3A_3391 = vector.broadcast %add3A_3390 : i32 to vector<16xi32>
        %add3A_3392 = arith.addi %select_n3A_3321, %add3A_3391 : vector<16xi32>
        %select_n3A_3393 = arith.select %lt3A_3389, %add3A_3392, %select_n3A_3321 : vector<16xi1>, vector<16xi32>
        %add3A_3394 = arith.constant 15 : i32
        %add3A_3395 = vector.broadcast %add3A_3394 : i32 to vector<16xi32>
        %add3A_3396 = arith.addi %select_n3A_3330, %add3A_3395 : vector<16xi32>
        %gather3A_3397 = tpu.vector_load_idx %arg7[%add3A_3396] : memref<4096xf32, #tpu.memory_space<vmem>>[vector<16xi32>], vector<16xf32>,
        %lt3A_3398 = arith.cmpf olt, %gather3A_3397, %gather3A_1841 : vector<16xf32>
        %add3A_3399 = arith.constant 16 : i32
        %add3A_3400 = vector.broadcast %add3A_3399 : i32 to vector<16xi32>
        %add3A_3401 = arith.addi %select_n3A_3330, %add3A_3400 : vector<16xi32>
        %select_n3A_3402 = arith.select %lt3A_3398, %add3A_3401, %select_n3A_3330 : vector<16xi1>, vector<16xi32>
        %add3A_3403 = arith.constant 15 : i32
        %add3A_3404 = vector.broadcast %add3A_3403 : i32 to vector<16xi32>
        %add3A_3405 = arith.addi %select_n3A_3339, %add3A_3404 : vector<16xi32>
        %gather3A_3406 = tpu.vector_load_idx %arg7[%add3A_3405] : memref<4096xf32, #tpu.memory_space<vmem>>[vector<16xi32>], vector<16xf32>,
        %lt3A_3407 = arith.cmpf olt, %gather3A_3406, %gather3A_1866 : vector<16xf32>
        %add3A_3408 = arith.constant 16 : i32
        %add3A_3409 = vector.broadcast %add3A_3408 : i32 to vector<16xi32>
        %add3A_3410 = arith.addi %select_n3A_3339, %add3A_3409 : vector<16xi32>
        %select_n3A_3411 = arith.select %lt3A_3407, %add3A_3410, %select_n3A_3339 : vector<16xi1>, vector<16xi32>
        %add3A_3412 = arith.constant 15 : i32
        %add3A_3413 = vector.broadcast %add3A_3412 : i32 to vector<16xi32>
        %add3A_3414 = arith.addi %select_n3A_3348, %add3A_3413 : vector<16xi32>
        %gather3A_3415 = tpu.vector_load_idx %arg7[%add3A_3414] : memref<4096xf32, #tpu.memory_space<vmem>>[vector<16xi32>], vector<16xf32>,
        %lt3A_3416 = arith.cmpf olt, %gather3A_3415, %gather3A_1891 : vector<16xf32>
        %add3A_3417 = arith.constant 16 : i32
        %add3A_3418 = vector.broadcast %add3A_3417 : i32 to vector<16xi32>
        %add3A_3419 = arith.addi %select_n3A_3348, %add3A_3418 : vector<16xi32>
        %select_n3A_3420 = arith.select %lt3A_3416, %add3A_3419, %select_n3A_3348 : vector<16xi1>, vector<16xi32>
        %add3A_3421 = arith.constant 15 : i32
        %add3A_3422 = vector.broadcast %add3A_3421 : i32 to vector<16xi32>
        %add3A_3423 = arith.addi %select_n3A_3357, %add3A_3422 : vector<16xi32>
        %gather3A_3424 = tpu.vector_load_idx %arg7[%add3A_3423] : memref<4096xf32, #tpu.memory_space<vmem>>[vector<16xi32>], vector<16xf32>,
        %lt3A_3425 = arith.cmpf olt, %gather3A_3424, %gather3A_1916 : vector<16xf32>
        %add3A_3426 = arith.constant 16 : i32
        %add3A_3427 = vector.broadcast %add3A_3426 : i32 to vector<16xi32>
        %add3A_3428 = arith.addi %select_n3A_3357, %add3A_3427 : vector<16xi32>
        %select_n3A_3429 = arith.select %lt3A_3425, %add3A_3428, %select_n3A_3357 : vector<16xi1>, vector<16xi32>
        %add3A_3430 = arith.constant 15 : i32
        %add3A_3431 = vector.broadcast %add3A_3430 : i32 to vector<16xi32>
        %add3A_3432 = arith.addi %select_n3A_3366, %add3A_3431 : vector<16xi32>
        %gather3A_3433 = tpu.vector_load_idx %arg7[%add3A_3432] : memref<4096xf32, #tpu.memory_space<vmem>>[vector<16xi32>], vector<16xf32>,
        %lt3A_3434 = arith.cmpf olt, %gather3A_3433, %gather3A_1941 : vector<16xf32>
        %add3A_3435 = arith.constant 16 : i32
        %add3A_3436 = vector.broadcast %add3A_3435 : i32 to vector<16xi32>
        %add3A_3437 = arith.addi %select_n3A_3366, %add3A_3436 : vector<16xi32>
        %select_n3A_3438 = arith.select %lt3A_3434, %add3A_3437, %select_n3A_3366 : vector<16xi1>, vector<16xi32>
        %add3A_3439 = arith.constant 7 : i32
        %add3A_3440 = vector.broadcast %add3A_3439 : i32 to vector<16xi32>
        %add3A_3441 = arith.addi %select_n3A_3375, %add3A_3440 : vector<16xi32>
        %gather3A_3442 = tpu.vector_load_idx %arg7[%add3A_3441] : memref<4096xf32, #tpu.memory_space<vmem>>[vector<16xi32>], vector<16xf32>,
        %lt3A_3443 = arith.cmpf olt, %gather3A_3442, %gather3A_1770 : vector<16xf32>
        %add3A_3444 = arith.constant 8 : i32
        %add3A_3445 = vector.broadcast %add3A_3444 : i32 to vector<16xi32>
        %add3A_3446 = arith.addi %select_n3A_3375, %add3A_3445 : vector<16xi32>
        %select_n3A_3447 = arith.select %lt3A_3443, %add3A_3446, %select_n3A_3375 : vector<16xi1>, vector<16xi32>
        %add3A_3448 = arith.constant 7 : i32
        %add3A_3449 = vector.broadcast %add3A_3448 : i32 to vector<16xi32>
        %add3A_3450 = arith.addi %select_n3A_3384, %add3A_3449 : vector<16xi32>
        %gather3A_3451 = tpu.vector_load_idx %arg7[%add3A_3450] : memref<4096xf32, #tpu.memory_space<vmem>>[vector<16xi32>], vector<16xf32>,
        %lt3A_3452 = arith.cmpf olt, %gather3A_3451, %gather3A_1792 : vector<16xf32>
        %add3A_3453 = arith.constant 8 : i32
        %add3A_3454 = vector.broadcast %add3A_3453 : i32 to vector<16xi32>
        %add3A_3455 = arith.addi %select_n3A_3384, %add3A_3454 : vector<16xi32>
        %select_n3A_3456 = arith.select %lt3A_3452, %add3A_3455, %select_n3A_3384 : vector<16xi1>, vector<16xi32>
        %add3A_3457 = arith.constant 7 : i32
        %add3A_3458 = vector.broadcast %add3A_3457 : i32 to vector<16xi32>
        %add3A_3459 = arith.addi %select_n3A_3393, %add3A_3458 : vector<16xi32>
        %gather3A_3460 = tpu.vector_load_idx %arg7[%add3A_3459] : memref<4096xf32, #tpu.memory_space<vmem>>[vector<16xi32>], vector<16xf32>,
        %lt3A_3461 = arith.cmpf olt, %gather3A_3460, %gather3A_1816 : vector<16xf32>
        %add3A_3462 = arith.constant 8 : i32
        %add3A_3463 = vector.broadcast %add3A_3462 : i32 to vector<16xi32>
        %add3A_3464 = arith.addi %select_n3A_3393, %add3A_3463 : vector<16xi32>
        %select_n3A_3465 = arith.select %lt3A_3461, %add3A_3464, %select_n3A_3393 : vector<16xi1>, vector<16xi32>
        %add3A_3466 = arith.constant 7 : i32
        %add3A_3467 = vector.broadcast %add3A_3466 : i32 to vector<16xi32>
        %add3A_3468 = arith.addi %select_n3A_3402, %add3A_3467 : vector<16xi32>
        %gather3A_3469 = tpu.vector_load_idx %arg7[%add3A_3468] : memref<4096xf32, #tpu.memory_space<vmem>>[vector<16xi32>], vector<16xf32>,
        %lt3A_3470 = arith.cmpf olt, %gather3A_3469, %gather3A_1841 : vector<16xf32>
        %add3A_3471 = arith.constant 8 : i32
        %add3A_3472 = vector.broadcast %add3A_3471 : i32 to vector<16xi32>
        %add3A_3473 = arith.addi %select_n3A_3402, %add3A_3472 : vector<16xi32>
        %select_n3A_3474 = arith.select %lt3A_3470, %add3A_3473, %select_n3A_3402 : vector<16xi1>, vector<16xi32>
        %add3A_3475 = arith.constant 7 : i32
        %add3A_3476 = vector.broadcast %add3A_3475 : i32 to vector<16xi32>
        %add3A_3477 = arith.addi %select_n3A_3411, %add3A_3476 : vector<16xi32>
        %gather3A_3478 = tpu.vector_load_idx %arg7[%add3A_3477] : memref<4096xf32, #tpu.memory_space<vmem>>[vector<16xi32>], vector<16xf32>,
        %lt3A_3479 = arith.cmpf olt, %gather3A_3478, %gather3A_1866 : vector<16xf32>
        %add3A_3480 = arith.constant 8 : i32
        %add3A_3481 = vector.broadcast %add3A_3480 : i32 to vector<16xi32>
        %add3A_3482 = arith.addi %select_n3A_3411, %add3A_3481 : vector<16xi32>
        %select_n3A_3483 = arith.select %lt3A_3479, %add3A_3482, %select_n3A_3411 : vector<16xi1>, vector<16xi32>
        %add3A_3484 = arith.constant 7 : i32
        %add3A_3485 = vector.broadcast %add3A_3484 : i32 to vector<16xi32>
        %add3A_3486 = arith.addi %select_n3A_3420, %add3A_3485 : vector<16xi32>
        %gather3A_3487 = tpu.vector_load_idx %arg7[%add3A_3486] : memref<4096xf32, #tpu.memory_space<vmem>>[vector<16xi32>], vector<16xf32>,
        %lt3A_3488 = arith.cmpf olt, %gather3A_3487, %gather3A_1891 : vector<16xf32>
        %add3A_3489 = arith.constant 8 : i32
        %add3A_3490 = vector.broadcast %add3A_3489 : i32 to vector<16xi32>
        %add3A_3491 = arith.addi %select_n3A_3420, %add3A_3490 : vector<16xi32>
        %select_n3A_3492 = arith.select %lt3A_3488, %add3A_3491, %select_n3A_3420 : vector<16xi1>, vector<16xi32>
        %add3A_3493 = arith.constant 7 : i32
        %add3A_3494 = vector.broadcast %add3A_3493 : i32 to vector<16xi32>
        %add3A_3495 = arith.addi %select_n3A_3429, %add3A_3494 : vector<16xi32>
        %gather3A_3496 = tpu.vector_load_idx %arg7[%add3A_3495] : memref<4096xf32, #tpu.memory_space<vmem>>[vector<16xi32>], vector<16xf32>,
        %lt3A_3497 = arith.cmpf olt, %gather3A_3496, %gather3A_1916 : vector<16xf32>
        %add3A_3498 = arith.constant 8 : i32
        %add3A_3499 = vector.broadcast %add3A_3498 : i32 to vector<16xi32>
        %add3A_3500 = arith.addi %select_n3A_3429, %add3A_3499 : vector<16xi32>
        %select_n3A_3501 = arith.select %lt3A_3497, %add3A_3500, %select_n3A_3429 : vector<16xi1>, vector<16xi32>
        %add3A_3502 = arith.constant 7 : i32
        %add3A_3503 = vector.broadcast %add3A_3502 : i32 to vector<16xi32>
        %add3A_3504 = arith.addi %select_n3A_3438, %add3A_3503 : vector<16xi32>
        %gather3A_3505 = tpu.vector_load_idx %arg7[%add3A_3504] : memref<4096xf32, #tpu.memory_space<vmem>>[vector<16xi32>], vector<16xf32>,
        %lt3A_3506 = arith.cmpf olt, %gather3A_3505, %gather3A_1941 : vector<16xf32>
        %add3A_3507 = arith.constant 8 : i32
        %add3A_3508 = vector.broadcast %add3A_3507 : i32 to vector<16xi32>
        %add3A_3509 = arith.addi %select_n3A_3438, %add3A_3508 : vector<16xi32>
        %select_n3A_3510 = arith.select %lt3A_3506, %add3A_3509, %select_n3A_3438 : vector<16xi1>, vector<16xi32>
        %add3A_3511 = arith.constant 3 : i32
        %add3A_3512 = vector.broadcast %add3A_3511 : i32 to vector<16xi32>
        %add3A_3513 = arith.addi %select_n3A_3447, %add3A_3512 : vector<16xi32>
        %gather3A_3514 = tpu.vector_load_idx %arg7[%add3A_3513] : memref<4096xf32, #tpu.memory_space<vmem>>[vector<16xi32>], vector<16xf32>,
        %lt3A_3515 = arith.cmpf olt, %gather3A_3514, %gather3A_1770 : vector<16xf32>
        %add3A_3516 = arith.constant 4 : i32
        %add3A_3517 = vector.broadcast %add3A_3516 : i32 to vector<16xi32>
        %add3A_3518 = arith.addi %select_n3A_3447, %add3A_3517 : vector<16xi32>
        %select_n3A_3519 = arith.select %lt3A_3515, %add3A_3518, %select_n3A_3447 : vector<16xi1>, vector<16xi32>
        %add3A_3520 = arith.constant 3 : i32
        %add3A_3521 = vector.broadcast %add3A_3520 : i32 to vector<16xi32>
        %add3A_3522 = arith.addi %select_n3A_3456, %add3A_3521 : vector<16xi32>
        %gather3A_3523 = tpu.vector_load_idx %arg7[%add3A_3522] : memref<4096xf32, #tpu.memory_space<vmem>>[vector<16xi32>], vector<16xf32>,
        %lt3A_3524 = arith.cmpf olt, %gather3A_3523, %gather3A_1792 : vector<16xf32>
        %add3A_3525 = arith.constant 4 : i32
        %add3A_3526 = vector.broadcast %add3A_3525 : i32 to vector<16xi32>
        %add3A_3527 = arith.addi %select_n3A_3456, %add3A_3526 : vector<16xi32>
        %select_n3A_3528 = arith.select %lt3A_3524, %add3A_3527, %select_n3A_3456 : vector<16xi1>, vector<16xi32>
        %add3A_3529 = arith.constant 3 : i32
        %add3A_3530 = vector.broadcast %add3A_3529 : i32 to vector<16xi32>
        %add3A_3531 = arith.addi %select_n3A_3465, %add3A_3530 : vector<16xi32>
        %gather3A_3532 = tpu.vector_load_idx %arg7[%add3A_3531] : memref<4096xf32, #tpu.memory_space<vmem>>[vector<16xi32>], vector<16xf32>,
        %lt3A_3533 = arith.cmpf olt, %gather3A_3532, %gather3A_1816 : vector<16xf32>
        %add3A_3534 = arith.constant 4 : i32
        %add3A_3535 = vector.broadcast %add3A_3534 : i32 to vector<16xi32>
        %add3A_3536 = arith.addi %select_n3A_3465, %add3A_3535 : vector<16xi32>
        %select_n3A_3537 = arith.select %lt3A_3533, %add3A_3536, %select_n3A_3465 : vector<16xi1>, vector<16xi32>
        %add3A_3538 = arith.constant 3 : i32
        %add3A_3539 = vector.broadcast %add3A_3538 : i32 to vector<16xi32>
        %add3A_3540 = arith.addi %select_n3A_3474, %add3A_3539 : vector<16xi32>
        %gather3A_3541 = tpu.vector_load_idx %arg7[%add3A_3540] : memref<4096xf32, #tpu.memory_space<vmem>>[vector<16xi32>], vector<16xf32>,
        %lt3A_3542 = arith.cmpf olt, %gather3A_3541, %gather3A_1841 : vector<16xf32>
        %add3A_3543 = arith.constant 4 : i32
        %add3A_3544 = vector.broadcast %add3A_3543 : i32 to vector<16xi32>
        %add3A_3545 = arith.addi %select_n3A_3474, %add3A_3544 : vector<16xi32>
        %select_n3A_3546 = arith.select %lt3A_3542, %add3A_3545, %select_n3A_3474 : vector<16xi1>, vector<16xi32>
        %add3A_3547 = arith.constant 3 : i32
        %add3A_3548 = vector.broadcast %add3A_3547 : i32 to vector<16xi32>
        %add3A_3549 = arith.addi %select_n3A_3483, %add3A_3548 : vector<16xi32>
        %gather3A_3550 = tpu.vector_load_idx %arg7[%add3A_3549] : memref<4096xf32, #tpu.memory_space<vmem>>[vector<16xi32>], vector<16xf32>,
        %lt3A_3551 = arith.cmpf olt, %gather3A_3550, %gather3A_1866 : vector<16xf32>
        %add3A_3552 = arith.constant 4 : i32
        %add3A_3553 = vector.broadcast %add3A_3552 : i32 to vector<16xi32>
        %add3A_3554 = arith.addi %select_n3A_3483, %add3A_3553 : vector<16xi32>
        %select_n3A_3555 = arith.select %lt3A_3551, %add3A_3554, %select_n3A_3483 : vector<16xi1>, vector<16xi32>
        %add3A_3556 = arith.constant 3 : i32
        %add3A_3557 = vector.broadcast %add3A_3556 : i32 to vector<16xi32>
        %add3A_3558 = arith.addi %select_n3A_3492, %add3A_3557 : vector<16xi32>
        %gather3A_3559 = tpu.vector_load_idx %arg7[%add3A_3558] : memref<4096xf32, #tpu.memory_space<vmem>>[vector<16xi32>], vector<16xf32>,
        %lt3A_3560 = arith.cmpf olt, %gather3A_3559, %gather3A_1891 : vector<16xf32>
        %add3A_3561 = arith.constant 4 : i32
        %add3A_3562 = vector.broadcast %add3A_3561 : i32 to vector<16xi32>
        %add3A_3563 = arith.addi %select_n3A_3492, %add3A_3562 : vector<16xi32>
        %select_n3A_3564 = arith.select %lt3A_3560, %add3A_3563, %select_n3A_3492 : vector<16xi1>, vector<16xi32>
        %add3A_3565 = arith.constant 3 : i32
        %add3A_3566 = vector.broadcast %add3A_3565 : i32 to vector<16xi32>
        %add3A_3567 = arith.addi %select_n3A_3501, %add3A_3566 : vector<16xi32>
        %gather3A_3568 = tpu.vector_load_idx %arg7[%add3A_3567] : memref<4096xf32, #tpu.memory_space<vmem>>[vector<16xi32>], vector<16xf32>,
        %lt3A_3569 = arith.cmpf olt, %gather3A_3568, %gather3A_1916 : vector<16xf32>
        %add3A_3570 = arith.constant 4 : i32
        %add3A_3571 = vector.broadcast %add3A_3570 : i32 to vector<16xi32>
        %add3A_3572 = arith.addi %select_n3A_3501, %add3A_3571 : vector<16xi32>
        %select_n3A_3573 = arith.select %lt3A_3569, %add3A_3572, %select_n3A_3501 : vector<16xi1>, vector<16xi32>
        %add3A_3574 = arith.constant 3 : i32
        %add3A_3575 = vector.broadcast %add3A_3574 : i32 to vector<16xi32>
        %add3A_3576 = arith.addi %select_n3A_3510, %add3A_3575 : vector<16xi32>
        %gather3A_3577 = tpu.vector_load_idx %arg7[%add3A_3576] : memref<4096xf32, #tpu.memory_space<vmem>>[vector<16xi32>], vector<16xf32>,
        %lt3A_3578 = arith.cmpf olt, %gather3A_3577, %gather3A_1941 : vector<16xf32>
        %add3A_3579 = arith.constant 4 : i32
        %add3A_3580 = vector.broadcast %add3A_3579 : i32 to vector<16xi32>
        %add3A_3581 = arith.addi %select_n3A_3510, %add3A_3580 : vector<16xi32>
        %select_n3A_3582 = arith.select %lt3A_3578, %add3A_3581, %select_n3A_3510 : vector<16xi1>, vector<16xi32>
        %add3A_3583 = arith.constant 1 : i32
        %add3A_3584 = vector.broadcast %add3A_3583 : i32 to vector<16xi32>
        %add3A_3585 = arith.addi %select_n3A_3519, %add3A_3584 : vector<16xi32>
        %gather3A_3586 = tpu.vector_load_idx %arg7[%add3A_3585] : memref<4096xf32, #tpu.memory_space<vmem>>[vector<16xi32>], vector<16xf32>,
        %lt3A_3587 = arith.cmpf olt, %gather3A_3586, %gather3A_1770 : vector<16xf32>
        %add3A_3588 = arith.constant 2 : i32
        %add3A_3589 = vector.broadcast %add3A_3588 : i32 to vector<16xi32>
        %add3A_3590 = arith.addi %select_n3A_3519, %add3A_3589 : vector<16xi32>
        %select_n3A_3591 = arith.select %lt3A_3587, %add3A_3590, %select_n3A_3519 : vector<16xi1>, vector<16xi32>
        %add3A_3592 = arith.constant 1 : i32
        %add3A_3593 = vector.broadcast %add3A_3592 : i32 to vector<16xi32>
        %add3A_3594 = arith.addi %select_n3A_3528, %add3A_3593 : vector<16xi32>
        %gather3A_3595 = tpu.vector_load_idx %arg7[%add3A_3594] : memref<4096xf32, #tpu.memory_space<vmem>>[vector<16xi32>], vector<16xf32>,
        %lt3A_3596 = arith.cmpf olt, %gather3A_3595, %gather3A_1792 : vector<16xf32>
        %add3A_3597 = arith.constant 2 : i32
        %add3A_3598 = vector.broadcast %add3A_3597 : i32 to vector<16xi32>
        %add3A_3599 = arith.addi %select_n3A_3528, %add3A_3598 : vector<16xi32>
        %select_n3A_3600 = arith.select %lt3A_3596, %add3A_3599, %select_n3A_3528 : vector<16xi1>, vector<16xi32>
        %add3A_3601 = arith.constant 1 : i32
        %add3A_3602 = vector.broadcast %add3A_3601 : i32 to vector<16xi32>
        %add3A_3603 = arith.addi %select_n3A_3537, %add3A_3602 : vector<16xi32>
        %gather3A_3604 = tpu.vector_load_idx %arg7[%add3A_3603] : memref<4096xf32, #tpu.memory_space<vmem>>[vector<16xi32>], vector<16xf32>,
        %lt3A_3605 = arith.cmpf olt, %gather3A_3604, %gather3A_1816 : vector<16xf32>
        %add3A_3606 = arith.constant 2 : i32
        %add3A_3607 = vector.broadcast %add3A_3606 : i32 to vector<16xi32>
        %add3A_3608 = arith.addi %select_n3A_3537, %add3A_3607 : vector<16xi32>
        %select_n3A_3609 = arith.select %lt3A_3605, %add3A_3608, %select_n3A_3537 : vector<16xi1>, vector<16xi32>
        %add3A_3610 = arith.constant 1 : i32
        %add3A_3611 = vector.broadcast %add3A_3610 : i32 to vector<16xi32>
        %add3A_3612 = arith.addi %select_n3A_3546, %add3A_3611 : vector<16xi32>
        %gather3A_3613 = tpu.vector_load_idx %arg7[%add3A_3612] : memref<4096xf32, #tpu.memory_space<vmem>>[vector<16xi32>], vector<16xf32>,
        %lt3A_3614 = arith.cmpf olt, %gather3A_3613, %gather3A_1841 : vector<16xf32>
        %add3A_3615 = arith.constant 2 : i32
        %add3A_3616 = vector.broadcast %add3A_3615 : i32 to vector<16xi32>
        %add3A_3617 = arith.addi %select_n3A_3546, %add3A_3616 : vector<16xi32>
        %select_n3A_3618 = arith.select %lt3A_3614, %add3A_3617, %select_n3A_3546 : vector<16xi1>, vector<16xi32>
        %add3A_3619 = arith.constant 1 : i32
        %add3A_3620 = vector.broadcast %add3A_3619 : i32 to vector<16xi32>
        %add3A_3621 = arith.addi %select_n3A_3555, %add3A_3620 : vector<16xi32>
        %gather3A_3622 = tpu.vector_load_idx %arg7[%add3A_3621] : memref<4096xf32, #tpu.memory_space<vmem>>[vector<16xi32>], vector<16xf32>,
        %lt3A_3623 = arith.cmpf olt, %gather3A_3622, %gather3A_1866 : vector<16xf32>
        %add3A_3624 = arith.constant 2 : i32
        %add3A_3625 = vector.broadcast %add3A_3624 : i32 to vector<16xi32>
        %add3A_3626 = arith.addi %select_n3A_3555, %add3A_3625 : vector<16xi32>
        %select_n3A_3627 = arith.select %lt3A_3623, %add3A_3626, %select_n3A_3555 : vector<16xi1>, vector<16xi32>
        %add3A_3628 = arith.constant 1 : i32
        %add3A_3629 = vector.broadcast %add3A_3628 : i32 to vector<16xi32>
        %add3A_3630 = arith.addi %select_n3A_3564, %add3A_3629 : vector<16xi32>
        %gather3A_3631 = tpu.vector_load_idx %arg7[%add3A_3630] : memref<4096xf32, #tpu.memory_space<vmem>>[vector<16xi32>], vector<16xf32>,
        %lt3A_3632 = arith.cmpf olt, %gather3A_3631, %gather3A_1891 : vector<16xf32>
        %add3A_3633 = arith.constant 2 : i32
        %add3A_3634 = vector.broadcast %add3A_3633 : i32 to vector<16xi32>
        %add3A_3635 = arith.addi %select_n3A_3564, %add3A_3634 : vector<16xi32>
        %select_n3A_3636 = arith.select %lt3A_3632, %add3A_3635, %select_n3A_3564 : vector<16xi1>, vector<16xi32>
        %add3A_3637 = arith.constant 1 : i32
        %add3A_3638 = vector.broadcast %add3A_3637 : i32 to vector<16xi32>
        %add3A_3639 = arith.addi %select_n3A_3573, %add3A_3638 : vector<16xi32>
        %gather3A_3640 = tpu.vector_load_idx %arg7[%add3A_3639] : memref<4096xf32, #tpu.memory_space<vmem>>[vector<16xi32>], vector<16xf32>,
        %lt3A_3641 = arith.cmpf olt, %gather3A_3640, %gather3A_1916 : vector<16xf32>
        %add3A_3642 = arith.constant 2 : i32
        %add3A_3643 = vector.broadcast %add3A_3642 : i32 to vector<16xi32>
        %add3A_3644 = arith.addi %select_n3A_3573, %add3A_3643 : vector<16xi32>
        %select_n3A_3645 = arith.select %lt3A_3641, %add3A_3644, %select_n3A_3573 : vector<16xi1>, vector<16xi32>
        %add3A_3646 = arith.constant 1 : i32
        %add3A_3647 = vector.broadcast %add3A_3646 : i32 to vector<16xi32>
        %add3A_3648 = arith.addi %select_n3A_3582, %add3A_3647 : vector<16xi32>
        %gather3A_3649 = tpu.vector_load_idx %arg7[%add3A_3648] : memref<4096xf32, #tpu.memory_space<vmem>>[vector<16xi32>], vector<16xf32>,
        %lt3A_3650 = arith.cmpf olt, %gather3A_3649, %gather3A_1941 : vector<16xf32>
        %add3A_3651 = arith.constant 2 : i32
        %add3A_3652 = vector.broadcast %add3A_3651 : i32 to vector<16xi32>
        %add3A_3653 = arith.addi %select_n3A_3582, %add3A_3652 : vector<16xi32>
        %select_n3A_3654 = arith.select %lt3A_3650, %add3A_3653, %select_n3A_3582 : vector<16xi1>, vector<16xi32>
        %add3A_3655 = arith.constant 0 : i32
        %add3A_3656 = vector.broadcast %add3A_3655 : i32 to vector<16xi32>
        %add3A_3657 = arith.addi %select_n3A_3591, %add3A_3656 : vector<16xi32>
        %gather3A_3658 = tpu.vector_load_idx %arg7[%add3A_3657] : memref<4096xf32, #tpu.memory_space<vmem>>[vector<16xi32>], vector<16xf32>,
        %lt3A_3659 = arith.cmpf olt, %gather3A_3658, %gather3A_1770 : vector<16xf32>
        %add3A_3660 = arith.constant 1 : i32
        %add3A_3661 = vector.broadcast %add3A_3660 : i32 to vector<16xi32>
        %add3A_3662 = arith.addi %select_n3A_3591, %add3A_3661 : vector<16xi32>
        %select_n3A_3663 = arith.select %lt3A_3659, %add3A_3662, %select_n3A_3591 : vector<16xi1>, vector<16xi32>
        %add3A_3664 = arith.constant 0 : i32
        %add3A_3665 = vector.broadcast %add3A_3664 : i32 to vector<16xi32>
        %add3A_3666 = arith.addi %select_n3A_3600, %add3A_3665 : vector<16xi32>
        %gather3A_3667 = tpu.vector_load_idx %arg7[%add3A_3666] : memref<4096xf32, #tpu.memory_space<vmem>>[vector<16xi32>], vector<16xf32>,
        %lt3A_3668 = arith.cmpf olt, %gather3A_3667, %gather3A_1792 : vector<16xf32>
        %add3A_3669 = arith.constant 1 : i32
        %add3A_3670 = vector.broadcast %add3A_3669 : i32 to vector<16xi32>
        %add3A_3671 = arith.addi %select_n3A_3600, %add3A_3670 : vector<16xi32>
        %select_n3A_3672 = arith.select %lt3A_3668, %add3A_3671, %select_n3A_3600 : vector<16xi1>, vector<16xi32>
        %add3A_3673 = arith.constant 0 : i32
        %add3A_3674 = vector.broadcast %add3A_3673 : i32 to vector<16xi32>
        %add3A_3675 = arith.addi %select_n3A_3609, %add3A_3674 : vector<16xi32>
        %gather3A_3676 = tpu.vector_load_idx %arg7[%add3A_3675] : memref<4096xf32, #tpu.memory_space<vmem>>[vector<16xi32>], vector<16xf32>,
        %lt3A_3677 = arith.cmpf olt, %gather3A_3676, %gather3A_1816 : vector<16xf32>
        %add3A_3678 = arith.constant 1 : i32
        %add3A_3679 = vector.broadcast %add3A_3678 : i32 to vector<16xi32>
        %add3A_3680 = arith.addi %select_n3A_3609, %add3A_3679 : vector<16xi32>
        %select_n3A_3681 = arith.select %lt3A_3677, %add3A_3680, %select_n3A_3609 : vector<16xi1>, vector<16xi32>
        %add3A_3682 = arith.constant 0 : i32
        %add3A_3683 = vector.broadcast %add3A_3682 : i32 to vector<16xi32>
        %add3A_3684 = arith.addi %select_n3A_3618, %add3A_3683 : vector<16xi32>
        %gather3A_3685 = tpu.vector_load_idx %arg7[%add3A_3684] : memref<4096xf32, #tpu.memory_space<vmem>>[vector<16xi32>], vector<16xf32>,
        %lt3A_3686 = arith.cmpf olt, %gather3A_3685, %gather3A_1841 : vector<16xf32>
        %add3A_3687 = arith.constant 1 : i32
        %add3A_3688 = vector.broadcast %add3A_3687 : i32 to vector<16xi32>
        %add3A_3689 = arith.addi %select_n3A_3618, %add3A_3688 : vector<16xi32>
        %select_n3A_3690 = arith.select %lt3A_3686, %add3A_3689, %select_n3A_3618 : vector<16xi1>, vector<16xi32>
        %add3A_3691 = arith.constant 0 : i32
        %add3A_3692 = vector.broadcast %add3A_3691 : i32 to vector<16xi32>
        %add3A_3693 = arith.addi %select_n3A_3627, %add3A_3692 : vector<16xi32>
        %gather3A_3694 = tpu.vector_load_idx %arg7[%add3A_3693] : memref<4096xf32, #tpu.memory_space<vmem>>[vector<16xi32>], vector<16xf32>,
        %lt3A_3695 = arith.cmpf olt, %gather3A_3694, %gather3A_1866 : vector<16xf32>
        %add3A_3696 = arith.constant 1 : i32
        %add3A_3697 = vector.broadcast %add3A_3696 : i32 to vector<16xi32>
        %add3A_3698 = arith.addi %select_n3A_3627, %add3A_3697 : vector<16xi32>
        %select_n3A_3699 = arith.select %lt3A_3695, %add3A_3698, %select_n3A_3627 : vector<16xi1>, vector<16xi32>
        %add3A_3700 = arith.constant 0 : i32
        %add3A_3701 = vector.broadcast %add3A_3700 : i32 to vector<16xi32>
        %add3A_3702 = arith.addi %select_n3A_3636, %add3A_3701 : vector<16xi32>
        %gather3A_3703 = tpu.vector_load_idx %arg7[%add3A_3702] : memref<4096xf32, #tpu.memory_space<vmem>>[vector<16xi32>], vector<16xf32>,
        %lt3A_3704 = arith.cmpf olt, %gather3A_3703, %gather3A_1891 : vector<16xf32>
        %add3A_3705 = arith.constant 1 : i32
        %add3A_3706 = vector.broadcast %add3A_3705 : i32 to vector<16xi32>
        %add3A_3707 = arith.addi %select_n3A_3636, %add3A_3706 : vector<16xi32>
        %select_n3A_3708 = arith.select %lt3A_3704, %add3A_3707, %select_n3A_3636 : vector<16xi1>, vector<16xi32>
        %add3A_3709 = arith.constant 0 : i32
        %add3A_3710 = vector.broadcast %add3A_3709 : i32 to vector<16xi32>
        %add3A_3711 = arith.addi %select_n3A_3645, %add3A_3710 : vector<16xi32>
        %gather3A_3712 = tpu.vector_load_idx %arg7[%add3A_3711] : memref<4096xf32, #tpu.memory_space<vmem>>[vector<16xi32>], vector<16xf32>,
        %lt3A_3713 = arith.cmpf olt, %gather3A_3712, %gather3A_1916 : vector<16xf32>
        %add3A_3714 = arith.constant 1 : i32
        %add3A_3715 = vector.broadcast %add3A_3714 : i32 to vector<16xi32>
        %add3A_3716 = arith.addi %select_n3A_3645, %add3A_3715 : vector<16xi32>
        %select_n3A_3717 = arith.select %lt3A_3713, %add3A_3716, %select_n3A_3645 : vector<16xi1>, vector<16xi32>
        %add3A_3718 = arith.constant 0 : i32
        %add3A_3719 = vector.broadcast %add3A_3718 : i32 to vector<16xi32>
        %add3A_3720 = arith.addi %select_n3A_3654, %add3A_3719 : vector<16xi32>
        %gather3A_3721 = tpu.vector_load_idx %arg7[%add3A_3720] : memref<4096xf32, #tpu.memory_space<vmem>>[vector<16xi32>], vector<16xf32>,
        %lt3A_3722 = arith.cmpf olt, %gather3A_3721, %gather3A_1941 : vector<16xf32>
        %add3A_3723 = arith.constant 1 : i32
        %add3A_3724 = vector.broadcast %add3A_3723 : i32 to vector<16xi32>
        %add3A_3725 = arith.addi %select_n3A_3654, %add3A_3724 : vector<16xi32>
        %select_n3A_3726 = arith.select %lt3A_3722, %add3A_3725, %select_n3A_3654 : vector<16xi1>, vector<16xi32>
        %add3A_3727 = arith.constant 0 : i32
        %add3A_3728 = vector.broadcast %add3A_3727 : i32 to vector<16xi32>
        %add3A_3729 = arith.addi %select_n3A_3663, %add3A_3728 : vector<16xi32>
        %gather3A_3730 = tpu.vector_load_idx %arg7[%add3A_3729] : memref<4096xf32, #tpu.memory_space<vmem>>[vector<16xi32>], vector<16xf32>,
        %lt3A_3731 = arith.cmpf olt, %gather3A_3730, %gather3A_1770 : vector<16xf32>
        %add3A_3732 = arith.constant 1 : i32
        %add3A_3733 = vector.broadcast %add3A_3732 : i32 to vector<16xi32>
        %add3A_3734 = arith.addi %select_n3A_3663, %add3A_3733 : vector<16xi32>
        %select_n3A_3735 = arith.select %lt3A_3731, %add3A_3734, %select_n3A_3663 : vector<16xi1>, vector<16xi32>
        %add3A_3736 = arith.constant 0 : i32
        %add3A_3737 = vector.broadcast %add3A_3736 : i32 to vector<16xi32>
        %add3A_3738 = arith.addi %select_n3A_3672, %add3A_3737 : vector<16xi32>
        %gather3A_3739 = tpu.vector_load_idx %arg7[%add3A_3738] : memref<4096xf32, #tpu.memory_space<vmem>>[vector<16xi32>], vector<16xf32>,
        %lt3A_3740 = arith.cmpf olt, %gather3A_3739, %gather3A_1792 : vector<16xf32>
        %add3A_3741 = arith.constant 1 : i32
        %add3A_3742 = vector.broadcast %add3A_3741 : i32 to vector<16xi32>
        %add3A_3743 = arith.addi %select_n3A_3672, %add3A_3742 : vector<16xi32>
        %select_n3A_3744 = arith.select %lt3A_3740, %add3A_3743, %select_n3A_3672 : vector<16xi1>, vector<16xi32>
        %add3A_3745 = arith.constant 0 : i32
        %add3A_3746 = vector.broadcast %add3A_3745 : i32 to vector<16xi32>
        %add3A_3747 = arith.addi %select_n3A_3681, %add3A_3746 : vector<16xi32>
        %gather3A_3748 = tpu.vector_load_idx %arg7[%add3A_3747] : memref<4096xf32, #tpu.memory_space<vmem>>[vector<16xi32>], vector<16xf32>,
        %lt3A_3749 = arith.cmpf olt, %gather3A_3748, %gather3A_1816 : vector<16xf32>
        %add3A_3750 = arith.constant 1 : i32
        %add3A_3751 = vector.broadcast %add3A_3750 : i32 to vector<16xi32>
        %add3A_3752 = arith.addi %select_n3A_3681, %add3A_3751 : vector<16xi32>
        %select_n3A_3753 = arith.select %lt3A_3749, %add3A_3752, %select_n3A_3681 : vector<16xi1>, vector<16xi32>
        %add3A_3754 = arith.constant 0 : i32
        %add3A_3755 = vector.broadcast %add3A_3754 : i32 to vector<16xi32>
        %add3A_3756 = arith.addi %select_n3A_3690, %add3A_3755 : vector<16xi32>
        %gather3A_3757 = tpu.vector_load_idx %arg7[%add3A_3756] : memref<4096xf32, #tpu.memory_space<vmem>>[vector<16xi32>], vector<16xf32>,
        %lt3A_3758 = arith.cmpf olt, %gather3A_3757, %gather3A_1841 : vector<16xf32>
        %add3A_3759 = arith.constant 1 : i32
        %add3A_3760 = vector.broadcast %add3A_3759 : i32 to vector<16xi32>
        %add3A_3761 = arith.addi %select_n3A_3690, %add3A_3760 : vector<16xi32>
        %select_n3A_3762 = arith.select %lt3A_3758, %add3A_3761, %select_n3A_3690 : vector<16xi1>, vector<16xi32>
        %add3A_3763 = arith.constant 0 : i32
        %add3A_3764 = vector.broadcast %add3A_3763 : i32 to vector<16xi32>
        %add3A_3765 = arith.addi %select_n3A_3699, %add3A_3764 : vector<16xi32>
        %gather3A_3766 = tpu.vector_load_idx %arg7[%add3A_3765] : memref<4096xf32, #tpu.memory_space<vmem>>[vector<16xi32>], vector<16xf32>,
        %lt3A_3767 = arith.cmpf olt, %gather3A_3766, %gather3A_1866 : vector<16xf32>
        %add3A_3768 = arith.constant 1 : i32
        %add3A_3769 = vector.broadcast %add3A_3768 : i32 to vector<16xi32>
        %add3A_3770 = arith.addi %select_n3A_3699, %add3A_3769 : vector<16xi32>
        %select_n3A_3771 = arith.select %lt3A_3767, %add3A_3770, %select_n3A_3699 : vector<16xi1>, vector<16xi32>
        %add3A_3772 = arith.constant 0 : i32
        %add3A_3773 = vector.broadcast %add3A_3772 : i32 to vector<16xi32>
        %add3A_3774 = arith.addi %select_n3A_3708, %add3A_3773 : vector<16xi32>
        %gather3A_3775 = tpu.vector_load_idx %arg7[%add3A_3774] : memref<4096xf32, #tpu.memory_space<vmem>>[vector<16xi32>], vector<16xf32>,
        %lt3A_3776 = arith.cmpf olt, %gather3A_3775, %gather3A_1891 : vector<16xf32>
        %add3A_3777 = arith.constant 1 : i32
        %add3A_3778 = vector.broadcast %add3A_3777 : i32 to vector<16xi32>
        %add3A_3779 = arith.addi %select_n3A_3708, %add3A_3778 : vector<16xi32>
        %select_n3A_3780 = arith.select %lt3A_3776, %add3A_3779, %select_n3A_3708 : vector<16xi1>, vector<16xi32>
        %add3A_3781 = arith.constant 0 : i32
        %add3A_3782 = vector.broadcast %add3A_3781 : i32 to vector<16xi32>
        %add3A_3783 = arith.addi %select_n3A_3717, %add3A_3782 : vector<16xi32>
        %gather3A_3784 = tpu.vector_load_idx %arg7[%add3A_3783] : memref<4096xf32, #tpu.memory_space<vmem>>[vector<16xi32>], vector<16xf32>,
        %lt3A_3785 = arith.cmpf olt, %gather3A_3784, %gather3A_1916 : vector<16xf32>
        %add3A_3786 = arith.constant 1 : i32
        %add3A_3787 = vector.broadcast %add3A_3786 : i32 to vector<16xi32>
        %add3A_3788 = arith.addi %select_n3A_3717, %add3A_3787 : vector<16xi32>
        %select_n3A_3789 = arith.select %lt3A_3785, %add3A_3788, %select_n3A_3717 : vector<16xi1>, vector<16xi32>
        %add3A_3790 = arith.constant 0 : i32
        %add3A_3791 = vector.broadcast %add3A_3790 : i32 to vector<16xi32>
        %add3A_3792 = arith.addi %select_n3A_3726, %add3A_3791 : vector<16xi32>
        %gather3A_3793 = tpu.vector_load_idx %arg7[%add3A_3792] : memref<4096xf32, #tpu.memory_space<vmem>>[vector<16xi32>], vector<16xf32>,
        %lt3A_3794 = arith.cmpf olt, %gather3A_3793, %gather3A_1941 : vector<16xf32>
        %add3A_3795 = arith.constant 1 : i32
        %add3A_3796 = vector.broadcast %add3A_3795 : i32 to vector<16xi32>
        %add3A_3797 = arith.addi %select_n3A_3726, %add3A_3796 : vector<16xi32>
        %select_n3A_3798 = arith.select %lt3A_3794, %add3A_3797, %select_n3A_3726 : vector<16xi1>, vector<16xi32>
        %gather3A_3799 = tpu.vector_load_idx %arg8[%select_n3A_3735] : memref<4096xf32, #tpu.memory_space<vmem>>[vector<16xi32>], vector<16xf32>,
        %gather3A_3800 = tpu.vector_load_idx %arg8[%select_n3A_3744] : memref<4096xf32, #tpu.memory_space<vmem>>[vector<16xi32>], vector<16xf32>,
        %gather3A_3801 = tpu.vector_load_idx %arg8[%select_n3A_3753] : memref<4096xf32, #tpu.memory_space<vmem>>[vector<16xi32>], vector<16xf32>,
        %gather3A_3802 = tpu.vector_load_idx %arg8[%select_n3A_3762] : memref<4096xf32, #tpu.memory_space<vmem>>[vector<16xi32>], vector<16xf32>,
        %gather3A_3803 = tpu.vector_load_idx %arg8[%select_n3A_3771] : memref<4096xf32, #tpu.memory_space<vmem>>[vector<16xi32>], vector<16xf32>,
        %gather3A_3804 = tpu.vector_load_idx %arg8[%select_n3A_3780] : memref<4096xf32, #tpu.memory_space<vmem>>[vector<16xi32>], vector<16xf32>,
        %gather3A_3805 = tpu.vector_load_idx %arg8[%select_n3A_3789] : memref<4096xf32, #tpu.memory_space<vmem>>[vector<16xi32>], vector<16xf32>,
        %gather3A_3806 = tpu.vector_load_idx %arg8[%select_n3A_3798] : memref<4096xf32, #tpu.memory_space<vmem>>[vector<16xi32>], vector<16xf32>,
        scf.yield %gather3A_3799, %gather3A_3800, %gather3A_3801, %gather3A_3802, %gather3A_3803, %gather3A_3804, %gather3A_3805, %gather3A_3806 : vector<16xf32>, vector<16xf32>, vector<16xf32>, vector<16xf32>, vector<16xf32>, vector<16xf32>, vector<16xf32>, vector<16xf32>
      } else {
        %gather3A_2319 = tpu.vector_load_idx %arg8[%max3A_1763] : memref<4096xf32, #tpu.memory_space<vmem>>[vector<16xi32>], vector<16xf32>,
        %gather3A_2320 = tpu.vector_load_idx %arg8[%max3A_1785] : memref<4096xf32, #tpu.memory_space<vmem>>[vector<16xi32>], vector<16xf32>,
        %gather3A_2321 = tpu.vector_load_idx %arg8[%max3A_1809] : memref<4096xf32, #tpu.memory_space<vmem>>[vector<16xi32>], vector<16xf32>,
        %gather3A_2322 = tpu.vector_load_idx %arg8[%max3A_1834] : memref<4096xf32, #tpu.memory_space<vmem>>[vector<16xi32>], vector<16xf32>,
        %gather3A_2323 = tpu.vector_load_idx %arg8[%max3A_1859] : memref<4096xf32, #tpu.memory_space<vmem>>[vector<16xi32>], vector<16xf32>,
        %gather3A_2324 = tpu.vector_load_idx %arg8[%max3A_1884] : memref<4096xf32, #tpu.memory_space<vmem>>[vector<16xi32>], vector<16xf32>,
        %gather3A_2325 = tpu.vector_load_idx %arg8[%max3A_1909] : memref<4096xf32, #tpu.memory_space<vmem>>[vector<16xi32>], vector<16xf32>,
        %gather3A_2326 = tpu.vector_load_idx %arg8[%max3A_1934] : memref<4096xf32, #tpu.memory_space<vmem>>[vector<16xi32>], vector<16xf32>,
        scf.yield %gather3A_2319, %gather3A_2320, %gather3A_2321, %gather3A_2322, %gather3A_2323, %gather3A_2324, %gather3A_2325, %gather3A_2326 : vector<16xf32>, vector<16xf32>, vector<16xf32>, vector<16xf32>, vector<16xf32>, vector<16xf32>, vector<16xf32>, vector<16xf32>
      }
      %lt3A_1961 = arith.constant 4096 : i32
      %lt3A_1962 = vector.broadcast %lt3A_1961 : i32 to vector<16xi32>
      %lt3A_1963 = arith.cmpi slt, %select_n3A_1689, %lt3A_1962 : vector<16xi32>
      %eq3A_1964 = arith.cmpf oeq, %gather3A_1756, %get3A_225 : vector<16xf32>
      %and3A_1965 = arith.andi %lt3A_1963, %eq3A_1964 : vector<16xi1>
      %eq3A_1966 = arith.constant 0 : i32
      %eq3A_1967 = vector.broadcast %eq3A_1966 : i32 to vector<16xi32>
      %eq3A_1968 = arith.cmpi eq, %select_n3A_1689, %eq3A_1967 : vector<16xi32>
      %not3A = arith.constant dense<true> : vector<16xi1>
      %not3A_1969 = arith.xori %and3A_1965, %not3A : vector<16xi1>
      %and3A_1970 = arith.andi %eq3A_1968, %not3A_1969 : vector<16xi1>
      %not3A_1971 = arith.constant dense<true> : vector<16xi1>
      %not3A_1972 = arith.xori %lt3A_1963, %not3A_1971 : vector<16xi1>
      %select_n3A_1973 = arith.select %and3A_1970, %broadcast_in_dim3A_52, %gather3A_1770 : vector<16xi1>, vector<16xf32>
      %select_n3A_1974 = arith.select %and3A_1970, %select_n3A_106, %cond3A_1960#0 : vector<16xi1>, vector<16xf32>
      %select_n3A_1975 = arith.select %not3A_1972, %broadcast_in_dim3A_56, %gather3A_1756 : vector<16xi1>, vector<16xf32>
      %select_n3A_1976 = arith.select %and3A_1970, %broadcast_in_dim3A_64, %select_n3A_1975 : vector<16xi1>, vector<16xf32>
      %select_n3A_1977 = arith.select %not3A_1972, %select_n3A_132, %gather3A_1757 : vector<16xi1>, vector<16xf32>
      %select_n3A_1978 = arith.select %and3A_1970, %broadcast_in_dim3A_76, %select_n3A_1977 : vector<16xi1>, vector<16xf32>
      %sub3A_1979 = arith.subf %select_n3A_1978, %select_n3A_1974 : vector<16xf32>
      %sub3A_1980 = arith.subf %get3A_225, %select_n3A_1973 : vector<16xf32>
      %mul3A_1981 = arith.mulf %sub3A_1979, %sub3A_1980 : vector<16xf32>
      %sub3A_1982 = arith.subf %select_n3A_1976, %select_n3A_1973 : vector<16xf32>
      %div3A_1983 = arith.constant 1.000000e+00 : f32
      %div3A_1984 = vector.broadcast %div3A_1983 : f32 to vector<16xf32>
      %div3A_1985 = arith.divf %div3A_1984, %sub3A_1982 : vector<16xf32>
      %mul3A_1986 = arith.mulf %sub3A_1982, %div3A_1985 : vector<16xf32>
      %sub3A_1987 = arith.constant 2.000000e+00 : f32
      %sub3A_1988 = vector.broadcast %sub3A_1987 : f32 to vector<16xf32>
      %sub3A_1989 = arith.subf %sub3A_1988, %mul3A_1986 : vector<16xf32>
      %mul3A_1990 = arith.mulf %div3A_1985, %sub3A_1989 : vector<16xf32>
      %mul3A_1991 = arith.mulf %sub3A_1982, %mul3A_1990 : vector<16xf32>
      %sub3A_1992 = arith.constant 2.000000e+00 : f32
      %sub3A_1993 = vector.broadcast %sub3A_1992 : f32 to vector<16xf32>
      %sub3A_1994 = arith.subf %sub3A_1993, %mul3A_1991 : vector<16xf32>
      %mul3A_1995 = arith.mulf %mul3A_1990, %sub3A_1994 : vector<16xf32>
      %mul3A_1996 = arith.mulf %mul3A_1981, %mul3A_1995 : vector<16xf32>
      %add3A_1997 = arith.addf %select_n3A_1974, %mul3A_1996 : vector<16xf32>
      %select_n3A_1998 = arith.select %and3A_1965, %gather3A_1757, %add3A_1997 : vector<16xi1>, vector<16xf32>
      %add3A_1999 = arith.constant 0 : i32
      %add3A_2000 = arith.addi %mul3A_218, %add3A_1999 : i32
      %mul3A_2001 = arith.constant 16 : i32
      %mul3A_2002 = arith.muli %add3A_2000, %mul3A_2001 : i32
      %swap3A = arith.index_cast %mul3A_2002 : i32 to index
      %swap3A_2003 = tpu.vector_load %arg9[%swap3A] {strides = array<i32>} : memref<1024xf32, #tpu.memory_space<vmem>>, vector<16xf32>,
      tpu.vector_store %arg9[%swap3A], %select_n3A_1998 {strides = array<i32>} : memref<1024xf32, #tpu.memory_space<vmem>>, vector<16xf32>,
      %lt3A_2004 = arith.constant 4096 : i32
      %lt3A_2005 = vector.broadcast %lt3A_2004 : i32 to vector<16xi32>
      %lt3A_2006 = arith.cmpi slt, %select_n3A_1698, %lt3A_2005 : vector<16xi32>
      %eq3A_2007 = arith.cmpf oeq, %gather3A_1778, %get3A_232 : vector<16xf32>
      %and3A_2008 = arith.andi %lt3A_2006, %eq3A_2007 : vector<16xi1>
      %eq3A_2009 = arith.constant 0 : i32
      %eq3A_2010 = vector.broadcast %eq3A_2009 : i32 to vector<16xi32>
      %eq3A_2011 = arith.cmpi eq, %select_n3A_1698, %eq3A_2010 : vector<16xi32>
      %not3A_2012 = arith.constant dense<true> : vector<16xi1>
      %not3A_2013 = arith.xori %and3A_2008, %not3A_2012 : vector<16xi1>
      %and3A_2014 = arith.andi %eq3A_2011, %not3A_2013 : vector<16xi1>
      %not3A_2015 = arith.constant dense<true> : vector<16xi1>
      %not3A_2016 = arith.xori %lt3A_2006, %not3A_2015 : vector<16xi1>
      %select_n3A_2017 = arith.select %and3A_2014, %broadcast_in_dim3A_52, %gather3A_1792 : vector<16xi1>, vector<16xf32>
      %select_n3A_2018 = arith.select %and3A_2014, %select_n3A_106, %cond3A_1960#1 : vector<16xi1>, vector<16xf32>
      %select_n3A_2019 = arith.select %not3A_2016, %broadcast_in_dim3A_56, %gather3A_1778 : vector<16xi1>, vector<16xf32>
      %select_n3A_2020 = arith.select %and3A_2014, %broadcast_in_dim3A_64, %select_n3A_2019 : vector<16xi1>, vector<16xf32>
      %select_n3A_2021 = arith.select %not3A_2016, %select_n3A_132, %gather3A_1779 : vector<16xi1>, vector<16xf32>
      %select_n3A_2022 = arith.select %and3A_2014, %broadcast_in_dim3A_76, %select_n3A_2021 : vector<16xi1>, vector<16xf32>
      %sub3A_2023 = arith.subf %select_n3A_2022, %select_n3A_2018 : vector<16xf32>
      %sub3A_2024 = arith.subf %get3A_232, %select_n3A_2017 : vector<16xf32>
      %mul3A_2025 = arith.mulf %sub3A_2023, %sub3A_2024 : vector<16xf32>
      %sub3A_2026 = arith.subf %select_n3A_2020, %select_n3A_2017 : vector<16xf32>
      %div3A_2027 = arith.constant 1.000000e+00 : f32
      %div3A_2028 = vector.broadcast %div3A_2027 : f32 to vector<16xf32>
      %div3A_2029 = arith.divf %div3A_2028, %sub3A_2026 : vector<16xf32>
      %mul3A_2030 = arith.mulf %sub3A_2026, %div3A_2029 : vector<16xf32>
      %sub3A_2031 = arith.constant 2.000000e+00 : f32
      %sub3A_2032 = vector.broadcast %sub3A_2031 : f32 to vector<16xf32>
      %sub3A_2033 = arith.subf %sub3A_2032, %mul3A_2030 : vector<16xf32>
      %mul3A_2034 = arith.mulf %div3A_2029, %sub3A_2033 : vector<16xf32>
      %mul3A_2035 = arith.mulf %sub3A_2026, %mul3A_2034 : vector<16xf32>
      %sub3A_2036 = arith.constant 2.000000e+00 : f32
      %sub3A_2037 = vector.broadcast %sub3A_2036 : f32 to vector<16xf32>
      %sub3A_2038 = arith.subf %sub3A_2037, %mul3A_2035 : vector<16xf32>
      %mul3A_2039 = arith.mulf %mul3A_2034, %sub3A_2038 : vector<16xf32>
      %mul3A_2040 = arith.mulf %mul3A_2025, %mul3A_2039 : vector<16xf32>
      %add3A_2041 = arith.addf %select_n3A_2018, %mul3A_2040 : vector<16xf32>
      %select_n3A_2042 = arith.select %and3A_2008, %gather3A_1779, %add3A_2041 : vector<16xi1>, vector<16xf32>
      %add3A_2043 = arith.constant 1 : i32
      %add3A_2044 = arith.addi %mul3A_218, %add3A_2043 : i32
      %mul3A_2045 = arith.constant 16 : i32
      %mul3A_2046 = arith.muli %add3A_2044, %mul3A_2045 : i32
      %swap3A_2047 = arith.index_cast %mul3A_2046 : i32 to index
      %swap3A_2048 = tpu.vector_load %arg9[%swap3A_2047] {strides = array<i32>} : memref<1024xf32, #tpu.memory_space<vmem>>, vector<16xf32>,
      tpu.vector_store %arg9[%swap3A_2047], %select_n3A_2042 {strides = array<i32>} : memref<1024xf32, #tpu.memory_space<vmem>>, vector<16xf32>,
      %lt3A_2049 = arith.constant 4096 : i32
      %lt3A_2050 = vector.broadcast %lt3A_2049 : i32 to vector<16xi32>
      %lt3A_2051 = arith.cmpi slt, %select_n3A_1707, %lt3A_2050 : vector<16xi32>
      %eq3A_2052 = arith.cmpf oeq, %gather3A_1802, %get3A_239 : vector<16xf32>
      %and3A_2053 = arith.andi %lt3A_2051, %eq3A_2052 : vector<16xi1>
      %eq3A_2054 = arith.constant 0 : i32
      %eq3A_2055 = vector.broadcast %eq3A_2054 : i32 to vector<16xi32>
      %eq3A_2056 = arith.cmpi eq, %select_n3A_1707, %eq3A_2055 : vector<16xi32>
      %not3A_2057 = arith.constant dense<true> : vector<16xi1>
      %not3A_2058 = arith.xori %and3A_2053, %not3A_2057 : vector<16xi1>
      %and3A_2059 = arith.andi %eq3A_2056, %not3A_2058 : vector<16xi1>
      %not3A_2060 = arith.constant dense<true> : vector<16xi1>
      %not3A_2061 = arith.xori %lt3A_2051, %not3A_2060 : vector<16xi1>
      %select_n3A_2062 = arith.select %and3A_2059, %broadcast_in_dim3A_52, %gather3A_1816 : vector<16xi1>, vector<16xf32>
      %select_n3A_2063 = arith.select %and3A_2059, %select_n3A_106, %cond3A_1960#2 : vector<16xi1>, vector<16xf32>
      %select_n3A_2064 = arith.select %not3A_2061, %broadcast_in_dim3A_56, %gather3A_1802 : vector<16xi1>, vector<16xf32>
      %select_n3A_2065 = arith.select %and3A_2059, %broadcast_in_dim3A_64, %select_n3A_2064 : vector<16xi1>, vector<16xf32>
      %select_n3A_2066 = arith.select %not3A_2061, %select_n3A_132, %gather3A_1803 : vector<16xi1>, vector<16xf32>
      %select_n3A_2067 = arith.select %and3A_2059, %broadcast_in_dim3A_76, %select_n3A_2066 : vector<16xi1>, vector<16xf32>
      %sub3A_2068 = arith.subf %select_n3A_2067, %select_n3A_2063 : vector<16xf32>
      %sub3A_2069 = arith.subf %get3A_239, %select_n3A_2062 : vector<16xf32>
      %mul3A_2070 = arith.mulf %sub3A_2068, %sub3A_2069 : vector<16xf32>
      %sub3A_2071 = arith.subf %select_n3A_2065, %select_n3A_2062 : vector<16xf32>
      %div3A_2072 = arith.constant 1.000000e+00 : f32
      %div3A_2073 = vector.broadcast %div3A_2072 : f32 to vector<16xf32>
      %div3A_2074 = arith.divf %div3A_2073, %sub3A_2071 : vector<16xf32>
      %mul3A_2075 = arith.mulf %sub3A_2071, %div3A_2074 : vector<16xf32>
      %sub3A_2076 = arith.constant 2.000000e+00 : f32
      %sub3A_2077 = vector.broadcast %sub3A_2076 : f32 to vector<16xf32>
      %sub3A_2078 = arith.subf %sub3A_2077, %mul3A_2075 : vector<16xf32>
      %mul3A_2079 = arith.mulf %div3A_2074, %sub3A_2078 : vector<16xf32>
      %mul3A_2080 = arith.mulf %sub3A_2071, %mul3A_2079 : vector<16xf32>
      %sub3A_2081 = arith.constant 2.000000e+00 : f32
      %sub3A_2082 = vector.broadcast %sub3A_2081 : f32 to vector<16xf32>
      %sub3A_2083 = arith.subf %sub3A_2082, %mul3A_2080 : vector<16xf32>
      %mul3A_2084 = arith.mulf %mul3A_2079, %sub3A_2083 : vector<16xf32>
      %mul3A_2085 = arith.mulf %mul3A_2070, %mul3A_2084 : vector<16xf32>
      %add3A_2086 = arith.addf %select_n3A_2063, %mul3A_2085 : vector<16xf32>
      %select_n3A_2087 = arith.select %and3A_2053, %gather3A_1803, %add3A_2086 : vector<16xi1>, vector<16xf32>
      %add3A_2088 = arith.constant 2 : i32
      %add3A_2089 = arith.addi %mul3A_218, %add3A_2088 : i32
      %mul3A_2090 = arith.constant 16 : i32
      %mul3A_2091 = arith.muli %add3A_2089, %mul3A_2090 : i32
      %swap3A_2092 = arith.index_cast %mul3A_2091 : i32 to index
      %swap3A_2093 = tpu.vector_load %arg9[%swap3A_2092] {strides = array<i32>} : memref<1024xf32, #tpu.memory_space<vmem>>, vector<16xf32>,
      tpu.vector_store %arg9[%swap3A_2092], %select_n3A_2087 {strides = array<i32>} : memref<1024xf32, #tpu.memory_space<vmem>>, vector<16xf32>,
      %lt3A_2094 = arith.constant 4096 : i32
      %lt3A_2095 = vector.broadcast %lt3A_2094 : i32 to vector<16xi32>
      %lt3A_2096 = arith.cmpi slt, %select_n3A_1716, %lt3A_2095 : vector<16xi32>
      %eq3A_2097 = arith.cmpf oeq, %gather3A_1827, %get3A_246 : vector<16xf32>
      %and3A_2098 = arith.andi %lt3A_2096, %eq3A_2097 : vector<16xi1>
      %eq3A_2099 = arith.constant 0 : i32
      %eq3A_2100 = vector.broadcast %eq3A_2099 : i32 to vector<16xi32>
      %eq3A_2101 = arith.cmpi eq, %select_n3A_1716, %eq3A_2100 : vector<16xi32>
      %not3A_2102 = arith.constant dense<true> : vector<16xi1>
      %not3A_2103 = arith.xori %and3A_2098, %not3A_2102 : vector<16xi1>
      %and3A_2104 = arith.andi %eq3A_2101, %not3A_2103 : vector<16xi1>
      %not3A_2105 = arith.constant dense<true> : vector<16xi1>
      %not3A_2106 = arith.xori %lt3A_2096, %not3A_2105 : vector<16xi1>
      %select_n3A_2107 = arith.select %and3A_2104, %broadcast_in_dim3A_52, %gather3A_1841 : vector<16xi1>, vector<16xf32>
      %select_n3A_2108 = arith.select %and3A_2104, %select_n3A_106, %cond3A_1960#3 : vector<16xi1>, vector<16xf32>
      %select_n3A_2109 = arith.select %not3A_2106, %broadcast_in_dim3A_56, %gather3A_1827 : vector<16xi1>, vector<16xf32>
      %select_n3A_2110 = arith.select %and3A_2104, %broadcast_in_dim3A_64, %select_n3A_2109 : vector<16xi1>, vector<16xf32>
      %select_n3A_2111 = arith.select %not3A_2106, %select_n3A_132, %gather3A_1828 : vector<16xi1>, vector<16xf32>
      %select_n3A_2112 = arith.select %and3A_2104, %broadcast_in_dim3A_76, %select_n3A_2111 : vector<16xi1>, vector<16xf32>
      %sub3A_2113 = arith.subf %select_n3A_2112, %select_n3A_2108 : vector<16xf32>
      %sub3A_2114 = arith.subf %get3A_246, %select_n3A_2107 : vector<16xf32>
      %mul3A_2115 = arith.mulf %sub3A_2113, %sub3A_2114 : vector<16xf32>
      %sub3A_2116 = arith.subf %select_n3A_2110, %select_n3A_2107 : vector<16xf32>
      %div3A_2117 = arith.constant 1.000000e+00 : f32
      %div3A_2118 = vector.broadcast %div3A_2117 : f32 to vector<16xf32>
      %div3A_2119 = arith.divf %div3A_2118, %sub3A_2116 : vector<16xf32>
      %mul3A_2120 = arith.mulf %sub3A_2116, %div3A_2119 : vector<16xf32>
      %sub3A_2121 = arith.constant 2.000000e+00 : f32
      %sub3A_2122 = vector.broadcast %sub3A_2121 : f32 to vector<16xf32>
      %sub3A_2123 = arith.subf %sub3A_2122, %mul3A_2120 : vector<16xf32>
      %mul3A_2124 = arith.mulf %div3A_2119, %sub3A_2123 : vector<16xf32>
      %mul3A_2125 = arith.mulf %sub3A_2116, %mul3A_2124 : vector<16xf32>
      %sub3A_2126 = arith.constant 2.000000e+00 : f32
      %sub3A_2127 = vector.broadcast %sub3A_2126 : f32 to vector<16xf32>
      %sub3A_2128 = arith.subf %sub3A_2127, %mul3A_2125 : vector<16xf32>
      %mul3A_2129 = arith.mulf %mul3A_2124, %sub3A_2128 : vector<16xf32>
      %mul3A_2130 = arith.mulf %mul3A_2115, %mul3A_2129 : vector<16xf32>
      %add3A_2131 = arith.addf %select_n3A_2108, %mul3A_2130 : vector<16xf32>
      %select_n3A_2132 = arith.select %and3A_2098, %gather3A_1828, %add3A_2131 : vector<16xi1>, vector<16xf32>
      %add3A_2133 = arith.constant 3 : i32
      %add3A_2134 = arith.addi %mul3A_218, %add3A_2133 : i32
      %mul3A_2135 = arith.constant 16 : i32
      %mul3A_2136 = arith.muli %add3A_2134, %mul3A_2135 : i32
      %swap3A_2137 = arith.index_cast %mul3A_2136 : i32 to index
      %swap3A_2138 = tpu.vector_load %arg9[%swap3A_2137] {strides = array<i32>} : memref<1024xf32, #tpu.memory_space<vmem>>, vector<16xf32>,
      tpu.vector_store %arg9[%swap3A_2137], %select_n3A_2132 {strides = array<i32>} : memref<1024xf32, #tpu.memory_space<vmem>>, vector<16xf32>,
      %lt3A_2139 = arith.constant 4096 : i32
      %lt3A_2140 = vector.broadcast %lt3A_2139 : i32 to vector<16xi32>
      %lt3A_2141 = arith.cmpi slt, %select_n3A_1725, %lt3A_2140 : vector<16xi32>
      %eq3A_2142 = arith.cmpf oeq, %gather3A_1852, %get3A_253 : vector<16xf32>
      %and3A_2143 = arith.andi %lt3A_2141, %eq3A_2142 : vector<16xi1>
      %eq3A_2144 = arith.constant 0 : i32
      %eq3A_2145 = vector.broadcast %eq3A_2144 : i32 to vector<16xi32>
      %eq3A_2146 = arith.cmpi eq, %select_n3A_1725, %eq3A_2145 : vector<16xi32>
      %not3A_2147 = arith.constant dense<true> : vector<16xi1>
      %not3A_2148 = arith.xori %and3A_2143, %not3A_2147 : vector<16xi1>
      %and3A_2149 = arith.andi %eq3A_2146, %not3A_2148 : vector<16xi1>
      %not3A_2150 = arith.constant dense<true> : vector<16xi1>
      %not3A_2151 = arith.xori %lt3A_2141, %not3A_2150 : vector<16xi1>
      %select_n3A_2152 = arith.select %and3A_2149, %broadcast_in_dim3A_52, %gather3A_1866 : vector<16xi1>, vector<16xf32>
      %select_n3A_2153 = arith.select %and3A_2149, %select_n3A_106, %cond3A_1960#4 : vector<16xi1>, vector<16xf32>
      %select_n3A_2154 = arith.select %not3A_2151, %broadcast_in_dim3A_56, %gather3A_1852 : vector<16xi1>, vector<16xf32>
      %select_n3A_2155 = arith.select %and3A_2149, %broadcast_in_dim3A_64, %select_n3A_2154 : vector<16xi1>, vector<16xf32>
      %select_n3A_2156 = arith.select %not3A_2151, %select_n3A_132, %gather3A_1853 : vector<16xi1>, vector<16xf32>
      %select_n3A_2157 = arith.select %and3A_2149, %broadcast_in_dim3A_76, %select_n3A_2156 : vector<16xi1>, vector<16xf32>
      %sub3A_2158 = arith.subf %select_n3A_2157, %select_n3A_2153 : vector<16xf32>
      %sub3A_2159 = arith.subf %get3A_253, %select_n3A_2152 : vector<16xf32>
      %mul3A_2160 = arith.mulf %sub3A_2158, %sub3A_2159 : vector<16xf32>
      %sub3A_2161 = arith.subf %select_n3A_2155, %select_n3A_2152 : vector<16xf32>
      %div3A_2162 = arith.constant 1.000000e+00 : f32
      %div3A_2163 = vector.broadcast %div3A_2162 : f32 to vector<16xf32>
      %div3A_2164 = arith.divf %div3A_2163, %sub3A_2161 : vector<16xf32>
      %mul3A_2165 = arith.mulf %sub3A_2161, %div3A_2164 : vector<16xf32>
      %sub3A_2166 = arith.constant 2.000000e+00 : f32
      %sub3A_2167 = vector.broadcast %sub3A_2166 : f32 to vector<16xf32>
      %sub3A_2168 = arith.subf %sub3A_2167, %mul3A_2165 : vector<16xf32>
      %mul3A_2169 = arith.mulf %div3A_2164, %sub3A_2168 : vector<16xf32>
      %mul3A_2170 = arith.mulf %sub3A_2161, %mul3A_2169 : vector<16xf32>
      %sub3A_2171 = arith.constant 2.000000e+00 : f32
      %sub3A_2172 = vector.broadcast %sub3A_2171 : f32 to vector<16xf32>
      %sub3A_2173 = arith.subf %sub3A_2172, %mul3A_2170 : vector<16xf32>
      %mul3A_2174 = arith.mulf %mul3A_2169, %sub3A_2173 : vector<16xf32>
      %mul3A_2175 = arith.mulf %mul3A_2160, %mul3A_2174 : vector<16xf32>
      %add3A_2176 = arith.addf %select_n3A_2153, %mul3A_2175 : vector<16xf32>
      %select_n3A_2177 = arith.select %and3A_2143, %gather3A_1853, %add3A_2176 : vector<16xi1>, vector<16xf32>
      %add3A_2178 = arith.constant 4 : i32
      %add3A_2179 = arith.addi %mul3A_218, %add3A_2178 : i32
      %mul3A_2180 = arith.constant 16 : i32
      %mul3A_2181 = arith.muli %add3A_2179, %mul3A_2180 : i32
      %swap3A_2182 = arith.index_cast %mul3A_2181 : i32 to index
      %swap3A_2183 = tpu.vector_load %arg9[%swap3A_2182] {strides = array<i32>} : memref<1024xf32, #tpu.memory_space<vmem>>, vector<16xf32>,
      tpu.vector_store %arg9[%swap3A_2182], %select_n3A_2177 {strides = array<i32>} : memref<1024xf32, #tpu.memory_space<vmem>>, vector<16xf32>,
      %lt3A_2184 = arith.constant 4096 : i32
      %lt3A_2185 = vector.broadcast %lt3A_2184 : i32 to vector<16xi32>
      %lt3A_2186 = arith.cmpi slt, %select_n3A_1734, %lt3A_2185 : vector<16xi32>
      %eq3A_2187 = arith.cmpf oeq, %gather3A_1877, %get3A_260 : vector<16xf32>
      %and3A_2188 = arith.andi %lt3A_2186, %eq3A_2187 : vector<16xi1>
      %eq3A_2189 = arith.constant 0 : i32
      %eq3A_2190 = vector.broadcast %eq3A_2189 : i32 to vector<16xi32>
      %eq3A_2191 = arith.cmpi eq, %select_n3A_1734, %eq3A_2190 : vector<16xi32>
      %not3A_2192 = arith.constant dense<true> : vector<16xi1>
      %not3A_2193 = arith.xori %and3A_2188, %not3A_2192 : vector<16xi1>
      %and3A_2194 = arith.andi %eq3A_2191, %not3A_2193 : vector<16xi1>
      %not3A_2195 = arith.constant dense<true> : vector<16xi1>
      %not3A_2196 = arith.xori %lt3A_2186, %not3A_2195 : vector<16xi1>
      %select_n3A_2197 = arith.select %and3A_2194, %broadcast_in_dim3A_52, %gather3A_1891 : vector<16xi1>, vector<16xf32>
      %select_n3A_2198 = arith.select %and3A_2194, %select_n3A_106, %cond3A_1960#5 : vector<16xi1>, vector<16xf32>
      %select_n3A_2199 = arith.select %not3A_2196, %broadcast_in_dim3A_56, %gather3A_1877 : vector<16xi1>, vector<16xf32>
      %select_n3A_2200 = arith.select %and3A_2194, %broadcast_in_dim3A_64, %select_n3A_2199 : vector<16xi1>, vector<16xf32>
      %select_n3A_2201 = arith.select %not3A_2196, %select_n3A_132, %gather3A_1878 : vector<16xi1>, vector<16xf32>
      %select_n3A_2202 = arith.select %and3A_2194, %broadcast_in_dim3A_76, %select_n3A_2201 : vector<16xi1>, vector<16xf32>
      %sub3A_2203 = arith.subf %select_n3A_2202, %select_n3A_2198 : vector<16xf32>
      %sub3A_2204 = arith.subf %get3A_260, %select_n3A_2197 : vector<16xf32>
      %mul3A_2205 = arith.mulf %sub3A_2203, %sub3A_2204 : vector<16xf32>
      %sub3A_2206 = arith.subf %select_n3A_2200, %select_n3A_2197 : vector<16xf32>
      %div3A_2207 = arith.constant 1.000000e+00 : f32
      %div3A_2208 = vector.broadcast %div3A_2207 : f32 to vector<16xf32>
      %div3A_2209 = arith.divf %div3A_2208, %sub3A_2206 : vector<16xf32>
      %mul3A_2210 = arith.mulf %sub3A_2206, %div3A_2209 : vector<16xf32>
      %sub3A_2211 = arith.constant 2.000000e+00 : f32
      %sub3A_2212 = vector.broadcast %sub3A_2211 : f32 to vector<16xf32>
      %sub3A_2213 = arith.subf %sub3A_2212, %mul3A_2210 : vector<16xf32>
      %mul3A_2214 = arith.mulf %div3A_2209, %sub3A_2213 : vector<16xf32>
      %mul3A_2215 = arith.mulf %sub3A_2206, %mul3A_2214 : vector<16xf32>
      %sub3A_2216 = arith.constant 2.000000e+00 : f32
      %sub3A_2217 = vector.broadcast %sub3A_2216 : f32 to vector<16xf32>
      %sub3A_2218 = arith.subf %sub3A_2217, %mul3A_2215 : vector<16xf32>
      %mul3A_2219 = arith.mulf %mul3A_2214, %sub3A_2218 : vector<16xf32>
      %mul3A_2220 = arith.mulf %mul3A_2205, %mul3A_2219 : vector<16xf32>
      %add3A_2221 = arith.addf %select_n3A_2198, %mul3A_2220 : vector<16xf32>
      %select_n3A_2222 = arith.select %and3A_2188, %gather3A_1878, %add3A_2221 : vector<16xi1>, vector<16xf32>
      %add3A_2223 = arith.constant 5 : i32
      %add3A_2224 = arith.addi %mul3A_218, %add3A_2223 : i32
      %mul3A_2225 = arith.constant 16 : i32
      %mul3A_2226 = arith.muli %add3A_2224, %mul3A_2225 : i32
      %swap3A_2227 = arith.index_cast %mul3A_2226 : i32 to index
      %swap3A_2228 = tpu.vector_load %arg9[%swap3A_2227] {strides = array<i32>} : memref<1024xf32, #tpu.memory_space<vmem>>, vector<16xf32>,
      tpu.vector_store %arg9[%swap3A_2227], %select_n3A_2222 {strides = array<i32>} : memref<1024xf32, #tpu.memory_space<vmem>>, vector<16xf32>,
      %lt3A_2229 = arith.constant 4096 : i32
      %lt3A_2230 = vector.broadcast %lt3A_2229 : i32 to vector<16xi32>
      %lt3A_2231 = arith.cmpi slt, %select_n3A_1743, %lt3A_2230 : vector<16xi32>
      %eq3A_2232 = arith.cmpf oeq, %gather3A_1902, %get3A_267 : vector<16xf32>
      %and3A_2233 = arith.andi %lt3A_2231, %eq3A_2232 : vector<16xi1>
      %eq3A_2234 = arith.constant 0 : i32
      %eq3A_2235 = vector.broadcast %eq3A_2234 : i32 to vector<16xi32>
      %eq3A_2236 = arith.cmpi eq, %select_n3A_1743, %eq3A_2235 : vector<16xi32>
      %not3A_2237 = arith.constant dense<true> : vector<16xi1>
      %not3A_2238 = arith.xori %and3A_2233, %not3A_2237 : vector<16xi1>
      %and3A_2239 = arith.andi %eq3A_2236, %not3A_2238 : vector<16xi1>
      %not3A_2240 = arith.constant dense<true> : vector<16xi1>
      %not3A_2241 = arith.xori %lt3A_2231, %not3A_2240 : vector<16xi1>
      %select_n3A_2242 = arith.select %and3A_2239, %broadcast_in_dim3A_52, %gather3A_1916 : vector<16xi1>, vector<16xf32>
      %select_n3A_2243 = arith.select %and3A_2239, %select_n3A_106, %cond3A_1960#6 : vector<16xi1>, vector<16xf32>
      %select_n3A_2244 = arith.select %not3A_2241, %broadcast_in_dim3A_56, %gather3A_1902 : vector<16xi1>, vector<16xf32>
      %select_n3A_2245 = arith.select %and3A_2239, %broadcast_in_dim3A_64, %select_n3A_2244 : vector<16xi1>, vector<16xf32>
      %select_n3A_2246 = arith.select %not3A_2241, %select_n3A_132, %gather3A_1903 : vector<16xi1>, vector<16xf32>
      %select_n3A_2247 = arith.select %and3A_2239, %broadcast_in_dim3A_76, %select_n3A_2246 : vector<16xi1>, vector<16xf32>
      %sub3A_2248 = arith.subf %select_n3A_2247, %select_n3A_2243 : vector<16xf32>
      %sub3A_2249 = arith.subf %get3A_267, %select_n3A_2242 : vector<16xf32>
      %mul3A_2250 = arith.mulf %sub3A_2248, %sub3A_2249 : vector<16xf32>
      %sub3A_2251 = arith.subf %select_n3A_2245, %select_n3A_2242 : vector<16xf32>
      %div3A_2252 = arith.constant 1.000000e+00 : f32
      %div3A_2253 = vector.broadcast %div3A_2252 : f32 to vector<16xf32>
      %div3A_2254 = arith.divf %div3A_2253, %sub3A_2251 : vector<16xf32>
      %mul3A_2255 = arith.mulf %sub3A_2251, %div3A_2254 : vector<16xf32>
      %sub3A_2256 = arith.constant 2.000000e+00 : f32
      %sub3A_2257 = vector.broadcast %sub3A_2256 : f32 to vector<16xf32>
      %sub3A_2258 = arith.subf %sub3A_2257, %mul3A_2255 : vector<16xf32>
      %mul3A_2259 = arith.mulf %div3A_2254, %sub3A_2258 : vector<16xf32>
      %mul3A_2260 = arith.mulf %sub3A_2251, %mul3A_2259 : vector<16xf32>
      %sub3A_2261 = arith.constant 2.000000e+00 : f32
      %sub3A_2262 = vector.broadcast %sub3A_2261 : f32 to vector<16xf32>
      %sub3A_2263 = arith.subf %sub3A_2262, %mul3A_2260 : vector<16xf32>
      %mul3A_2264 = arith.mulf %mul3A_2259, %sub3A_2263 : vector<16xf32>
      %mul3A_2265 = arith.mulf %mul3A_2250, %mul3A_2264 : vector<16xf32>
      %add3A_2266 = arith.addf %select_n3A_2243, %mul3A_2265 : vector<16xf32>
      %select_n3A_2267 = arith.select %and3A_2233, %gather3A_1903, %add3A_2266 : vector<16xi1>, vector<16xf32>
      %add3A_2268 = arith.constant 6 : i32
      %add3A_2269 = arith.addi %mul3A_218, %add3A_2268 : i32
      %mul3A_2270 = arith.constant 16 : i32
      %mul3A_2271 = arith.muli %add3A_2269, %mul3A_2270 : i32
      %swap3A_2272 = arith.index_cast %mul3A_2271 : i32 to index
      %swap3A_2273 = tpu.vector_load %arg9[%swap3A_2272] {strides = array<i32>} : memref<1024xf32, #tpu.memory_space<vmem>>, vector<16xf32>,
      tpu.vector_store %arg9[%swap3A_2272], %select_n3A_2267 {strides = array<i32>} : memref<1024xf32, #tpu.memory_space<vmem>>, vector<16xf32>,
      %lt3A_2274 = arith.constant 4096 : i32
      %lt3A_2275 = vector.broadcast %lt3A_2274 : i32 to vector<16xi32>
      %lt3A_2276 = arith.cmpi slt, %select_n3A_1752, %lt3A_2275 : vector<16xi32>
      %eq3A_2277 = arith.cmpf oeq, %gather3A_1927, %get3A_274 : vector<16xf32>
      %and3A_2278 = arith.andi %lt3A_2276, %eq3A_2277 : vector<16xi1>
      %eq3A_2279 = arith.constant 0 : i32
      %eq3A_2280 = vector.broadcast %eq3A_2279 : i32 to vector<16xi32>
      %eq3A_2281 = arith.cmpi eq, %select_n3A_1752, %eq3A_2280 : vector<16xi32>
      %not3A_2282 = arith.constant dense<true> : vector<16xi1>
      %not3A_2283 = arith.xori %and3A_2278, %not3A_2282 : vector<16xi1>
      %and3A_2284 = arith.andi %eq3A_2281, %not3A_2283 : vector<16xi1>
      %not3A_2285 = arith.constant dense<true> : vector<16xi1>
      %not3A_2286 = arith.xori %lt3A_2276, %not3A_2285 : vector<16xi1>
      %select_n3A_2287 = arith.select %and3A_2284, %broadcast_in_dim3A_52, %gather3A_1941 : vector<16xi1>, vector<16xf32>
      %select_n3A_2288 = arith.select %and3A_2284, %select_n3A_106, %cond3A_1960#7 : vector<16xi1>, vector<16xf32>
      %select_n3A_2289 = arith.select %not3A_2286, %broadcast_in_dim3A_56, %gather3A_1927 : vector<16xi1>, vector<16xf32>
      %select_n3A_2290 = arith.select %and3A_2284, %broadcast_in_dim3A_64, %select_n3A_2289 : vector<16xi1>, vector<16xf32>
      %select_n3A_2291 = arith.select %not3A_2286, %select_n3A_132, %gather3A_1928 : vector<16xi1>, vector<16xf32>
      %select_n3A_2292 = arith.select %and3A_2284, %broadcast_in_dim3A_76, %select_n3A_2291 : vector<16xi1>, vector<16xf32>
      %sub3A_2293 = arith.subf %select_n3A_2292, %select_n3A_2288 : vector<16xf32>
      %sub3A_2294 = arith.subf %get3A_274, %select_n3A_2287 : vector<16xf32>
      %mul3A_2295 = arith.mulf %sub3A_2293, %sub3A_2294 : vector<16xf32>
      %sub3A_2296 = arith.subf %select_n3A_2290, %select_n3A_2287 : vector<16xf32>
      %div3A_2297 = arith.constant 1.000000e+00 : f32
      %div3A_2298 = vector.broadcast %div3A_2297 : f32 to vector<16xf32>
      %div3A_2299 = arith.divf %div3A_2298, %sub3A_2296 : vector<16xf32>
      %mul3A_2300 = arith.mulf %sub3A_2296, %div3A_2299 : vector<16xf32>
      %sub3A_2301 = arith.constant 2.000000e+00 : f32
      %sub3A_2302 = vector.broadcast %sub3A_2301 : f32 to vector<16xf32>
      %sub3A_2303 = arith.subf %sub3A_2302, %mul3A_2300 : vector<16xf32>
      %mul3A_2304 = arith.mulf %div3A_2299, %sub3A_2303 : vector<16xf32>
      %mul3A_2305 = arith.mulf %sub3A_2296, %mul3A_2304 : vector<16xf32>
      %sub3A_2306 = arith.constant 2.000000e+00 : f32
      %sub3A_2307 = vector.broadcast %sub3A_2306 : f32 to vector<16xf32>
      %sub3A_2308 = arith.subf %sub3A_2307, %mul3A_2305 : vector<16xf32>
      %mul3A_2309 = arith.mulf %mul3A_2304, %sub3A_2308 : vector<16xf32>
      %mul3A_2310 = arith.mulf %mul3A_2295, %mul3A_2309 : vector<16xf32>
      %add3A_2311 = arith.addf %select_n3A_2288, %mul3A_2310 : vector<16xf32>
      %select_n3A_2312 = arith.select %and3A_2278, %gather3A_1928, %add3A_2311 : vector<16xi1>, vector<16xf32>
      %add3A_2313 = arith.constant 7 : i32
      %add3A_2314 = arith.addi %mul3A_218, %add3A_2313 : i32
      %mul3A_2315 = arith.constant 16 : i32
      %mul3A_2316 = arith.muli %add3A_2314, %mul3A_2315 : i32
      %swap3A_2317 = arith.index_cast %mul3A_2316 : i32 to index
      %swap3A_2318 = tpu.vector_load %arg9[%swap3A_2317] {strides = array<i32>} : memref<1024xf32, #tpu.memory_space<vmem>>, vector<16xf32>,
      tpu.vector_store %arg9[%swap3A_2317], %select_n3A_2312 {strides = array<i32>} : memref<1024xf32, #tpu.memory_space<vmem>>, vector<16xf32>,
    }
    %scan3A_215 = arith.constant 8 : i32
    "tpu.region"() ({
      %run_scoped3A = tpu.sem_alloc : memref<!tpu.dma_semaphore, #tpu.memory_space<semaphore_mem>>
      %dma_start3A = tpu.memref_slice %arg5[%mul3A_209] : memref<16384xf32, #tpu.memory_space<hbm>> -> memref<1024xf32, #tpu.memory_space<hbm>>
      %dma_start3A_216 = tpu.memref_slice %arg5[%mul3A_209] : memref<16384xf32, #tpu.memory_space<hbm>> -> memref<1024xf32, #tpu.memory_space<hbm>>
      tpu.enqueue_dma source(%arg9 : memref<1024xf32, #tpu.memory_space<vmem>>) target(%dma_start3A_216 : memref<1024xf32, #tpu.memory_space<hbm>>) target_semaphore(%run_scoped3A : memref<!tpu.dma_semaphore, #tpu.memory_space<semaphore_mem>>)
      %dma_wait3A = tpu.memref_slice %arg5[%mul3A_209] : memref<16384xf32, #tpu.memory_space<hbm>> -> memref<1024xf32, #tpu.memory_space<hbm>>
      %dma_wait3A_217 = tpu.memref_slice %arg5[%mul3A_209] : memref<16384xf32, #tpu.memory_space<hbm>> -> memref<1024xf32, #tpu.memory_space<hbm>>
      tpu.wait_dma2 semaphore(%run_scoped3A : memref<!tpu.dma_semaphore, #tpu.memory_space<semaphore_mem>>) src(%arg9 : memref<1024xf32, #tpu.memory_space<vmem>>) dst(%dma_wait3A_217 : memref<1024xf32, #tpu.memory_space<hbm>>)
      tpu.yield
    }) : () -> ()
    return
  }
}

</mosaic_0001>

<sc_bundles>
// kernel: kernel.3.cloned.1.call-start
scs
__scs_entry_jumppad:
0x0: {  	(pc) =	sbr.rel $0x88, $3  }
0x1: {  	(tag) =	ssettag $0x0;
	lr =	simm.s32 $0x1  }
0x2: {  	[smem:$0x3F9E] =	sst lr;
	_ =	strace $0xD0000000  }
0x3: {  	_ = 	snop  }
0x4: {  	_ = 	snop  }
0x5: {  	_ = 	snop  }
0x6: {  	_ = 	snop  }
0x7: {  	_ = 	snop  }
__scs_overlays_trampoline_lowered:
0x8: {  	[smem:$0x3FAD] =	sst s0  }
0x9: {  	[smem:$0x3FAE] =	sst s1  }
0xa: {  	[smem:$0x3FAF] =	sst s2  }
0xb: {  	[smem:$0x3FB0] =	sst s3  }
0xc: {  	[smem:$0x3FB1] =	sst s4  }
0xd: {  	[smem:$0x3FB2] =	sst s5  }
0xe: {  	[smem:$0x3FB3] =	sst s6  }
0xf: {  	[smem:$0x3FB4] =	sst s7  }
0x10: {  	[smem:$0x3FB5] =	sst s8  }
0x11: {  	[smem:$0x3FB6] =	sst s9;
	s0 =	simm.s32 @!p0 $0x0  }
0x12: {  	s1 =	sld [smem:$0x3F9C];
	s0 =	simm.s32 @p0 $0x1  }
0x13: {  	[smem:$0x3FB7] =	sst s0;
	s0 =	simm.s32 @!p1 $0x0  }
0x14: {  	s2 =	sld [smem:$0x3F9B];
	s0 =	simm.s32 @p1 $0x1  }
0x15: {  	[smem:$0x3FB8] =	sst s0;
	s0 =	simm.s32 @!p2 $0x0  }
0x16: {  	s3 =	sld [smem:$0x3FDB];
	s0 =	simm.s32 @p2 $0x1  }
0x17: {  	s4 =	simm.s32 $0x1BF5;
	[smem:$0x3FBA] =	sst s0  }
0x18: {  	s0 =	sld [smem:$0x3F9D];
	_ =	swait.ge [sflag:s4], $0x0  }
0x19: {  	s7 =	sld [smem:$0x3F9E]  }
0x1a: {  	s8 =	sadd.s32 $0xFFFFE003, lr  }
0x1b: {  	s9 =	sadd.s32 $0xFFFFFEF7, lr;
	s5 =	simm.s32 $0xFFFFFFFF;
	p2 =	slt.u32 s8, $0xFFFFF086  }
0x1c: {  	p1 =	slt.u32 s9, $0xF7A;
	s5 =	simm.s32 @!p2 $0x0  }
0x1d: {  	s5 =	simm.s32 @p1 $0x1;
	p0 =	seq.s32 s7, s2  }
0x1e: {  	s7 =	smul.u32 @!p0 $0xF7A, s2;
	p2 =	seq.s32 @!p0 s5, $0x0  }
0x1f: {  	s9 =	smul.u32 $0xF7A, s1;
	s8 =	simm.s32 @!p0 $0x1BF5;
	p2 =	por !p2, p0  }
0x20: {  	[sflag:s8] =	ssyncset.s32 @!p0 $0xFFFFF086;
	s6 =	sadd.s32 @!p0 s3, s7;
	s7 =	simm.s32 @!p0 $0x108  }
0x21: {  	s3 =	sadd.s32 s3, s9;
	s6 =	sadd.s32 @!p0 $0x88, s6;
	s7 =	simm.s32 @p2 $0x1082  }
0x22: {  	[simem:s7], [sflag:s8] =	dma.local @!p0 [hbm:s6], $0xF7A  }
0x23: {  	s9 =	sor.u32 $0xD0000000, s2;
	s6 =	simm.s32 $0x108;
	_ =	swait.ge @!p0 [sflag:s8], $0x0  }
0x24: {  	s3 =	sadd.s32 $0x88, s3;
	s6 =	simm.s32 @!p1 $0x1082;
	[sflag:s4] =	ssyncset.s32 $0xFFFFF086  }
0x25: {  	[simem:s6], [sflag:s4] =	dma.local [hbm:s3], $0xF7A  }
0x26: {  	[smem:$0x3F9E] =	sst s1;
	(tag) =	ssettag s2;
	_ =	strace s9  }
0x27: {  	s1 =	sld [smem:$0x3FAE]  }
0x28: {  	s2 =	sld [smem:$0x3FAF]  }
0x29: {  	s4 =	sld [smem:$0x3FB1]  }
0x2a: {  	p0 =	seq.s32 s5, $0x0;
	s5 =	sld [smem:$0x3FB2]  }
0x2b: {  	s6 =	sld [smem:$0x3FB3]  }
0x2c: {  	s7 =	sld [smem:$0x3FB4]  }
0x2d: {  	s3 =	simm.s32 $0x108;
	s8 =	sld [smem:$0x3FB5]  }
0x2e: {  	s3 =	simm.s32 @!p0 $0x1082;
	s9 =	sld [smem:$0x3FB6]  }
0x2f: {  	lr =	sadd.s32 s0, s3;
	s0 =	sld [smem:$0x3FAD]  }
0x30: {  	s3 =	sld [smem:$0x3FB0]  }
0x31: {  	[smem:$0x3FB9] =	sst s10  }
0x32: {  	s10 =	sld [smem:$0x3FB7];
	_ =	sdelay $0x3  }
0x33: {  	p0 =	seq.s32 s10, $0x1;
	s10 =	sld [smem:$0x3FB9];
	_ =	sdelay $0x3  }
0x34: {  	[smem:$0x3FB9] =	sst s10  }
0x35: {  	s10 =	sld [smem:$0x3FB8];
	_ =	sdelay $0x3  }
0x36: {  	p1 =	seq.s32 s10, $0x1;
	s10 =	sld [smem:$0x3FB9];
	_ =	sdelay $0x3  }
0x37: {  	[smem:$0x3FB9] =	sst s10  }
0x38: {  	s10 =	sld [smem:$0x3FBA]  }
0x39: {  	_ = 	snop;
	(pc) =	sbr.ind lr, $3  }
0x3a: {  	_ = 	snop  }
0x3b: {  	_ = 	snop  }
0x3c: {  	p2 =	seq.s32 s10, $0x1;
	s10 =	sld [smem:$0x3FB9]  }
0x3d: {  	_ =	shalt  }
0x3e: {  	_ =	shalt  }
0x3f: {  	_ =	shalt  }
0x40: {  	_ =	shalt  }
0x41: {  	_ =	shalt  }
0x42: {  	_ =	shalt  }
0x43: {  	_ =	shalt  }
0x44: {  	_ =	shalt  }
0x45: {  	_ =	shalt  }
0x46: {  	_ =	shalt  }
0x47: {  	_ =	shalt  }
0x48: {  	_ =	shalt  }
0x49: {  	_ =	shalt  }
0x4a: {  	_ =	shalt  }
0x4b: {  	_ =	shalt  }
0x4c: {  	_ =	shalt  }
0x4d: {  	_ =	shalt  }
0x4e: {  	_ =	shalt  }
0x4f: {  	_ =	shalt  }
0x50: {  	_ =	shalt  }
0x51: {  	_ =	shalt  }
0x52: {  	_ =	shalt  }
0x53: {  	_ =	shalt  }
0x54: {  	_ =	shalt  }
0x55: {  	_ =	shalt  }
0x56: {  	_ =	shalt  }
0x57: {  	_ =	shalt  }
0x58: {  	_ =	shalt  }
0x59: {  	_ =	shalt  }
0x5a: {  	_ =	shalt  }
0x5b: {  	_ =	shalt  }
0x5c: {  	_ =	shalt  }
0x5d: {  	_ =	shalt  }
0x5e: {  	_ =	shalt  }
0x5f: {  	_ =	shalt  }
0x60: {  	_ =	shalt  }
0x61: {  	_ =	shalt  }
0x62: {  	_ =	shalt  }
0x63: {  	_ =	shalt  }
0x64: {  	_ =	shalt  }
0x65: {  	_ =	shalt  }
0x66: {  	_ =	shalt  }
0x67: {  	_ =	shalt  }
0x68: {  	_ =	shalt  }
0x69: {  	_ =	shalt  }
0x6a: {  	_ =	shalt  }
0x6b: {  	_ =	shalt  }
0x6c: {  	_ =	shalt  }
0x6d: {  	_ =	shalt  }
0x6e: {  	_ =	shalt  }
0x6f: {  	_ =	shalt  }
0x70: {  	_ =	shalt  }
0x71: {  	_ =	shalt  }
0x72: {  	_ =	shalt  }
0x73: {  	_ =	shalt  }
0x74: {  	_ =	shalt  }
0x75: {  	_ =	shalt  }
0x76: {  	_ =	shalt  }
0x77: {  	_ =	shalt  }
0x78: {  	_ =	shalt  }
0x79: {  	_ =	shalt  }
0x7a: {  	_ =	shalt  }
0x7b: {  	_ =	shalt  }
0x7c: {  	_ =	shalt  }
0x7d: {  	_ =	shalt  }
0x7e: {  	_ =	shalt  }
0x7f: {  	_ =	shalt  }
0x80: {  	_ =	shalt  }
0x81: {  	_ =	shalt  }
0x82: {  	_ =	shalt  }
0x83: {  	_ =	shalt  }
0x84: {  	_ =	shalt  }
0x85: {  	_ =	shalt  }
0x86: {  	_ =	shalt  }
0x87: {  	_ =	shalt  }
.Lfunc_end0:
.L_simem_size_0:
called_computation_lowered:
.L_overlay_start_0:
0x88: {  	s0 =	sld [smem:$0x3FD9]  }
0x89: {  	s1 =	sld [smem:$0x3FFE];
	_ =	sdelay $0x3  }
0x8a: {  	s0 =	sadd.s32 s1, s0  }
0x8b: {  	[smem:$0x3FC5] =	sst s0  }
0x8c: {  	_ = 	snop  }
0x8d: {  	s0 =	sld [smem:$0x3FC9]  }
0x8e: {  	s16 =	sld [smem:$0x3FD0];
	(tm) =	ssettm $0x1  }
0x8f: {  	s2 =	sld [smem:$0x3FFB];
	_ =	sdelay $0x3  }
0x90: {  	_ =	strace s2  }
0x91: {  	s2 =	sld [smem:$0x3FFC];
	_ =	sdelay $0x3  }
0x92: {  	_ =	strace s2  }
0x93: {  	s2 =	sld [smem:$0x3FFD];
	_ =	sdelay $0x3  }
0x94: {  	_ =	strace s2  }
0x95: {  	_ =	strace $0x8FFFFFFF  }
0x96: {  	s17 =	sld [smem:$0x3FDB];
	_ =	sdelay $0x1  }
0x97: {  	s3 =	simm.s32 $_scs_section_size  }
0x98: {  	s4 =	simm.s32 $_size__tile_overlayer_lowered;
	s5 =	simm.s32 $_tile_overlayer_lowered  }
0x99: {  	s20 =	simm.s32 $0x1BFF;
	s19 =	sshll.u32 s5, $0x1;
	s2 =	sadd.s32 s3, s17  }
0x9a: {  	s6 =	simm.s32 $0x0;
	s18 =	sshll.u32 s4, $0x1;
	s4 =	sadd.s32 s19, s2  }
0x9b: {  	[timem:s6], [sflag:s20] =	dma.local [hbm:s4], s18  }
0x9c: {  	_ =	swait.ge [sflag:s20], s18  }
0x9d: {  	s3 =	ssub.s32 $0x0, s18;
	[sflag:s20] =	ssyncset.done $0x0  }
0x9e: {  	[sflag:s20] =	ssyncadd.s32 s3;
	_ =	sdelay $0x1  }
0x9f: {  	s21 =	simm.s32 $0x1B8B  }
0xa0: {  	_ =	swait.ge [sflag:s21], $0x1  }
0xa1: {  	[sflag:s21] =	ssyncset.done $0x0  }
0xa2: {  	s23 =	simm.s32 $0x1B8E;
	s22 =	sld [smem:$0x3FFE];
	[sflag:s21] =	ssyncadd.s32 $0xFFFFFFFF  }
0xa3: {  	s24 =	simm.s32 $execute0_lowered;
	[smem:$0x3FD2] =	sst s23  }
0xa4: {  	s4 =	sshll.u32 s24, $0x1;
	_ =	strace $0x80000046;
	[dreg:$0x1] =	wrdreg $0xFFFFFFFF  }
0xa5: {  	s25 =	simm.s32 $_size_execute0_lowered;
	s2 =	sadd.s32 s2, s4;
	[dreg:$0x0] =	wrdreg $0x0  }
0xa6: {  	s4 =	sshll.u32 s25, $0x1;
	[dreg:$0x2] =	wrdreg s2  }
0xa7: {  	[dreg:$0x3] =	wrdreg s4  }
0xa8: {  	[dreg:$0x4] =	wrdreg $0xC0  }
0xa9: {  	_ =	task [dreg:s6], $0x5FFFF  }
0xaa: {  	[dreg:$0x1] =	wrdreg $0xFFFFFFFF  }
0xab: {  	[dreg:$0x0] =	wrdreg $0x60  }
0xac: {  	[dreg:$0x2] =	wrdreg s0  }
0xad: {  	[dreg:$0x3] =	wrdreg s22  }
0xae: {  	[dreg:$0x4] =	wrdreg s16  }
0xaf: {  	[dreg:$0x5] =	wrdreg $0x9  }
0xb0: {  	_ =	task.clear_ibuf [dreg:s6], $0x6FFFF;
	_ =	strace $0x90000046  }
0xb1: {  	s26 =	simm.s32 $0x9;
	_ =	strace $0x80000048  }
0xb2: {  	_ =	swait.ge [sflag:s26], $0x1  }
0xb3: {  	[sflag:s26] =	ssyncadd.s32 $0xFFFFFFFF  }
0xb4: {  	_ =	strace $0x90000048  }
0xb5: {  	_ =	sfence  }
0xb6: {  	s28 =	sld [smem:$0x0];
	_ =	sdelay $0x1  }
0xb7: {  	s29 =	srdreg.scid  }
0xb8: {  	s30 =	sshll.u32 s29, $0xD;
	s31 =	sshrl.u32 s29, $0x2  }
0xb9: {  	s1 =	sand.u32 $0x1, s29;
	s2 =	sand.u32 $0x4000, s30;
	s0 =	sadd.s32 s31, s28  }
0xba: {  	s1 =	sor.u32 s2, s1;
	s0 =	sshll.u32 s0, $0x11  }
0xbb: {  	s0 =	sor.u32 s0, s1  }
0xbc: {  	s0 =	sadd.s32 $0x8F2B, s0  }
0xbd: {  	[sflag:s0] =	ssyncadd.remote.s32 $0x1  }
0xbe: {  	_ =	sfence.sel $0xFFFF  }
0xbf: {  	[dreg:$0x0] =	wrdreg $0xFFFFFFFF;
	(pc) =	sbr.abs _section_cstart, $3  }
0xc0: {  	[dreg:$0x1] =	wrdreg $0xFFFFFFFF  }
0xc1: {  	_ =	task.clear_ibuf [dreg:s6], $0x2FFFF;
	_ =	strace $0x9FFFFFFF  }
0xc2: {  	(tm) =	ssettm $0x7FFFFFFF  }
0xc3: {  	_ =	shalt  }
tec
execute0_lowered:
.L_overlay_start_1:
0x0: {  	(tag) =	ssettag $0x1  }
0x1: {  	s2 =	rddreg [dreg:$0x0]  }
0x2: {  	s3 =	rddreg [dreg:$0x1]  }
0x3: {  	s1 =	rddreg [dreg:$0x2];
	s4 =	simm.s32 $0x0  }
0x4: {  	[smem:$0x7FF] =	sst s4  }
0x5: {  	s0 =	rddreg [dreg:$0x3];
	_ =	strace $0x80000047  }
0x6: {  	[tilespmem:s4], [sflag:$0x1] =	stream.linear.gather [hbm4b:s2+s4], $0x4000, $0x38;
	[tilespmem:$0x6400] =	vst v63  }
0x7: {  	s28 =	simm.s32 $0x4000  }
0x8: {  	[tilespmem:s28], [sflag:$0x1] =	stream.linear.gather [hbm4b:s3+s4], $0x1000, $0x38;
	[tilespmem:$0x6400] =	vst v63  }
0x9: {  	s30 =	simm.s32 $0x5000;
	s31 =	simm.s32 $0x1;
	s29 =	sadd.s32 $0x200, s3  }
0xa: {  	[tilespmem:s30], [sflag:$0x1] =	stream.linear.gather [hbm4b:s29+s4], $0x1000, $0x38;
	[tilespmem:$0x6400] =	vst v63  }
0xb: {  	_ =	swait.ge [sflag:s31], $0x4000  }
0xc: {  	[sflag:s31] =	ssyncset.done $0x0  }
0xd: {  	[sflag:s31] =	ssyncadd.s32 $0xFFFFC000  }
0xe: {  	_ =	swait.ge [sflag:s31], $0x1000  }
0xf: {  	[sflag:s31] =	ssyncset.done $0x0  }
0x10: {  	[sflag:s31] =	ssyncadd.s32 $0xFFFFF000  }
0x11: {  	_ =	swait.ge [sflag:s31], $0x1000  }
0x12: {  	[sflag:s31] =	ssyncset.done $0x0  }
0x13: {  	s5 =	simm.s32 $0x0;
	[sflag:s31] =	ssyncadd.s32 $0xFFFFF000  }
0x14: {  	v1 =	vld [tilespmem:s5+$0x70]  }
0x15: {  	v2 =	vld [tilespmem:s5+$0x0]  }
0x16: {  	v6 =	vimm.f32 $+Inf;
	v5 =	vld [tilespmem:s5+$0x10]  }
0x17: {  	v7 =	vimm.f32 $-Inf;
	v10 =	vimm.f32 $+Inf;
	v8 =	vimm.f32 $-Inf;
	v13 =	vld [tilespmem:s5+$0x20]  }
0x18: {  	v11 =	vimm.f32 $+Inf;
	v12 =	vimm.f32 $-Inf;
	v9 =	vimm.f32 $+Inf;
	v14 =	vld [tilespmem:s5+$0x30]  }
0x19: {  	v16 =	vimm.f32 $-Inf;
	v17 =	vimm.f32 $+Inf;
	v15 =	vimm.f32 $-Inf;
	v18 =	vld [tilespmem:s5+$0x40]  }
0x1a: {  	v19 =	vld [tilespmem:s5+$0x50];
	v0 =	vmin.f32 v6, v1;
	v1 =	vmax.f32 v7, v1;
	v3 =	vmin.f32 v6, v2  }
0x1b: {  	s2 =	stileid.u32;
	s3 =	simm.s32 $0x80;
	s4 =	simm.s32 $0x400;
	v20 =	vld [tilespmem:s5+$0x60];
	v4 =	vmax.f32 v7, v2;
	v2 =	vmin.f32 v6, v5;
	v5 =	vmax.f32 v7, v5  }
.LBB2_1:
0x1c: {  	p0 =	sne.s32 s4, $0xFE00;
	v21 =	vld [tilespmem:s3+$0x70];
	v6 =	vmin.f32 v6, v13;
	v7 =	vmax.f32 v7, v13  }
0x1d: {  	v22 =	vld [tilespmem:s3+$0x0];
	v10 =	vmin.f32 v10, v14;
	v8 =	vmax.f32 v8, v14  }
0x1e: {  	v23 =	vld [tilespmem:s3+$0x10];
	v11 =	vmin.f32 v11, v18;
	v12 =	vmax.f32 v12, v18  }
.Ltmp0:
0x1f: {  	v13 =	vld [tilespmem:s3+$0x20];
	v9 =	vmin.f32 v9, v19;
	v16 =	vmax.f32 v16, v19;
	(pc) =	sbr.rel @p0 .LBB2_1-.Ltmp0, $4  }
0x20: {  	v14 =	vld [tilespmem:s3+$0x30];
	v17 =	vmin.f32 v17, v20;
	v15 =	vmax.f32 v15, v20  }
0x21: {  	v18 =	vld [tilespmem:s3+$0x40];
	v0 =	vmin.f32 v0, v21;
	v1 =	vmax.f32 v1, v21  }
0x22: {  	v3 =	vmin.f32 v3, v22;
	v4 =	vmax.f32 v4, v22;
	v19 =	vld [tilespmem:s3+$0x50]  }
0x23: {  	v2 =	vmin.f32 v2, v23;
	v5 =	vmax.f32 v5, v23;
	v20 =	vld [tilespmem:s3+$0x60];
	s3 =	sshra.s32 s4, $0x2;
	s4 =	sadd.s32 $0x200, s4  }
0x24: {  	v21 =	vld [tilespmem:s3+$0x70]  }
0x25: {  	v22 =	vld [tilespmem:s3+$0x0]  }
0x26: {  	v23 =	vld [tilespmem:s3+$0x10]  }
0x27: {  	v24 =	vld [tilespmem:s3+$0x20]  }
0x28: {  	v25 =	vld [tilespmem:s3+$0x30]  }
0x29: {  	v6 =	vmin.f32 v6, v13;
	v7 =	vmax.f32 v7, v13;
	v13 =	vld [tilespmem:s3+$0x40];
	v10 =	vmin.f32 v10, v14  }
0x2a: {  	v8 =	vmax.f32 v8, v14;
	v14 =	vld [tilespmem:$0x4000];
	v11 =	vmin.f32 v11, v18;
	v12 =	vmax.f32 v12, v18  }
0x2b: {  	v18 =	vld [tilespmem:$0x4FF0];
	v9 =	vmin.f32 v9, v19;
	v16 =	vmax.f32 v16, v19;
	v17 =	vmin.f32 v17, v20  }
0x2c: {  	v15 =	vmax.f32 v15, v20;
	v19 =	vmin.f32 v0, v21;
	v3 =	vmin.f32 v3, v22  }
0x2d: {  	v4 =	vmax.f32 v4, v22;
	v2 =	vmin.f32 v2, v23;
	v5 =	vmax.f32 v5, v23  }
0x2e: {  	v20 =	vld [tilespmem:s3+$0x50];
	v6 =	vmin.f32 v6, v24;
	v7 =	vmax.f32 v7, v24;
	v10 =	vmin.f32 v10, v25  }
0x2f: {  	v8 =	vmax.f32 v8, v25;
	v0 =	vbroadcast v14, $0x0;
	v14 =	vbroadcast v14, $0x1  }
0x30: {  	v11 =	vmin.f32 v11, v13;
	v22 =	vbroadcast v18, $0xE;
	v18 =	vbroadcast v18, $0xF  }
0x31: {  	v12 =	vmax.f32 v12, v13;
	v2 =	vmin.f32 v3, v2;
	v3 =	vsub.f32 v14, v0  }
0x32: {  	v13 =	vld [tilespmem:s3+$0x60];
	v4 =	vmax.f32 v4, v5;
	v2 =	vmin.f32 v2, v6;
	v6 =	vsub.f32 v18, v22  }
0x33: {  	v2 =	vmin.f32 v2, v10;
	v9 =	vmin.f32 v9, v20;
	vm0 =	veq.f32 v3, $0.0e+00  }
0x34: {  	v14 =	vmax.f32 v16, v20;
	v5 =	vsel vm0, $0x3F800000, v3;
	vm1 =	veq.f32 v6, $0.0e+00  }
0x35: {  	v3 =	vmax.f32 v4, v7;
	(erf) = vrcp.f32 v5;
	v4 =	vsel vm1, $0x3F800000, v6  }
0x36: {  	v2 =	vmin.f32 v2, v11;
	v3 =	vmax.f32 v3, v8;
	(erf) = vrcp.f32 v4  }
0x37: {  	v2 =	vmin.f32 v2, v9;
	v6 =	vmin.f32 v17, v13;
	v3 =	vmax.f32 v3, v12  }
0x38: {  	v7 =	vmax.f32 v15, v13;
	v2 =	vmin.f32 v2, v6;
	v3 =	vmax.f32 v3, v14  }
0x39: {  	v1 =	vmax.f32 v1, v21;
	v2 =	vmin.f32 v2, v19;
	v3 =	vmax.f32 v3, v7  }
0x3a: {  	(xrf0) =	vmin.scan.msk.f32 $0xffff, v2;
	v1 =	vmax.f32 v3, v1  }
0x3b: {  	(xrf0) =	vmax.scan.msk.f32 $0xffff, v1  }
0x3c: {  	v8 =	vld [tilespmem:$0x5FF0];
	_ =	sdelay $0x1  }
0x3d: {  	v6 =	vld [tilespmem:$0x5000];
	v7 =	vpop (erf)  }
0x3e: {  	v2 =	vmul.f32 v7, v5;
	v9 =	vpop (erf)  }
0x3f: {  	v26 =	vld [tilespmem:$0x4DF0];
	v1, _, _ =	vpop (xrf0);
	v10 =	vmul.f32 v9, v4  }
0x40: {  	v27 =	vld [tilespmem:$0x4EF0];
	v17 =	vbroadcast v8, $0xE;
	v8 =	vbroadcast v8, $0xF;
	v3, _, _ =	vpop (xrf0);
	v11 =	vsub.f32 $2.000000000e+00, v2  }
0x41: {  	v24 =	vld [tilespmem:$0x4BF0];
	v1 =	vbroadcast v1, $0xF;
	v2 =	vbroadcast v3, $0xF;
	v10 =	vsub.f32 $2.000000000e+00, v10  }
0x42: {  	v16 =	vld [tilespmem:$0x45F0];
	v3 =	vbroadcast v6, $0x0;
	v7 =	vmul.f32 v11, v7  }
0x43: {  	v18 =	vld [tilespmem:$0x46F0];
	v6 =	vbroadcast v6, $0x1;
	v9 =	vmul.f32 v10, v9  }
0x44: {  	v14 =	vld [tilespmem:$0x44F0];
	v8 =	vsub.f32 v8, v17;
	v5 =	vmul.f32 v7, v5  }
0x45: {  	v20 =	vld [tilespmem:$0x47F0];
	v15 =	vsub.f32 v1, v0;
	v6 =	vsub.f32 v6, v3;
	v4 =	vmul.f32 v9, v4  }
0x46: {  	v13 =	vld [tilespmem:$0x41F0];
	v19 =	vsub.f32 v2, v22;
	v5 =	vsub.f32 $2.000000000e+00, v5  }
0x47: {  	v11 =	vld [tilespmem:$0x42F0];
	v6 =	vmul.f32 v6, v15;
	v4 =	vsub.f32 $2.000000000e+00, v4  }
0x48: {  	v12 =	vld [tilespmem:$0x40F0];
	v5 =	vmul.f32 v5, v7;
	v7 =	vmul.f32 v8, v19  }
0x49: {  	v10 =	vld [tilespmem:$0x43F0];
	v8 =	vbroadcast v14, $0xF;
	v4 =	vmul.f32 v4, v9  }
0x4a: {  	v15 =	vld [tilespmem:$0x48F0];
	v9 =	vbroadcast v16, $0xF;
	v16 =	vbroadcast v24, $0xF  }
0x4b: {  	v21 =	vld [tilespmem:$0x4AF0];
	v22 =	vmul.f32 v5, v6;
	v5 =	vbroadcast v13, $0xF  }
0x4c: {  	v19 =	vld [tilespmem:$0x49F0];
	v6 =	vbroadcast v11, $0xF;
	v11 =	vbroadcast v20, $0xF  }
0x4d: {  	v62 =	vimm.s32 $0x1;
	v25 =	vld [tilespmem:$0x4CF0];
	v20 =	vbroadcast v27, $0xF;
	v23 =	vmul.f32 v4, v7  }
.Ltmp1:
0x4e: {  	v63 =	vimm.s32 $0x2;
	v4 =	vbroadcast v12, $0xF;
	v7 =	vbroadcast v10, $0xF;
	(pc) =	sbr.rel .LBB2_3-.Ltmp1, $4  }
0x4f: {  	v10 =	vbroadcast v18, $0xF;
	v12 =	vbroadcast v15, $0xF;
	v14 =	vadd.f32 v22, v3  }
0x50: {  	s31 =	sshll.u32 s2, $0xA;
	v15 =	vbroadcast v21, $0xF;
	v21 =	vimm.s32 $0x0;
	v18 =	vadd.f32 v23, v17  }
0x51: {  	s6 =	sor.u32 $0x70, s31;
	v13 =	vbroadcast v19, $0xF;
	v19 =	vbroadcast v26, $0xF;
	v14 =	vsel vm0, v3, v14  }
0x52: {  	s4 =	simm.s32 $0x4000;
	s5 =	simm.s32 $0x5000;
	s3 =	simm.s32 $0x0;
	v17 =	vsel vm1, v17, v18;
	v18 =	vbroadcast v25, $0xF;
	v25 =	vmov s6  }
.LBB2_5:
0x53: {  	v22 =	vld [tilespmem:$0x1FF30];
	_ =	sdelay $0x4  }
0x54: {  	vm2 =	vgt.u32 v52, $0xFFF;
	vm0 =	veq.s32 v52, $0x0;
	vm3 =	vne.f32 v22, v26  }
0x55: {  	v22 =	vsel vm2, v2, v22;
	vm1 =	vmand vm0, vm3  }
0x56: {  	v24 =	vsel vm1, v1, v58;
	v22 =	vsel vm1, v0, v22  }
0x57: {  	v22 =	vsub.f32 v22, v24;
	_ =	sdelay $0x1  }
0x58: {  	(erf) = vrcp.f32 v22;
	_ =	sdelay $0x1  }
0x59: {  	v56 =	vld [tilespmem:$0x1FF50];
	_ =	sdelay $0x4  }
0x5a: {  	vm4 =	vgt.u32 v51, $0xFFF;
	vm12 =	veq.s32 v51, $0x0;
	vm5 =	vne.f32 v56, v28  }
0x5b: {  	vm0 =	vmand vm12, vm5;
	v58 =	vsel vm4, v2, v56  }
0x5c: {  	vm8 =	vgt.u32 v49, $0xFFF;
	v51 =	vsel vm0, v0, v58;
	v58 =	vld [tilespmem:$0x1FF40];
	v54 =	vpop (erf)  }
0x5d: {  	vm6 =	veq.s32 v49, $0x0;
	v49 =	vld.idx.msk [tilespmem:v53+s5+$0x0], $0xffff;
	v52 =	vsel vm0, v1, v57;
	v56 =	vmul.f32 v54, v22  }
0x5e: {  	v51 =	vsub.f32 v51, v52  }
0x5f: {  	v57 =	vld [tilespmem:$0x1FF70];
	v56 =	vsub.f32 $2.000000000e+00, v56  }
0x60: {  	(erf) = vrcp.f32 v51  }
0x61: {  	v54 =	vmul.f32 v56, v54;
	v56 =	vsel vm2, v17, v58  }
0x62: {  	v49 =	vsel vm1, v14, v49;
	v56 =	vsel vm1, v3, v56  }
0x63: {  	v24 =	vsub.f32 v26, v24;
	v56 =	vsub.f32 v56, v49  }
0x64: {  	vm10 =	vne.f32 v57, v29;
	v53 =	vsel vm8, v2, v57  }
0x65: {  	vm6 =	vmand vm6, vm10;
	v22 =	vmul.f32 v54, v22;
	v24 =	vmul.f32 v56, v24;
	v56 =	vld [tilespmem:$0x1FF60]  }
0x66: {  	v48 =	vld.idx.msk [tilespmem:v48+s5+$0x0], $0xffff;
	v55 =	vsel vm6, v1, v55;
	v53 =	vsel vm6, v0, v53  }
0x67: {  	v53 =	vsub.f32 v53, v55;
	v22 =	vsub.f32 $2.000000000e+00, v22;
	_ =	sdelay $0x1  }
0x68: {  	(erf) = vrcp.f32 v53;
	v57 =	vpop (erf);
	v22 =	vmul.f32 v22, v54  }
0x69: {  	v26 =	vmul.f32 v57, v51;
	v54 =	vsel vm4, v17, v56  }
0x6a: {  	v22 =	vmul.f32 v24, v22;
	v24 =	vsel vm0, v14, v48;
	v54 =	vsel vm0, v3, v54  }
0x6b: {  	v26 =	vsub.f32 $2.000000000e+00, v26;
	v48 =	vsub.f32 v54, v24;
	v54 =	vld [tilespmem:$0x1FF90];
	_ =	sdelay $0x1  }
0x6c: {  	v26 =	vmul.f32 v26, v57;
	_ =	sdelay $0x1  }
0x6d: {  	vm13 =	veq.s32 v43, $0x0;
	vm15 =	veq.s32 v41, $0x0;
	v51 =	vmul.f32 v26, v51  }
0x6e: {  	v57 =	vimm.s32 $0x0;
	v22 =	vadd.f32 v22, v49;
	v49 =	vld [tilespmem:$0x1FF80];
	vm7 =	vne.f32 v54, v27  }
0x6f: {  	v38 =	vld.idx.msk [tilespmem:v38+s5+$0x0], $0xffff;
	v28 =	vsub.f32 v28, v52;
	v52 =	vpop (erf);
	v51 =	vsub.f32 $2.000000000e+00, v51;
	v57 =	vsel vm7, $0xFFFFFFFF, v57  }
0x70: {  	vm9 =	veq.s32 v40, $0x0;
	vm14 =	vmor vm2, vm3;
	[tilespmem:$0x1FEF0] =	vst v57;
	v57 =	vmul.f32 v52, v53  }
0x71: {  	v26 =	vmul.f32 v51, v26;
	v22 =	vsel vm14, v22, v58;
	v58 =	vld [tilespmem:$0x1FFF0];
	v28 =	vmul.f32 v48, v28  }
0x72: {  	v55 =	vsub.f32 v29, v55;
	vm1 =	vgt.u32 v43, $0xFFF;
	v43 =	vsub.f32 $2.000000000e+00, v57  }
0x73: {  	vm2 =	vgt.u32 v41, $0xFFF;
	v26 =	vmul.f32 v28, v26;
	v57 =	vsel vm8, v17, v49  }
0x74: {  	v28 =	vsel vm6, v14, v38;
	v43 =	vmul.f32 v43, v52;
	v52 =	vsel vm6, v3, v57  }
0x75: {  	v54 =	vsel vm1, v2, v54;
	vm12 =	vmand vm13, vm7;
	v38 =	vsub.f32 v52, v28;
	v52 =	vld [tilespmem:$0x1FFB0]  }
0x76: {  	vm11 =	vne.f32 v58, v33;
	v50 =	vsel vm12, v1, v50;
	v54 =	vsel vm12, v0, v54  }
0x77: {  	vm13 =	veq.s32 v42, $0x0;
	v54 =	vsub.f32 v54, v50;
	v57 =	vmul.f32 v43, v53  }
0x78: {  	v24 =	vadd.f32 v26, v24;
	vm7 =	veq.s32 v39, $0x0;
	vm13 =	vmand vm13, vm11;
	v53 =	vld [tilespmem:$0x1FFD0]  }
0x79: {  	v34 =	vld.idx.msk [tilespmem:v34+s5+$0x0], $0xffff;
	(erf) = vrcp.f32 v54;
	vm6 =	vmor vm4, vm5;
	v51 =	vsub.f32 $2.000000000e+00, v57  }
0x7a: {  	v24 =	vsel vm6, v24, v56;
	v26 =	vmul.f32 v38, v55;
	vm3 =	vne.f32 v52, v30  }
0x7b: {  	v56 =	vld [tilespmem:$0x1FFE0];
	v29 =	vmul.f32 v51, v43;
	v38 =	vsel vm2, v2, v52;
	vm14 =	vmand vm15, vm3  }
0x7c: {  	vm4 =	vgt.u32 v39, $0xFFF;
	v41 =	vsel vm14, v1, v47;
	v38 =	vsel vm14, v0, v38  }
0x7d: {  	vm5 =	vne.f32 v53, v31;
	v26 =	vmul.f32 v26, v29;
	v29 =	vsub.f32 v38, v41  }
0x7e: {  	v34 =	vsel vm12, v14, v34;
	v43 =	vsel vm4, v2, v53;
	vm15 =	vmand vm7, vm5  }
0x7f: {  	v46 =	vsel vm15, v1, v46;
	v43 =	vsel vm15, v0, v43;
	(erf) = vrcp.f32 v29  }
0x80: {  	v23 =	vld.idx.msk [tilespmem:v23+s5+$0x0], $0xffff;
	v44 =	vsel vm13, v1, v44;
	vm6 =	vne.f32 v56, v32;
	v43 =	vsub.f32 v43, v46  }
0x81: {  	v35 =	vld.idx.msk [tilespmem:v35+s5+$0x0], $0xffff;
	v27 =	vsub.f32 v27, v50;
	vm0 =	vmand vm9, vm6;
	vm7 =	vgt.u32 v40, $0xFFF  }
0x82: {  	vm9 =	vgt.u32 v42, $0xFFF;
	v53 =	vld [tilespmem:$0x1FFA0];
	v57 =	vsel vm7, v2, v56;
	(erf) = vrcp.f32 v43  }
0x83: {  	v36 =	vld.idx.msk [tilespmem:v36+s5+$0x0], $0xffff;
	v40 =	vsel vm0, v1, v45;
	v51 =	vsel vm9, v2, v58;
	v48 =	vsel vm0, v0, v57;
	v38 =	vpop (erf)  }
0x84: {  	v37 =	vld.idx.msk [tilespmem:v37+s5+$0x0], $0xffff;
	v45 =	vsel vm13, v0, v51;
	v42 =	vsub.f32 v48, v40;
	v55 =	vmul.f32 v38, v54  }
0x85: {  	v23 =	vsel vm13, v14, v23;
	v26 =	vadd.f32 v26, v28;
	v28 =	vsub.f32 v45, v44  }
0x86: {  	vm8 =	vmor vm8, vm10;
	(erf) = vrcp.f32 v42;
	v39 =	vsub.f32 $2.000000000e+00, v55  }
0x87: {  	v35 =	vsel vm14, v14, v35;
	v52 =	vsel vm1, v17, v53;
	(erf) = vrcp.f32 v28  }
0x88: {  	v36 =	vsel vm0, v14, v36;
	v55 =	vsel vm12, v3, v52;
	v52 =	vld [tilespmem:$0x1FFC0];
	v38 =	vmul.f32 v39, v38;
	v45 =	vpop (erf)  }
0x89: {  	v37 =	vsel vm15, v14, v37;
	v30 =	vsub.f32 v30, v41;
	v58 =	vmul.f32 v45, v29  }
0x8a: {  	v39 =	vsub.f32 v55, v34;
	v55 =	vsel vm4, v17, v61;
	v56 =	vmul.f32 v38, v54  }
0x8b: {  	v26 =	vsel vm8, v26, v49;
	v51 =	vsel vm15, v3, v55;
	v54 =	vpop (erf);
	v49 =	vsub.f32 $2.000000000e+00, v58  }
0x8c: {  	v27 =	vmul.f32 v39, v27;
	v47 =	vsub.f32 $2.000000000e+00, v56;
	v56 =	vmul.f32 v54, v43  }
0x8d: {  	v55 =	vsub.f32 v51, v37;
	v51 =	vsub.f32 v32, v40;
	v57 =	vsel vm2, v17, v52  }
0x8e: {  	v48 =	vsel vm14, v3, v57;
	v57 =	vsel vm7, v17, v60;
	v39 =	vsub.f32 $2.000000000e+00, v56  }
0x8f: {  	v38 =	vmul.f32 v47, v38;
	v47 =	vsel vm0, v3, v57;
	v45 =	vmul.f32 v49, v45;
	v49 =	vpop (erf)  }
0x90: {  	v57 =	vsub.f32 v31, v46;
	v39 =	vmul.f32 v39, v54;
	v58 =	vmul.f32 v49, v42;
	v54 =	vpop (erf)  }
0x91: {  	v50 =	vsub.f32 v47, v36;
	v27 =	vmul.f32 v27, v38;
	v56 =	vmul.f32 v54, v28  }
0x92: {  	v38 =	vsub.f32 v48, v35;
	v29 =	vmul.f32 v45, v29;
	v41 =	vsub.f32 $2.000000000e+00, v58  }
0x93: {  	v31 =	vmul.f32 v55, v57;
	v32 =	vmul.f32 v50, v51;
	v58 =	vsub.f32 $2.000000000e+00, v56  }
0x94: {  	v43 =	vmul.f32 v39, v43;
	v29 =	vsub.f32 $2.000000000e+00, v29;
	v41 =	vmul.f32 v41, v49  }
0x95: {  	vm12 =	vmor vm2, vm3;
	v30 =	vmul.f32 v38, v30;
	v38 =	vmul.f32 v58, v54  }
0x96: {  	v57 =	vld [tilespmem:$0x1FEF0];
	v43 =	vsub.f32 $2.000000000e+00, v43;
	v29 =	vmul.f32 v29, v45;
	v42 =	vmul.f32 v41, v42  }
0x97: {  	v56 =	vsub.f32 v33, v44;
	v49 =	vsel vm9, v17, v59;
	v28 =	vmul.f32 v38, v28  }
0x98: {  	v39 =	vmul.f32 v43, v39;
	v45 =	vsel vm13, v3, v49;
	v54 =	vsub.f32 $2.000000000e+00, v42  }
0x99: {  	v29 =	vmul.f32 v30, v29;
	v55 =	vsub.f32 v45, v23;
	v28 =	vsub.f32 $2.000000000e+00, v28  }
0x9a: {  	v27 =	vadd.f32 v27, v34;
	v31 =	vmul.f32 v31, v39;
	v30 =	vmul.f32 v54, v41  }
0x9b: {  	[tilespmem:s6+$0x6000] =	vst v22;
	vm10 =	vnez.u8 v57;
	v22 =	vmul.f32 v55, v56;
	v28 =	vmul.f32 v28, v38  }
0x9c: {  	s3 =	sadd.s32 $0x200, s3;
	[tilespmem:s6+$0x6010] =	vst v24;
	vm0 =	vmor vm1, vm10;
	v24 =	vadd.f32 v29, v35;
	v58 =	vmul.f32 v32, v30  }
0x9d: {  	p0 =	sne.s32 s3, $0x1000;
	[tilespmem:s6+$0x6020] =	vst v26;
	v27 =	vsel vm0, v27, v53;
	v26 =	vadd.f32 v31, v37;
	v22 =	vmul.f32 v22, v28  }
.Ltmp2:
0x9e: {  	[tilespmem:s6+$0x6030] =	vst v27;
	vm13 =	vmor vm4, vm5;
	v24 =	vsel vm12, v24, v52;
	v27 =	vadd.f32 v58, v36;
	(pc) =	sbr.rel @!p0 .LBB2_6-.Ltmp2, $4  }
0x9f: {  	vm14 =	vmor vm7, vm6;
	v26 =	vsel vm13, v26, v61;
	[tilespmem:s6+$0x6040] =	vst v24;
	v22 =	vadd.f32 v22, v23  }
0xa0: {  	vm15 =	vmor vm9, vm11;
	[tilespmem:s6+$0x6050] =	vst v26;
	v23 =	vsel vm14, v27, v60  }
0xa1: {  	[tilespmem:s6+$0x6060] =	vst v23;
	v22 =	vsel vm15, v22, v59  }
0xa2: {  	[tilespmem:s6+$0x6070] =	vst v22  }
.LBB2_3:
0xa3: {  	_ =	sdelay $0x2  }
0xa4: {  	s6 =	sshra.s32 s3, $0x2  }
0xa5: {  	v26 =	vld.idx.msk [tilespmem:v25+s6+$0xFFFFFF90 ss:$0x1], $0xffff;
	_ =	sdelay $0x4  }
0xa6: {  	v29 =	vld.idx.msk [tilespmem:v25+s6+$0xFFFFFFB0 ss:$0x1], $0xffff;
	vm0 =	vlt.f32 v4, v26;
	vm1 =	vlt.f32 v5, v26  }
0xa7: {  	v28 =	vld.idx.msk [tilespmem:v25+s6+$0xFFFFFFA0 ss:$0x1], $0xffff;
	vm15 =	vlt.f32 v6, v26;
	vm4 =	vlt.f32 v7, v26;
	vm5 =	vlt.f32 v8, v26  }
0xa8: {  	vm6 =	vlt.f32 v9, v26;
	vm7 =	vlt.f32 v10, v26;
	vm8 =	vlt.f32 v11, v26  }
0xa9: {  	vm9 =	vlt.f32 v12, v26;
	vm10 =	vlt.f32 v13, v26;
	vm11 =	vlt.f32 v15, v26  }
0xaa: {  	vm12 =	vlt.f32 v16, v26;
	vm13 =	vlt.f32 v18, v26;
	vm14 =	vlt.f32 v19, v26  }
0xab: {  	vm2 =	vlt.f32 v5, v29;
	v22 =	vsel vm0, $0x100, v21;
	v23 =	vsel vm1, $0x100, v21  }
0xac: {  	vm0 =	vlt.f32 v20, v28;
	v30 =	vsel vm2, $0x100, v21;
	v22 =	vadd.s32 v23, v22  }
0xad: {  	v23 =	vsel vm15, $0x100, v21;
	vm15 =	vlt.f32 v4, v28;
	v32 =	vsel vm0, $0x100, v21  }
0xae: {  	vm0 =	vlt.f32 v20, v29;
	v22 =	vadd.s32 v23, v22;
	v23 =	vsel vm4, $0x100, v21  }
0xaf: {  	vm4 =	vlt.f32 v5, v28;
	v24 =	vsel vm15, $0x100, v21;
	vm15 =	vlt.f32 v18, v28  }
0xb0: {  	v22 =	vadd.s32 v23, v22;
	v23 =	vsel vm5, $0x100, v21;
	v27 =	vsel vm4, $0x100, v21  }
0xb1: {  	vm5 =	vlt.f32 v6, v28;
	vm4 =	vlt.f32 v19, v28;
	v22 =	vadd.s32 v23, v22  }
0xb2: {  	v23 =	vsel vm6, $0x100, v21;
	v24 =	vadd.s32 v27, v24;
	v27 =	vsel vm5, $0x100, v21  }
0xb3: {  	vm6 =	vlt.f32 v7, v28;
	vm5 =	vlt.f32 v20, v26;
	v22 =	vadd.s32 v23, v22  }
0xb4: {  	v23 =	vsel vm7, $0x100, v21;
	v24 =	vadd.s32 v27, v24;
	v27 =	vsel vm6, $0x100, v21  }
0xb5: {  	vm7 =	vlt.f32 v8, v28;
	v22 =	vadd.s32 v23, v22;
	v23 =	vsel vm8, $0x100, v21  }
0xb6: {  	v24 =	vadd.s32 v27, v24;
	v27 =	vsel vm7, $0x100, v21;
	vm8 =	vlt.f32 v9, v28  }
0xb7: {  	v22 =	vadd.s32 v23, v22;
	v23 =	vsel vm9, $0x100, v21;
	v24 =	vadd.s32 v27, v24  }
0xb8: {  	v27 =	vsel vm8, $0x100, v21;
	vm9 =	vlt.f32 v10, v28;
	v22 =	vadd.s32 v23, v22  }
0xb9: {  	v23 =	vsel vm10, $0x100, v21;
	v24 =	vadd.s32 v27, v24;
	v27 =	vsel vm9, $0x100, v21  }
0xba: {  	vm10 =	vlt.f32 v11, v28;
	v22 =	vadd.s32 v23, v22;
	v23 =	vsel vm11, $0x100, v21  }
0xbb: {  	v24 =	vadd.s32 v27, v24;
	v27 =	vsel vm10, $0x100, v21;
	vm11 =	vlt.f32 v12, v28  }
0xbc: {  	v22 =	vadd.s32 v23, v22;
	v23 =	vsel vm12, $0x100, v21;
	v24 =	vadd.s32 v27, v24  }
0xbd: {  	v27 =	vsel vm11, $0x100, v21;
	vm12 =	vlt.f32 v13, v28;
	v22 =	vadd.s32 v23, v22  }
0xbe: {  	v23 =	vsel vm13, $0x100, v21;
	v24 =	vadd.s32 v27, v24;
	v27 =	vsel vm12, $0x100, v21  }
0xbf: {  	vm13 =	vlt.f32 v15, v28;
	v22 =	vadd.s32 v23, v22;
	v23 =	vsel vm14, $0x100, v21  }
0xc0: {  	v24 =	vadd.s32 v27, v24;
	v27 =	vsel vm13, $0x100, v21;
	vm14 =	vlt.f32 v16, v28  }
0xc1: {  	vm6 =	vlt.f32 v4, v29;
	v24 =	vadd.s32 v27, v24;
	v27 =	vsel vm14, $0x100, v21  }
0xc2: {  	vm7 =	vlt.f32 v6, v29;
	v24 =	vadd.s32 v27, v24;
	v27 =	vsel vm15, $0x100, v21  }
0xc3: {  	vm8 =	vlt.f32 v7, v29;
	v24 =	vadd.s32 v27, v24;
	v27 =	vsel vm4, $0x100, v21  }
0xc4: {  	vm9 =	vlt.f32 v8, v29;
	v24 =	vadd.s32 v27, v24;
	v27 =	vsel vm6, $0x100, v21  }
0xc5: {  	vm10 =	vlt.f32 v9, v29;
	v27 =	vadd.s32 v30, v27;
	v30 =	vsel vm7, $0x100, v21  }
0xc6: {  	vm11 =	vlt.f32 v10, v29;
	v27 =	vadd.s32 v30, v27;
	v30 =	vsel vm8, $0x100, v21  }
0xc7: {  	vm12 =	vlt.f32 v11, v29;
	v27 =	vadd.s32 v30, v27;
	v30 =	vsel vm9, $0x100, v21  }
0xc8: {  	vm13 =	vlt.f32 v12, v29;
	v27 =	vadd.s32 v30, v27;
	v30 =	vsel vm10, $0x100, v21  }
0xc9: {  	v22 =	vadd.s32 v23, v22;
	v27 =	vadd.s32 v30, v27;
	v30 =	vsel vm11, $0x100, v21  }
0xca: {  	v23 =	vsel vm5, $0x100, v21;
	v27 =	vadd.s32 v30, v27;
	v30 =	vsel vm12, $0x100, v21  }
0xcb: {  	vm14 =	vlt.f32 v13, v29;
	v27 =	vadd.s32 v30, v27;
	v30 =	vsel vm13, $0x100, v21  }
0xcc: {  	v31 =	vsel vm14, $0x100, v21;
	vm15 =	vlt.f32 v15, v29;
	v30 =	vadd.s32 v30, v27  }
0xcd: {  	vm4 =	vlt.f32 v16, v29;
	v27 =	vld.idx.msk [tilespmem:v25+s6+$0xFFFFFFC0 ss:$0x1], $0xffff;
	v30 =	vadd.s32 v31, v30;
	v31 =	vsel vm15, $0x100, v21  }
0xce: {  	vm5 =	vlt.f32 v18, v29;
	v30 =	vadd.s32 v31, v30;
	v31 =	vsel vm4, $0x100, v21  }
0xcf: {  	vm6 =	vlt.f32 v19, v29;
	v30 =	vadd.s32 v31, v30;
	v31 =	vsel vm5, $0x100, v21  }
0xd0: {  	v33 =	vsel vm0, $0x100, v21;
	v30 =	vadd.s32 v31, v30;
	v31 =	vsel vm6, $0x100, v21  }
0xd1: {  	v23 =	vadd.s32 v23, v22;
	v22 =	vadd.s32 v32, v24;
	v24 =	vadd.s32 v31, v30  }
0xd2: {  	vm7 =	vlt.f32 v4, v27;
	vm8 =	vlt.f32 v5, v27;
	vm9 =	vlt.f32 v6, v27  }
0xd3: {  	vm10 =	vlt.f32 v7, v27;
	v30 =	vsel vm7, $0x100, v21;
	v31 =	vsel vm8, $0x100, v21  }
0xd4: {  	vm11 =	vlt.f32 v8, v27;
	v30 =	vadd.s32 v31, v30;
	v31 =	vsel vm9, $0x100, v21  }
0xd5: {  	vm12 =	vlt.f32 v9, v27;
	v30 =	vadd.s32 v31, v30;
	v31 =	vsel vm10, $0x100, v21  }
0xd6: {  	vm13 =	vlt.f32 v10, v27;
	v30 =	vadd.s32 v31, v30;
	v31 =	vsel vm11, $0x100, v21  }
0xd7: {  	vm14 =	vlt.f32 v11, v27;
	v30 =	vadd.s32 v31, v30;
	v31 =	vsel vm12, $0x100, v21  }
0xd8: {  	vm15 =	vlt.f32 v12, v27;
	v30 =	vadd.s32 v31, v30;
	v31 =	vsel vm13, $0x100, v21  }
0xd9: {  	vm4 =	vlt.f32 v13, v27;
	v30 =	vadd.s32 v31, v30;
	v31 =	vsel vm14, $0x100, v21  }
0xda: {  	vm5 =	vlt.f32 v15, v27;
	v43 =	vsel vm15, $0x100, v21;
	v31 =	vadd.s32 v31, v30;
	v30 =	vld.idx.msk [tilespmem:v25+s6+$0xFFFFFFD0 ss:$0x1], $0xffff  }
0xdb: {  	vm6 =	vlt.f32 v16, v27;
	v44 =	vsel vm4, $0x100, v21;
	v31 =	vadd.s32 v43, v31  }
0xdc: {  	v45 =	vsel vm5, $0x100, v21;
	v46 =	vsel vm6, $0x100, v21;
	v31 =	vadd.s32 v44, v31  }
0xdd: {  	vm7 =	vlt.f32 v18, v27;
	v24 =	vadd.s32 v33, v24;
	v31 =	vadd.s32 v45, v31  }
0xde: {  	vm8 =	vlt.f32 v19, v27;
	v47 =	vsel vm7, $0x100, v21;
	v31 =	vadd.s32 v46, v31  }
0xdf: {  	v48 =	vsel vm8, $0x100, v21;
	v32 =	vadd.s32 v47, v31;
	vm9 =	vlt.f32 v4, v30  }
0xe0: {  	vm10 =	vlt.f32 v5, v30;
	vm11 =	vlt.f32 v6, v30;
	vm12 =	vlt.f32 v7, v30  }
0xe1: {  	vm13 =	vlt.f32 v8, v30;
	v31 =	vsel vm9, $0x100, v21;
	v34 =	vsel vm10, $0x100, v21  }
0xe2: {  	vm14 =	vlt.f32 v9, v30;
	v49 =	vsel vm11, $0x100, v21;
	v31 =	vadd.s32 v34, v31  }
0xe3: {  	vm15 =	vlt.f32 v10, v30;
	v50 =	vsel vm12, $0x100, v21;
	v31 =	vadd.s32 v49, v31  }
0xe4: {  	vm4 =	vlt.f32 v11, v30;
	v51 =	vsel vm13, $0x100, v21;
	v31 =	vadd.s32 v50, v31  }
0xe5: {  	vm5 =	vlt.f32 v12, v30;
	v52 =	vsel vm14, $0x100, v21;
	v31 =	vadd.s32 v51, v31  }
0xe6: {  	vm6 =	vlt.f32 v13, v30;
	v53 =	vsel vm15, $0x100, v21;
	v31 =	vadd.s32 v52, v31  }
0xe7: {  	vm7 =	vlt.f32 v15, v30;
	v54 =	vsel vm4, $0x100, v21;
	v31 =	vadd.s32 v53, v31  }
0xe8: {  	vm8 =	vlt.f32 v16, v30;
	v55 =	vsel vm5, $0x100, v21;
	v31 =	vadd.s32 v54, v31  }
0xe9: {  	v35 =	vsel vm6, $0x100, v21;
	v56 =	vsel vm7, $0x100, v21;
	v34 =	vadd.s32 v55, v31  }
0xea: {  	v57 =	vsel vm8, $0x100, v21;
	vm9 =	vlt.f32 v18, v30;
	v31 =	vld.idx.msk [tilespmem:v25+s6+$0xFFFFFFE0 ss:$0x1], $0xffff;
	v34 =	vadd.s32 v35, v34  }
0xeb: {  	vm10 =	vlt.f32 v19, v30;
	vm11 =	vlt.f32 v20, v27;
	v34 =	vadd.s32 v56, v34  }
0xec: {  	v33 =	vadd.s32 v48, v32;
	v58 =	vsel vm9, $0x100, v21;
	v34 =	vadd.s32 v57, v34  }
0xed: {  	v59 =	vsel vm10, $0x100, v21;
	v36 =	vsel vm11, $0x100, v21;
	v34 =	vadd.s32 v58, v34  }
0xee: {  	vm0 =	vlt.f32 v20, v30;
	v36 =	vadd.s32 v36, v33;
	v34 =	vadd.s32 v59, v34  }
0xef: {  	vm12 =	vlt.f32 v4, v31;
	vm13 =	vlt.f32 v5, v31;
	vm14 =	vlt.f32 v6, v31  }
0xf0: {  	vm15 =	vlt.f32 v7, v31;
	vm4 =	vlt.f32 v8, v31;
	vm5 =	vlt.f32 v9, v31  }
0xf1: {  	vm6 =	vlt.f32 v10, v31;
	v60 =	vsel vm12, $0x100, v21;
	v61 =	vsel vm13, $0x100, v21  }
0xf2: {  	vm7 =	vlt.f32 v11, v31;
	v37 =	vsel vm14, $0x100, v21;
	v32 =	vadd.s32 v61, v60  }
0xf3: {  	vm8 =	vlt.f32 v12, v31;
	v38 =	vsel vm15, $0x100, v21;
	v32 =	vadd.s32 v37, v32  }
0xf4: {  	vm9 =	vlt.f32 v13, v31;
	v39 =	vsel vm4, $0x100, v21;
	v32 =	vadd.s32 v38, v32  }
0xf5: {  	vm10 =	vlt.f32 v15, v31;
	v40 =	vsel vm5, $0x100, v21;
	v32 =	vadd.s32 v39, v32  }
0xf6: {  	vm11 =	vlt.f32 v16, v31;
	v41 =	vsel vm6, $0x100, v21;
	v32 =	vadd.s32 v40, v32  }
0xf7: {  	v42 =	vsel vm7, $0x100, v21;
	v43 =	vsel vm8, $0x100, v21;
	v32 =	vadd.s32 v41, v32  }
0xf8: {  	v44 =	vsel vm10, $0x100, v21;
	v45 =	vsel vm11, $0x100, v21;
	v32 =	vadd.s32 v42, v32  }
0xf9: {  	vm12 =	vlt.f32 v18, v31;
	v37 =	vsel vm9, $0x100, v21;
	v35 =	vadd.s32 v43, v32;
	v32 =	vld.idx.msk [tilespmem:v25+s6+$0xFFFFFFF0 ss:$0x1], $0xffff  }
0xfa: {  	vm13 =	vlt.f32 v19, v31;
	v46 =	vsel vm12, $0x100, v21;
	v35 =	vadd.s32 v37, v35  }
0xfb: {  	v47 =	vsel vm13, $0x100, v21;
	v38 =	vsel vm0, $0x100, v21;
	v35 =	vadd.s32 v44, v35  }
0xfc: {  	vm0 =	vlt.f32 v20, v31;
	v34 =	vadd.s32 v38, v34;
	v35 =	vadd.s32 v45, v35  }
0xfd: {  	v39 =	vsel vm0, $0x100, v21;
	v41 =	vadd.s32 $0x7F, v22;
	v35 =	vadd.s32 v46, v35  }
0xfe: {  	v43 =	vadd.s32 $0x7F, v36;
	v35 =	vadd.s32 v47, v35;
	vm14 =	vlt.f32 v4, v32  }
0xff: {  	vm15 =	vlt.f32 v5, v32;
	vm4 =	vlt.f32 v6, v32;
	vm5 =	vlt.f32 v7, v32  }
0x100: {  	vm6 =	vlt.f32 v8, v32;
	vm7 =	vlt.f32 v9, v32;
	vm8 =	vlt.f32 v10, v32  }
0x101: {  	vm9 =	vlt.f32 v11, v32;
	v48 =	vsel vm14, $0x100, v21;
	v49 =	vsel vm15, $0x100, v21  }
0x102: {  	vm10 =	vlt.f32 v12, v32;
	v50 =	vsel vm4, $0x100, v21;
	v33 =	vadd.s32 v49, v48  }
0x103: {  	vm11 =	vlt.f32 v13, v32;
	v51 =	vsel vm5, $0x100, v21;
	v33 =	vadd.s32 v50, v33  }
0x104: {  	vm12 =	vlt.f32 v15, v32;
	v52 =	vsel vm6, $0x100, v21;
	v33 =	vadd.s32 v51, v33  }
0x105: {  	vm13 =	vlt.f32 v16, v32;
	v53 =	vsel vm7, $0x100, v21;
	v33 =	vadd.s32 v52, v33  }
0x106: {  	v54 =	vsel vm8, $0x100, v21;
	v55 =	vsel vm9, $0x100, v21;
	v33 =	vadd.s32 v53, v33  }
0x107: {  	v56 =	vsel vm10, $0x100, v21;
	v57 =	vsel vm11, $0x100, v21;
	v33 =	vadd.s32 v54, v33  }
0x108: {  	v58 =	vsel vm12, $0x100, v21;
	v59 =	vsel vm13, $0x100, v21;
	v37 =	vadd.s32 v55, v33;
	v33 =	vld.idx.msk [tilespmem:v25+s6+$0x0 ss:$0x1], $0xffff  }
0x109: {  	vm14 =	vlt.f32 v18, v32;
	v35 =	vadd.s32 v39, v35;
	v37 =	vadd.s32 v56, v37  }
0x10a: {  	vm15 =	vlt.f32 v19, v32;
	vm12 =	vlt.f32 v20, v32;
	v37 =	vadd.s32 v57, v37  }
0x10b: {  	v60 =	vsel vm14, $0x100, v21;
	v61 =	vsel vm15, $0x100, v21;
	v37 =	vadd.s32 v58, v37  }
0x10c: {  	v53 =	vadd.s32 $0x7F, v23;
	v56 =	vadd.s32 $0x7F, v24;
	v37 =	vadd.s32 v59, v37  }
0x10d: {  	v37 =	vadd.s32 v60, v37;
	vm4 =	vlt.f32 v4, v33;
	vm5 =	vlt.f32 v5, v33  }
0x10e: {  	vm6 =	vlt.f32 v6, v33;
	vm7 =	vlt.f32 v7, v33;
	vm8 =	vlt.f32 v8, v33  }
0x10f: {  	vm9 =	vlt.f32 v9, v33;
	vm10 =	vlt.f32 v10, v33;
	vm11 =	vlt.f32 v11, v33  }
0x110: {  	vm13 =	vlt.f32 v12, v33;
	vm14 =	vlt.f32 v13, v33;
	vm15 =	vlt.f32 v15, v33  }
0x111: {  	v44 =	vsel vm4, $0x100, v21;
	v40 =	vsel vm5, $0x100, v21;
	v45 =	vsel vm6, $0x100, v21  }
0x112: {  	v46 =	vsel vm7, $0x100, v21;
	v47 =	vsel vm8, $0x100, v21;
	v39 =	vadd.s32 v40, v44  }
0x113: {  	v48 =	vsel vm9, $0x100, v21;
	v49 =	vsel vm10, $0x100, v21;
	v39 =	vadd.s32 v45, v39  }
0x114: {  	v37 =	vadd.s32 v61, v37;
	v51 =	vsel vm11, $0x100, v21;
	v39 =	vadd.s32 v46, v39  }
0x115: {  	v52 =	vsel vm13, $0x100, v21;
	v54 =	vsel vm14, $0x100, v21;
	v39 =	vadd.s32 v47, v39  }
0x116: {  	v55 =	vsel vm15, $0x100, v21;
	vm4 =	vlt.f32 v16, v33;
	v39 =	vadd.s32 v48, v39  }
0x117: {  	vm5 =	vlt.f32 v18, v33;
	vm6 =	vlt.f32 v19, v33;
	v40 =	vld.idx.msk [tilespmem:v53+s4+$0x0], $0xffff;
	v50 =	vadd.s32 v49, v39  }
0x118: {  	vm7 =	vlt.f32 v20, v33;
	v42 =	vsel vm4, $0x100, v21;
	v38 =	vadd.s32 v51, v50  }
0x119: {  	v57 =	vsel vm5, $0x100, v21;
	v44 =	vadd.s32 $0x7F, v34;
	v38 =	vadd.s32 v52, v38  }
0x11a: {  	v41 =	vld.idx.msk [tilespmem:v41+s4+$0x0], $0xffff;
	v58 =	vsel vm6, $0x100, v21;
	v45 =	vsel vm12, $0x100, v21;
	v38 =	vadd.s32 v54, v38  }
0x11b: {  	v46 =	vadd.s32 $0x7F, v35;
	v37 =	vadd.s32 v45, v37;
	v38 =	vadd.s32 v55, v38  }
0x11c: {  	v48 =	vadd.s32 $0x80, v23;
	v39 =	vld.idx.msk [tilespmem:v56+s4+$0x0], $0xffff;
	vm8 =	vlt.f32 v40, v26;
	v38 =	vadd.s32 v42, v38  }
0x11d: {  	v60 =	vld.idx.msk [tilespmem:v43+s4+$0x0], $0xffff;
	v61 =	vadd.s32 $0x7F, v37;
	v23 =	vsel vm8, v48, v23;
	v38 =	vadd.s32 v57, v38  }
0x11e: {  	v59 =	vsel vm7, $0x100, v21;
	v52 =	vadd.s32 $0x3F, v23;
	v38 =	vadd.s32 v58, v38  }
0x11f: {  	vm9 =	vlt.f32 v41, v28;
	v44 =	vld.idx.msk [tilespmem:v44+s4+$0x0], $0xffff;
	v50 =	vadd.s32 $0x80, v22;
	v38 =	vadd.s32 v59, v38  }
0x120: {  	v51 =	vld.idx.msk [tilespmem:v46+s4+$0x0], $0xffff;
	v22 =	vsel vm9, v50, v22;
	v49 =	vadd.s32 $0x7F, v38  }
0x121: {  	v53 =	vadd.s32 $0x80, v24;
	v40 =	vadd.s32 $0x3F, v22;
	vm10 =	vlt.f32 v39, v29  }
0x122: {  	vm11 =	vlt.f32 v60, v27;
	v54 =	vld.idx.msk [tilespmem:v61+s4+$0x0], $0xffff;
	v55 =	vadd.s32 $0x80, v36;
	v24 =	vsel vm10, v53, v24  }
0x123: {  	v36 =	vsel vm11, v55, v36;
	v58 =	vadd.s32 $0x3F, v24;
	v60 =	vld.idx.msk [tilespmem:v52+s4+$0x0], $0xffff  }
0x124: {  	v56 =	vadd.s32 $0x80, v34;
	vm12 =	vlt.f32 v44, v30;
	v61 =	vadd.s32 $0x3F, v36  }
0x125: {  	v34 =	vsel vm12, v56, v34;
	vm13 =	vlt.f32 v51, v31;
	v59 =	vadd.s32 $0x80, v35;
	v57 =	vld.idx.msk [tilespmem:v49+s4+$0x0], $0xffff  }
0x126: {  	v48 =	vadd.s32 $0x3F, v34;
	v40 =	vld.idx.msk [tilespmem:v40+s4+$0x0], $0xffff;
	v35 =	vsel vm13, v59, v35  }
0x127: {  	vm14 =	vlt.f32 v54, v32;
	v50 =	vadd.s32 $0x3F, v35;
	v49 =	vadd.s32 $0x80, v37  }
0x128: {  	v54 =	vadd.s32 $0x40, v23;
	v52 =	vld.idx.msk [tilespmem:v58+s4+$0x0], $0xffff;
	vm4 =	vlt.f32 v60, v26;
	v37 =	vsel vm14, v49, v37  }
0x129: {  	v55 =	vld.idx.msk [tilespmem:v61+s4+$0x0], $0xffff;
	v23 =	vsel vm4, v54, v23;
	v53 =	vadd.s32 $0x3F, v37  }
0x12a: {  	v51 =	vadd.s32 $0x80, v38;
	v59 =	vadd.s32 $0x1F, v23;
	vm15 =	vlt.f32 v57, v33  }
0x12b: {  	v41 =	vld.idx.msk [tilespmem:v48+s4+$0x0], $0xffff;
	vm5 =	vlt.f32 v40, v28;
	v57 =	vadd.s32 $0x40, v22;
	v38 =	vsel vm15, v51, v38  }
0x12c: {  	v58 =	vld.idx.msk [tilespmem:v50+s4+$0x0], $0xffff;
	v22 =	vsel vm5, v57, v22;
	v56 =	vadd.s32 $0x3F, v38  }
0x12d: {  	v60 =	vadd.s32 $0x40, v24;
	vm6 =	vlt.f32 v52, v29;
	v48 =	vadd.s32 $0x1F, v22  }
0x12e: {  	v49 =	vadd.s32 $0x40, v36;
	vm7 =	vlt.f32 v55, v27;
	v24 =	vsel vm6, v60, v24;
	v61 =	vld.idx.msk [tilespmem:v53+s4+$0x0], $0xffff  }
0x12f: {  	v36 =	vsel vm7, v49, v36;
	v54 =	vld.idx.msk [tilespmem:v59+s4+$0x0], $0xffff;
	v51 =	vadd.s32 $0x1F, v24  }
0x130: {  	vm8 =	vlt.f32 v41, v30;
	v52 =	vadd.s32 $0x40, v34;
	v55 =	vadd.s32 $0x1F, v36  }
0x131: {  	v34 =	vsel vm8, v52, v34;
	vm9 =	vlt.f32 v58, v31;
	v53 =	vadd.s32 $0x40, v35;
	v50 =	vld.idx.msk [tilespmem:v56+s4+$0x0], $0xffff  }
0x132: {  	v57 =	vadd.s32 $0x1F, v34;
	v35 =	vsel vm9, v53, v35;
	v42 =	vld.idx.msk [tilespmem:v48+s4+$0x0], $0xffff  }
0x133: {  	v59 =	vadd.s32 $0x1F, v35;
	vm10 =	vlt.f32 v61, v32;
	v56 =	vadd.s32 $0x40, v37  }
0x134: {  	v60 =	vadd.s32 $0x20, v23;
	vm12 =	vlt.f32 v54, v26;
	v39 =	vld.idx.msk [tilespmem:v51+s4+$0x0], $0xffff;
	v37 =	vsel vm10, v56, v37  }
0x135: {  	v23 =	vsel vm12, v60, v23;
	v48 =	vld.idx.msk [tilespmem:v55+s4+$0x0], $0xffff;
	v61 =	vadd.s32 $0x1F, v37  }
0x136: {  	v58 =	vadd.s32 $0x40, v38;
	v51 =	vadd.s32 $0xF, v23;
	vm11 =	vlt.f32 v50, v33  }
0x137: {  	v43 =	vld.idx.msk [tilespmem:v57+s4+$0x0], $0xffff;
	vm13 =	vlt.f32 v42, v28;
	v50 =	vadd.s32 $0x20, v22;
	v38 =	vsel vm11, v58, v38  }
0x138: {  	v52 =	vld.idx.msk [tilespmem:v59+s4+$0x0], $0xffff;
	v22 =	vsel vm13, v50, v22;
	v49 =	vadd.s32 $0x1F, v38  }
0x139: {  	v53 =	vadd.s32 $0x20, v24;
	vm14 =	vlt.f32 v39, v29;
	v54 =	vadd.s32 $0xF, v22  }
0x13a: {  	v56 =	vadd.s32 $0x20, v36;
	v24 =	vsel vm14, v53, v24;
	vm15 =	vlt.f32 v48, v27;
	v55 =	vld.idx.msk [tilespmem:v61+s4+$0x0], $0xffff  }
0x13b: {  	v59 =	vld.idx.msk [tilespmem:v51+s4+$0x0], $0xffff;
	v57 =	vadd.s32 $0xF, v24;
	v36 =	vsel vm15, v56, v36  }
0x13c: {  	vm4 =	vlt.f32 v43, v30;
	v58 =	vadd.s32 $0x20, v34;
	v61 =	vadd.s32 $0xF, v36  }
0x13d: {  	v60 =	vadd.s32 $0x20, v35;
	vm5 =	vlt.f32 v52, v31;
	v34 =	vsel vm4, v58, v34;
	v41 =	vld.idx.msk [tilespmem:v49+s4+$0x0], $0xffff  }
0x13e: {  	v35 =	vsel vm5, v60, v35;
	v50 =	vadd.s32 $0xF, v34;
	v48 =	vld.idx.msk [tilespmem:v54+s4+$0x0], $0xffff  }
0x13f: {  	v52 =	vadd.s32 $0xF, v35;
	vm6 =	vlt.f32 v55, v32;
	v49 =	vadd.s32 $0x20, v37  }
0x140: {  	vm8 =	vlt.f32 v59, v26;
	v51 =	vld.idx.msk [tilespmem:v57+s4+$0x0], $0xffff;
	v54 =	vadd.s32 $0x10, v23;
	v37 =	vsel vm6, v49, v37  }
0x141: {  	v55 =	vld.idx.msk [tilespmem:v61+s4+$0x0], $0xffff;
	v23 =	vsel vm8, v54, v23;
	v56 =	vadd.s32 $0xF, v37  }
0x142: {  	v53 =	vadd.s32 $0x20, v38;
	v60 =	vadd.s32 $0x7, v23;
	vm7 =	vlt.f32 v41, v33  }
0x143: {  	v57 =	vadd.s32 $0x10, v22;
	v59 =	vld.idx.msk [tilespmem:v50+s4+$0x0], $0xffff;
	vm9 =	vlt.f32 v48, v28;
	v38 =	vsel vm7, v53, v38  }
0x144: {  	v22 =	vsel vm9, v57, v22;
	v58 =	vadd.s32 $0xF, v38  }
0x145: {  	v61 =	vadd.s32 $0x10, v24;
	vm10 =	vlt.f32 v51, v29;
	v41 =	vld.idx.msk [tilespmem:v52+s4+$0x0], $0xffff;
	v48 =	vadd.s32 $0x7, v22  }
0x146: {  	v49 =	vadd.s32 $0x10, v36;
	v24 =	vsel vm10, v61, v24;
	vm11 =	vlt.f32 v55, v27;
	v50 =	vld.idx.msk [tilespmem:v56+s4+$0x0], $0xffff  }
0x147: {  	v51 =	vadd.s32 $0x7, v24;
	v36 =	vsel vm11, v49, v36;
	v42 =	vld.idx.msk [tilespmem:v60+s4+$0x0], $0xffff  }
0x148: {  	vm12 =	vlt.f32 v59, v30;
	v53 =	vadd.s32 $0x10, v34;
	v54 =	vadd.s32 $0x7, v36  }
0x149: {  	v55 =	vadd.s32 $0x10, v35;
	v34 =	vsel vm12, v53, v34;
	v52 =	vld.idx.msk [tilespmem:v58+s4+$0x0], $0xffff  }
0x14a: {  	v49 =	vadd.s32 $0x8, v23;
	v57 =	vadd.s32 $0x7, v34;
	vm13 =	vlt.f32 v41, v31;
	v56 =	vld.idx.msk [tilespmem:v48+s4+$0x0], $0xffff  }
0x14b: {  	v35 =	vsel vm13, v55, v35;
	vm14 =	vlt.f32 v50, v32;
	v58 =	vadd.s32 $0x10, v37  }
0x14c: {  	v44 =	vld.idx.msk [tilespmem:v51+s4+$0x0], $0xffff;
	v59 =	vadd.s32 $0x7, v35;
	vm4 =	vlt.f32 v42, v26;
	v37 =	vsel vm14, v58, v37  }
0x14d: {  	v61 =	vld.idx.msk [tilespmem:v54+s4+$0x0], $0xffff;
	v23 =	vsel vm4, v49, v23;
	v48 =	vadd.s32 $0x7, v37  }
0x14e: {  	v60 =	vadd.s32 $0x10, v38;
	v54 =	vadd.s32 $0x3, v23;
	vm15 =	vlt.f32 v52, v33  }
0x14f: {  	v50 =	vadd.s32 $0x8, v22;
	vm5 =	vlt.f32 v56, v28;
	v38 =	vsel vm15, v60, v38  }
0x150: {  	v40 =	vld.idx.msk [tilespmem:v57+s4+$0x0], $0xffff;
	v22 =	vsel vm5, v50, v22;
	v51 =	vadd.s32 $0x7, v38  }
0x151: {  	vm6 =	vlt.f32 v44, v29;
	v52 =	vadd.s32 $0x8, v24;
	v53 =	vld.idx.msk [tilespmem:v59+s4+$0x0], $0xffff;
	v55 =	vadd.s32 $0x3, v22  }
0x152: {  	vm7 =	vlt.f32 v61, v27;
	v56 =	vadd.s32 $0x8, v36;
	v24 =	vsel vm6, v52, v24;
	v42 =	vld.idx.msk [tilespmem:v48+s4+$0x0], $0xffff  }
0x153: {  	v36 =	vsel vm7, v56, v36;
	v57 =	vadd.s32 $0x3, v24;
	v45 =	vld.idx.msk [tilespmem:v54+s4+$0x0], $0xffff  }
0x154: {  	v59 =	vadd.s32 $0x3, v36  }
0x155: {  	v49 =	vadd.s32 $0x8, v37;
	vm8 =	vlt.f32 v40, v30;
	v60 =	vadd.s32 $0x8, v34;
	v58 =	vld.idx.msk [tilespmem:v51+s4+$0x0], $0xffff  }
0x156: {  	v61 =	vadd.s32 $0x8, v35;
	v34 =	vsel vm8, v60, v34;
	vm9 =	vlt.f32 v53, v31;
	v48 =	vld.idx.msk [tilespmem:v55+s4+$0x0], $0xffff  }
0x157: {  	v53 =	vadd.s32 $0x8, v38;
	v35 =	vsel vm9, v61, v35;
	vm10 =	vlt.f32 v42, v32  }
0x158: {  	v50 =	vld.idx.msk [tilespmem:v57+s4+$0x0], $0xffff;
	v51 =	vadd.s32 $0x3, v34;
	v52 =	vadd.s32 $0x3, v35;
	vm12 =	vlt.f32 v45, v26  }
0x159: {  	v40 =	vld.idx.msk [tilespmem:v59+s4+$0x0], $0xffff;
	v55 =	vadd.s32 $0x4, v23;
	v57 =	vadd.s32 $0x4, v22;
	v37 =	vsel vm10, v49, v37  }
0x15a: {  	v23 =	vsel vm12, v55, v23;
	v54 =	vadd.s32 $0x3, v37;
	vm11 =	vlt.f32 v58, v33  }
0x15b: {  	v60 =	vadd.s32 $0x1, v23;
	vm13 =	vlt.f32 v48, v28;
	v38 =	vsel vm11, v53, v38  }
0x15c: {  	v22 =	vsel vm13, v57, v22;
	v56 =	vadd.s32 $0x3, v38  }
0x15d: {  	vm14 =	vlt.f32 v50, v29;
	v58 =	vadd.s32 $0x4, v24;
	v44 =	vld.idx.msk [tilespmem:v51+s4+$0x0], $0xffff;
	v49 =	vadd.s32 $0x1, v22  }
0x15e: {  	v61 =	vadd.s32 $0x4, v36;
	v59 =	vld.idx.msk [tilespmem:v52+s4+$0x0], $0xffff;
	vm15 =	vlt.f32 v40, v27;
	v24 =	vsel vm14, v58, v24  }
0x15f: {  	v36 =	vsel vm15, v61, v36;
	v48 =	vld.idx.msk [tilespmem:v54+s4+$0x0], $0xffff;
	v50 =	vadd.s32 $0x1, v24  }
0x160: {  	v51 =	vadd.s32 $0x1, v36;
	v42 =	vld.idx.msk [tilespmem:v60+s4+$0x0], $0xffff  }
0x161: {  	v52 =	vadd.s32 $0x4, v34;
	v39 =	vld.idx.msk [tilespmem:v56+s4+$0x0], $0xffff  }
0x162: {  	v53 =	vadd.s32 $0x4, v35;
	v61 =	vadd.s32 $0x2, v23;
	vm4 =	vlt.f32 v44, v30;
	v55 =	vld.idx.msk [tilespmem:v49+s4+$0x0], $0xffff  }
0x163: {  	v54 =	vadd.s32 $0x4, v37;
	vm5 =	vlt.f32 v59, v31;
	v34 =	vsel vm4, v52, v34  }
0x164: {  	v57 =	vadd.s32 $0x4, v38;
	v35 =	vsel vm5, v53, v35;
	v56 =	vadd.s32 $0x1, v34;
	v40 =	vld.idx.msk [tilespmem:v50+s4+$0x0], $0xffff  }
0x165: {  	vm6 =	vlt.f32 v48, v32;
	v58 =	vld.idx.msk [tilespmem:v51+s4+$0x0], $0xffff;
	v59 =	vadd.s32 $0x1, v35;
	vm8 =	vlt.f32 v42, v26  }
0x166: {  	v49 =	vadd.s32 $0x2, v22;
	v37 =	vsel vm6, v54, v37;
	v23 =	vsel vm8, v61, v23  }
0x167: {  	v60 =	vadd.s32 $0x1, v37;
	vm7 =	vlt.f32 v39, v33;
	vm9 =	vlt.f32 v55, v28  }
0x168: {  	v38 =	vsel vm7, v57, v38;
	v22 =	vsel vm9, v49, v22  }
0x169: {  	v51 =	vadd.s32 $0x2, v24;
	v50 =	vld.idx.msk [tilespmem:v56+s4+$0x0], $0xffff;
	vm10 =	vlt.f32 v40, v29;
	v48 =	vadd.s32 $0x1, v38  }
0x16a: {  	v52 =	vadd.s32 $0x2, v36;
	vm11 =	vlt.f32 v58, v27;
	v53 =	vld.idx.msk [tilespmem:v59+s4+$0x0], $0xffff;
	v24 =	vsel vm10, v51, v24  }
0x16b: {  	v36 =	vsel vm11, v52, v36;
	v56 =	vld.idx.msk [tilespmem:v23+s4+$0x0], $0xffff  }
0x16c: {  	v39 =	vld.idx.msk [tilespmem:v60+s4+$0x0], $0xffff  }
0x16d: {  	v57 =	vld.idx.msk [tilespmem:v22+s4+$0x0], $0xffff  }
0x16e: {  	v54 =	vld.idx.msk [tilespmem:v48+s4+$0x0], $0xffff  }
0x16f: {  	v55 =	vadd.s32 $0x2, v34;
	v59 =	vadd.s32 $0x2, v35;
	vm12 =	vlt.f32 v50, v30;
	v58 =	vld.idx.msk [tilespmem:v24+s4+$0x0], $0xffff  }
0x170: {  	v60 =	vadd.s32 $0x2, v37;
	vm13 =	vlt.f32 v53, v31;
	v34 =	vsel vm12, v55, v34;
	v61 =	vld.idx.msk [tilespmem:v36+s4+$0x0], $0xffff  }
0x171: {  	v35 =	vsel vm13, v59, v35;
	vm4 =	vlt.f32 v56, v26;
	vm14 =	vlt.f32 v39, v32  }
0x172: {  	v44 =	vadd.s32 $0x2, v38;
	v46 =	vsel vm4, $0x1, v21;
	v37 =	vsel vm14, v60, v37  }
0x173: {  	v23 =	vadd.s32 v46, v23;
	vm5 =	vlt.f32 v57, v28;
	vm15 =	vlt.f32 v54, v33  }
0x174: {  	vm6 =	vlt.f32 v58, v29;
	v48 =	vsel vm5, $0x1, v21;
	v38 =	vsel vm15, v44, v38  }
0x175: {  	v47 =	vld.idx.msk [tilespmem:v34+s4+$0x0], $0xffff;
	vm7 =	vlt.f32 v61, v27;
	v49 =	vsel vm6, $0x1, v21;
	v22 =	vadd.s32 v48, v22  }
0x176: {  	v51 =	vld.idx.msk [tilespmem:v35+s4+$0x0], $0xffff;
	v50 =	vsel vm7, $0x1, v21;
	v24 =	vadd.s32 v49, v24  }
0x177: {  	v36 =	vadd.s32 v50, v36;
	v52 =	vld.idx.msk [tilespmem:v37+s4+$0x0], $0xffff  }
0x178: {  	v55 =	vld.idx.msk [tilespmem:v23+s4+$0x0], $0xffff  }
0x179: {  	v53 =	vld.idx.msk [tilespmem:v38+s4+$0x0], $0xffff  }
0x17a: {  	vm8 =	vlt.f32 v47, v30;
	v56 =	vld.idx.msk [tilespmem:v22+s4+$0x0], $0xffff  }
0x17b: {  	v54 =	vsel vm8, $0x1, v21;
	v57 =	vld.idx.msk [tilespmem:v24+s4+$0x0], $0xffff  }
0x17c: {  	vm9 =	vlt.f32 v51, v31;
	v34 =	vadd.s32 v54, v34;
	v59 =	vld.idx.msk [tilespmem:v36+s4+$0x0], $0xffff  }
0x17d: {  	v58 =	vsel vm9, $0x1, v21;
	vm10 =	vlt.f32 v52, v32;
	vm12 =	vlt.f32 v55, v26  }
0x17e: {  	v35 =	vadd.s32 v58, v35;
	v60 =	vsel vm10, $0x1, v21;
	v61 =	vsel vm12, $0x1, v21  }
0x17f: {  	v37 =	vadd.s32 v60, v37;
	v52 =	vadd.s32 v61, v23  }
0x180: {  	vm11 =	vlt.f32 v53, v33;
	vm13 =	vlt.f32 v56, v28;
	vm14 =	vlt.f32 v57, v29  }
0x181: {  	v45 =	vld.idx.msk [tilespmem:v34+s4+$0x0], $0xffff;
	vm15 =	vlt.f32 v59, v27;
	v40 =	vsel vm11, $0x1, v21;
	v23 =	vsel vm13, $0x1, v21  }
0x182: {  	v44 =	vadd.s32 v40, v38;
	v51 =	vadd.s32 v23, v22;
	v22 =	vsel vm14, $0x1, v21  }
0x183: {  	v23 =	vld.idx.msk [tilespmem:v35+s4+$0x0], $0xffff;
	v49 =	vadd.s32 v22, v24;
	v22 =	vsel vm15, $0x1, v21;
	v24 =	vmax.u32 v52, $0x1  }
0x184: {  	v43 =	vadd.s32 v22, v36;
	v53 =	vsub.s32 v24, v62;
	v22 =	vmax.u32 v52, $0x2  }
0x185: {  	v47 =	vld.idx.msk [tilespmem:v37+s4+$0x0], $0xffff;
	v24 =	vmax.u32 v51, $0x1;
	v50 =	vmax.u32 v49, $0x1;
	v22 =	vsub.s32 v22, v63  }
0x186: {  	v54 =	vmax.u32 v49, $0x2;
	vm4 =	vlt.f32 v45, v30;
	v48 =	vsub.s32 v24, v62  }
0x187: {  	v24 =	vmax.u32 v51, $0x2;
	v38 =	vsub.s32 v50, v62;
	v42 =	vsub.s32 v54, v63  }
0x188: {  	v59 =	vmax.u32 v43, $0x1;
	v60 =	vmax.u32 v43, $0x2;
	vm5 =	vlt.f32 v23, v31;
	v23 =	vld.idx.msk [tilespmem:v44+s4+$0x0], $0xffff  }
0x189: {  	v46 =	vsel vm4, $0x1, v21;
	v24 =	vsub.s32 v24, v63;
	v61 =	vsub.s32 v60, v63;
	v58 =	vld.idx.msk [tilespmem:v53+s4+$0x0], $0xffff  }
0x18a: {  	v41 =	vadd.s32 v46, v34;
	v34 =	vsub.s32 v59, v62;
	vm6 =	vlt.f32 v47, v32;
	v22 =	vld.idx.msk [tilespmem:v22+s4+$0x0], $0xffff  }
0x18b: {  	v55 =	vsel vm5, $0x1, v21;
	v47 =	vmax.u32 v41, $0x1;
	v40 =	vsel vm6, $0x1, v21;
	v57 =	vld.idx.msk [tilespmem:v48+s4+$0x0], $0xffff  }
0x18c: {  	v50 =	vmax.u32 v41, $0x2;
	v39 =	vadd.s32 v55, v35;
	v35 =	vsub.s32 v47, v62;
	v55 =	vld.idx.msk [tilespmem:v38+s4+$0x0], $0xffff  }
0x18d: {  	v40 =	vadd.s32 v40, v37;
	v45 =	vsub.s32 v50, v63;
	v59 =	vmax.u32 v39, $0x1;
	v54 =	vld.idx.msk [tilespmem:v42+s4+$0x0], $0xffff  }
0x18e: {  	v24 =	vld.idx.msk [tilespmem:v24+s4+$0x0], $0xffff;
	v37 =	vsub.s32 v59, v62;
	vm7 =	vlt.f32 v23, v33;
	v23 =	vmax.u32 v39, $0x2  }
0x18f: {  	v50 =	vld.idx.msk [tilespmem:v34+s4+$0x0], $0xffff;
	v60 =	vsel vm7, $0x1, v21;
	v56 =	vsub.s32 v23, v63;
	v23 =	vmax.u32 v40, $0x1  }
0x190: {  	v42 =	vadd.s32 v60, v44;
	v44 =	vld.idx.msk [tilespmem:v61+s4+$0x0], $0xffff;
	v36 =	vsub.s32 v23, v62;
	v23 =	vmax.u32 v40, $0x2  }
0x191: {  	v47 =	vld.idx.msk [tilespmem:v35+s4+$0x0], $0xffff;
	v59 =	vsub.s32 v23, v63;
	v23 =	vmax.u32 v42, $0x1  }
0x192: {  	v60 =	vld.idx.msk [tilespmem:v45+s4+$0x0], $0xffff;
	v61 =	vmax.u32 v42, $0x2;
	v23 =	vsub.s32 v23, v62  }
0x193: {  	v46 =	vld.idx.msk [tilespmem:v37+s4+$0x0], $0xffff;
	v61 =	vsub.s32 v61, v63  }
0x194: {  	vm9 =	veq.f32 v22, v58;
	v22 =	vld.idx.msk [tilespmem:v56+s4+$0x0], $0xffff  }
0x195: {  	vm8 =	vgt.u32 v52, $0x1;
	vm10 =	vgt.u32 v51, $0x1;
	vm12 =	vgt.u32 v49, $0x1;
	v45 =	vld.idx.msk [tilespmem:v36+s4+$0x0], $0xffff  }
0x196: {  	vm14 =	vgt.u32 v43, $0x1;
	vm6 =	vgt.u32 v41, $0x1;
	vm3 =	veq.f32 v24, v57;
	v24 =	vld.idx.msk [tilespmem:v59+s4+$0x0], $0xffff  }
0x197: {  	vm13 =	veq.f32 v54, v55;
	vm0 =	vmand vm8, vm9;
	vm15 =	veq.f32 v44, v50;
	v44 =	vld.idx.msk [tilespmem:v23+s4+$0x0], $0xffff  }
0x198: {  	vm1 =	vmand vm12, vm13;
	vm8 =	vgt.u32 v39, $0x1;
	vm11 =	vmand vm10, vm3;
	v59 =	vld.idx.msk [tilespmem:v61+s4+$0x0], $0xffff  }
0x199: {  	vm13 =	vgt.u32 v42, $0x1;
	vm0 =	vmor vm0, vm11;
	vm11 =	vgt.u32 v40, $0x1  }
0x19a: {  	vm0 =	vmor vm0, vm1;
	vm7 =	veq.f32 v60, v47;
	vm5 =	vmand vm14, vm15  }
0x19b: {  	vm1 =	vmand vm6, vm7;
	vm0 =	vmor vm0, vm5;
	vm9 =	veq.f32 v22, v46  }
0x19c: {  	vm0 =	vmor vm0, vm1;
	vm10 =	vmand vm8, vm9;
	vm12 =	veq.f32 v24, v45  }
0x19d: {  	vm0 =	vmor vm0, vm10;
	vm1 =	vmand vm11, vm12;
	vm14 =	veq.f32 v59, v44  }
0x19e: {  	vm0 =	vmor vm0, vm1;
	vm15 =	vmand vm13, vm14  }
0x19f: {  	v22 =	vimm.f32 $0.0e+00;
	vm0 =	vmor vm0, vm15  }
0x1a0: {  	v22 =	vsel vm0, $0x3F800000, v22  }
0x1a1: {  	(xrf0) =	vmax.scan.msk.f32 $0xffff, v22;
	_ =	sdelay $0x1  }
0x1a2: {  	v24 =	vmin.u32 v52, $0xFFF;
	_ =	sdelay $0x3  }
0x1a3: {  	v22, _, _ =	vpop (xrf0)  }
0x1a4: {  	(v2sf) =	vpush v22, $0xF;
	v22 =	vld.idx.msk [tilespmem:v24+s4+$0x0], $0xffff;
	_ =	sdelay $0x4  }
0x1a5: {  	v54 =	vmin.u32 v51, $0xFFF;
	[tilespmem:$0x1FF30] =	vst v22;
	v22 =	vld.idx.msk [tilespmem:v24+s5+$0x0], $0xffff;
	_ =	sdelay $0x4  }
0x1a6: {  	[tilespmem:$0x1FF40] =	vst v22;
	v22 =	vld.idx.msk [tilespmem:v54+s4+$0x0], $0xffff;
	_ =	sdelay $0x4  }
0x1a7: {  	v59 =	vmin.u32 v49, $0xFFF;
	[tilespmem:$0x1FF50] =	vst v22;
	v22 =	vld.idx.msk [tilespmem:v54+s5+$0x0], $0xffff;
	_ =	sdelay $0x4  }
0x1a8: {  	[tilespmem:$0x1FF60] =	vst v22;
	v22 =	vld.idx.msk [tilespmem:v59+s4+$0x0], $0xffff;
	_ =	sdelay $0x4  }
0x1a9: {  	v61 =	vmin.u32 v43, $0xFFF;
	[tilespmem:$0x1FF70] =	vst v22;
	v22 =	vld.idx.msk [tilespmem:v59+s5+$0x0], $0xffff;
	_ =	sdelay $0x4  }
0x1aa: {  	[tilespmem:$0x1FF80] =	vst v22;
	v22 =	vld.idx.msk [tilespmem:v61+s4+$0x0], $0xffff;
	_ =	sdelay $0x4  }
0x1ab: {  	v54 =	vmin.u32 v41, $0xFFF;
	[tilespmem:$0x1FF90] =	vst v22;
	v22 =	vld.idx.msk [tilespmem:v61+s5+$0x0], $0xffff;
	_ =	sdelay $0x4  }
0x1ac: {  	[tilespmem:$0x1FFA0] =	vst v22;
	v22 =	vld.idx.msk [tilespmem:v54+s4+$0x0], $0xffff;
	_ =	sdelay $0x4  }
0x1ad: {  	v60 =	vmin.u32 v39, $0xFFF;
	[tilespmem:$0x1FFB0] =	vst v22;
	v22 =	vld.idx.msk [tilespmem:v54+s5+$0x0], $0xffff;
	_ =	sdelay $0x4  }
0x1ae: {  	v59 =	vmin.u32 v40, $0xFFF;
	[tilespmem:$0x1FFC0] =	vst v22;
	v22 =	vld.idx.msk [tilespmem:v60+s4+$0x0], $0xffff;
	_ =	sdelay $0x4  }
0x1af: {  	v54 =	vmin.u32 v42, $0xFFF;
	[tilespmem:$0x1FFD0] =	vst v22;
	v22 =	vld.idx.msk [tilespmem:v59+s4+$0x0], $0xffff;
	_ =	sdelay $0x3  }
0x1b0: {  	s7 =	spop (v2sf)  }
0x1b1: {  	p0 =	sgt.f32 s7, $0.0e+00;
	[tilespmem:$0x1FFE0] =	vst v22;
	v22 =	vld.idx.msk [tilespmem:v54+s4+$0x0], $0xffff  }
.Ltmp3:
0x1b2: {  	_ = 	snop;
	(pc) =	sbr.rel @!p0 .LBB2_5-.Ltmp3, $4  }
0x1b3: {  	_ = 	snop  }
0x1b4: {  	v61 =	vld.idx.msk [tilespmem:v60+s5+$0x0], $0xffff  }
0x1b5: {  	v60 =	vld.idx.msk [tilespmem:v59+s5+$0x0], $0xffff  }
0x1b6: {  	v59 =	vld.idx.msk [tilespmem:v54+s5+$0x0], $0xffff;
	[tilespmem:$0x1FFF0] =	vst v22  }
0x1b7: {  	vm0 =	vlt.f32 v4, v58;
	vm1 =	vlt.f32 v5, v58  }
0x1b8: {  	vm8 =	vlt.f32 v6, v58;
	vm9 =	vlt.f32 v7, v58;
	vm10 =	vlt.f32 v8, v58  }
0x1b9: {  	vm11 =	vlt.f32 v9, v58;
	vm12 =	vlt.f32 v10, v58;
	vm13 =	vlt.f32 v11, v58  }
0x1ba: {  	vm14 =	vlt.f32 v12, v58;
	vm15 =	vlt.f32 v13, v58;
	vm4 =	vlt.f32 v15, v58  }
0x1bb: {  	vm5 =	vlt.f32 v16, v58;
	vm6 =	vlt.f32 v18, v58;
	vm7 =	vlt.f32 v19, v58  }
0x1bc: {  	v23 =	vsel vm0, $0x100, v21;
	v34 =	vsel vm1, $0x100, v21;
	v63 =	vsel vm8, $0x100, v21  }
0x1bd: {  	v36 =	vsel vm9, $0x100, v21;
	v37 =	vsel vm10, $0x100, v21;
	v38 =	vsel vm11, $0x100, v21  }
0x1be: {  	v48 =	vsel vm12, $0x100, v21;
	v53 =	vsel vm13, $0x100, v21;
	v54 =	vsel vm14, $0x100, v21  }
0x1bf: {  	v56 =	vsel vm15, $0x100, v21;
	v62 =	vsel vm4, $0x100, v21;
	vm8 =	vlt.f32 v20, v58  }
0x1c0: {  	vm9 =	vlt.f32 v4, v57;
	vm10 =	vlt.f32 v5, v57;
	vm11 =	vlt.f32 v6, v57  }
0x1c1: {  	vm12 =	vlt.f32 v7, v57;
	vm13 =	vlt.f32 v8, v57;
	vm14 =	vlt.f32 v9, v57  }
0x1c2: {  	vm15 =	vlt.f32 v10, v57;
	vm4 =	vlt.f32 v11, v57;
	vm0 =	vlt.f32 v20, v57  }
0x1c3: {  	v23 =	vadd.s32 v34, v23;
	v35 =	vsel vm10, $0x100, v21;
	vm10 =	vlt.f32 v19, v57  }
0x1c4: {  	v23 =	vadd.s32 v63, v23;
	v63 =	vsel vm5, $0x100, v21;
	vm5 =	vlt.f32 v12, v57  }
0x1c5: {  	v23 =	vadd.s32 v36, v23;
	v36 =	vsel vm6, $0x100, v21;
	vm6 =	vlt.f32 v13, v57  }
0x1c6: {  	v23 =	vadd.s32 v37, v23;
	v37 =	vsel vm7, $0x100, v21;
	vm7 =	vlt.f32 v15, v57  }
0x1c7: {  	v23 =	vadd.s32 v38, v23;
	v38 =	vsel vm8, $0x100, v21;
	vm8 =	vlt.f32 v16, v57  }
0x1c8: {  	v23 =	vadd.s32 v48, v23;
	v48 =	vsel vm9, $0x100, v21;
	vm9 =	vlt.f32 v18, v57  }
0x1c9: {  	v23 =	vadd.s32 v53, v23;
	v34 =	vadd.s32 v35, v48;
	v53 =	vsel vm11, $0x100, v21  }
0x1ca: {  	v48 =	vsel vm7, $0x100, v21;
	vm11 =	vlt.f32 v4, v55;
	vm7 =	vlt.f32 v12, v55  }
0x1cb: {  	v23 =	vadd.s32 v54, v23;
	v34 =	vadd.s32 v53, v34;
	v54 =	vsel vm12, $0x100, v21  }
0x1cc: {  	v53 =	vsel vm8, $0x100, v21;
	vm12 =	vlt.f32 v5, v55;
	vm8 =	vlt.f32 v13, v55  }
0x1cd: {  	v23 =	vadd.s32 v56, v23;
	v34 =	vadd.s32 v54, v34;
	v56 =	vsel vm13, $0x100, v21  }
0x1ce: {  	v54 =	vsel vm9, $0x100, v21;
	vm13 =	vlt.f32 v6, v55;
	vm9 =	vlt.f32 v15, v55  }
0x1cf: {  	v23 =	vadd.s32 v62, v23;
	v34 =	vadd.s32 v56, v34;
	v62 =	vsel vm14, $0x100, v21  }
0x1d0: {  	v56 =	vsel vm10, $0x100, v21;
	vm14 =	vlt.f32 v7, v55;
	vm10 =	vlt.f32 v16, v55  }
0x1d1: {  	v23 =	vadd.s32 v63, v23;
	v34 =	vadd.s32 v62, v34;
	v63 =	vsel vm15, $0x100, v21  }
0x1d2: {  	v62 =	vsel vm11, $0x100, v21;
	vm15 =	vlt.f32 v8, v55;
	vm11 =	vlt.f32 v18, v55  }
0x1d3: {  	v23 =	vadd.s32 v36, v23;
	v34 =	vadd.s32 v63, v34;
	v36 =	vsel vm4, $0x100, v21  }
0x1d4: {  	v63 =	vsel vm13, $0x100, v21;
	vm4 =	vlt.f32 v9, v55;
	vm13 =	vlt.f32 v20, v55  }
0x1d5: {  	v23 =	vadd.s32 v37, v23;
	v34 =	vadd.s32 v36, v34;
	v37 =	vsel vm5, $0x100, v21  }
0x1d6: {  	v36 =	vsel vm12, $0x100, v21;
	vm5 =	vlt.f32 v10, v55;
	vm12 =	vlt.f32 v19, v55  }
0x1d7: {  	v23 =	vadd.s32 v38, v23;
	v34 =	vadd.s32 v37, v34;
	v38 =	vsel vm6, $0x100, v21  }
0x1d8: {  	v35 =	vadd.s32 v36, v62;
	vm6 =	vlt.f32 v11, v55;
	v37 =	vsel vm0, $0x100, v21  }
0x1d9: {  	v36 =	vsel vm13, $0x100, v21;
	vm13 =	vlt.f32 v16, v50;
	vm0 =	vlt.f32 v20, v47  }
0x1da: {  	v34 =	vadd.s32 v38, v34;
	v35 =	vadd.s32 v63, v35;
	v62 =	vsel vm6, $0x100, v21  }
0x1db: {  	v63 =	vsel vm7, $0x100, v21;
	vm6 =	vlt.f32 v8, v50;
	vm7 =	vlt.f32 v9, v50  }
0x1dc: {  	v34 =	vadd.s32 v48, v34;
	v48 =	vsel vm14, $0x100, v21;
	vm14 =	vlt.f32 v4, v50  }
0x1dd: {  	v34 =	vadd.s32 v53, v34;
	v35 =	vadd.s32 v48, v35;
	v53 =	vsel vm15, $0x100, v21  }
0x1de: {  	v48 =	vsel vm8, $0x100, v21;
	vm15 =	vlt.f32 v5, v50;
	vm8 =	vlt.f32 v10, v50  }
0x1df: {  	v34 =	vadd.s32 v54, v34;
	v35 =	vadd.s32 v53, v35;
	v54 =	vsel vm4, $0x100, v21  }
0x1e0: {  	v53 =	vsel vm9, $0x100, v21;
	v38 =	vsel vm15, $0x100, v21;
	vm4 =	vlt.f32 v6, v50  }
0x1e1: {  	vm9 =	vlt.f32 v11, v50;
	vm15 =	vlt.f32 v19, v50;
	v34 =	vadd.s32 v56, v34  }
0x1e2: {  	v35 =	vadd.s32 v54, v35;
	v56 =	vsel vm5, $0x100, v21;
	v54 =	vsel vm10, $0x100, v21  }
0x1e3: {  	vm5 =	vlt.f32 v7, v50;
	vm10 =	vlt.f32 v12, v50;
	v35 =	vadd.s32 v56, v35  }
0x1e4: {  	v56 =	vsel vm11, $0x100, v21;
	v34 =	vadd.s32 v37, v34;
	vm11 =	vlt.f32 v13, v50  }
0x1e5: {  	v35 =	vadd.s32 v62, v35;
	v62 =	vsel vm12, $0x100, v21;
	vm12 =	vlt.f32 v15, v50  }
0x1e6: {  	[tilespmem:$0x1FF10] =	vst v60;
	v60 =	vadd.s32 $0x7F, v34;
	v35 =	vadd.s32 v63, v35;
	v63 =	vsel vm14, $0x100, v21  }
0x1e7: {  	vm14 =	vlt.f32 v18, v50;
	v35 =	vadd.s32 v48, v35;
	v37 =	vadd.s32 v38, v63  }
0x1e8: {  	v48 =	vsel vm4, $0x100, v21;
	v63 =	vsel vm9, $0x100, v21;
	vm4 =	vlt.f32 v20, v50  }
0x1e9: {  	vm9 =	vlt.f32 v8, v47;
	v35 =	vadd.s32 v53, v35;
	v37 =	vadd.s32 v48, v37  }
0x1ea: {  	v53 =	vsel vm5, $0x100, v21;
	v48 =	vsel vm10, $0x100, v21;
	vm5 =	vlt.f32 v4, v47  }
0x1eb: {  	vm10 =	vlt.f32 v9, v47;
	v35 =	vadd.s32 v54, v35;
	v37 =	vadd.s32 v53, v37  }
0x1ec: {  	v54 =	vsel vm6, $0x100, v21;
	v53 =	vsel vm11, $0x100, v21;
	vm6 =	vlt.f32 v5, v47  }
0x1ed: {  	vm11 =	vlt.f32 v10, v47;
	v35 =	vadd.s32 v56, v35;
	v37 =	vadd.s32 v54, v37  }
0x1ee: {  	v56 =	vsel vm7, $0x100, v21;
	v54 =	vsel vm12, $0x100, v21;
	vm7 =	vlt.f32 v6, v47  }
0x1ef: {  	vm12 =	vlt.f32 v11, v47;
	v35 =	vadd.s32 v62, v35;
	v37 =	vadd.s32 v56, v37  }
0x1f0: {  	v62 =	vsel vm8, $0x100, v21;
	v56 =	vsel vm13, $0x100, v21;
	vm8 =	vlt.f32 v7, v47  }
0x1f1: {  	vm13 =	vlt.f32 v12, v47;
	v37 =	vadd.s32 v62, v37;
	v62 =	vsel vm14, $0x100, v21  }
0x1f2: {  	v36 =	vadd.s32 v36, v35;
	vm14 =	vlt.f32 v13, v47;
	v37 =	vadd.s32 v63, v37  }
0x1f3: {  	v63 =	vsel vm15, $0x100, v21;
	vm15 =	vlt.f32 v15, v47;
	v37 =	vadd.s32 v48, v37  }
0x1f4: {  	v37 =	vadd.s32 v53, v37;
	v53 =	vsel vm4, $0x100, v21;
	vm4 =	vlt.f32 v16, v47  }
0x1f5: {  	v37 =	vadd.s32 v54, v37;
	v54 =	vsel vm5, $0x100, v21;
	vm5 =	vlt.f32 v18, v47  }
0x1f6: {  	v37 =	vadd.s32 v56, v37;
	v56 =	vsel vm6, $0x100, v21;
	vm6 =	vlt.f32 v19, v47  }
0x1f7: {  	v37 =	vadd.s32 v62, v37;
	v62 =	vsel vm7, $0x100, v21;
	vm7 =	vlt.f32 v4, v46  }
0x1f8: {  	v48 =	vadd.s32 v63, v37;
	v37 =	vadd.s32 v56, v54;
	v63 =	vsel vm8, $0x100, v21  }
0x1f9: {  	v54 =	vsel vm11, $0x100, v21;
	v56 =	vsel vm12, $0x100, v21;
	vm8 =	vlt.f32 v5, v46  }
0x1fa: {  	vm11 =	vlt.f32 v8, v46;
	vm12 =	vlt.f32 v9, v46;
	v35 =	vadd.s32 v53, v48  }
0x1fb: {  	v37 =	vadd.s32 v62, v37;
	v48 =	vsel vm9, $0x100, v21;
	v53 =	vsel vm10, $0x100, v21  }
0x1fc: {  	v62 =	vsel vm13, $0x100, v21;
	vm9 =	vlt.f32 v6, v46;
	vm10 =	vlt.f32 v7, v46  }
0x1fd: {  	vm13 =	vlt.f32 v10, v46;
	v37 =	vadd.s32 v63, v37;
	v63 =	vsel vm14, $0x100, v21  }
0x1fe: {  	vm14 =	vlt.f32 v11, v46;
	v37 =	vadd.s32 v48, v37;
	v48 =	vsel vm15, $0x100, v21  }
0x1ff: {  	vm15 =	vlt.f32 v12, v46;
	v37 =	vadd.s32 v53, v37;
	v53 =	vsel vm4, $0x100, v21  }
0x200: {  	vm4 =	vlt.f32 v13, v46;
	v37 =	vadd.s32 v54, v37;
	v54 =	vsel vm5, $0x100, v21  }
0x201: {  	vm5 =	vlt.f32 v15, v46;
	v37 =	vadd.s32 v56, v37;
	v56 =	vsel vm6, $0x100, v21  }
0x202: {  	vm6 =	vlt.f32 v16, v46;
	v37 =	vadd.s32 v62, v37;
	v62 =	vsel vm7, $0x100, v21  }
0x203: {  	vm7 =	vlt.f32 v18, v46;
	v37 =	vadd.s32 v63, v37;
	v63 =	vsel vm9, $0x100, v21  }
0x204: {  	vm9 =	vlt.f32 v20, v46;
	v37 =	vadd.s32 v48, v37;
	v48 =	vsel vm8, $0x100, v21  }
0x205: {  	vm8 =	vlt.f32 v19, v46;
	v37 =	vadd.s32 v53, v37;
	v38 =	vadd.s32 v48, v62  }
0x206: {  	v53 =	vsel vm10, $0x100, v21;
	v62 =	vsel vm13, $0x100, v21;
	v48 =	vsel vm9, $0x100, v21  }
0x207: {  	vm10 =	vlt.f32 v4, v45;
	vm13 =	vlt.f32 v7, v45;
	vm9 =	vlt.f32 v16, v45  }
0x208: {  	v37 =	vadd.s32 v54, v37;
	v38 =	vadd.s32 v63, v38;
	v54 =	vsel vm11, $0x100, v21  }
0x209: {  	v63 =	vsel vm14, $0x100, v21;
	vm11 =	vlt.f32 v5, v45;
	vm14 =	vlt.f32 v8, v45  }
0x20a: {  	v37 =	vadd.s32 v56, v37;
	v38 =	vadd.s32 v53, v38;
	v56 =	vsel vm12, $0x100, v21  }
0x20b: {  	v53 =	vsel vm15, $0x100, v21;
	vm12 =	vlt.f32 v6, v45;
	v38 =	vadd.s32 v54, v38  }
0x20c: {  	vm15 =	vlt.f32 v9, v45;
	v54 =	vsel vm4, $0x100, v21;
	v38 =	vadd.s32 v56, v38  }
0x20d: {  	vm4 =	vlt.f32 v10, v45;
	v56 =	vsel vm5, $0x100, v21;
	v38 =	vadd.s32 v62, v38  }
0x20e: {  	vm5 =	vlt.f32 v11, v45;
	v62 =	vsel vm6, $0x100, v21;
	v38 =	vadd.s32 v63, v38  }
0x20f: {  	vm6 =	vlt.f32 v12, v45;
	v63 =	vsel vm7, $0x100, v21;
	v38 =	vadd.s32 v53, v38  }
0x210: {  	vm7 =	vlt.f32 v13, v45;
	v53 =	vsel vm0, $0x100, v21;
	v38 =	vadd.s32 v54, v38  }
0x211: {  	v37 =	vadd.s32 v53, v37;
	v54 =	vsel vm11, $0x100, v21;
	vm11 =	vlt.f32 v19, v45  }
0x212: {  	v38 =	vadd.s32 v56, v38;
	v56 =	vsel vm8, $0x100, v21;
	vm8 =	vlt.f32 v15, v45  }
0x213: {  	v38 =	vadd.s32 v62, v38;
	v62 =	vsel vm10, $0x100, v21;
	vm10 =	vlt.f32 v18, v45  }
0x214: {  	v38 =	vadd.s32 v63, v38;
	v53 =	vadd.s32 v54, v62;
	v63 =	vsel vm12, $0x100, v21  }
0x215: {  	v62 =	vsel vm13, $0x100, v21;
	vm12 =	vlt.f32 v4, v44;
	v53 =	vadd.s32 v63, v53  }
0x216: {  	vm13 =	vlt.f32 v5, v44;
	v63 =	vsel vm14, $0x100, v21;
	v53 =	vadd.s32 v62, v53  }
0x217: {  	v38 =	vadd.s32 v56, v38;
	v62 =	vsel vm15, $0x100, v21;
	v53 =	vadd.s32 v63, v53  }
0x218: {  	vm14 =	vlt.f32 v6, v44;
	v63 =	vsel vm4, $0x100, v21;
	v53 =	vadd.s32 v62, v53  }
0x219: {  	v38 =	vadd.s32 v48, v38;
	v62 =	vsel vm5, $0x100, v21;
	v53 =	vadd.s32 v63, v53  }
0x21a: {  	vm15 =	vlt.f32 v7, v44;
	v63 =	vsel vm6, $0x100, v21;
	v53 =	vadd.s32 v62, v53  }
0x21b: {  	vm4 =	vlt.f32 v8, v44;
	v62 =	vsel vm7, $0x100, v21;
	v53 =	vadd.s32 v63, v53  }
0x21c: {  	vm5 =	vlt.f32 v9, v44;
	v63 =	vsel vm8, $0x100, v21;
	v53 =	vadd.s32 v62, v53  }
0x21d: {  	vm6 =	vlt.f32 v10, v44;
	v62 =	vsel vm9, $0x100, v21;
	v53 =	vadd.s32 v63, v53  }
0x21e: {  	vm7 =	vlt.f32 v20, v45;
	v63 =	vsel vm10, $0x100, v21;
	v53 =	vadd.s32 v62, v53  }
0x21f: {  	[tilespmem:$0x1FF20] =	vst v59;
	v59 =	vsel vm7, $0x100, v21;
	v62 =	vsel vm11, $0x100, v21;
	v56 =	vadd.s32 v63, v53  }
0x220: {  	v63 =	vsel vm12, $0x100, v21;
	v48 =	vadd.s32 v62, v56;
	v62 =	vsel vm13, $0x100, v21  }
0x221: {  	vm8 =	vlt.f32 v11, v44;
	v53 =	vadd.s32 v62, v63;
	v63 =	vsel vm14, $0x100, v21  }
0x222: {  	vm9 =	vlt.f32 v12, v44;
	v62 =	vsel vm15, $0x100, v21;
	v53 =	vadd.s32 v63, v53  }
0x223: {  	vm10 =	vlt.f32 v13, v44;
	v63 =	vsel vm4, $0x100, v21;
	v53 =	vadd.s32 v62, v53  }
0x224: {  	v54 =	vsel vm10, $0x100, v21;
	v62 =	vsel vm5, $0x100, v21;
	v53 =	vadd.s32 v63, v53  }
0x225: {  	vm11 =	vlt.f32 v15, v44;
	v63 =	vsel vm6, $0x100, v21;
	v53 =	vadd.s32 v62, v53  }
0x226: {  	v56 =	vadd.s32 $0x7F, v23;
	v62 =	vsel vm8, $0x100, v21;
	v53 =	vadd.s32 v63, v53  }
0x227: {  	vm12 =	vlt.f32 v16, v44;
	v63 =	vsel vm9, $0x100, v21;
	v53 =	vadd.s32 v62, v53  }
0x228: {  	vm13 =	vlt.f32 v18, v44;
	v48 =	vadd.s32 v59, v48;
	v53 =	vadd.s32 v63, v53  }
0x229: {  	v59 =	vadd.s32 $0x7F, v36;
	v62 =	vsel vm11, $0x100, v21;
	v53 =	vadd.s32 v54, v53  }
0x22a: {  	v24 =	vadd.s32 $0x7F, v48;
	v63 =	vsel vm12, $0x100, v21;
	v53 =	vadd.s32 v62, v53  }
0x22b: {  	[tilespmem:$0x1FF00] =	vst v61;
	v61 =	vadd.s32 $0x7F, v35;
	v56 =	vld.idx.msk [tilespmem:v56+s4+$0x0], $0xffff;
	v54 =	vsel vm13, $0x100, v21;
	v53 =	vadd.s32 v63, v53  }
0x22c: {  	vm14 =	vlt.f32 v19, v44;
	v53 =	vadd.s32 v54, v53;
	v54 =	vld.idx.msk [tilespmem:v60+s4+$0x0], $0xffff;
	v60 =	vadd.s32 $0x7F, v37  }
0x22d: {  	vm15 =	vlt.f32 v20, v44;
	v62 =	vsel vm14, $0x100, v21;
	v63 =	vadd.s32 $0x7F, v38  }
0x22e: {  	v59 =	vld.idx.msk [tilespmem:v59+s4+$0x0], $0xffff;
	v53 =	vadd.s32 v62, v53;
	v62 =	vsel vm15, $0x100, v21  }
0x22f: {  	v24 =	vld.idx.msk [tilespmem:v24+s4+$0x0], $0xffff;
	v53 =	vadd.s32 v62, v53  }
0x230: {  	vm4 =	vlt.f32 v56, v58;
	v56 =	vld.idx.msk [tilespmem:v61+s4+$0x0], $0xffff;
	v62 =	vadd.s32 $0x80, v23;
	v61 =	vadd.s32 $0x7F, v53  }
0x231: {  	v23 =	vsel vm4, v62, v23;
	vm5 =	vlt.f32 v54, v57;
	v54 =	vadd.s32 $0x80, v34;
	v60 =	vld.idx.msk [tilespmem:v60+s4+$0x0], $0xffff  }
0x232: {  	v62 =	vadd.s32 $0x3F, v23;
	v34 =	vsel vm5, v54, v34;
	v54 =	vld.idx.msk [tilespmem:v63+s4+$0x0], $0xffff  }
0x233: {  	vm6 =	vlt.f32 v59, v55;
	v59 =	vadd.s32 $0x80, v36;
	v63 =	vadd.s32 $0x3F, v34  }
0x234: {  	v36 =	vsel vm6, v59, v36  }
0x235: {  	vm7 =	vlt.f32 v56, v50;
	v56 =	vadd.s32 $0x80, v35;
	v59 =	vld.idx.msk [tilespmem:v61+s4+$0x0], $0xffff;
	v61 =	vadd.s32 $0x3F, v36  }
0x236: {  	vm10 =	vlt.f32 v24, v45;
	v35 =	vsel vm7, v56, v35;
	v56 =	vadd.s32 $0x80, v37  }
0x237: {  	vm8 =	vlt.f32 v60, v47;
	v60 =	vld.idx.msk [tilespmem:v62+s4+$0x0], $0xffff;
	vm9 =	vlt.f32 v54, v46;
	v54 =	vadd.s32 $0x3F, v35  }
0x238: {  	v24 =	vadd.s32 $0x80, v48;
	v37 =	vsel vm8, v56, v37;
	v56 =	vadd.s32 $0x80, v38;
	v62 =	vld.idx.msk [tilespmem:v63+s4+$0x0], $0xffff  }
0x239: {  	v24 =	vsel vm10, v24, v48;
	v38 =	vsel vm9, v56, v38;
	v48 =	vadd.s32 $0x3F, v37  }
0x23a: {  	v56 =	vadd.s32 $0x80, v53;
	vm11 =	vlt.f32 v59, v44;
	v59 =	vld.idx.msk [tilespmem:v61+s4+$0x0], $0xffff;
	v61 =	vadd.s32 $0x3F, v38  }
0x23b: {  	v63 =	vadd.s32 $0x3F, v24;
	v53 =	vsel vm11, v56, v53  }
0x23c: {  	v56 =	vadd.s32 $0x40, v34;
	vm12 =	vlt.f32 v60, v58;
	v60 =	vadd.s32 $0x40, v23;
	v54 =	vld.idx.msk [tilespmem:v54+s4+$0x0], $0xffff  }
0x23d: {  	v23 =	vsel vm12, v60, v23;
	v60 =	vadd.s32 $0x3F, v53;
	vm13 =	vlt.f32 v62, v57  }
0x23e: {  	v48 =	vld.idx.msk [tilespmem:v48+s4+$0x0], $0xffff;
	v34 =	vsel vm13, v56, v34;
	v56 =	vadd.s32 $0x1F, v23  }
0x23f: {  	vm14 =	vlt.f32 v59, v55;
	v59 =	vadd.s32 $0x40, v36;
	v61 =	vld.idx.msk [tilespmem:v61+s4+$0x0], $0xffff;
	v62 =	vadd.s32 $0x1F, v34  }
0x240: {  	v36 =	vsel vm14, v59, v36;
	v59 =	vld.idx.msk [tilespmem:v63+s4+$0x0], $0xffff  }
0x241: {  	v63 =	vadd.s32 $0x1F, v36;
	vm15 =	vlt.f32 v54, v50;
	v54 =	vadd.s32 $0x40, v35  }
0x242: {  	v35 =	vsel vm15, v54, v35;
	v54 =	vld.idx.msk [tilespmem:v60+s4+$0x0], $0xffff  }
0x243: {  	vm4 =	vlt.f32 v48, v47;
	v48 =	vadd.s32 $0x40, v37;
	v56 =	vld.idx.msk [tilespmem:v56+s4+$0x0], $0xffff;
	v60 =	vadd.s32 $0x1F, v35  }
0x244: {  	v37 =	vsel vm4, v48, v37;
	vm5 =	vlt.f32 v61, v46;
	v48 =	vadd.s32 $0x40, v38;
	v61 =	vld.idx.msk [tilespmem:v62+s4+$0x0], $0xffff  }
0x245: {  	vm6 =	vlt.f32 v59, v45;
	v59 =	vadd.s32 $0x40, v24;
	v62 =	vadd.s32 $0x1F, v37  }
0x246: {  	v38 =	vsel vm5, v48, v38;
	v24 =	vsel vm6, v59, v24;
	v48 =	vld.idx.msk [tilespmem:v63+s4+$0x0], $0xffff  }
0x247: {  	v63 =	vadd.s32 $0x40, v53;
	v59 =	vadd.s32 $0x1F, v38;
	vm7 =	vlt.f32 v54, v44  }
0x248: {  	v53 =	vsel vm7, v63, v53;
	vm8 =	vlt.f32 v56, v58;
	v54 =	vld.idx.msk [tilespmem:v60+s4+$0x0], $0xffff;
	v56 =	vadd.s32 $0x1F, v24  }
0x249: {  	v60 =	vadd.s32 $0x20, v23;
	vm9 =	vlt.f32 v61, v57;
	v61 =	vadd.s32 $0x20, v34  }
0x24a: {  	v23 =	vsel vm8, v60, v23;
	v60 =	vld.idx.msk [tilespmem:v62+s4+$0x0], $0xffff;
	v34 =	vsel vm9, v61, v34;
	v61 =	vadd.s32 $0x1F, v53  }
0x24b: {  	vm10 =	vlt.f32 v48, v55;
	v48 =	vadd.s32 $0x20, v36;
	v62 =	vadd.s32 $0xF, v23  }
0x24c: {  	v36 =	vsel vm10, v48, v36;
	v48 =	vld.idx.msk [tilespmem:v59+s4+$0x0], $0xffff;
	v59 =	vadd.s32 $0xF, v34  }
0x24d: {  	v63 =	vadd.s32 $0xF, v36;
	vm11 =	vlt.f32 v54, v50;
	v54 =	vadd.s32 $0x20, v35;
	v56 =	vld.idx.msk [tilespmem:v56+s4+$0x0], $0xffff  }
0x24e: {  	v35 =	vsel vm11, v54, v35  }
0x24f: {  	vm12 =	vlt.f32 v60, v47;
	v54 =	vadd.s32 $0x20, v37;
	v60 =	vld.idx.msk [tilespmem:v61+s4+$0x0], $0xffff;
	v61 =	vadd.s32 $0xF, v35  }
0x250: {  	v37 =	vsel vm12, v54, v37;
	v54 =	vld.idx.msk [tilespmem:v62+s4+$0x0], $0xffff  }
0x251: {  	vm13 =	vlt.f32 v48, v46;
	v48 =	vadd.s32 $0x20, v38;
	v59 =	vld.idx.msk [tilespmem:v59+s4+$0x0], $0xffff;
	v62 =	vadd.s32 $0xF, v37  }
0x252: {  	v38 =	vsel vm13, v48, v38;
	v48 =	vadd.s32 $0x20, v24;
	vm14 =	vlt.f32 v56, v45;
	v56 =	vld.idx.msk [tilespmem:v63+s4+$0x0], $0xffff  }
0x253: {  	v24 =	vsel vm14, v48, v24;
	v48 =	vadd.s32 $0xF, v38  }
0x254: {  	vm15 =	vlt.f32 v60, v44;
	v60 =	vadd.s32 $0x20, v53;
	v61 =	vld.idx.msk [tilespmem:v61+s4+$0x0], $0xffff;
	v63 =	vadd.s32 $0xF, v24  }
0x255: {  	vm4 =	vlt.f32 v54, v58;
	v53 =	vsel vm15, v60, v53;
	v60 =	vadd.s32 $0x10, v23  }
0x256: {  	vm5 =	vlt.f32 v59, v57;
	v54 =	vld.idx.msk [tilespmem:v62+s4+$0x0], $0xffff;
	v62 =	vadd.s32 $0x10, v36;
	v59 =	vadd.s32 $0xF, v53  }
0x257: {  	v23 =	vsel vm4, v60, v23;
	v60 =	vadd.s32 $0x10, v34;
	vm6 =	vlt.f32 v56, v55  }
0x258: {  	v34 =	vsel vm5, v60, v34;
	v56 =	vadd.s32 $0x7, v23;
	v60 =	vadd.s32 $0x10, v35;
	v48 =	vld.idx.msk [tilespmem:v48+s4+$0x0], $0xffff  }
0x259: {  	v36 =	vsel vm6, v62, v36;
	v62 =	vadd.s32 $0x7, v34;
	vm7 =	vlt.f32 v61, v50;
	v61 =	vld.idx.msk [tilespmem:v63+s4+$0x0], $0xffff  }
0x25a: {  	v35 =	vsel vm7, v60, v35;
	v60 =	vadd.s32 $0x7, v36  }
0x25b: {  	vm8 =	vlt.f32 v54, v47;
	v54 =	vadd.s32 $0x10, v37;
	v59 =	vld.idx.msk [tilespmem:v59+s4+$0x0], $0xffff;
	v63 =	vadd.s32 $0x7, v35  }
0x25c: {  	v37 =	vsel vm8, v54, v37  }
0x25d: {  	v54 =	vld.idx.msk [tilespmem:v56+s4+$0x0], $0xffff;
	v56 =	vadd.s32 $0x7, v37;
	vm9 =	vlt.f32 v48, v46;
	v48 =	vadd.s32 $0x10, v38  }
0x25e: {  	v38 =	vsel vm9, v48, v38;
	vm10 =	vlt.f32 v61, v45;
	v48 =	vadd.s32 $0x10, v24;
	v61 =	vld.idx.msk [tilespmem:v62+s4+$0x0], $0xffff  }
0x25f: {  	v24 =	vsel vm10, v48, v24;
	v48 =	vld.idx.msk [tilespmem:v60+s4+$0x0], $0xffff;
	v60 =	vadd.s32 $0x7, v38  }
0x260: {  	vm11 =	vlt.f32 v59, v44;
	v59 =	vadd.s32 $0x10, v53;
	v62 =	vld.idx.msk [tilespmem:v63+s4+$0x0], $0xffff;
	v63 =	vadd.s32 $0x7, v24  }
0x261: {  	v53 =	vsel vm11, v59, v53  }
0x262: {  	vm12 =	vlt.f32 v54, v58;
	v54 =	vadd.s32 $0x8, v23;
	v56 =	vld.idx.msk [tilespmem:v56+s4+$0x0], $0xffff;
	v59 =	vadd.s32 $0x7, v53  }
0x263: {  	v23 =	vsel vm12, v54, v23;
	vm13 =	vlt.f32 v61, v57;
	v61 =	vadd.s32 $0x8, v34  }
0x264: {  	v34 =	vsel vm13, v61, v34;
	vm14 =	vlt.f32 v48, v55;
	v48 =	vadd.s32 $0x8, v36;
	v54 =	vld.idx.msk [tilespmem:v60+s4+$0x0], $0xffff  }
0x265: {  	v60 =	vadd.s32 $0x8, v35;
	vm15 =	vlt.f32 v62, v50;
	v61 =	vld.idx.msk [tilespmem:v63+s4+$0x0], $0xffff;
	v62 =	vadd.s32 $0x3, v23  }
0x266: {  	v36 =	vsel vm14, v48, v36;
	v48 =	vadd.s32 $0x3, v34;
	v35 =	vsel vm15, v60, v35  }
0x267: {  	vm4 =	vlt.f32 v56, v47;
	v56 =	vadd.s32 $0x8, v37;
	v60 =	vadd.s32 $0x3, v36;
	v59 =	vld.idx.msk [tilespmem:v59+s4+$0x0], $0xffff  }
0x268: {  	v37 =	vsel vm4, v56, v37;
	v56 =	vadd.s32 $0x3, v35  }
0x269: {  	v63 =	vadd.s32 $0x3, v37;
	vm5 =	vlt.f32 v54, v46;
	v54 =	vadd.s32 $0x8, v38  }
0x26a: {  	v38 =	vsel vm5, v54, v38;
	vm6 =	vlt.f32 v61, v45;
	v54 =	vadd.s32 $0x8, v24;
	v61 =	vld.idx.msk [tilespmem:v62+s4+$0x0], $0xffff  }
0x26b: {  	v48 =	vld.idx.msk [tilespmem:v48+s4+$0x0], $0xffff;
	v24 =	vsel vm6, v54, v24;
	v54 =	vadd.s32 $0x3, v38  }
0x26c: {  	v60 =	vld.idx.msk [tilespmem:v60+s4+$0x0], $0xffff;
	vm7 =	vlt.f32 v59, v44;
	v59 =	vadd.s32 $0x8, v53;
	v62 =	vadd.s32 $0x3, v24  }
0x26d: {  	v56 =	vld.idx.msk [tilespmem:v56+s4+$0x0], $0xffff;
	v53 =	vsel vm7, v59, v53  }
0x26e: {  	v59 =	vld.idx.msk [tilespmem:v63+s4+$0x0], $0xffff;
	v63 =	vadd.s32 $0x3, v53  }
0x26f: {  	vm8 =	vlt.f32 v61, v58;
	v61 =	vadd.s32 $0x4, v23  }
0x270: {  	vm9 =	vlt.f32 v48, v57;
	v23 =	vsel vm8, v61, v23;
	v61 =	vadd.s32 $0x4, v34;
	v54 =	vld.idx.msk [tilespmem:v54+s4+$0x0], $0xffff  }
0x271: {  	v48 =	vadd.s32 $0x4, v36;
	vm10 =	vlt.f32 v60, v55;
	v34 =	vsel vm9, v61, v34;
	v60 =	vld.idx.msk [tilespmem:v62+s4+$0x0], $0xffff  }
0x272: {  	v36 =	vsel vm10, v48, v36;
	vm11 =	vlt.f32 v56, v50;
	v48 =	vadd.s32 $0x4, v35  }
0x273: {  	v56 =	vadd.s32 $0x4, v37;
	v61 =	vadd.s32 $0x1, v23;
	vm12 =	vlt.f32 v59, v47;
	v59 =	vld.idx.msk [tilespmem:v63+s4+$0x0], $0xffff  }
0x274: {  	v35 =	vsel vm11, v48, v35;
	v48 =	vadd.s32 $0x1, v34;
	v37 =	vsel vm12, v56, v37  }
0x275: {  	v56 =	vadd.s32 $0x1, v36;
	v62 =	vadd.s32 $0x1, v35;
	vm13 =	vlt.f32 v54, v46  }
0x276: {  	v54 =	vadd.s32 $0x4, v38;
	vm14 =	vlt.f32 v60, v45;
	v60 =	vadd.s32 $0x4, v24  }
0x277: {  	v38 =	vsel vm13, v54, v38;
	v54 =	vadd.s32 $0x1, v37;
	v24 =	vsel vm14, v60, v24  }
0x278: {  	v60 =	vld.idx.msk [tilespmem:v61+s4+$0x0], $0xffff;
	v61 =	vadd.s32 $0x1, v38;
	vm15 =	vlt.f32 v59, v44;
	v59 =	vadd.s32 $0x4, v53  }
0x279: {  	v48 =	vld.idx.msk [tilespmem:v48+s4+$0x0], $0xffff;
	v53 =	vsel vm15, v59, v53;
	v59 =	vadd.s32 $0x1, v24  }
0x27a: {  	v56 =	vld.idx.msk [tilespmem:v56+s4+$0x0], $0xffff;
	v63 =	vadd.s32 $0x1, v53  }
0x27b: {  	v62 =	vld.idx.msk [tilespmem:v62+s4+$0x0], $0xffff  }
0x27c: {  	v54 =	vld.idx.msk [tilespmem:v54+s4+$0x0], $0xffff  }
0x27d: {  	vm4 =	vlt.f32 v60, v58;
	v60 =	vadd.s32 $0x2, v23;
	v61 =	vld.idx.msk [tilespmem:v61+s4+$0x0], $0xffff  }
0x27e: {  	vm5 =	vlt.f32 v48, v57;
	v23 =	vsel vm4, v60, v23;
	v60 =	vadd.s32 $0x2, v34;
	v59 =	vld.idx.msk [tilespmem:v59+s4+$0x0], $0xffff  }
0x27f: {  	v48 =	vadd.s32 $0x2, v36;
	vm6 =	vlt.f32 v56, v55;
	v34 =	vsel vm5, v60, v34;
	v60 =	vld.idx.msk [tilespmem:v63+s4+$0x0], $0xffff  }
0x280: {  	vm7 =	vlt.f32 v62, v50;
	v62 =	vadd.s32 $0x2, v35;
	v36 =	vsel vm6, v48, v36  }
0x281: {  	v35 =	vsel vm7, v62, v35;
	v63 =	vadd.s32 $0x2, v37;
	vm8 =	vlt.f32 v54, v47  }
0x282: {  	v54 =	vadd.s32 $0x2, v38;
	v37 =	vsel vm8, v63, v37;
	vm9 =	vlt.f32 v61, v46  }
0x283: {  	v38 =	vsel vm9, v54, v38;
	v54 =	vld.idx.msk [tilespmem:v23+s4+$0x0], $0xffff;
	vm10 =	vlt.f32 v59, v45;
	v59 =	vadd.s32 $0x2, v24  }
0x284: {  	v56 =	vld.idx.msk [tilespmem:v34+s4+$0x0], $0xffff;
	v24 =	vsel vm10, v59, v24;
	vm11 =	vlt.f32 v60, v44;
	v60 =	vadd.s32 $0x2, v53  }
0x285: {  	v48 =	vsel vm11, v60, v53;
	v53 =	vld.idx.msk [tilespmem:v36+s4+$0x0], $0xffff  }
0x286: {  	v59 =	vld.idx.msk [tilespmem:v35+s4+$0x0], $0xffff  }
0x287: {  	v60 =	vld.idx.msk [tilespmem:v37+s4+$0x0], $0xffff  }
0x288: {  	vm12 =	vlt.f32 v54, v58;
	v54 =	vld.idx.msk [tilespmem:v38+s4+$0x0], $0xffff  }
0x289: {  	v61 =	vsel vm12, $0x1, v21;
	vm13 =	vlt.f32 v56, v57;
	v56 =	vld.idx.msk [tilespmem:v24+s4+$0x0], $0xffff  }
0x28a: {  	v23 =	vadd.s32 v61, v23;
	v61 =	vsel vm13, $0x1, v21;
	vm14 =	vlt.f32 v53, v55;
	v53 =	vld.idx.msk [tilespmem:v48+s4+$0x0], $0xffff  }
0x28b: {  	vm15 =	vlt.f32 v59, v50;
	v34 =	vadd.s32 v61, v34;
	v61 =	vsel vm14, $0x1, v21  }
0x28c: {  	v59 =	vsel vm15, $0x1, v21;
	vm4 =	vlt.f32 v60, v47;
	v36 =	vadd.s32 v61, v36  }
0x28d: {  	v35 =	vadd.s32 v59, v35;
	v61 =	vsel vm4, $0x1, v21;
	vm5 =	vlt.f32 v54, v46  }
0x28e: {  	v37 =	vadd.s32 v61, v37;
	v54 =	vsel vm5, $0x1, v21;
	vm6 =	vlt.f32 v56, v45  }
0x28f: {  	v54 =	vadd.s32 v54, v38;
	v62 =	vsel vm6, $0x1, v21;
	vm7 =	vlt.f32 v53, v44;
	v53 =	vld.idx.msk [tilespmem:v23+s4+$0x0], $0xffff  }
0x290: {  	v56 =	vld.idx.msk [tilespmem:v34+s4+$0x0], $0xffff;
	v24 =	vadd.s32 v62, v24;
	v63 =	vsel vm7, $0x1, v21  }
0x291: {  	v59 =	vadd.s32 v63, v48;
	v38 =	vld.idx.msk [tilespmem:v36+s4+$0x0], $0xffff  }
0x292: {  	v48 =	vld.idx.msk [tilespmem:v35+s4+$0x0], $0xffff  }
0x293: {  	v60 =	vld.idx.msk [tilespmem:v37+s4+$0x0], $0xffff  }
0x294: {  	v61 =	vld.idx.msk [tilespmem:v54+s4+$0x0], $0xffff  }
0x295: {  	vm8 =	vlt.f32 v53, v58;
	vm9 =	vlt.f32 v56, v57;
	v62 =	vld.idx.msk [tilespmem:v24+s4+$0x0], $0xffff  }
0x296: {  	v53 =	vsel vm8, $0x1, v21;
	v63 =	vsel vm9, $0x1, v21;
	v56 =	vld.idx.msk [tilespmem:v59+s4+$0x0], $0xffff;
	vm10 =	vlt.f32 v38, v55  }
0x297: {  	vm11 =	vlt.f32 v48, v50;
	v53 =	vadd.s32 v53, v23;
	v48 =	vadd.s32 v63, v34  }
0x298: {  	v63 =	vimm.s32 $0x2;
	v38 =	vsel vm10, $0x1, v21;
	vm12 =	vlt.f32 v60, v47  }
.Ltmp4:
0x299: {  	v22 =	vsel vm11, $0x1, v21;
	v23 =	vsel vm12, $0x1, v21;
	vm13 =	vlt.f32 v61, v46;
	(pc) =	sbr.rel .LBB2_5-.Ltmp4, $4  }
0x29a: {  	v38 =	vadd.s32 v38, v36;
	v34 =	vadd.s32 v22, v35;
	v60 =	vsel vm13, $0x1, v21  }
0x29b: {  	v61 =	vld [tilespmem:$0x1FF00];
	v35 =	vadd.s32 v23, v37;
	vm14 =	vlt.f32 v62, v45;
	vm15 =	vlt.f32 v56, v44  }
0x29c: {  	v37 =	vadd.s32 v60, v54;
	v60 =	vld [tilespmem:$0x1FF10];
	v36 =	vsel vm14, $0x1, v21;
	v22 =	vsel vm15, $0x1, v21  }
0x29d: {  	v62 =	vimm.s32 $0x1;
	v36 =	vadd.s32 v36, v24;
	v23 =	vadd.s32 v22, v59;
	v59 =	vld [tilespmem:$0x1FF20]  }
.LBB2_6:
0x29e: {  	s3 =	sshll.u32 s2, $0x7;
	s30 =	simm.s32 $0x0  }
0x29f: {  	s4 =	simm.s32 $0x6000;
	s31 =	simm.s32 $0x2;
	s1 =	sadd.s32 s1, s3  }
0x2a0: {  	[hbm4b:s1+s30] =	stream.linear.scatter [tilespmem:s4], [sflag:$0x2], $0x400, $0x38;
	[tilespmem:$0x6400] =	vst v63  }
0x2a1: {  	_ =	swait.ge [sflag:s31], $0x400  }
0x2a2: {  	[sflag:s31] =	ssyncset.done $0x0  }
0x2a3: {  	[sflag:s31] =	ssyncadd.s32 $0xFFFFFC00  }
0x2a4: {  	_ =	sfence.sel $0x180000  }
0x2a5: {  	[bflag:$0x0] =	sbarrier.arrive $0xFFFF  }
0x2a6: {  	p0 =	sne.s32 s2, $0x0;
	_ =	strace $0x90000047  }
0x2a7: {  	s0 =	sadd.s32 @!p0 $0x100000, s0;
	[bflag:$0x2] =	sbarrier.arrive $0xFFFF  }
0x2a8: {  	[sflag:s0] =	ssyncadd.tile.s32 @!p0 $0x1;
	_ =	shalt  }
.Lfunc_end2:
_tile_overlayer_lowered:
.L_overlay_start_2:
0x2a9: {  	(tag) =	ssettag $0x2  }
0x2aa: {  	s0 =	rddreg [dreg:$0x0];
	s2 =	stileid.u32  }
0x2ab: {  	s1 =	rddreg [dreg:$0x1];
	p0 =	sne.s32 s2, $0x0  }
0x2ac: {  	s3 =	rddreg [dreg:$0x2];
	[bflag:$0x3] =	sbarrier.arrive $0xFFFF;
	s2 =	simm.s32 @!p0 $0x1C02  }
0x2ad: {  	[timem:s3], [sflag:s2] =	dma.local @!p0 [hbm:s0], s1  }
0x2ae: {  	s0 =	simm.s32 @!p0 $0x2  }
0x2af: {  	_ =	swait.ge @!p0 [sflag:s0], s1  }
0x2b0: {  	s1 =	ssub.s32 @!p0 $0x0, s1;
	[sflag:s0] =	ssyncset.done @!p0 $0x0  }
0x2b1: {  	[sflag:s0] =	ssyncadd.s32 @!p0 s1  }
0x2b2: {  	[bflag:$0x3] =	sbarrier.arrive $0xFFFF  }
0x2b3: {  	_ =	shalt  }

</sc_bundles>
